<compile_context>
chip_gen: v7x
topology: tpu7x:2x2x1
jax: 0.10.2.dev20260603
libtpu: 0.0.44.dev20260713+nightly
codegen_flags: <defaults>
</compile_context>

<pallas_src>
import functools

import jax
import jax.numpy as jnp
from jax import lax
from jax.experimental import pallas as pl
from jax.experimental.pallas import tpu as pltpu
from jax.experimental.pallas import tpu_sc as plsc

D_MODEL = 64
SCALE = 8.0
CHUNK = 128
GROUP = 5 * CHUNK
LANES = 16
ROW_UNROLL = 4


@functools.partial(jax.jit, static_argnames=("n_groups", "n_workers"))
def _embed_sc(x1d, table, *, n_groups, n_workers):
    b_total = x1d.shape[0]
    bpw = n_groups * GROUP
    info = plsc.get_sparse_core_info()
    nc, ns = info.num_cores, info.num_subcores
    assert nc * ns == n_workers
    mesh = plsc.VectorSubcoreMesh(core_axis_name="c", subcore_axis_name="s")

    @functools.partial(
        pl.kernel,
        mesh=mesh,
        compiler_params=pltpu.CompilerParams(use_tc_tiling_on_sc=False),
        out_type=jax.ShapeDtypeStruct((b_total, D_MODEL), jnp.float32),
        scratch_types=[
            pltpu.VMEM((bpw,), jnp.int32),
            pltpu.VMEM((GROUP, D_MODEL), jnp.float32),
            pltpu.VMEM((GROUP, D_MODEL), jnp.float32),
            pltpu.SemaphoreType.DMA,
            pltpu.SemaphoreType.DMA,
        ],
    )
    def body(table_hbm, idx_hbm, out_hbm, idx_v, rows_a, rows_b, sem_a, sem_b):
        wid = lax.axis_index("s") * nc + lax.axis_index("c")
        pltpu.sync_copy(idx_hbm.at[pl.ds(wid * bpw, bpw)], idx_v)
        out_base = wid * bpw
        bufs = (rows_a, rows_b)
        sems = (sem_a, sem_b)

        def fire(g, b):
            descs = []
            for c in range(GROUP // CHUNK):
                idx_sl = idx_v.at[pl.ds(g * GROUP + c * CHUNK, CHUNK)]
                dst = bufs[b].at[pl.ds(c * CHUNK, CHUNK)]
                descs.append(pltpu.async_copy(table_hbm.at[idx_sl], dst, sems[b]))
            return descs

        def scale(b):
            rows = bufs[b]

            def scale_rows(i, _):
                r0 = i * ROW_UNROLL
                for dr in range(ROW_UNROLL):
                    for j in range(D_MODEL // LANES):
                        sl = pl.ds(j * LANES, LANES)
                        rows[r0 + dr, sl] = rows[r0 + dr, sl] * SCALE
                return 0

            lax.fori_loop(0, GROUP // ROW_UNROLL, scale_rows, 0)

        in_flight = {0: fire(0, 0)}
        for g in range(n_groups):
            b = g & 1
            if g + 1 < n_groups:
                in_flight[g + 1] = fire(g + 1, 1 - b)
            for d in in_flight.pop(g):
                d.wait()
            scale(b)
            pltpu.sync_copy(bufs[b], out_hbm.at[pl.ds(out_base + g * GROUP, GROUP)])

    return body(table, x1d)


def kernel(x, table):
    b = x.size
    n_workers = 32
    assert b % (n_workers * GROUP) == 0
    n_groups = b // (n_workers * GROUP)
    out = _embed_sc(x.reshape(-1), table, n_groups=n_groups, n_workers=n_workers)
    return out.reshape(x.shape + (D_MODEL,))

# --- scband reference (transcript-rebuilt; emitter-appended) ---
"""Pipeline reference for scband-embedding-47459388621192 (READ-ONLY COPY).

The authoritative reference and input builder live on the scoring server;
editing this copy changes nothing except your own understanding.
"""

import jax, jax.numpy as jnp
import numpy as np

VOCAB = 1000000
D_MODEL = 64
BATCH = 4096
MAX_LEN = 50


def setup_inputs(seed: int = 0) -> dict:
    key = jax.random.key(seed)
    k_idx, k_tab = jax.random.split(key)
    x = jax.random.randint(k_idx, (BATCH, MAX_LEN), 0, VOCAB, dtype=jnp.int32)
    table = jax.random.normal(k_tab, (VOCAB, D_MODEL), dtype=jnp.float32)
    # nn.Embedding(padding_idx=0): row 0 is zero-initialized
    table = table.at[0].set(0.0)
    return {"x": x, "table": table}


def reference(x, table):
    # emb(x) * sqrt(d_model)
    scale = jnp.sqrt(jnp.asarray(D_MODEL, dtype=jnp.float32))
    out = jnp.take(table, x, axis=0) * scale
    return out

if __name__ == "__main__":
    import jax
    _d = setup_inputs()
    print(jax.jit(kernel)(*tuple(_d.values())))

</pallas_src>

<mosaic_0001>
#map = affine_map<(d0, d1) -> (0, 0)>
#map1 = affine_map<(d0, d1) -> (0)>
module attributes {stable_mosaic.version = 14 : i64} {
  func.func @body(%arg0: i32, %arg1: i32, %arg2: memref<1000000x64xf32, #tpu.memory_space<hbm>>, %arg3: memref<204800xi32, #tpu.memory_space<hbm>>, %arg4: memref<204800x64xf32, #tpu.memory_space<hbm>>, %arg5: memref<6400xi32, #tpu.memory_space<vmem>>, %arg6: memref<640x64xf32, #tpu.memory_space<vmem>>, %arg7: memref<640x64xf32, #tpu.memory_space<vmem>>, %arg8: memref<!tpu.dma_semaphore, #tpu.memory_space<semaphore_mem>>, %arg9: memref<!tpu.dma_semaphore, #tpu.memory_space<semaphore_mem>>) attributes {dimension_semantics = [#tpu.dimension_semantics<core_parallel>, #tpu.dimension_semantics<subcore_parallel>], iteration_bounds = array<i64: 2, 16>, scalar_prefetch = 0 : i64, scratch_operands = 5 : i64, tpu.core_type = #tpu.core_type<sc_vector_subcore>, window_params = [{transform_indices = #map}, {transform_indices = #map1}, {transform_indices = #map}]} {
    %mul3A = arith.constant 2 : i32
    %mul3A_0 = arith.muli %arg1, %mul3A : i32
    %add3A = arith.addi %mul3A_0, %arg0 : i32
    %mul3A_1 = arith.constant 6400 : i32
    %mul3A_2 = arith.muli %add3A, %mul3A_1 : i32
    "tpu.region"() ({
      %run_scoped3A = tpu.sem_alloc : memref<!tpu.dma_semaphore, #tpu.memory_space<semaphore_mem>>
      %dma_start3A_892 = tpu.memref_slice %arg3[%mul3A_2] : memref<204800xi32, #tpu.memory_space<hbm>> -> memref<6400xi32, #tpu.memory_space<hbm>>
      %dma_start3A_893 = tpu.memref_slice %arg3[%mul3A_2] : memref<204800xi32, #tpu.memory_space<hbm>> -> memref<6400xi32, #tpu.memory_space<hbm>>
      tpu.enqueue_dma source(%dma_start3A_893 : memref<6400xi32, #tpu.memory_space<hbm>>) target(%arg5 : memref<6400xi32, #tpu.memory_space<vmem>>) target_semaphore(%run_scoped3A : memref<!tpu.dma_semaphore, #tpu.memory_space<semaphore_mem>>)
      %dma_wait3A_894 = tpu.memref_slice %arg3[%mul3A_2] : memref<204800xi32, #tpu.memory_space<hbm>> -> memref<6400xi32, #tpu.memory_space<hbm>>
      %dma_wait3A_895 = tpu.memref_slice %arg3[%mul3A_2] : memref<204800xi32, #tpu.memory_space<hbm>> -> memref<6400xi32, #tpu.memory_space<hbm>>
      tpu.wait_dma2 semaphore(%run_scoped3A : memref<!tpu.dma_semaphore, #tpu.memory_space<semaphore_mem>>) src(%dma_wait3A_895 : memref<6400xi32, #tpu.memory_space<hbm>>) dst(%arg5 : memref<6400xi32, #tpu.memory_space<vmem>>)
      tpu.yield
    }) : () -> ()
    %mul3A_3 = arith.constant 6400 : i32
    %mul3A_4 = arith.muli %add3A, %mul3A_3 : i32
    %dma_start3A = arith.constant 0 : i32
    %dma_start3A_5 = arith.constant 0 : i32
    %dma_start3A_6 = tpu.memref_slice %arg6[%dma_start3A, %dma_start3A_5] : memref<640x64xf32, #tpu.memory_space<vmem>> -> memref<128x64xf32, #tpu.memory_space<vmem>>
    %dma_start3A_7 = arith.constant 0 : i32
    %dma_start3A_8 = tpu.memref_slice %arg5[%dma_start3A_7] : memref<6400xi32, #tpu.memory_space<vmem>> -> memref<128xi32, #tpu.memory_space<vmem>>
    %dma_start3A_9 = arith.constant 0 : i32
    %dma_start3A_10 = arith.constant 0 : i32
    %dma_start3A_11 = tpu.memref_slice %arg2[%dma_start3A_9, %dma_start3A_10] : memref<1000000x64xf32, #tpu.memory_space<hbm>> -> memref<1000000x64xf32, #tpu.memory_space<hbm>>
    tpu.enqueue_indirect_dma source(%dma_start3A_11 : memref<1000000x64xf32, #tpu.memory_space<hbm>>) target(%dma_start3A_6 : memref<128x64xf32, #tpu.memory_space<vmem>>) offsets(%dma_start3A_8 : memref<128xi32, #tpu.memory_space<vmem>>) semaphore(%arg8 : memref<!tpu.dma_semaphore, #tpu.memory_space<semaphore_mem>>)
    %dma_start3A_12 = arith.constant 128 : i32
    %dma_start3A_13 = arith.constant 0 : i32
    %dma_start3A_14 = tpu.memref_slice %arg6[%dma_start3A_12, %dma_start3A_13] : memref<640x64xf32, #tpu.memory_space<vmem>> -> memref<128x64xf32, #tpu.memory_space<vmem>>
    %dma_start3A_15 = arith.constant 128 : i32
    %dma_start3A_16 = tpu.memref_slice %arg5[%dma_start3A_15] : memref<6400xi32, #tpu.memory_space<vmem>> -> memref<128xi32, #tpu.memory_space<vmem>>
    %dma_start3A_17 = arith.constant 0 : i32
    %dma_start3A_18 = arith.constant 0 : i32
    %dma_start3A_19 = tpu.memref_slice %arg2[%dma_start3A_17, %dma_start3A_18] : memref<1000000x64xf32, #tpu.memory_space<hbm>> -> memref<1000000x64xf32, #tpu.memory_space<hbm>>
    tpu.enqueue_indirect_dma source(%dma_start3A_19 : memref<1000000x64xf32, #tpu.memory_space<hbm>>) target(%dma_start3A_14 : memref<128x64xf32, #tpu.memory_space<vmem>>) offsets(%dma_start3A_16 : memref<128xi32, #tpu.memory_space<vmem>>) semaphore(%arg8 : memref<!tpu.dma_semaphore, #tpu.memory_space<semaphore_mem>>)
    %dma_start3A_20 = arith.constant 256 : i32
    %dma_start3A_21 = arith.constant 0 : i32
    %dma_start3A_22 = tpu.memref_slice %arg6[%dma_start3A_20, %dma_start3A_21] : memref<640x64xf32, #tpu.memory_space<vmem>> -> memref<128x64xf32, #tpu.memory_space<vmem>>
    %dma_start3A_23 = arith.constant 256 : i32
    %dma_start3A_24 = tpu.memref_slice %arg5[%dma_start3A_23] : memref<6400xi32, #tpu.memory_space<vmem>> -> memref<128xi32, #tpu.memory_space<vmem>>
    %dma_start3A_25 = arith.constant 0 : i32
    %dma_start3A_26 = arith.constant 0 : i32
    %dma_start3A_27 = tpu.memref_slice %arg2[%dma_start3A_25, %dma_start3A_26] : memref<1000000x64xf32, #tpu.memory_space<hbm>> -> memref<1000000x64xf32, #tpu.memory_space<hbm>>
    tpu.enqueue_indirect_dma source(%dma_start3A_27 : memref<1000000x64xf32, #tpu.memory_space<hbm>>) target(%dma_start3A_22 : memref<128x64xf32, #tpu.memory_space<vmem>>) offsets(%dma_start3A_24 : memref<128xi32, #tpu.memory_space<vmem>>) semaphore(%arg8 : memref<!tpu.dma_semaphore, #tpu.memory_space<semaphore_mem>>)
    %dma_start3A_28 = arith.constant 384 : i32
    %dma_start3A_29 = arith.constant 0 : i32
    %dma_start3A_30 = tpu.memref_slice %arg6[%dma_start3A_28, %dma_start3A_29] : memref<640x64xf32, #tpu.memory_space<vmem>> -> memref<128x64xf32, #tpu.memory_space<vmem>>
    %dma_start3A_31 = arith.constant 384 : i32
    %dma_start3A_32 = tpu.memref_slice %arg5[%dma_start3A_31] : memref<6400xi32, #tpu.memory_space<vmem>> -> memref<128xi32, #tpu.memory_space<vmem>>
    %dma_start3A_33 = arith.constant 0 : i32
    %dma_start3A_34 = arith.constant 0 : i32
    %dma_start3A_35 = tpu.memref_slice %arg2[%dma_start3A_33, %dma_start3A_34] : memref<1000000x64xf32, #tpu.memory_space<hbm>> -> memref<1000000x64xf32, #tpu.memory_space<hbm>>
    tpu.enqueue_indirect_dma source(%dma_start3A_35 : memref<1000000x64xf32, #tpu.memory_space<hbm>>) target(%dma_start3A_30 : memref<128x64xf32, #tpu.memory_space<vmem>>) offsets(%dma_start3A_32 : memref<128xi32, #tpu.memory_space<vmem>>) semaphore(%arg8 : memref<!tpu.dma_semaphore, #tpu.memory_space<semaphore_mem>>)
    %dma_start3A_36 = arith.constant 512 : i32
    %dma_start3A_37 = arith.constant 0 : i32
    %dma_start3A_38 = tpu.memref_slice %arg6[%dma_start3A_36, %dma_start3A_37] : memref<640x64xf32, #tpu.memory_space<vmem>> -> memref<128x64xf32, #tpu.memory_space<vmem>>
    %dma_start3A_39 = arith.constant 512 : i32
    %dma_start3A_40 = tpu.memref_slice %arg5[%dma_start3A_39] : memref<6400xi32, #tpu.memory_space<vmem>> -> memref<128xi32, #tpu.memory_space<vmem>>
    %dma_start3A_41 = arith.constant 0 : i32
    %dma_start3A_42 = arith.constant 0 : i32
    %dma_start3A_43 = tpu.memref_slice %arg2[%dma_start3A_41, %dma_start3A_42] : memref<1000000x64xf32, #tpu.memory_space<hbm>> -> memref<1000000x64xf32, #tpu.memory_space<hbm>>
    tpu.enqueue_indirect_dma source(%dma_start3A_43 : memref<1000000x64xf32, #tpu.memory_space<hbm>>) target(%dma_start3A_38 : memref<128x64xf32, #tpu.memory_space<vmem>>) offsets(%dma_start3A_40 : memref<128xi32, #tpu.memory_space<vmem>>) semaphore(%arg8 : memref<!tpu.dma_semaphore, #tpu.memory_space<semaphore_mem>>)
    %dma_start3A_44 = arith.constant 0 : i32
    %dma_start3A_45 = arith.constant 0 : i32
    %dma_start3A_46 = tpu.memref_slice %arg7[%dma_start3A_44, %dma_start3A_45] : memref<640x64xf32, #tpu.memory_space<vmem>> -> memref<128x64xf32, #tpu.memory_space<vmem>>
    %dma_start3A_47 = arith.constant 640 : i32
    %dma_start3A_48 = tpu.memref_slice %arg5[%dma_start3A_47] : memref<6400xi32, #tpu.memory_space<vmem>> -> memref<128xi32, #tpu.memory_space<vmem>>
    %dma_start3A_49 = arith.constant 0 : i32
    %dma_start3A_50 = arith.constant 0 : i32
    %dma_start3A_51 = tpu.memref_slice %arg2[%dma_start3A_49, %dma_start3A_50] : memref<1000000x64xf32, #tpu.memory_space<hbm>> -> memref<1000000x64xf32, #tpu.memory_space<hbm>>
    tpu.enqueue_indirect_dma source(%dma_start3A_51 : memref<1000000x64xf32, #tpu.memory_space<hbm>>) target(%dma_start3A_46 : memref<128x64xf32, #tpu.memory_space<vmem>>) offsets(%dma_start3A_48 : memref<128xi32, #tpu.memory_space<vmem>>) semaphore(%arg9 : memref<!tpu.dma_semaphore, #tpu.memory_space<semaphore_mem>>)
    %dma_start3A_52 = arith.constant 128 : i32
    %dma_start3A_53 = arith.constant 0 : i32
    %dma_start3A_54 = tpu.memref_slice %arg7[%dma_start3A_52, %dma_start3A_53] : memref<640x64xf32, #tpu.memory_space<vmem>> -> memref<128x64xf32, #tpu.memory_space<vmem>>
    %dma_start3A_55 = arith.constant 768 : i32
    %dma_start3A_56 = tpu.memref_slice %arg5[%dma_start3A_55] : memref<6400xi32, #tpu.memory_space<vmem>> -> memref<128xi32, #tpu.memory_space<vmem>>
    %dma_start3A_57 = arith.constant 0 : i32
    %dma_start3A_58 = arith.constant 0 : i32
    %dma_start3A_59 = tpu.memref_slice %arg2[%dma_start3A_57, %dma_start3A_58] : memref<1000000x64xf32, #tpu.memory_space<hbm>> -> memref<1000000x64xf32, #tpu.memory_space<hbm>>
    tpu.enqueue_indirect_dma source(%dma_start3A_59 : memref<1000000x64xf32, #tpu.memory_space<hbm>>) target(%dma_start3A_54 : memref<128x64xf32, #tpu.memory_space<vmem>>) offsets(%dma_start3A_56 : memref<128xi32, #tpu.memory_space<vmem>>) semaphore(%arg9 : memref<!tpu.dma_semaphore, #tpu.memory_space<semaphore_mem>>)
    %dma_start3A_60 = arith.constant 256 : i32
    %dma_start3A_61 = arith.constant 0 : i32
    %dma_start3A_62 = tpu.memref_slice %arg7[%dma_start3A_60, %dma_start3A_61] : memref<640x64xf32, #tpu.memory_space<vmem>> -> memref<128x64xf32, #tpu.memory_space<vmem>>
    %dma_start3A_63 = arith.constant 896 : i32
    %dma_start3A_64 = tpu.memref_slice %arg5[%dma_start3A_63] : memref<6400xi32, #tpu.memory_space<vmem>> -> memref<128xi32, #tpu.memory_space<vmem>>
    %dma_start3A_65 = arith.constant 0 : i32
    %dma_start3A_66 = arith.constant 0 : i32
    %dma_start3A_67 = tpu.memref_slice %arg2[%dma_start3A_65, %dma_start3A_66] : memref<1000000x64xf32, #tpu.memory_space<hbm>> -> memref<1000000x64xf32, #tpu.memory_space<hbm>>
    tpu.enqueue_indirect_dma source(%dma_start3A_67 : memref<1000000x64xf32, #tpu.memory_space<hbm>>) target(%dma_start3A_62 : memref<128x64xf32, #tpu.memory_space<vmem>>) offsets(%dma_start3A_64 : memref<128xi32, #tpu.memory_space<vmem>>) semaphore(%arg9 : memref<!tpu.dma_semaphore, #tpu.memory_space<semaphore_mem>>)
    %dma_start3A_68 = arith.constant 384 : i32
    %dma_start3A_69 = arith.constant 0 : i32
    %dma_start3A_70 = tpu.memref_slice %arg7[%dma_start3A_68, %dma_start3A_69] : memref<640x64xf32, #tpu.memory_space<vmem>> -> memref<128x64xf32, #tpu.memory_space<vmem>>
    %dma_start3A_71 = arith.constant 1024 : i32
    %dma_start3A_72 = tpu.memref_slice %arg5[%dma_start3A_71] : memref<6400xi32, #tpu.memory_space<vmem>> -> memref<128xi32, #tpu.memory_space<vmem>>
    %dma_start3A_73 = arith.constant 0 : i32
    %dma_start3A_74 = arith.constant 0 : i32
    %dma_start3A_75 = tpu.memref_slice %arg2[%dma_start3A_73, %dma_start3A_74] : memref<1000000x64xf32, #tpu.memory_space<hbm>> -> memref<1000000x64xf32, #tpu.memory_space<hbm>>
    tpu.enqueue_indirect_dma source(%dma_start3A_75 : memref<1000000x64xf32, #tpu.memory_space<hbm>>) target(%dma_start3A_70 : memref<128x64xf32, #tpu.memory_space<vmem>>) offsets(%dma_start3A_72 : memref<128xi32, #tpu.memory_space<vmem>>) semaphore(%arg9 : memref<!tpu.dma_semaphore, #tpu.memory_space<semaphore_mem>>)
    %dma_start3A_76 = arith.constant 512 : i32
    %dma_start3A_77 = arith.constant 0 : i32
    %dma_start3A_78 = tpu.memref_slice %arg7[%dma_start3A_76, %dma_start3A_77] : memref<640x64xf32, #tpu.memory_space<vmem>> -> memref<128x64xf32, #tpu.memory_space<vmem>>
    %dma_start3A_79 = arith.constant 1152 : i32
    %dma_start3A_80 = tpu.memref_slice %arg5[%dma_start3A_79] : memref<6400xi32, #tpu.memory_space<vmem>> -> memref<128xi32, #tpu.memory_space<vmem>>
    %dma_start3A_81 = arith.constant 0 : i32
    %dma_start3A_82 = arith.constant 0 : i32
    %dma_start3A_83 = tpu.memref_slice %arg2[%dma_start3A_81, %dma_start3A_82] : memref<1000000x64xf32, #tpu.memory_space<hbm>> -> memref<1000000x64xf32, #tpu.memory_space<hbm>>
    tpu.enqueue_indirect_dma source(%dma_start3A_83 : memref<1000000x64xf32, #tpu.memory_space<hbm>>) target(%dma_start3A_78 : memref<128x64xf32, #tpu.memory_space<vmem>>) offsets(%dma_start3A_80 : memref<128xi32, #tpu.memory_space<vmem>>) semaphore(%arg9 : memref<!tpu.dma_semaphore, #tpu.memory_space<semaphore_mem>>)
    %dma_wait3A = arith.constant 0 : i32
    %dma_wait3A_84 = arith.constant 0 : i32
    %dma_wait3A_85 = tpu.memref_slice %arg6[%dma_wait3A, %dma_wait3A_84] : memref<640x64xf32, #tpu.memory_space<vmem>> -> memref<128x64xf32, #tpu.memory_space<vmem>>
    %dma_wait3A_86 = arith.constant 0 : i32
    %dma_wait3A_87 = tpu.memref_slice %arg5[%dma_wait3A_86] : memref<6400xi32, #tpu.memory_space<vmem>> -> memref<128xi32, #tpu.memory_space<vmem>>
    %dma_wait3A_88 = arith.constant 0 : i32
    %dma_wait3A_89 = arith.constant 0 : i32
    %dma_wait3A_90 = tpu.memref_slice %arg2[%dma_wait3A_88, %dma_wait3A_89] : memref<1000000x64xf32, #tpu.memory_space<hbm>> -> memref<1000000x64xf32, #tpu.memory_space<hbm>>
    tpu.wait_indirect_dma semaphore(%arg8 : memref<!tpu.dma_semaphore, #tpu.memory_space<semaphore_mem>>) src(%dma_wait3A_90 : memref<1000000x64xf32, #tpu.memory_space<hbm>>) dst(%dma_wait3A_85 : memref<128x64xf32, #tpu.memory_space<vmem>>)
    %dma_wait3A_91 = arith.constant 128 : i32
    %dma_wait3A_92 = arith.constant 0 : i32
    %dma_wait3A_93 = tpu.memref_slice %arg6[%dma_wait3A_91, %dma_wait3A_92] : memref<640x64xf32, #tpu.memory_space<vmem>> -> memref<128x64xf32, #tpu.memory_space<vmem>>
    %dma_wait3A_94 = arith.constant 128 : i32
    %dma_wait3A_95 = tpu.memref_slice %arg5[%dma_wait3A_94] : memref<6400xi32, #tpu.memory_space<vmem>> -> memref<128xi32, #tpu.memory_space<vmem>>
    %dma_wait3A_96 = arith.constant 0 : i32
    %dma_wait3A_97 = arith.constant 0 : i32
    %dma_wait3A_98 = tpu.memref_slice %arg2[%dma_wait3A_96, %dma_wait3A_97] : memref<1000000x64xf32, #tpu.memory_space<hbm>> -> memref<1000000x64xf32, #tpu.memory_space<hbm>>
    tpu.wait_indirect_dma semaphore(%arg8 : memref<!tpu.dma_semaphore, #tpu.memory_space<semaphore_mem>>) src(%dma_wait3A_98 : memref<1000000x64xf32, #tpu.memory_space<hbm>>) dst(%dma_wait3A_93 : memref<128x64xf32, #tpu.memory_space<vmem>>)
    %dma_wait3A_99 = arith.constant 256 : i32
    %dma_wait3A_100 = arith.constant 0 : i32
    %dma_wait3A_101 = tpu.memref_slice %arg6[%dma_wait3A_99, %dma_wait3A_100] : memref<640x64xf32, #tpu.memory_space<vmem>> -> memref<128x64xf32, #tpu.memory_space<vmem>>
    %dma_wait3A_102 = arith.constant 256 : i32
    %dma_wait3A_103 = tpu.memref_slice %arg5[%dma_wait3A_102] : memref<6400xi32, #tpu.memory_space<vmem>> -> memref<128xi32, #tpu.memory_space<vmem>>
    %dma_wait3A_104 = arith.constant 0 : i32
    %dma_wait3A_105 = arith.constant 0 : i32
    %dma_wait3A_106 = tpu.memref_slice %arg2[%dma_wait3A_104, %dma_wait3A_105] : memref<1000000x64xf32, #tpu.memory_space<hbm>> -> memref<1000000x64xf32, #tpu.memory_space<hbm>>
    tpu.wait_indirect_dma semaphore(%arg8 : memref<!tpu.dma_semaphore, #tpu.memory_space<semaphore_mem>>) src(%dma_wait3A_106 : memref<1000000x64xf32, #tpu.memory_space<hbm>>) dst(%dma_wait3A_101 : memref<128x64xf32, #tpu.memory_space<vmem>>)
    %dma_wait3A_107 = arith.constant 384 : i32
    %dma_wait3A_108 = arith.constant 0 : i32
    %dma_wait3A_109 = tpu.memref_slice %arg6[%dma_wait3A_107, %dma_wait3A_108] : memref<640x64xf32, #tpu.memory_space<vmem>> -> memref<128x64xf32, #tpu.memory_space<vmem>>
    %dma_wait3A_110 = arith.constant 384 : i32
    %dma_wait3A_111 = tpu.memref_slice %arg5[%dma_wait3A_110] : memref<6400xi32, #tpu.memory_space<vmem>> -> memref<128xi32, #tpu.memory_space<vmem>>
    %dma_wait3A_112 = arith.constant 0 : i32
    %dma_wait3A_113 = arith.constant 0 : i32
    %dma_wait3A_114 = tpu.memref_slice %arg2[%dma_wait3A_112, %dma_wait3A_113] : memref<1000000x64xf32, #tpu.memory_space<hbm>> -> memref<1000000x64xf32, #tpu.memory_space<hbm>>
    tpu.wait_indirect_dma semaphore(%arg8 : memref<!tpu.dma_semaphore, #tpu.memory_space<semaphore_mem>>) src(%dma_wait3A_114 : memref<1000000x64xf32, #tpu.memory_space<hbm>>) dst(%dma_wait3A_109 : memref<128x64xf32, #tpu.memory_space<vmem>>)
    %dma_wait3A_115 = arith.constant 512 : i32
    %dma_wait3A_116 = arith.constant 0 : i32
    %dma_wait3A_117 = tpu.memref_slice %arg6[%dma_wait3A_115, %dma_wait3A_116] : memref<640x64xf32, #tpu.memory_space<vmem>> -> memref<128x64xf32, #tpu.memory_space<vmem>>
    %dma_wait3A_118 = arith.constant 512 : i32
    %dma_wait3A_119 = tpu.memref_slice %arg5[%dma_wait3A_118] : memref<6400xi32, #tpu.memory_space<vmem>> -> memref<128xi32, #tpu.memory_space<vmem>>
    %dma_wait3A_120 = arith.constant 0 : i32
    %dma_wait3A_121 = arith.constant 0 : i32
    %dma_wait3A_122 = tpu.memref_slice %arg2[%dma_wait3A_120, %dma_wait3A_121] : memref<1000000x64xf32, #tpu.memory_space<hbm>> -> memref<1000000x64xf32, #tpu.memory_space<hbm>>
    tpu.wait_indirect_dma semaphore(%arg8 : memref<!tpu.dma_semaphore, #tpu.memory_space<semaphore_mem>>) src(%dma_wait3A_122 : memref<1000000x64xf32, #tpu.memory_space<hbm>>) dst(%dma_wait3A_117 : memref<128x64xf32, #tpu.memory_space<vmem>>)
    %scan3A = arith.constant 0 : i32
    %scan3A_123 = arith.constant 0 : i32
    %scan3A_124 = arith.constant 160 : i32
    %scan3A_125 = arith.addi %scan3A_123, %scan3A_124 : i32
    %scan3A_126 = arith.constant 1 : i32
    %scan3A_127 = scf.for %scan3A_892 = %scan3A_123 to %scan3A_125 step %scan3A_126 iter_args(%scan3A_893 = %scan3A) -> (i32)  : i32 {
      %mul3A_894 = arith.constant 4 : i32
      %mul3A_895 = arith.muli %scan3A_892, %mul3A_894 : i32
      %add3A_896 = arith.constant 0 : i32
      %add3A_897 = arith.addi %mul3A_895, %add3A_896 : i32
      %get3A = arith.index_cast %add3A_897 : i32 to index
      %get3A_898 = arith.constant 0 : index
      %get3A_899 = tpu.vector_load %arg6[%get3A, %get3A_898] {strides = array<i32>} : memref<640x64xf32, #tpu.memory_space<vmem>>, vector<1x16xf32>,
      %get3A_900 = vector.shape_cast %get3A_899 : vector<1x16xf32> to vector<16xf32>
      %mul3A_901 = arith.constant 8.000000e+00 : f32
      %mul3A_902 = vector.broadcast %mul3A_901 : f32 to vector<16xf32>
      %mul3A_903 = arith.mulf %get3A_900, %mul3A_902 : vector<16xf32>
      %add3A_904 = arith.constant 0 : i32
      %add3A_905 = arith.addi %mul3A_895, %add3A_904 : i32
      %swap3A = arith.index_cast %add3A_905 : i32 to index
      %swap3A_906 = arith.constant 0 : index
      %swap3A_907 = tpu.vector_load %arg6[%swap3A, %swap3A_906] {strides = array<i32>} : memref<640x64xf32, #tpu.memory_space<vmem>>, vector<1x16xf32>,
      %swap3A_908 = vector.shape_cast %swap3A_907 : vector<1x16xf32> to vector<16xf32>
      %swap3A_909 = vector.shape_cast %mul3A_903 : vector<16xf32> to vector<1x16xf32>
      tpu.vector_store %arg6[%swap3A, %swap3A_906], %swap3A_909 {strides = array<i32>} : memref<640x64xf32, #tpu.memory_space<vmem>>, vector<1x16xf32>,
      %add3A_910 = arith.constant 0 : i32
      %add3A_911 = arith.addi %mul3A_895, %add3A_910 : i32
      %get3A_912 = arith.index_cast %add3A_911 : i32 to index
      %get3A_913 = arith.constant 16 : index
      %get3A_914 = tpu.vector_load %arg6[%get3A_912, %get3A_913] {strides = array<i32>} : memref<640x64xf32, #tpu.memory_space<vmem>>, vector<1x16xf32>,
      %get3A_915 = vector.shape_cast %get3A_914 : vector<1x16xf32> to vector<16xf32>
      %mul3A_916 = arith.constant 8.000000e+00 : f32
      %mul3A_917 = vector.broadcast %mul3A_916 : f32 to vector<16xf32>
      %mul3A_918 = arith.mulf %get3A_915, %mul3A_917 : vector<16xf32>
      %add3A_919 = arith.constant 0 : i32
      %add3A_920 = arith.addi %mul3A_895, %add3A_919 : i32
      %swap3A_921 = arith.index_cast %add3A_920 : i32 to index
      %swap3A_922 = arith.constant 16 : index
      %swap3A_923 = tpu.vector_load %arg6[%swap3A_921, %swap3A_922] {strides = array<i32>} : memref<640x64xf32, #tpu.memory_space<vmem>>, vector<1x16xf32>,
      %swap3A_924 = vector.shape_cast %swap3A_923 : vector<1x16xf32> to vector<16xf32>
      %swap3A_925 = vector.shape_cast %mul3A_918 : vector<16xf32> to vector<1x16xf32>
      tpu.vector_store %arg6[%swap3A_921, %swap3A_922], %swap3A_925 {strides = array<i32>} : memref<640x64xf32, #tpu.memory_space<vmem>>, vector<1x16xf32>,
      %add3A_926 = arith.constant 0 : i32
      %add3A_927 = arith.addi %mul3A_895, %add3A_926 : i32
      %get3A_928 = arith.index_cast %add3A_927 : i32 to index
      %get3A_929 = arith.constant 32 : index
      %get3A_930 = tpu.vector_load %arg6[%get3A_928, %get3A_929] {strides = array<i32>} : memref<640x64xf32, #tpu.memory_space<vmem>>, vector<1x16xf32>,
      %get3A_931 = vector.shape_cast %get3A_930 : vector<1x16xf32> to vector<16xf32>
      %mul3A_932 = arith.constant 8.000000e+00 : f32
      %mul3A_933 = vector.broadcast %mul3A_932 : f32 to vector<16xf32>
      %mul3A_934 = arith.mulf %get3A_931, %mul3A_933 : vector<16xf32>
      %add3A_935 = arith.constant 0 : i32
      %add3A_936 = arith.addi %mul3A_895, %add3A_935 : i32
      %swap3A_937 = arith.index_cast %add3A_936 : i32 to index
      %swap3A_938 = arith.constant 32 : index
      %swap3A_939 = tpu.vector_load %arg6[%swap3A_937, %swap3A_938] {strides = array<i32>} : memref<640x64xf32, #tpu.memory_space<vmem>>, vector<1x16xf32>,
      %swap3A_940 = vector.shape_cast %swap3A_939 : vector<1x16xf32> to vector<16xf32>
      %swap3A_941 = vector.shape_cast %mul3A_934 : vector<16xf32> to vector<1x16xf32>
      tpu.vector_store %arg6[%swap3A_937, %swap3A_938], %swap3A_941 {strides = array<i32>} : memref<640x64xf32, #tpu.memory_space<vmem>>, vector<1x16xf32>,
      %add3A_942 = arith.constant 0 : i32
      %add3A_943 = arith.addi %mul3A_895, %add3A_942 : i32
      %get3A_944 = arith.index_cast %add3A_943 : i32 to index
      %get3A_945 = arith.constant 48 : index
      %get3A_946 = tpu.vector_load %arg6[%get3A_944, %get3A_945] {strides = array<i32>} : memref<640x64xf32, #tpu.memory_space<vmem>>, vector<1x16xf32>,
      %get3A_947 = vector.shape_cast %get3A_946 : vector<1x16xf32> to vector<16xf32>
      %mul3A_948 = arith.constant 8.000000e+00 : f32
      %mul3A_949 = vector.broadcast %mul3A_948 : f32 to vector<16xf32>
      %mul3A_950 = arith.mulf %get3A_947, %mul3A_949 : vector<16xf32>
      %add3A_951 = arith.constant 0 : i32
      %add3A_952 = arith.addi %mul3A_895, %add3A_951 : i32
      %swap3A_953 = arith.index_cast %add3A_952 : i32 to index
      %swap3A_954 = arith.constant 48 : index
      %swap3A_955 = tpu.vector_load %arg6[%swap3A_953, %swap3A_954] {strides = array<i32>} : memref<640x64xf32, #tpu.memory_space<vmem>>, vector<1x16xf32>,
      %swap3A_956 = vector.shape_cast %swap3A_955 : vector<1x16xf32> to vector<16xf32>
      %swap3A_957 = vector.shape_cast %mul3A_950 : vector<16xf32> to vector<1x16xf32>
      tpu.vector_store %arg6[%swap3A_953, %swap3A_954], %swap3A_957 {strides = array<i32>} : memref<640x64xf32, #tpu.memory_space<vmem>>, vector<1x16xf32>,
      %add3A_958 = arith.constant 1 : i32
      %add3A_959 = arith.addi %mul3A_895, %add3A_958 : i32
      %get3A_960 = arith.index_cast %add3A_959 : i32 to index
      %get3A_961 = arith.constant 0 : index
      %get3A_962 = tpu.vector_load %arg6[%get3A_960, %get3A_961] {strides = array<i32>} : memref<640x64xf32, #tpu.memory_space<vmem>>, vector<1x16xf32>,
      %get3A_963 = vector.shape_cast %get3A_962 : vector<1x16xf32> to vector<16xf32>
      %mul3A_964 = arith.constant 8.000000e+00 : f32
      %mul3A_965 = vector.broadcast %mul3A_964 : f32 to vector<16xf32>
      %mul3A_966 = arith.mulf %get3A_963, %mul3A_965 : vector<16xf32>
      %add3A_967 = arith.constant 1 : i32
      %add3A_968 = arith.addi %mul3A_895, %add3A_967 : i32
      %swap3A_969 = arith.index_cast %add3A_968 : i32 to index
      %swap3A_970 = arith.constant 0 : index
      %swap3A_971 = tpu.vector_load %arg6[%swap3A_969, %swap3A_970] {strides = array<i32>} : memref<640x64xf32, #tpu.memory_space<vmem>>, vector<1x16xf32>,
      %swap3A_972 = vector.shape_cast %swap3A_971 : vector<1x16xf32> to vector<16xf32>
      %swap3A_973 = vector.shape_cast %mul3A_966 : vector<16xf32> to vector<1x16xf32>
      tpu.vector_store %arg6[%swap3A_969, %swap3A_970], %swap3A_973 {strides = array<i32>} : memref<640x64xf32, #tpu.memory_space<vmem>>, vector<1x16xf32>,
      %add3A_974 = arith.constant 1 : i32
      %add3A_975 = arith.addi %mul3A_895, %add3A_974 : i32
      %get3A_976 = arith.index_cast %add3A_975 : i32 to index
      %get3A_977 = arith.constant 16 : index
      %get3A_978 = tpu.vector_load %arg6[%get3A_976, %get3A_977] {strides = array<i32>} : memref<640x64xf32, #tpu.memory_space<vmem>>, vector<1x16xf32>,
      %get3A_979 = vector.shape_cast %get3A_978 : vector<1x16xf32> to vector<16xf32>
      %mul3A_980 = arith.constant 8.000000e+00 : f32
      %mul3A_981 = vector.broadcast %mul3A_980 : f32 to vector<16xf32>
      %mul3A_982 = arith.mulf %get3A_979, %mul3A_981 : vector<16xf32>
      %add3A_983 = arith.constant 1 : i32
      %add3A_984 = arith.addi %mul3A_895, %add3A_983 : i32
      %swap3A_985 = arith.index_cast %add3A_984 : i32 to index
      %swap3A_986 = arith.constant 16 : index
      %swap3A_987 = tpu.vector_load %arg6[%swap3A_985, %swap3A_986] {strides = array<i32>} : memref<640x64xf32, #tpu.memory_space<vmem>>, vector<1x16xf32>,
      %swap3A_988 = vector.shape_cast %swap3A_987 : vector<1x16xf32> to vector<16xf32>
      %swap3A_989 = vector.shape_cast %mul3A_982 : vector<16xf32> to vector<1x16xf32>
      tpu.vector_store %arg6[%swap3A_985, %swap3A_986], %swap3A_989 {strides = array<i32>} : memref<640x64xf32, #tpu.memory_space<vmem>>, vector<1x16xf32>,
      %add3A_990 = arith.constant 1 : i32
      %add3A_991 = arith.addi %mul3A_895, %add3A_990 : i32
      %get3A_992 = arith.index_cast %add3A_991 : i32 to index
      %get3A_993 = arith.constant 32 : index
      %get3A_994 = tpu.vector_load %arg6[%get3A_992, %get3A_993] {strides = array<i32>} : memref<640x64xf32, #tpu.memory_space<vmem>>, vector<1x16xf32>,
      %get3A_995 = vector.shape_cast %get3A_994 : vector<1x16xf32> to vector<16xf32>
      %mul3A_996 = arith.constant 8.000000e+00 : f32
      %mul3A_997 = vector.broadcast %mul3A_996 : f32 to vector<16xf32>
      %mul3A_998 = arith.mulf %get3A_995, %mul3A_997 : vector<16xf32>
      %add3A_999 = arith.constant 1 : i32
      %add3A_1000 = arith.addi %mul3A_895, %add3A_999 : i32
      %swap3A_1001 = arith.index_cast %add3A_1000 : i32 to index
      %swap3A_1002 = arith.constant 32 : index
      %swap3A_1003 = tpu.vector_load %arg6[%swap3A_1001, %swap3A_1002] {strides = array<i32>} : memref<640x64xf32, #tpu.memory_space<vmem>>, vector<1x16xf32>,
      %swap3A_1004 = vector.shape_cast %swap3A_1003 : vector<1x16xf32> to vector<16xf32>
      %swap3A_1005 = vector.shape_cast %mul3A_998 : vector<16xf32> to vector<1x16xf32>
      tpu.vector_store %arg6[%swap3A_1001, %swap3A_1002], %swap3A_1005 {strides = array<i32>} : memref<640x64xf32, #tpu.memory_space<vmem>>, vector<1x16xf32>,
      %add3A_1006 = arith.constant 1 : i32
      %add3A_1007 = arith.addi %mul3A_895, %add3A_1006 : i32
      %get3A_1008 = arith.index_cast %add3A_1007 : i32 to index
      %get3A_1009 = arith.constant 48 : index
      %get3A_1010 = tpu.vector_load %arg6[%get3A_1008, %get3A_1009] {strides = array<i32>} : memref<640x64xf32, #tpu.memory_space<vmem>>, vector<1x16xf32>,
      %get3A_1011 = vector.shape_cast %get3A_1010 : vector<1x16xf32> to vector<16xf32>
      %mul3A_1012 = arith.constant 8.000000e+00 : f32
      %mul3A_1013 = vector.broadcast %mul3A_1012 : f32 to vector<16xf32>
      %mul3A_1014 = arith.mulf %get3A_1011, %mul3A_1013 : vector<16xf32>
      %add3A_1015 = arith.constant 1 : i32
      %add3A_1016 = arith.addi %mul3A_895, %add3A_1015 : i32
      %swap3A_1017 = arith.index_cast %add3A_1016 : i32 to index
      %swap3A_1018 = arith.constant 48 : index
      %swap3A_1019 = tpu.vector_load %arg6[%swap3A_1017, %swap3A_1018] {strides = array<i32>} : memref<640x64xf32, #tpu.memory_space<vmem>>, vector<1x16xf32>,
      %swap3A_1020 = vector.shape_cast %swap3A_1019 : vector<1x16xf32> to vector<16xf32>
      %swap3A_1021 = vector.shape_cast %mul3A_1014 : vector<16xf32> to vector<1x16xf32>
      tpu.vector_store %arg6[%swap3A_1017, %swap3A_1018], %swap3A_1021 {strides = array<i32>} : memref<640x64xf32, #tpu.memory_space<vmem>>, vector<1x16xf32>,
      %add3A_1022 = arith.constant 2 : i32
      %add3A_1023 = arith.addi %mul3A_895, %add3A_1022 : i32
      %get3A_1024 = arith.index_cast %add3A_1023 : i32 to index
      %get3A_1025 = arith.constant 0 : index
      %get3A_1026 = tpu.vector_load %arg6[%get3A_1024, %get3A_1025] {strides = array<i32>} : memref<640x64xf32, #tpu.memory_space<vmem>>, vector<1x16xf32>,
      %get3A_1027 = vector.shape_cast %get3A_1026 : vector<1x16xf32> to vector<16xf32>
      %mul3A_1028 = arith.constant 8.000000e+00 : f32
      %mul3A_1029 = vector.broadcast %mul3A_1028 : f32 to vector<16xf32>
      %mul3A_1030 = arith.mulf %get3A_1027, %mul3A_1029 : vector<16xf32>
      %add3A_1031 = arith.constant 2 : i32
      %add3A_1032 = arith.addi %mul3A_895, %add3A_1031 : i32
      %swap3A_1033 = arith.index_cast %add3A_1032 : i32 to index
      %swap3A_1034 = arith.constant 0 : index
      %swap3A_1035 = tpu.vector_load %arg6[%swap3A_1033, %swap3A_1034] {strides = array<i32>} : memref<640x64xf32, #tpu.memory_space<vmem>>, vector<1x16xf32>,
      %swap3A_1036 = vector.shape_cast %swap3A_1035 : vector<1x16xf32> to vector<16xf32>
      %swap3A_1037 = vector.shape_cast %mul3A_1030 : vector<16xf32> to vector<1x16xf32>
      tpu.vector_store %arg6[%swap3A_1033, %swap3A_1034], %swap3A_1037 {strides = array<i32>} : memref<640x64xf32, #tpu.memory_space<vmem>>, vector<1x16xf32>,
      %add3A_1038 = arith.constant 2 : i32
      %add3A_1039 = arith.addi %mul3A_895, %add3A_1038 : i32
      %get3A_1040 = arith.index_cast %add3A_1039 : i32 to index
      %get3A_1041 = arith.constant 16 : index
      %get3A_1042 = tpu.vector_load %arg6[%get3A_1040, %get3A_1041] {strides = array<i32>} : memref<640x64xf32, #tpu.memory_space<vmem>>, vector<1x16xf32>,
      %get3A_1043 = vector.shape_cast %get3A_1042 : vector<1x16xf32> to vector<16xf32>
      %mul3A_1044 = arith.constant 8.000000e+00 : f32
      %mul3A_1045 = vector.broadcast %mul3A_1044 : f32 to vector<16xf32>
      %mul3A_1046 = arith.mulf %get3A_1043, %mul3A_1045 : vector<16xf32>
      %add3A_1047 = arith.constant 2 : i32
      %add3A_1048 = arith.addi %mul3A_895, %add3A_1047 : i32
      %swap3A_1049 = arith.index_cast %add3A_1048 : i32 to index
      %swap3A_1050 = arith.constant 16 : index
      %swap3A_1051 = tpu.vector_load %arg6[%swap3A_1049, %swap3A_1050] {strides = array<i32>} : memref<640x64xf32, #tpu.memory_space<vmem>>, vector<1x16xf32>,
      %swap3A_1052 = vector.shape_cast %swap3A_1051 : vector<1x16xf32> to vector<16xf32>
      %swap3A_1053 = vector.shape_cast %mul3A_1046 : vector<16xf32> to vector<1x16xf32>
      tpu.vector_store %arg6[%swap3A_1049, %swap3A_1050], %swap3A_1053 {strides = array<i32>} : memref<640x64xf32, #tpu.memory_space<vmem>>, vector<1x16xf32>,
      %add3A_1054 = arith.constant 2 : i32
      %add3A_1055 = arith.addi %mul3A_895, %add3A_1054 : i32
      %get3A_1056 = arith.index_cast %add3A_1055 : i32 to index
      %get3A_1057 = arith.constant 32 : index
      %get3A_1058 = tpu.vector_load %arg6[%get3A_1056, %get3A_1057] {strides = array<i32>} : memref<640x64xf32, #tpu.memory_space<vmem>>, vector<1x16xf32>,
      %get3A_1059 = vector.shape_cast %get3A_1058 : vector<1x16xf32> to vector<16xf32>
      %mul3A_1060 = arith.constant 8.000000e+00 : f32
      %mul3A_1061 = vector.broadcast %mul3A_1060 : f32 to vector<16xf32>
      %mul3A_1062 = arith.mulf %get3A_1059, %mul3A_1061 : vector<16xf32>
      %add3A_1063 = arith.constant 2 : i32
      %add3A_1064 = arith.addi %mul3A_895, %add3A_1063 : i32
      %swap3A_1065 = arith.index_cast %add3A_1064 : i32 to index
      %swap3A_1066 = arith.constant 32 : index
      %swap3A_1067 = tpu.vector_load %arg6[%swap3A_1065, %swap3A_1066] {strides = array<i32>} : memref<640x64xf32, #tpu.memory_space<vmem>>, vector<1x16xf32>,
      %swap3A_1068 = vector.shape_cast %swap3A_1067 : vector<1x16xf32> to vector<16xf32>
      %swap3A_1069 = vector.shape_cast %mul3A_1062 : vector<16xf32> to vector<1x16xf32>
      tpu.vector_store %arg6[%swap3A_1065, %swap3A_1066], %swap3A_1069 {strides = array<i32>} : memref<640x64xf32, #tpu.memory_space<vmem>>, vector<1x16xf32>,
      %add3A_1070 = arith.constant 2 : i32
      %add3A_1071 = arith.addi %mul3A_895, %add3A_1070 : i32
      %get3A_1072 = arith.index_cast %add3A_1071 : i32 to index
      %get3A_1073 = arith.constant 48 : index
      %get3A_1074 = tpu.vector_load %arg6[%get3A_1072, %get3A_1073] {strides = array<i32>} : memref<640x64xf32, #tpu.memory_space<vmem>>, vector<1x16xf32>,
      %get3A_1075 = vector.shape_cast %get3A_1074 : vector<1x16xf32> to vector<16xf32>
      %mul3A_1076 = arith.constant 8.000000e+00 : f32
      %mul3A_1077 = vector.broadcast %mul3A_1076 : f32 to vector<16xf32>
      %mul3A_1078 = arith.mulf %get3A_1075, %mul3A_1077 : vector<16xf32>
      %add3A_1079 = arith.constant 2 : i32
      %add3A_1080 = arith.addi %mul3A_895, %add3A_1079 : i32
      %swap3A_1081 = arith.index_cast %add3A_1080 : i32 to index
      %swap3A_1082 = arith.constant 48 : index
      %swap3A_1083 = tpu.vector_load %arg6[%swap3A_1081, %swap3A_1082] {strides = array<i32>} : memref<640x64xf32, #tpu.memory_space<vmem>>, vector<1x16xf32>,
      %swap3A_1084 = vector.shape_cast %swap3A_1083 : vector<1x16xf32> to vector<16xf32>
      %swap3A_1085 = vector.shape_cast %mul3A_1078 : vector<16xf32> to vector<1x16xf32>
      tpu.vector_store %arg6[%swap3A_1081, %swap3A_1082], %swap3A_1085 {strides = array<i32>} : memref<640x64xf32, #tpu.memory_space<vmem>>, vector<1x16xf32>,
      %add3A_1086 = arith.constant 3 : i32
      %add3A_1087 = arith.addi %mul3A_895, %add3A_1086 : i32
      %get3A_1088 = arith.index_cast %add3A_1087 : i32 to index
      %get3A_1089 = arith.constant 0 : index
      %get3A_1090 = tpu.vector_load %arg6[%get3A_1088, %get3A_1089] {strides = array<i32>} : memref<640x64xf32, #tpu.memory_space<vmem>>, vector<1x16xf32>,
      %get3A_1091 = vector.shape_cast %get3A_1090 : vector<1x16xf32> to vector<16xf32>
      %mul3A_1092 = arith.constant 8.000000e+00 : f32
      %mul3A_1093 = vector.broadcast %mul3A_1092 : f32 to vector<16xf32>
      %mul3A_1094 = arith.mulf %get3A_1091, %mul3A_1093 : vector<16xf32>
      %add3A_1095 = arith.constant 3 : i32
      %add3A_1096 = arith.addi %mul3A_895, %add3A_1095 : i32
      %swap3A_1097 = arith.index_cast %add3A_1096 : i32 to index
      %swap3A_1098 = arith.constant 0 : index
      %swap3A_1099 = tpu.vector_load %arg6[%swap3A_1097, %swap3A_1098] {strides = array<i32>} : memref<640x64xf32, #tpu.memory_space<vmem>>, vector<1x16xf32>,
      %swap3A_1100 = vector.shape_cast %swap3A_1099 : vector<1x16xf32> to vector<16xf32>
      %swap3A_1101 = vector.shape_cast %mul3A_1094 : vector<16xf32> to vector<1x16xf32>
      tpu.vector_store %arg6[%swap3A_1097, %swap3A_1098], %swap3A_1101 {strides = array<i32>} : memref<640x64xf32, #tpu.memory_space<vmem>>, vector<1x16xf32>,
      %add3A_1102 = arith.constant 3 : i32
      %add3A_1103 = arith.addi %mul3A_895, %add3A_1102 : i32
      %get3A_1104 = arith.index_cast %add3A_1103 : i32 to index
      %get3A_1105 = arith.constant 16 : index
      %get3A_1106 = tpu.vector_load %arg6[%get3A_1104, %get3A_1105] {strides = array<i32>} : memref<640x64xf32, #tpu.memory_space<vmem>>, vector<1x16xf32>,
      %get3A_1107 = vector.shape_cast %get3A_1106 : vector<1x16xf32> to vector<16xf32>
      %mul3A_1108 = arith.constant 8.000000e+00 : f32
      %mul3A_1109 = vector.broadcast %mul3A_1108 : f32 to vector<16xf32>
      %mul3A_1110 = arith.mulf %get3A_1107, %mul3A_1109 : vector<16xf32>
      %add3A_1111 = arith.constant 3 : i32
      %add3A_1112 = arith.addi %mul3A_895, %add3A_1111 : i32
      %swap3A_1113 = arith.index_cast %add3A_1112 : i32 to index
      %swap3A_1114 = arith.constant 16 : index
      %swap3A_1115 = tpu.vector_load %arg6[%swap3A_1113, %swap3A_1114] {strides = array<i32>} : memref<640x64xf32, #tpu.memory_space<vmem>>, vector<1x16xf32>,
      %swap3A_1116 = vector.shape_cast %swap3A_1115 : vector<1x16xf32> to vector<16xf32>
      %swap3A_1117 = vector.shape_cast %mul3A_1110 : vector<16xf32> to vector<1x16xf32>
      tpu.vector_store %arg6[%swap3A_1113, %swap3A_1114], %swap3A_1117 {strides = array<i32>} : memref<640x64xf32, #tpu.memory_space<vmem>>, vector<1x16xf32>,
      %add3A_1118 = arith.constant 3 : i32
      %add3A_1119 = arith.addi %mul3A_895, %add3A_1118 : i32
      %get3A_1120 = arith.index_cast %add3A_1119 : i32 to index
      %get3A_1121 = arith.constant 32 : index
      %get3A_1122 = tpu.vector_load %arg6[%get3A_1120, %get3A_1121] {strides = array<i32>} : memref<640x64xf32, #tpu.memory_space<vmem>>, vector<1x16xf32>,
      %get3A_1123 = vector.shape_cast %get3A_1122 : vector<1x16xf32> to vector<16xf32>
      %mul3A_1124 = arith.constant 8.000000e+00 : f32
      %mul3A_1125 = vector.broadcast %mul3A_1124 : f32 to vector<16xf32>
      %mul3A_1126 = arith.mulf %get3A_1123, %mul3A_1125 : vector<16xf32>
      %add3A_1127 = arith.constant 3 : i32
      %add3A_1128 = arith.addi %mul3A_895, %add3A_1127 : i32
      %swap3A_1129 = arith.index_cast %add3A_1128 : i32 to index
      %swap3A_1130 = arith.constant 32 : index
      %swap3A_1131 = tpu.vector_load %arg6[%swap3A_1129, %swap3A_1130] {strides = array<i32>} : memref<640x64xf32, #tpu.memory_space<vmem>>, vector<1x16xf32>,
      %swap3A_1132 = vector.shape_cast %swap3A_1131 : vector<1x16xf32> to vector<16xf32>
      %swap3A_1133 = vector.shape_cast %mul3A_1126 : vector<16xf32> to vector<1x16xf32>
      tpu.vector_store %arg6[%swap3A_1129, %swap3A_1130], %swap3A_1133 {strides = array<i32>} : memref<640x64xf32, #tpu.memory_space<vmem>>, vector<1x16xf32>,
      %add3A_1134 = arith.constant 3 : i32
      %add3A_1135 = arith.addi %mul3A_895, %add3A_1134 : i32
      %get3A_1136 = arith.index_cast %add3A_1135 : i32 to index
      %get3A_1137 = arith.constant 48 : index
      %get3A_1138 = tpu.vector_load %arg6[%get3A_1136, %get3A_1137] {strides = array<i32>} : memref<640x64xf32, #tpu.memory_space<vmem>>, vector<1x16xf32>,
      %get3A_1139 = vector.shape_cast %get3A_1138 : vector<1x16xf32> to vector<16xf32>
      %mul3A_1140 = arith.constant 8.000000e+00 : f32
      %mul3A_1141 = vector.broadcast %mul3A_1140 : f32 to vector<16xf32>
      %mul3A_1142 = arith.mulf %get3A_1139, %mul3A_1141 : vector<16xf32>
      %add3A_1143 = arith.constant 3 : i32
      %add3A_1144 = arith.addi %mul3A_895, %add3A_1143 : i32
      %swap3A_1145 = arith.index_cast %add3A_1144 : i32 to index
      %swap3A_1146 = arith.constant 48 : index
      %swap3A_1147 = tpu.vector_load %arg6[%swap3A_1145, %swap3A_1146] {strides = array<i32>} : memref<640x64xf32, #tpu.memory_space<vmem>>, vector<1x16xf32>,
      %swap3A_1148 = vector.shape_cast %swap3A_1147 : vector<1x16xf32> to vector<16xf32>
      %swap3A_1149 = vector.shape_cast %mul3A_1142 : vector<16xf32> to vector<1x16xf32>
      tpu.vector_store %arg6[%swap3A_1145, %swap3A_1146], %swap3A_1149 {strides = array<i32>} : memref<640x64xf32, #tpu.memory_space<vmem>>, vector<1x16xf32>,
      %scan3A_1150 = arith.constant 0 : i32
      scf.yield %scan3A_1150 : i32
    }
    %scan3A_128 = arith.constant 160 : i32
    %add3A_129 = arith.constant 0 : i32
    %add3A_130 = arith.addi %mul3A_4, %add3A_129 : i32
    "tpu.region"() ({
      %run_scoped3A = tpu.sem_alloc : memref<!tpu.dma_semaphore, #tpu.memory_space<semaphore_mem>>
      %dma_start3A_892 = arith.constant 0 : i32
      %dma_start3A_893 = tpu.memref_slice %arg4[%add3A_130, %dma_start3A_892] : memref<204800x64xf32, #tpu.memory_space<hbm>> -> memref<640x64xf32, #tpu.memory_space<hbm>>
      %dma_start3A_894 = arith.constant 0 : i32
      %dma_start3A_895 = tpu.memref_slice %arg4[%add3A_130, %dma_start3A_894] : memref<204800x64xf32, #tpu.memory_space<hbm>> -> memref<640x64xf32, #tpu.memory_space<hbm>>
      tpu.enqueue_dma source(%arg6 : memref<640x64xf32, #tpu.memory_space<vmem>>) target(%dma_start3A_895 : memref<640x64xf32, #tpu.memory_space<hbm>>) target_semaphore(%run_scoped3A : memref<!tpu.dma_semaphore, #tpu.memory_space<semaphore_mem>>)
      %dma_wait3A_896 = arith.constant 0 : i32
      %dma_wait3A_897 = tpu.memref_slice %arg4[%add3A_130, %dma_wait3A_896] : memref<204800x64xf32, #tpu.memory_space<hbm>> -> memref<640x64xf32, #tpu.memory_space<hbm>>
      %dma_wait3A_898 = arith.constant 0 : i32
      %dma_wait3A_899 = tpu.memref_slice %arg4[%add3A_130, %dma_wait3A_898] : memref<204800x64xf32, #tpu.memory_space<hbm>> -> memref<640x64xf32, #tpu.memory_space<hbm>>
      tpu.wait_dma2 semaphore(%run_scoped3A : memref<!tpu.dma_semaphore, #tpu.memory_space<semaphore_mem>>) src(%arg6 : memref<640x64xf32, #tpu.memory_space<vmem>>) dst(%dma_wait3A_899 : memref<640x64xf32, #tpu.memory_space<hbm>>)
      tpu.yield
    }) : () -> ()
    %dma_start3A_131 = arith.constant 0 : i32
    %dma_start3A_132 = arith.constant 0 : i32
    %dma_start3A_133 = tpu.memref_slice %arg6[%dma_start3A_131, %dma_start3A_132] : memref<640x64xf32, #tpu.memory_space<vmem>> -> memref<128x64xf32, #tpu.memory_space<vmem>>
    %dma_start3A_134 = arith.constant 1280 : i32
    %dma_start3A_135 = tpu.memref_slice %arg5[%dma_start3A_134] : memref<6400xi32, #tpu.memory_space<vmem>> -> memref<128xi32, #tpu.memory_space<vmem>>
    %dma_start3A_136 = arith.constant 0 : i32
    %dma_start3A_137 = arith.constant 0 : i32
    %dma_start3A_138 = tpu.memref_slice %arg2[%dma_start3A_136, %dma_start3A_137] : memref<1000000x64xf32, #tpu.memory_space<hbm>> -> memref<1000000x64xf32, #tpu.memory_space<hbm>>
    tpu.enqueue_indirect_dma source(%dma_start3A_138 : memref<1000000x64xf32, #tpu.memory_space<hbm>>) target(%dma_start3A_133 : memref<128x64xf32, #tpu.memory_space<vmem>>) offsets(%dma_start3A_135 : memref<128xi32, #tpu.memory_space<vmem>>) semaphore(%arg8 : memref<!tpu.dma_semaphore, #tpu.memory_space<semaphore_mem>>)
    %dma_start3A_139 = arith.constant 128 : i32
    %dma_start3A_140 = arith.constant 0 : i32
    %dma_start3A_141 = tpu.memref_slice %arg6[%dma_start3A_139, %dma_start3A_140] : memref<640x64xf32, #tpu.memory_space<vmem>> -> memref<128x64xf32, #tpu.memory_space<vmem>>
    %dma_start3A_142 = arith.constant 1408 : i32
    %dma_start3A_143 = tpu.memref_slice %arg5[%dma_start3A_142] : memref<6400xi32, #tpu.memory_space<vmem>> -> memref<128xi32, #tpu.memory_space<vmem>>
    %dma_start3A_144 = arith.constant 0 : i32
    %dma_start3A_145 = arith.constant 0 : i32
    %dma_start3A_146 = tpu.memref_slice %arg2[%dma_start3A_144, %dma_start3A_145] : memref<1000000x64xf32, #tpu.memory_space<hbm>> -> memref<1000000x64xf32, #tpu.memory_space<hbm>>
    tpu.enqueue_indirect_dma source(%dma_start3A_146 : memref<1000000x64xf32, #tpu.memory_space<hbm>>) target(%dma_start3A_141 : memref<128x64xf32, #tpu.memory_space<vmem>>) offsets(%dma_start3A_143 : memref<128xi32, #tpu.memory_space<vmem>>) semaphore(%arg8 : memref<!tpu.dma_semaphore, #tpu.memory_space<semaphore_mem>>)
    %dma_start3A_147 = arith.constant 256 : i32
    %dma_start3A_148 = arith.constant 0 : i32
    %dma_start3A_149 = tpu.memref_slice %arg6[%dma_start3A_147, %dma_start3A_148] : memref<640x64xf32, #tpu.memory_space<vmem>> -> memref<128x64xf32, #tpu.memory_space<vmem>>
    %dma_start3A_150 = arith.constant 1536 : i32
    %dma_start3A_151 = tpu.memref_slice %arg5[%dma_start3A_150] : memref<6400xi32, #tpu.memory_space<vmem>> -> memref<128xi32, #tpu.memory_space<vmem>>
    %dma_start3A_152 = arith.constant 0 : i32
    %dma_start3A_153 = arith.constant 0 : i32
    %dma_start3A_154 = tpu.memref_slice %arg2[%dma_start3A_152, %dma_start3A_153] : memref<1000000x64xf32, #tpu.memory_space<hbm>> -> memref<1000000x64xf32, #tpu.memory_space<hbm>>
    tpu.enqueue_indirect_dma source(%dma_start3A_154 : memref<1000000x64xf32, #tpu.memory_space<hbm>>) target(%dma_start3A_149 : memref<128x64xf32, #tpu.memory_space<vmem>>) offsets(%dma_start3A_151 : memref<128xi32, #tpu.memory_space<vmem>>) semaphore(%arg8 : memref<!tpu.dma_semaphore, #tpu.memory_space<semaphore_mem>>)
    %dma_start3A_155 = arith.constant 384 : i32
    %dma_start3A_156 = arith.constant 0 : i32
    %dma_start3A_157 = tpu.memref_slice %arg6[%dma_start3A_155, %dma_start3A_156] : memref<640x64xf32, #tpu.memory_space<vmem>> -> memref<128x64xf32, #tpu.memory_space<vmem>>
    %dma_start3A_158 = arith.constant 1664 : i32
    %dma_start3A_159 = tpu.memref_slice %arg5[%dma_start3A_158] : memref<6400xi32, #tpu.memory_space<vmem>> -> memref<128xi32, #tpu.memory_space<vmem>>
    %dma_start3A_160 = arith.constant 0 : i32
    %dma_start3A_161 = arith.constant 0 : i32
    %dma_start3A_162 = tpu.memref_slice %arg2[%dma_start3A_160, %dma_start3A_161] : memref<1000000x64xf32, #tpu.memory_space<hbm>> -> memref<1000000x64xf32, #tpu.memory_space<hbm>>
    tpu.enqueue_indirect_dma source(%dma_start3A_162 : memref<1000000x64xf32, #tpu.memory_space<hbm>>) target(%dma_start3A_157 : memref<128x64xf32, #tpu.memory_space<vmem>>) offsets(%dma_start3A_159 : memref<128xi32, #tpu.memory_space<vmem>>) semaphore(%arg8 : memref<!tpu.dma_semaphore, #tpu.memory_space<semaphore_mem>>)
    %dma_start3A_163 = arith.constant 512 : i32
    %dma_start3A_164 = arith.constant 0 : i32
    %dma_start3A_165 = tpu.memref_slice %arg6[%dma_start3A_163, %dma_start3A_164] : memref<640x64xf32, #tpu.memory_space<vmem>> -> memref<128x64xf32, #tpu.memory_space<vmem>>
    %dma_start3A_166 = arith.constant 1792 : i32
    %dma_start3A_167 = tpu.memref_slice %arg5[%dma_start3A_166] : memref<6400xi32, #tpu.memory_space<vmem>> -> memref<128xi32, #tpu.memory_space<vmem>>
    %dma_start3A_168 = arith.constant 0 : i32
    %dma_start3A_169 = arith.constant 0 : i32
    %dma_start3A_170 = tpu.memref_slice %arg2[%dma_start3A_168, %dma_start3A_169] : memref<1000000x64xf32, #tpu.memory_space<hbm>> -> memref<1000000x64xf32, #tpu.memory_space<hbm>>
    tpu.enqueue_indirect_dma source(%dma_start3A_170 : memref<1000000x64xf32, #tpu.memory_space<hbm>>) target(%dma_start3A_165 : memref<128x64xf32, #tpu.memory_space<vmem>>) offsets(%dma_start3A_167 : memref<128xi32, #tpu.memory_space<vmem>>) semaphore(%arg8 : memref<!tpu.dma_semaphore, #tpu.memory_space<semaphore_mem>>)
    %dma_wait3A_171 = arith.constant 0 : i32
    %dma_wait3A_172 = arith.constant 0 : i32
    %dma_wait3A_173 = tpu.memref_slice %arg7[%dma_wait3A_171, %dma_wait3A_172] : memref<640x64xf32, #tpu.memory_space<vmem>> -> memref<128x64xf32, #tpu.memory_space<vmem>>
    %dma_wait3A_174 = arith.constant 640 : i32
    %dma_wait3A_175 = tpu.memref_slice %arg5[%dma_wait3A_174] : memref<6400xi32, #tpu.memory_space<vmem>> -> memref<128xi32, #tpu.memory_space<vmem>>
    %dma_wait3A_176 = arith.constant 0 : i32
    %dma_wait3A_177 = arith.constant 0 : i32
    %dma_wait3A_178 = tpu.memref_slice %arg2[%dma_wait3A_176, %dma_wait3A_177] : memref<1000000x64xf32, #tpu.memory_space<hbm>> -> memref<1000000x64xf32, #tpu.memory_space<hbm>>
    tpu.wait_indirect_dma semaphore(%arg9 : memref<!tpu.dma_semaphore, #tpu.memory_space<semaphore_mem>>) src(%dma_wait3A_178 : memref<1000000x64xf32, #tpu.memory_space<hbm>>) dst(%dma_wait3A_173 : memref<128x64xf32, #tpu.memory_space<vmem>>)
    %dma_wait3A_179 = arith.constant 128 : i32
    %dma_wait3A_180 = arith.constant 0 : i32
    %dma_wait3A_181 = tpu.memref_slice %arg7[%dma_wait3A_179, %dma_wait3A_180] : memref<640x64xf32, #tpu.memory_space<vmem>> -> memref<128x64xf32, #tpu.memory_space<vmem>>
    %dma_wait3A_182 = arith.constant 768 : i32
    %dma_wait3A_183 = tpu.memref_slice %arg5[%dma_wait3A_182] : memref<6400xi32, #tpu.memory_space<vmem>> -> memref<128xi32, #tpu.memory_space<vmem>>
    %dma_wait3A_184 = arith.constant 0 : i32
    %dma_wait3A_185 = arith.constant 0 : i32
    %dma_wait3A_186 = tpu.memref_slice %arg2[%dma_wait3A_184, %dma_wait3A_185] : memref<1000000x64xf32, #tpu.memory_space<hbm>> -> memref<1000000x64xf32, #tpu.memory_space<hbm>>
    tpu.wait_indirect_dma semaphore(%arg9 : memref<!tpu.dma_semaphore, #tpu.memory_space<semaphore_mem>>) src(%dma_wait3A_186 : memref<1000000x64xf32, #tpu.memory_space<hbm>>) dst(%dma_wait3A_181 : memref<128x64xf32, #tpu.memory_space<vmem>>)
    %dma_wait3A_187 = arith.constant 256 : i32
    %dma_wait3A_188 = arith.constant 0 : i32
    %dma_wait3A_189 = tpu.memref_slice %arg7[%dma_wait3A_187, %dma_wait3A_188] : memref<640x64xf32, #tpu.memory_space<vmem>> -> memref<128x64xf32, #tpu.memory_space<vmem>>
    %dma_wait3A_190 = arith.constant 896 : i32
    %dma_wait3A_191 = tpu.memref_slice %arg5[%dma_wait3A_190] : memref<6400xi32, #tpu.memory_space<vmem>> -> memref<128xi32, #tpu.memory_space<vmem>>
    %dma_wait3A_192 = arith.constant 0 : i32
    %dma_wait3A_193 = arith.constant 0 : i32
    %dma_wait3A_194 = tpu.memref_slice %arg2[%dma_wait3A_192, %dma_wait3A_193] : memref<1000000x64xf32, #tpu.memory_space<hbm>> -> memref<1000000x64xf32, #tpu.memory_space<hbm>>
    tpu.wait_indirect_dma semaphore(%arg9 : memref<!tpu.dma_semaphore, #tpu.memory_space<semaphore_mem>>) src(%dma_wait3A_194 : memref<1000000x64xf32, #tpu.memory_space<hbm>>) dst(%dma_wait3A_189 : memref<128x64xf32, #tpu.memory_space<vmem>>)
    %dma_wait3A_195 = arith.constant 384 : i32
    %dma_wait3A_196 = arith.constant 0 : i32
    %dma_wait3A_197 = tpu.memref_slice %arg7[%dma_wait3A_195, %dma_wait3A_196] : memref<640x64xf32, #tpu.memory_space<vmem>> -> memref<128x64xf32, #tpu.memory_space<vmem>>
    %dma_wait3A_198 = arith.constant 1024 : i32
    %dma_wait3A_199 = tpu.memref_slice %arg5[%dma_wait3A_198] : memref<6400xi32, #tpu.memory_space<vmem>> -> memref<128xi32, #tpu.memory_space<vmem>>
    %dma_wait3A_200 = arith.constant 0 : i32
    %dma_wait3A_201 = arith.constant 0 : i32
    %dma_wait3A_202 = tpu.memref_slice %arg2[%dma_wait3A_200, %dma_wait3A_201] : memref<1000000x64xf32, #tpu.memory_space<hbm>> -> memref<1000000x64xf32, #tpu.memory_space<hbm>>
    tpu.wait_indirect_dma semaphore(%arg9 : memref<!tpu.dma_semaphore, #tpu.memory_space<semaphore_mem>>) src(%dma_wait3A_202 : memref<1000000x64xf32, #tpu.memory_space<hbm>>) dst(%dma_wait3A_197 : memref<128x64xf32, #tpu.memory_space<vmem>>)
    %dma_wait3A_203 = arith.constant 512 : i32
    %dma_wait3A_204 = arith.constant 0 : i32
    %dma_wait3A_205 = tpu.memref_slice %arg7[%dma_wait3A_203, %dma_wait3A_204] : memref<640x64xf32, #tpu.memory_space<vmem>> -> memref<128x64xf32, #tpu.memory_space<vmem>>
    %dma_wait3A_206 = arith.constant 1152 : i32
    %dma_wait3A_207 = tpu.memref_slice %arg5[%dma_wait3A_206] : memref<6400xi32, #tpu.memory_space<vmem>> -> memref<128xi32, #tpu.memory_space<vmem>>
    %dma_wait3A_208 = arith.constant 0 : i32
    %dma_wait3A_209 = arith.constant 0 : i32
    %dma_wait3A_210 = tpu.memref_slice %arg2[%dma_wait3A_208, %dma_wait3A_209] : memref<1000000x64xf32, #tpu.memory_space<hbm>> -> memref<1000000x64xf32, #tpu.memory_space<hbm>>
    tpu.wait_indirect_dma semaphore(%arg9 : memref<!tpu.dma_semaphore, #tpu.memory_space<semaphore_mem>>) src(%dma_wait3A_210 : memref<1000000x64xf32, #tpu.memory_space<hbm>>) dst(%dma_wait3A_205 : memref<128x64xf32, #tpu.memory_space<vmem>>)
    %scan3A_211 = arith.constant 0 : i32
    %scan3A_212 = arith.constant 0 : i32
    %scan3A_213 = arith.constant 160 : i32
    %scan3A_214 = arith.addi %scan3A_212, %scan3A_213 : i32
    %scan3A_215 = arith.constant 1 : i32
    %scan3A_216 = scf.for %scan3A_892 = %scan3A_212 to %scan3A_214 step %scan3A_215 iter_args(%scan3A_893 = %scan3A_211) -> (i32)  : i32 {
      %mul3A_894 = arith.constant 4 : i32
      %mul3A_895 = arith.muli %scan3A_892, %mul3A_894 : i32
      %add3A_896 = arith.constant 0 : i32
      %add3A_897 = arith.addi %mul3A_895, %add3A_896 : i32
      %get3A = arith.index_cast %add3A_897 : i32 to index
      %get3A_898 = arith.constant 0 : index
      %get3A_899 = tpu.vector_load %arg7[%get3A, %get3A_898] {strides = array<i32>} : memref<640x64xf32, #tpu.memory_space<vmem>>, vector<1x16xf32>,
      %get3A_900 = vector.shape_cast %get3A_899 : vector<1x16xf32> to vector<16xf32>
      %mul3A_901 = arith.constant 8.000000e+00 : f32
      %mul3A_902 = vector.broadcast %mul3A_901 : f32 to vector<16xf32>
      %mul3A_903 = arith.mulf %get3A_900, %mul3A_902 : vector<16xf32>
      %add3A_904 = arith.constant 0 : i32
      %add3A_905 = arith.addi %mul3A_895, %add3A_904 : i32
      %swap3A = arith.index_cast %add3A_905 : i32 to index
      %swap3A_906 = arith.constant 0 : index
      %swap3A_907 = tpu.vector_load %arg7[%swap3A, %swap3A_906] {strides = array<i32>} : memref<640x64xf32, #tpu.memory_space<vmem>>, vector<1x16xf32>,
      %swap3A_908 = vector.shape_cast %swap3A_907 : vector<1x16xf32> to vector<16xf32>
      %swap3A_909 = vector.shape_cast %mul3A_903 : vector<16xf32> to vector<1x16xf32>
      tpu.vector_store %arg7[%swap3A, %swap3A_906], %swap3A_909 {strides = array<i32>} : memref<640x64xf32, #tpu.memory_space<vmem>>, vector<1x16xf32>,
      %add3A_910 = arith.constant 0 : i32
      %add3A_911 = arith.addi %mul3A_895, %add3A_910 : i32
      %get3A_912 = arith.index_cast %add3A_911 : i32 to index
      %get3A_913 = arith.constant 16 : index
      %get3A_914 = tpu.vector_load %arg7[%get3A_912, %get3A_913] {strides = array<i32>} : memref<640x64xf32, #tpu.memory_space<vmem>>, vector<1x16xf32>,
      %get3A_915 = vector.shape_cast %get3A_914 : vector<1x16xf32> to vector<16xf32>
      %mul3A_916 = arith.constant 8.000000e+00 : f32
      %mul3A_917 = vector.broadcast %mul3A_916 : f32 to vector<16xf32>
      %mul3A_918 = arith.mulf %get3A_915, %mul3A_917 : vector<16xf32>
      %add3A_919 = arith.constant 0 : i32
      %add3A_920 = arith.addi %mul3A_895, %add3A_919 : i32
      %swap3A_921 = arith.index_cast %add3A_920 : i32 to index
      %swap3A_922 = arith.constant 16 : index
      %swap3A_923 = tpu.vector_load %arg7[%swap3A_921, %swap3A_922] {strides = array<i32>} : memref<640x64xf32, #tpu.memory_space<vmem>>, vector<1x16xf32>,
      %swap3A_924 = vector.shape_cast %swap3A_923 : vector<1x16xf32> to vector<16xf32>
      %swap3A_925 = vector.shape_cast %mul3A_918 : vector<16xf32> to vector<1x16xf32>
      tpu.vector_store %arg7[%swap3A_921, %swap3A_922], %swap3A_925 {strides = array<i32>} : memref<640x64xf32, #tpu.memory_space<vmem>>, vector<1x16xf32>,
      %add3A_926 = arith.constant 0 : i32
      %add3A_927 = arith.addi %mul3A_895, %add3A_926 : i32
      %get3A_928 = arith.index_cast %add3A_927 : i32 to index
      %get3A_929 = arith.constant 32 : index
      %get3A_930 = tpu.vector_load %arg7[%get3A_928, %get3A_929] {strides = array<i32>} : memref<640x64xf32, #tpu.memory_space<vmem>>, vector<1x16xf32>,
      %get3A_931 = vector.shape_cast %get3A_930 : vector<1x16xf32> to vector<16xf32>
      %mul3A_932 = arith.constant 8.000000e+00 : f32
      %mul3A_933 = vector.broadcast %mul3A_932 : f32 to vector<16xf32>
      %mul3A_934 = arith.mulf %get3A_931, %mul3A_933 : vector<16xf32>
      %add3A_935 = arith.constant 0 : i32
      %add3A_936 = arith.addi %mul3A_895, %add3A_935 : i32
      %swap3A_937 = arith.index_cast %add3A_936 : i32 to index
      %swap3A_938 = arith.constant 32 : index
      %swap3A_939 = tpu.vector_load %arg7[%swap3A_937, %swap3A_938] {strides = array<i32>} : memref<640x64xf32, #tpu.memory_space<vmem>>, vector<1x16xf32>,
      %swap3A_940 = vector.shape_cast %swap3A_939 : vector<1x16xf32> to vector<16xf32>
      %swap3A_941 = vector.shape_cast %mul3A_934 : vector<16xf32> to vector<1x16xf32>
      tpu.vector_store %arg7[%swap3A_937, %swap3A_938], %swap3A_941 {strides = array<i32>} : memref<640x64xf32, #tpu.memory_space<vmem>>, vector<1x16xf32>,
      %add3A_942 = arith.constant 0 : i32
      %add3A_943 = arith.addi %mul3A_895, %add3A_942 : i32
      %get3A_944 = arith.index_cast %add3A_943 : i32 to index
      %get3A_945 = arith.constant 48 : index
      %get3A_946 = tpu.vector_load %arg7[%get3A_944, %get3A_945] {strides = array<i32>} : memref<640x64xf32, #tpu.memory_space<vmem>>, vector<1x16xf32>,
      %get3A_947 = vector.shape_cast %get3A_946 : vector<1x16xf32> to vector<16xf32>
      %mul3A_948 = arith.constant 8.000000e+00 : f32
      %mul3A_949 = vector.broadcast %mul3A_948 : f32 to vector<16xf32>
      %mul3A_950 = arith.mulf %get3A_947, %mul3A_949 : vector<16xf32>
      %add3A_951 = arith.constant 0 : i32
      %add3A_952 = arith.addi %mul3A_895, %add3A_951 : i32
      %swap3A_953 = arith.index_cast %add3A_952 : i32 to index
      %swap3A_954 = arith.constant 48 : index
      %swap3A_955 = tpu.vector_load %arg7[%swap3A_953, %swap3A_954] {strides = array<i32>} : memref<640x64xf32, #tpu.memory_space<vmem>>, vector<1x16xf32>,
      %swap3A_956 = vector.shape_cast %swap3A_955 : vector<1x16xf32> to vector<16xf32>
      %swap3A_957 = vector.shape_cast %mul3A_950 : vector<16xf32> to vector<1x16xf32>
      tpu.vector_store %arg7[%swap3A_953, %swap3A_954], %swap3A_957 {strides = array<i32>} : memref<640x64xf32, #tpu.memory_space<vmem>>, vector<1x16xf32>,
      %add3A_958 = arith.constant 1 : i32
      %add3A_959 = arith.addi %mul3A_895, %add3A_958 : i32
      %get3A_960 = arith.index_cast %add3A_959 : i32 to index
      %get3A_961 = arith.constant 0 : index
      %get3A_962 = tpu.vector_load %arg7[%get3A_960, %get3A_961] {strides = array<i32>} : memref<640x64xf32, #tpu.memory_space<vmem>>, vector<1x16xf32>,
      %get3A_963 = vector.shape_cast %get3A_962 : vector<1x16xf32> to vector<16xf32>
      %mul3A_964 = arith.constant 8.000000e+00 : f32
      %mul3A_965 = vector.broadcast %mul3A_964 : f32 to vector<16xf32>
      %mul3A_966 = arith.mulf %get3A_963, %mul3A_965 : vector<16xf32>
      %add3A_967 = arith.constant 1 : i32
      %add3A_968 = arith.addi %mul3A_895, %add3A_967 : i32
      %swap3A_969 = arith.index_cast %add3A_968 : i32 to index
      %swap3A_970 = arith.constant 0 : index
      %swap3A_971 = tpu.vector_load %arg7[%swap3A_969, %swap3A_970] {strides = array<i32>} : memref<640x64xf32, #tpu.memory_space<vmem>>, vector<1x16xf32>,
      %swap3A_972 = vector.shape_cast %swap3A_971 : vector<1x16xf32> to vector<16xf32>
      %swap3A_973 = vector.shape_cast %mul3A_966 : vector<16xf32> to vector<1x16xf32>
      tpu.vector_store %arg7[%swap3A_969, %swap3A_970], %swap3A_973 {strides = array<i32>} : memref<640x64xf32, #tpu.memory_space<vmem>>, vector<1x16xf32>,
      %add3A_974 = arith.constant 1 : i32
      %add3A_975 = arith.addi %mul3A_895, %add3A_974 : i32
      %get3A_976 = arith.index_cast %add3A_975 : i32 to index
      %get3A_977 = arith.constant 16 : index
      %get3A_978 = tpu.vector_load %arg7[%get3A_976, %get3A_977] {strides = array<i32>} : memref<640x64xf32, #tpu.memory_space<vmem>>, vector<1x16xf32>,
      %get3A_979 = vector.shape_cast %get3A_978 : vector<1x16xf32> to vector<16xf32>
      %mul3A_980 = arith.constant 8.000000e+00 : f32
      %mul3A_981 = vector.broadcast %mul3A_980 : f32 to vector<16xf32>
      %mul3A_982 = arith.mulf %get3A_979, %mul3A_981 : vector<16xf32>
      %add3A_983 = arith.constant 1 : i32
      %add3A_984 = arith.addi %mul3A_895, %add3A_983 : i32
      %swap3A_985 = arith.index_cast %add3A_984 : i32 to index
      %swap3A_986 = arith.constant 16 : index
      %swap3A_987 = tpu.vector_load %arg7[%swap3A_985, %swap3A_986] {strides = array<i32>} : memref<640x64xf32, #tpu.memory_space<vmem>>, vector<1x16xf32>,
      %swap3A_988 = vector.shape_cast %swap3A_987 : vector<1x16xf32> to vector<16xf32>
      %swap3A_989 = vector.shape_cast %mul3A_982 : vector<16xf32> to vector<1x16xf32>
      tpu.vector_store %arg7[%swap3A_985, %swap3A_986], %swap3A_989 {strides = array<i32>} : memref<640x64xf32, #tpu.memory_space<vmem>>, vector<1x16xf32>,
      %add3A_990 = arith.constant 1 : i32
      %add3A_991 = arith.addi %mul3A_895, %add3A_990 : i32
      %get3A_992 = arith.index_cast %add3A_991 : i32 to index
      %get3A_993 = arith.constant 32 : index
      %get3A_994 = tpu.vector_load %arg7[%get3A_992, %get3A_993] {strides = array<i32>} : memref<640x64xf32, #tpu.memory_space<vmem>>, vector<1x16xf32>,
      %get3A_995 = vector.shape_cast %get3A_994 : vector<1x16xf32> to vector<16xf32>
      %mul3A_996 = arith.constant 8.000000e+00 : f32
      %mul3A_997 = vector.broadcast %mul3A_996 : f32 to vector<16xf32>
      %mul3A_998 = arith.mulf %get3A_995, %mul3A_997 : vector<16xf32>
      %add3A_999 = arith.constant 1 : i32
      %add3A_1000 = arith.addi %mul3A_895, %add3A_999 : i32
      %swap3A_1001 = arith.index_cast %add3A_1000 : i32 to index
      %swap3A_1002 = arith.constant 32 : index
      %swap3A_1003 = tpu.vector_load %arg7[%swap3A_1001, %swap3A_1002] {strides = array<i32>} : memref<640x64xf32, #tpu.memory_space<vmem>>, vector<1x16xf32>,
      %swap3A_1004 = vector.shape_cast %swap3A_1003 : vector<1x16xf32> to vector<16xf32>
      %swap3A_1005 = vector.shape_cast %mul3A_998 : vector<16xf32> to vector<1x16xf32>
      tpu.vector_store %arg7[%swap3A_1001, %swap3A_1002], %swap3A_1005 {strides = array<i32>} : memref<640x64xf32, #tpu.memory_space<vmem>>, vector<1x16xf32>,
      %add3A_1006 = arith.constant 1 : i32
      %add3A_1007 = arith.addi %mul3A_895, %add3A_1006 : i32
      %get3A_1008 = arith.index_cast %add3A_1007 : i32 to index
      %get3A_1009 = arith.constant 48 : index
      %get3A_1010 = tpu.vector_load %arg7[%get3A_1008, %get3A_1009] {strides = array<i32>} : memref<640x64xf32, #tpu.memory_space<vmem>>, vector<1x16xf32>,
      %get3A_1011 = vector.shape_cast %get3A_1010 : vector<1x16xf32> to vector<16xf32>
      %mul3A_1012 = arith.constant 8.000000e+00 : f32
      %mul3A_1013 = vector.broadcast %mul3A_1012 : f32 to vector<16xf32>
      %mul3A_1014 = arith.mulf %get3A_1011, %mul3A_1013 : vector<16xf32>
      %add3A_1015 = arith.constant 1 : i32
      %add3A_1016 = arith.addi %mul3A_895, %add3A_1015 : i32
      %swap3A_1017 = arith.index_cast %add3A_1016 : i32 to index
      %swap3A_1018 = arith.constant 48 : index
      %swap3A_1019 = tpu.vector_load %arg7[%swap3A_1017, %swap3A_1018] {strides = array<i32>} : memref<640x64xf32, #tpu.memory_space<vmem>>, vector<1x16xf32>,
      %swap3A_1020 = vector.shape_cast %swap3A_1019 : vector<1x16xf32> to vector<16xf32>
      %swap3A_1021 = vector.shape_cast %mul3A_1014 : vector<16xf32> to vector<1x16xf32>
      tpu.vector_store %arg7[%swap3A_1017, %swap3A_1018], %swap3A_1021 {strides = array<i32>} : memref<640x64xf32, #tpu.memory_space<vmem>>, vector<1x16xf32>,
      %add3A_1022 = arith.constant 2 : i32
      %add3A_1023 = arith.addi %mul3A_895, %add3A_1022 : i32
      %get3A_1024 = arith.index_cast %add3A_1023 : i32 to index
      %get3A_1025 = arith.constant 0 : index
      %get3A_1026 = tpu.vector_load %arg7[%get3A_1024, %get3A_1025] {strides = array<i32>} : memref<640x64xf32, #tpu.memory_space<vmem>>, vector<1x16xf32>,
      %get3A_1027 = vector.shape_cast %get3A_1026 : vector<1x16xf32> to vector<16xf32>
      %mul3A_1028 = arith.constant 8.000000e+00 : f32
      %mul3A_1029 = vector.broadcast %mul3A_1028 : f32 to vector<16xf32>
      %mul3A_1030 = arith.mulf %get3A_1027, %mul3A_1029 : vector<16xf32>
      %add3A_1031 = arith.constant 2 : i32
      %add3A_1032 = arith.addi %mul3A_895, %add3A_1031 : i32
      %swap3A_1033 = arith.index_cast %add3A_1032 : i32 to index
      %swap3A_1034 = arith.constant 0 : index
      %swap3A_1035 = tpu.vector_load %arg7[%swap3A_1033, %swap3A_1034] {strides = array<i32>} : memref<640x64xf32, #tpu.memory_space<vmem>>, vector<1x16xf32>,
      %swap3A_1036 = vector.shape_cast %swap3A_1035 : vector<1x16xf32> to vector<16xf32>
      %swap3A_1037 = vector.shape_cast %mul3A_1030 : vector<16xf32> to vector<1x16xf32>
      tpu.vector_store %arg7[%swap3A_1033, %swap3A_1034], %swap3A_1037 {strides = array<i32>} : memref<640x64xf32, #tpu.memory_space<vmem>>, vector<1x16xf32>,
      %add3A_1038 = arith.constant 2 : i32
      %add3A_1039 = arith.addi %mul3A_895, %add3A_1038 : i32
      %get3A_1040 = arith.index_cast %add3A_1039 : i32 to index
      %get3A_1041 = arith.constant 16 : index
      %get3A_1042 = tpu.vector_load %arg7[%get3A_1040, %get3A_1041] {strides = array<i32>} : memref<640x64xf32, #tpu.memory_space<vmem>>, vector<1x16xf32>,
      %get3A_1043 = vector.shape_cast %get3A_1042 : vector<1x16xf32> to vector<16xf32>
      %mul3A_1044 = arith.constant 8.000000e+00 : f32
      %mul3A_1045 = vector.broadcast %mul3A_1044 : f32 to vector<16xf32>
      %mul3A_1046 = arith.mulf %get3A_1043, %mul3A_1045 : vector<16xf32>
      %add3A_1047 = arith.constant 2 : i32
      %add3A_1048 = arith.addi %mul3A_895, %add3A_1047 : i32
      %swap3A_1049 = arith.index_cast %add3A_1048 : i32 to index
      %swap3A_1050 = arith.constant 16 : index
      %swap3A_1051 = tpu.vector_load %arg7[%swap3A_1049, %swap3A_1050] {strides = array<i32>} : memref<640x64xf32, #tpu.memory_space<vmem>>, vector<1x16xf32>,
      %swap3A_1052 = vector.shape_cast %swap3A_1051 : vector<1x16xf32> to vector<16xf32>
      %swap3A_1053 = vector.shape_cast %mul3A_1046 : vector<16xf32> to vector<1x16xf32>
      tpu.vector_store %arg7[%swap3A_1049, %swap3A_1050], %swap3A_1053 {strides = array<i32>} : memref<640x64xf32, #tpu.memory_space<vmem>>, vector<1x16xf32>,
      %add3A_1054 = arith.constant 2 : i32
      %add3A_1055 = arith.addi %mul3A_895, %add3A_1054 : i32
      %get3A_1056 = arith.index_cast %add3A_1055 : i32 to index
      %get3A_1057 = arith.constant 32 : index
      %get3A_1058 = tpu.vector_load %arg7[%get3A_1056, %get3A_1057] {strides = array<i32>} : memref<640x64xf32, #tpu.memory_space<vmem>>, vector<1x16xf32>,
      %get3A_1059 = vector.shape_cast %get3A_1058 : vector<1x16xf32> to vector<16xf32>
      %mul3A_1060 = arith.constant 8.000000e+00 : f32
      %mul3A_1061 = vector.broadcast %mul3A_1060 : f32 to vector<16xf32>
      %mul3A_1062 = arith.mulf %get3A_1059, %mul3A_1061 : vector<16xf32>
      %add3A_1063 = arith.constant 2 : i32
      %add3A_1064 = arith.addi %mul3A_895, %add3A_1063 : i32
      %swap3A_1065 = arith.index_cast %add3A_1064 : i32 to index
      %swap3A_1066 = arith.constant 32 : index
      %swap3A_1067 = tpu.vector_load %arg7[%swap3A_1065, %swap3A_1066] {strides = array<i32>} : memref<640x64xf32, #tpu.memory_space<vmem>>, vector<1x16xf32>,
      %swap3A_1068 = vector.shape_cast %swap3A_1067 : vector<1x16xf32> to vector<16xf32>
      %swap3A_1069 = vector.shape_cast %mul3A_1062 : vector<16xf32> to vector<1x16xf32>
      tpu.vector_store %arg7[%swap3A_1065, %swap3A_1066], %swap3A_1069 {strides = array<i32>} : memref<640x64xf32, #tpu.memory_space<vmem>>, vector<1x16xf32>,
      %add3A_1070 = arith.constant 2 : i32
      %add3A_1071 = arith.addi %mul3A_895, %add3A_1070 : i32
      %get3A_1072 = arith.index_cast %add3A_1071 : i32 to index
      %get3A_1073 = arith.constant 48 : index
      %get3A_1074 = tpu.vector_load %arg7[%get3A_1072, %get3A_1073] {strides = array<i32>} : memref<640x64xf32, #tpu.memory_space<vmem>>, vector<1x16xf32>,
      %get3A_1075 = vector.shape_cast %get3A_1074 : vector<1x16xf32> to vector<16xf32>
      %mul3A_1076 = arith.constant 8.000000e+00 : f32
      %mul3A_1077 = vector.broadcast %mul3A_1076 : f32 to vector<16xf32>
      %mul3A_1078 = arith.mulf %get3A_1075, %mul3A_1077 : vector<16xf32>
      %add3A_1079 = arith.constant 2 : i32
      %add3A_1080 = arith.addi %mul3A_895, %add3A_1079 : i32
      %swap3A_1081 = arith.index_cast %add3A_1080 : i32 to index
      %swap3A_1082 = arith.constant 48 : index
      %swap3A_1083 = tpu.vector_load %arg7[%swap3A_1081, %swap3A_1082] {strides = array<i32>} : memref<640x64xf32, #tpu.memory_space<vmem>>, vector<1x16xf32>,
      %swap3A_1084 = vector.shape_cast %swap3A_1083 : vector<1x16xf32> to vector<16xf32>
      %swap3A_1085 = vector.shape_cast %mul3A_1078 : vector<16xf32> to vector<1x16xf32>
      tpu.vector_store %arg7[%swap3A_1081, %swap3A_1082], %swap3A_1085 {strides = array<i32>} : memref<640x64xf32, #tpu.memory_space<vmem>>, vector<1x16xf32>,
      %add3A_1086 = arith.constant 3 : i32
      %add3A_1087 = arith.addi %mul3A_895, %add3A_1086 : i32
      %get3A_1088 = arith.index_cast %add3A_1087 : i32 to index
      %get3A_1089 = arith.constant 0 : index
      %get3A_1090 = tpu.vector_load %arg7[%get3A_1088, %get3A_1089] {strides = array<i32>} : memref<640x64xf32, #tpu.memory_space<vmem>>, vector<1x16xf32>,
      %get3A_1091 = vector.shape_cast %get3A_1090 : vector<1x16xf32> to vector<16xf32>
      %mul3A_1092 = arith.constant 8.000000e+00 : f32
      %mul3A_1093 = vector.broadcast %mul3A_1092 : f32 to vector<16xf32>
      %mul3A_1094 = arith.mulf %get3A_1091, %mul3A_1093 : vector<16xf32>
      %add3A_1095 = arith.constant 3 : i32
      %add3A_1096 = arith.addi %mul3A_895, %add3A_1095 : i32
      %swap3A_1097 = arith.index_cast %add3A_1096 : i32 to index
      %swap3A_1098 = arith.constant 0 : index
      %swap3A_1099 = tpu.vector_load %arg7[%swap3A_1097, %swap3A_1098] {strides = array<i32>} : memref<640x64xf32, #tpu.memory_space<vmem>>, vector<1x16xf32>,
      %swap3A_1100 = vector.shape_cast %swap3A_1099 : vector<1x16xf32> to vector<16xf32>
      %swap3A_1101 = vector.shape_cast %mul3A_1094 : vector<16xf32> to vector<1x16xf32>
      tpu.vector_store %arg7[%swap3A_1097, %swap3A_1098], %swap3A_1101 {strides = array<i32>} : memref<640x64xf32, #tpu.memory_space<vmem>>, vector<1x16xf32>,
      %add3A_1102 = arith.constant 3 : i32
      %add3A_1103 = arith.addi %mul3A_895, %add3A_1102 : i32
      %get3A_1104 = arith.index_cast %add3A_1103 : i32 to index
      %get3A_1105 = arith.constant 16 : index
      %get3A_1106 = tpu.vector_load %arg7[%get3A_1104, %get3A_1105] {strides = array<i32>} : memref<640x64xf32, #tpu.memory_space<vmem>>, vector<1x16xf32>,
      %get3A_1107 = vector.shape_cast %get3A_1106 : vector<1x16xf32> to vector<16xf32>
      %mul3A_1108 = arith.constant 8.000000e+00 : f32
      %mul3A_1109 = vector.broadcast %mul3A_1108 : f32 to vector<16xf32>
      %mul3A_1110 = arith.mulf %get3A_1107, %mul3A_1109 : vector<16xf32>
      %add3A_1111 = arith.constant 3 : i32
      %add3A_1112 = arith.addi %mul3A_895, %add3A_1111 : i32
      %swap3A_1113 = arith.index_cast %add3A_1112 : i32 to index
      %swap3A_1114 = arith.constant 16 : index
      %swap3A_1115 = tpu.vector_load %arg7[%swap3A_1113, %swap3A_1114] {strides = array<i32>} : memref<640x64xf32, #tpu.memory_space<vmem>>, vector<1x16xf32>,
      %swap3A_1116 = vector.shape_cast %swap3A_1115 : vector<1x16xf32> to vector<16xf32>
      %swap3A_1117 = vector.shape_cast %mul3A_1110 : vector<16xf32> to vector<1x16xf32>
      tpu.vector_store %arg7[%swap3A_1113, %swap3A_1114], %swap3A_1117 {strides = array<i32>} : memref<640x64xf32, #tpu.memory_space<vmem>>, vector<1x16xf32>,
      %add3A_1118 = arith.constant 3 : i32
      %add3A_1119 = arith.addi %mul3A_895, %add3A_1118 : i32
      %get3A_1120 = arith.index_cast %add3A_1119 : i32 to index
      %get3A_1121 = arith.constant 32 : index
      %get3A_1122 = tpu.vector_load %arg7[%get3A_1120, %get3A_1121] {strides = array<i32>} : memref<640x64xf32, #tpu.memory_space<vmem>>, vector<1x16xf32>,
      %get3A_1123 = vector.shape_cast %get3A_1122 : vector<1x16xf32> to vector<16xf32>
      %mul3A_1124 = arith.constant 8.000000e+00 : f32
      %mul3A_1125 = vector.broadcast %mul3A_1124 : f32 to vector<16xf32>
      %mul3A_1126 = arith.mulf %get3A_1123, %mul3A_1125 : vector<16xf32>
      %add3A_1127 = arith.constant 3 : i32
      %add3A_1128 = arith.addi %mul3A_895, %add3A_1127 : i32
      %swap3A_1129 = arith.index_cast %add3A_1128 : i32 to index
      %swap3A_1130 = arith.constant 32 : index
      %swap3A_1131 = tpu.vector_load %arg7[%swap3A_1129, %swap3A_1130] {strides = array<i32>} : memref<640x64xf32, #tpu.memory_space<vmem>>, vector<1x16xf32>,
      %swap3A_1132 = vector.shape_cast %swap3A_1131 : vector<1x16xf32> to vector<16xf32>
      %swap3A_1133 = vector.shape_cast %mul3A_1126 : vector<16xf32> to vector<1x16xf32>
      tpu.vector_store %arg7[%swap3A_1129, %swap3A_1130], %swap3A_1133 {strides = array<i32>} : memref<640x64xf32, #tpu.memory_space<vmem>>, vector<1x16xf32>,
      %add3A_1134 = arith.constant 3 : i32
      %add3A_1135 = arith.addi %mul3A_895, %add3A_1134 : i32
      %get3A_1136 = arith.index_cast %add3A_1135 : i32 to index
      %get3A_1137 = arith.constant 48 : index
      %get3A_1138 = tpu.vector_load %arg7[%get3A_1136, %get3A_1137] {strides = array<i32>} : memref<640x64xf32, #tpu.memory_space<vmem>>, vector<1x16xf32>,
      %get3A_1139 = vector.shape_cast %get3A_1138 : vector<1x16xf32> to vector<16xf32>
      %mul3A_1140 = arith.constant 8.000000e+00 : f32
      %mul3A_1141 = vector.broadcast %mul3A_1140 : f32 to vector<16xf32>
      %mul3A_1142 = arith.mulf %get3A_1139, %mul3A_1141 : vector<16xf32>
      %add3A_1143 = arith.constant 3 : i32
      %add3A_1144 = arith.addi %mul3A_895, %add3A_1143 : i32
      %swap3A_1145 = arith.index_cast %add3A_1144 : i32 to index
      %swap3A_1146 = arith.constant 48 : index
      %swap3A_1147 = tpu.vector_load %arg7[%swap3A_1145, %swap3A_1146] {strides = array<i32>} : memref<640x64xf32, #tpu.memory_space<vmem>>, vector<1x16xf32>,
      %swap3A_1148 = vector.shape_cast %swap3A_1147 : vector<1x16xf32> to vector<16xf32>
      %swap3A_1149 = vector.shape_cast %mul3A_1142 : vector<16xf32> to vector<1x16xf32>
      tpu.vector_store %arg7[%swap3A_1145, %swap3A_1146], %swap3A_1149 {strides = array<i32>} : memref<640x64xf32, #tpu.memory_space<vmem>>, vector<1x16xf32>,
      %scan3A_1150 = arith.constant 0 : i32
      scf.yield %scan3A_1150 : i32
    }
    %scan3A_217 = arith.constant 160 : i32
    %add3A_218 = arith.constant 640 : i32
    %add3A_219 = arith.addi %mul3A_4, %add3A_218 : i32
    "tpu.region"() ({
      %run_scoped3A = tpu.sem_alloc : memref<!tpu.dma_semaphore, #tpu.memory_space<semaphore_mem>>
      %dma_start3A_892 = arith.constant 0 : i32
      %dma_start3A_893 = tpu.memref_slice %arg4[%add3A_219, %dma_start3A_892] : memref<204800x64xf32, #tpu.memory_space<hbm>> -> memref<640x64xf32, #tpu.memory_space<hbm>>
      %dma_start3A_894 = arith.constant 0 : i32
      %dma_start3A_895 = tpu.memref_slice %arg4[%add3A_219, %dma_start3A_894] : memref<204800x64xf32, #tpu.memory_space<hbm>> -> memref<640x64xf32, #tpu.memory_space<hbm>>
      tpu.enqueue_dma source(%arg7 : memref<640x64xf32, #tpu.memory_space<vmem>>) target(%dma_start3A_895 : memref<640x64xf32, #tpu.memory_space<hbm>>) target_semaphore(%run_scoped3A : memref<!tpu.dma_semaphore, #tpu.memory_space<semaphore_mem>>)
      %dma_wait3A_896 = arith.constant 0 : i32
      %dma_wait3A_897 = tpu.memref_slice %arg4[%add3A_219, %dma_wait3A_896] : memref<204800x64xf32, #tpu.memory_space<hbm>> -> memref<640x64xf32, #tpu.memory_space<hbm>>
      %dma_wait3A_898 = arith.constant 0 : i32
      %dma_wait3A_899 = tpu.memref_slice %arg4[%add3A_219, %dma_wait3A_898] : memref<204800x64xf32, #tpu.memory_space<hbm>> -> memref<640x64xf32, #tpu.memory_space<hbm>>
      tpu.wait_dma2 semaphore(%run_scoped3A : memref<!tpu.dma_semaphore, #tpu.memory_space<semaphore_mem>>) src(%arg7 : memref<640x64xf32, #tpu.memory_space<vmem>>) dst(%dma_wait3A_899 : memref<640x64xf32, #tpu.memory_space<hbm>>)
      tpu.yield
    }) : () -> ()
    %dma_start3A_220 = arith.constant 0 : i32
    %dma_start3A_221 = arith.constant 0 : i32
    %dma_start3A_222 = tpu.memref_slice %arg7[%dma_start3A_220, %dma_start3A_221] : memref<640x64xf32, #tpu.memory_space<vmem>> -> memref<128x64xf32, #tpu.memory_space<vmem>>
    %dma_start3A_223 = arith.constant 1920 : i32
    %dma_start3A_224 = tpu.memref_slice %arg5[%dma_start3A_223] : memref<6400xi32, #tpu.memory_space<vmem>> -> memref<128xi32, #tpu.memory_space<vmem>>
    %dma_start3A_225 = arith.constant 0 : i32
    %dma_start3A_226 = arith.constant 0 : i32
    %dma_start3A_227 = tpu.memref_slice %arg2[%dma_start3A_225, %dma_start3A_226] : memref<1000000x64xf32, #tpu.memory_space<hbm>> -> memref<1000000x64xf32, #tpu.memory_space<hbm>>
    tpu.enqueue_indirect_dma source(%dma_start3A_227 : memref<1000000x64xf32, #tpu.memory_space<hbm>>) target(%dma_start3A_222 : memref<128x64xf32, #tpu.memory_space<vmem>>) offsets(%dma_start3A_224 : memref<128xi32, #tpu.memory_space<vmem>>) semaphore(%arg9 : memref<!tpu.dma_semaphore, #tpu.memory_space<semaphore_mem>>)
    %dma_start3A_228 = arith.constant 128 : i32
    %dma_start3A_229 = arith.constant 0 : i32
    %dma_start3A_230 = tpu.memref_slice %arg7[%dma_start3A_228, %dma_start3A_229] : memref<640x64xf32, #tpu.memory_space<vmem>> -> memref<128x64xf32, #tpu.memory_space<vmem>>
    %dma_start3A_231 = arith.constant 2048 : i32
    %dma_start3A_232 = tpu.memref_slice %arg5[%dma_start3A_231] : memref<6400xi32, #tpu.memory_space<vmem>> -> memref<128xi32, #tpu.memory_space<vmem>>
    %dma_start3A_233 = arith.constant 0 : i32
    %dma_start3A_234 = arith.constant 0 : i32
    %dma_start3A_235 = tpu.memref_slice %arg2[%dma_start3A_233, %dma_start3A_234] : memref<1000000x64xf32, #tpu.memory_space<hbm>> -> memref<1000000x64xf32, #tpu.memory_space<hbm>>
    tpu.enqueue_indirect_dma source(%dma_start3A_235 : memref<1000000x64xf32, #tpu.memory_space<hbm>>) target(%dma_start3A_230 : memref<128x64xf32, #tpu.memory_space<vmem>>) offsets(%dma_start3A_232 : memref<128xi32, #tpu.memory_space<vmem>>) semaphore(%arg9 : memref<!tpu.dma_semaphore, #tpu.memory_space<semaphore_mem>>)
    %dma_start3A_236 = arith.constant 256 : i32
    %dma_start3A_237 = arith.constant 0 : i32
    %dma_start3A_238 = tpu.memref_slice %arg7[%dma_start3A_236, %dma_start3A_237] : memref<640x64xf32, #tpu.memory_space<vmem>> -> memref<128x64xf32, #tpu.memory_space<vmem>>
    %dma_start3A_239 = arith.constant 2176 : i32
    %dma_start3A_240 = tpu.memref_slice %arg5[%dma_start3A_239] : memref<6400xi32, #tpu.memory_space<vmem>> -> memref<128xi32, #tpu.memory_space<vmem>>
    %dma_start3A_241 = arith.constant 0 : i32
    %dma_start3A_242 = arith.constant 0 : i32
    %dma_start3A_243 = tpu.memref_slice %arg2[%dma_start3A_241, %dma_start3A_242] : memref<1000000x64xf32, #tpu.memory_space<hbm>> -> memref<1000000x64xf32, #tpu.memory_space<hbm>>
    tpu.enqueue_indirect_dma source(%dma_start3A_243 : memref<1000000x64xf32, #tpu.memory_space<hbm>>) target(%dma_start3A_238 : memref<128x64xf32, #tpu.memory_space<vmem>>) offsets(%dma_start3A_240 : memref<128xi32, #tpu.memory_space<vmem>>) semaphore(%arg9 : memref<!tpu.dma_semaphore, #tpu.memory_space<semaphore_mem>>)
    %dma_start3A_244 = arith.constant 384 : i32
    %dma_start3A_245 = arith.constant 0 : i32
    %dma_start3A_246 = tpu.memref_slice %arg7[%dma_start3A_244, %dma_start3A_245] : memref<640x64xf32, #tpu.memory_space<vmem>> -> memref<128x64xf32, #tpu.memory_space<vmem>>
    %dma_start3A_247 = arith.constant 2304 : i32
    %dma_start3A_248 = tpu.memref_slice %arg5[%dma_start3A_247] : memref<6400xi32, #tpu.memory_space<vmem>> -> memref<128xi32, #tpu.memory_space<vmem>>
    %dma_start3A_249 = arith.constant 0 : i32
    %dma_start3A_250 = arith.constant 0 : i32
    %dma_start3A_251 = tpu.memref_slice %arg2[%dma_start3A_249, %dma_start3A_250] : memref<1000000x64xf32, #tpu.memory_space<hbm>> -> memref<1000000x64xf32, #tpu.memory_space<hbm>>
    tpu.enqueue_indirect_dma source(%dma_start3A_251 : memref<1000000x64xf32, #tpu.memory_space<hbm>>) target(%dma_start3A_246 : memref<128x64xf32, #tpu.memory_space<vmem>>) offsets(%dma_start3A_248 : memref<128xi32, #tpu.memory_space<vmem>>) semaphore(%arg9 : memref<!tpu.dma_semaphore, #tpu.memory_space<semaphore_mem>>)
    %dma_start3A_252 = arith.constant 512 : i32
    %dma_start3A_253 = arith.constant 0 : i32
    %dma_start3A_254 = tpu.memref_slice %arg7[%dma_start3A_252, %dma_start3A_253] : memref<640x64xf32, #tpu.memory_space<vmem>> -> memref<128x64xf32, #tpu.memory_space<vmem>>
    %dma_start3A_255 = arith.constant 2432 : i32
    %dma_start3A_256 = tpu.memref_slice %arg5[%dma_start3A_255] : memref<6400xi32, #tpu.memory_space<vmem>> -> memref<128xi32, #tpu.memory_space<vmem>>
    %dma_start3A_257 = arith.constant 0 : i32
    %dma_start3A_258 = arith.constant 0 : i32
    %dma_start3A_259 = tpu.memref_slice %arg2[%dma_start3A_257, %dma_start3A_258] : memref<1000000x64xf32, #tpu.memory_space<hbm>> -> memref<1000000x64xf32, #tpu.memory_space<hbm>>
    tpu.enqueue_indirect_dma source(%dma_start3A_259 : memref<1000000x64xf32, #tpu.memory_space<hbm>>) target(%dma_start3A_254 : memref<128x64xf32, #tpu.memory_space<vmem>>) offsets(%dma_start3A_256 : memref<128xi32, #tpu.memory_space<vmem>>) semaphore(%arg9 : memref<!tpu.dma_semaphore, #tpu.memory_space<semaphore_mem>>)
    %dma_wait3A_260 = arith.constant 0 : i32
    %dma_wait3A_261 = arith.constant 0 : i32
    %dma_wait3A_262 = tpu.memref_slice %arg6[%dma_wait3A_260, %dma_wait3A_261] : memref<640x64xf32, #tpu.memory_space<vmem>> -> memref<128x64xf32, #tpu.memory_space<vmem>>
    %dma_wait3A_263 = arith.constant 1280 : i32
    %dma_wait3A_264 = tpu.memref_slice %arg5[%dma_wait3A_263] : memref<6400xi32, #tpu.memory_space<vmem>> -> memref<128xi32, #tpu.memory_space<vmem>>
    %dma_wait3A_265 = arith.constant 0 : i32
    %dma_wait3A_266 = arith.constant 0 : i32
    %dma_wait3A_267 = tpu.memref_slice %arg2[%dma_wait3A_265, %dma_wait3A_266] : memref<1000000x64xf32, #tpu.memory_space<hbm>> -> memref<1000000x64xf32, #tpu.memory_space<hbm>>
    tpu.wait_indirect_dma semaphore(%arg8 : memref<!tpu.dma_semaphore, #tpu.memory_space<semaphore_mem>>) src(%dma_wait3A_267 : memref<1000000x64xf32, #tpu.memory_space<hbm>>) dst(%dma_wait3A_262 : memref<128x64xf32, #tpu.memory_space<vmem>>)
    %dma_wait3A_268 = arith.constant 128 : i32
    %dma_wait3A_269 = arith.constant 0 : i32
    %dma_wait3A_270 = tpu.memref_slice %arg6[%dma_wait3A_268, %dma_wait3A_269] : memref<640x64xf32, #tpu.memory_space<vmem>> -> memref<128x64xf32, #tpu.memory_space<vmem>>
    %dma_wait3A_271 = arith.constant 1408 : i32
    %dma_wait3A_272 = tpu.memref_slice %arg5[%dma_wait3A_271] : memref<6400xi32, #tpu.memory_space<vmem>> -> memref<128xi32, #tpu.memory_space<vmem>>
    %dma_wait3A_273 = arith.constant 0 : i32
    %dma_wait3A_274 = arith.constant 0 : i32
    %dma_wait3A_275 = tpu.memref_slice %arg2[%dma_wait3A_273, %dma_wait3A_274] : memref<1000000x64xf32, #tpu.memory_space<hbm>> -> memref<1000000x64xf32, #tpu.memory_space<hbm>>
    tpu.wait_indirect_dma semaphore(%arg8 : memref<!tpu.dma_semaphore, #tpu.memory_space<semaphore_mem>>) src(%dma_wait3A_275 : memref<1000000x64xf32, #tpu.memory_space<hbm>>) dst(%dma_wait3A_270 : memref<128x64xf32, #tpu.memory_space<vmem>>)
    %dma_wait3A_276 = arith.constant 256 : i32
    %dma_wait3A_277 = arith.constant 0 : i32
    %dma_wait3A_278 = tpu.memref_slice %arg6[%dma_wait3A_276, %dma_wait3A_277] : memref<640x64xf32, #tpu.memory_space<vmem>> -> memref<128x64xf32, #tpu.memory_space<vmem>>
    %dma_wait3A_279 = arith.constant 1536 : i32
    %dma_wait3A_280 = tpu.memref_slice %arg5[%dma_wait3A_279] : memref<6400xi32, #tpu.memory_space<vmem>> -> memref<128xi32, #tpu.memory_space<vmem>>
    %dma_wait3A_281 = arith.constant 0 : i32
    %dma_wait3A_282 = arith.constant 0 : i32
    %dma_wait3A_283 = tpu.memref_slice %arg2[%dma_wait3A_281, %dma_wait3A_282] : memref<1000000x64xf32, #tpu.memory_space<hbm>> -> memref<1000000x64xf32, #tpu.memory_space<hbm>>
    tpu.wait_indirect_dma semaphore(%arg8 : memref<!tpu.dma_semaphore, #tpu.memory_space<semaphore_mem>>) src(%dma_wait3A_283 : memref<1000000x64xf32, #tpu.memory_space<hbm>>) dst(%dma_wait3A_278 : memref<128x64xf32, #tpu.memory_space<vmem>>)
    %dma_wait3A_284 = arith.constant 384 : i32
    %dma_wait3A_285 = arith.constant 0 : i32
    %dma_wait3A_286 = tpu.memref_slice %arg6[%dma_wait3A_284, %dma_wait3A_285] : memref<640x64xf32, #tpu.memory_space<vmem>> -> memref<128x64xf32, #tpu.memory_space<vmem>>
    %dma_wait3A_287 = arith.constant 1664 : i32
    %dma_wait3A_288 = tpu.memref_slice %arg5[%dma_wait3A_287] : memref<6400xi32, #tpu.memory_space<vmem>> -> memref<128xi32, #tpu.memory_space<vmem>>
    %dma_wait3A_289 = arith.constant 0 : i32
    %dma_wait3A_290 = arith.constant 0 : i32
    %dma_wait3A_291 = tpu.memref_slice %arg2[%dma_wait3A_289, %dma_wait3A_290] : memref<1000000x64xf32, #tpu.memory_space<hbm>> -> memref<1000000x64xf32, #tpu.memory_space<hbm>>
    tpu.wait_indirect_dma semaphore(%arg8 : memref<!tpu.dma_semaphore, #tpu.memory_space<semaphore_mem>>) src(%dma_wait3A_291 : memref<1000000x64xf32, #tpu.memory_space<hbm>>) dst(%dma_wait3A_286 : memref<128x64xf32, #tpu.memory_space<vmem>>)
    %dma_wait3A_292 = arith.constant 512 : i32
    %dma_wait3A_293 = arith.constant 0 : i32
    %dma_wait3A_294 = tpu.memref_slice %arg6[%dma_wait3A_292, %dma_wait3A_293] : memref<640x64xf32, #tpu.memory_space<vmem>> -> memref<128x64xf32, #tpu.memory_space<vmem>>
    %dma_wait3A_295 = arith.constant 1792 : i32
    %dma_wait3A_296 = tpu.memref_slice %arg5[%dma_wait3A_295] : memref<6400xi32, #tpu.memory_space<vmem>> -> memref<128xi32, #tpu.memory_space<vmem>>
    %dma_wait3A_297 = arith.constant 0 : i32
    %dma_wait3A_298 = arith.constant 0 : i32
    %dma_wait3A_299 = tpu.memref_slice %arg2[%dma_wait3A_297, %dma_wait3A_298] : memref<1000000x64xf32, #tpu.memory_space<hbm>> -> memref<1000000x64xf32, #tpu.memory_space<hbm>>
    tpu.wait_indirect_dma semaphore(%arg8 : memref<!tpu.dma_semaphore, #tpu.memory_space<semaphore_mem>>) src(%dma_wait3A_299 : memref<1000000x64xf32, #tpu.memory_space<hbm>>) dst(%dma_wait3A_294 : memref<128x64xf32, #tpu.memory_space<vmem>>)
    %scan3A_300 = arith.constant 0 : i32
    %scan3A_301 = arith.constant 0 : i32
    %scan3A_302 = arith.constant 160 : i32
    %scan3A_303 = arith.addi %scan3A_301, %scan3A_302 : i32
    %scan3A_304 = arith.constant 1 : i32
    %scan3A_305 = scf.for %scan3A_892 = %scan3A_301 to %scan3A_303 step %scan3A_304 iter_args(%scan3A_893 = %scan3A_300) -> (i32)  : i32 {
      %mul3A_894 = arith.constant 4 : i32
      %mul3A_895 = arith.muli %scan3A_892, %mul3A_894 : i32
      %add3A_896 = arith.constant 0 : i32
      %add3A_897 = arith.addi %mul3A_895, %add3A_896 : i32
      %get3A = arith.index_cast %add3A_897 : i32 to index
      %get3A_898 = arith.constant 0 : index
      %get3A_899 = tpu.vector_load %arg6[%get3A, %get3A_898] {strides = array<i32>} : memref<640x64xf32, #tpu.memory_space<vmem>>, vector<1x16xf32>,
      %get3A_900 = vector.shape_cast %get3A_899 : vector<1x16xf32> to vector<16xf32>
      %mul3A_901 = arith.constant 8.000000e+00 : f32
      %mul3A_902 = vector.broadcast %mul3A_901 : f32 to vector<16xf32>
      %mul3A_903 = arith.mulf %get3A_900, %mul3A_902 : vector<16xf32>
      %add3A_904 = arith.constant 0 : i32
      %add3A_905 = arith.addi %mul3A_895, %add3A_904 : i32
      %swap3A = arith.index_cast %add3A_905 : i32 to index
      %swap3A_906 = arith.constant 0 : index
      %swap3A_907 = tpu.vector_load %arg6[%swap3A, %swap3A_906] {strides = array<i32>} : memref<640x64xf32, #tpu.memory_space<vmem>>, vector<1x16xf32>,
      %swap3A_908 = vector.shape_cast %swap3A_907 : vector<1x16xf32> to vector<16xf32>
      %swap3A_909 = vector.shape_cast %mul3A_903 : vector<16xf32> to vector<1x16xf32>
      tpu.vector_store %arg6[%swap3A, %swap3A_906], %swap3A_909 {strides = array<i32>} : memref<640x64xf32, #tpu.memory_space<vmem>>, vector<1x16xf32>,
      %add3A_910 = arith.constant 0 : i32
      %add3A_911 = arith.addi %mul3A_895, %add3A_910 : i32
      %get3A_912 = arith.index_cast %add3A_911 : i32 to index
      %get3A_913 = arith.constant 16 : index
      %get3A_914 = tpu.vector_load %arg6[%get3A_912, %get3A_913] {strides = array<i32>} : memref<640x64xf32, #tpu.memory_space<vmem>>, vector<1x16xf32>,
      %get3A_915 = vector.shape_cast %get3A_914 : vector<1x16xf32> to vector<16xf32>
      %mul3A_916 = arith.constant 8.000000e+00 : f32
      %mul3A_917 = vector.broadcast %mul3A_916 : f32 to vector<16xf32>
      %mul3A_918 = arith.mulf %get3A_915, %mul3A_917 : vector<16xf32>
      %add3A_919 = arith.constant 0 : i32
      %add3A_920 = arith.addi %mul3A_895, %add3A_919 : i32
      %swap3A_921 = arith.index_cast %add3A_920 : i32 to index
      %swap3A_922 = arith.constant 16 : index
      %swap3A_923 = tpu.vector_load %arg6[%swap3A_921, %swap3A_922] {strides = array<i32>} : memref<640x64xf32, #tpu.memory_space<vmem>>, vector<1x16xf32>,
      %swap3A_924 = vector.shape_cast %swap3A_923 : vector<1x16xf32> to vector<16xf32>
      %swap3A_925 = vector.shape_cast %mul3A_918 : vector<16xf32> to vector<1x16xf32>
      tpu.vector_store %arg6[%swap3A_921, %swap3A_922], %swap3A_925 {strides = array<i32>} : memref<640x64xf32, #tpu.memory_space<vmem>>, vector<1x16xf32>,
      %add3A_926 = arith.constant 0 : i32
      %add3A_927 = arith.addi %mul3A_895, %add3A_926 : i32
      %get3A_928 = arith.index_cast %add3A_927 : i32 to index
      %get3A_929 = arith.constant 32 : index
      %get3A_930 = tpu.vector_load %arg6[%get3A_928, %get3A_929] {strides = array<i32>} : memref<640x64xf32, #tpu.memory_space<vmem>>, vector<1x16xf32>,
      %get3A_931 = vector.shape_cast %get3A_930 : vector<1x16xf32> to vector<16xf32>
      %mul3A_932 = arith.constant 8.000000e+00 : f32
      %mul3A_933 = vector.broadcast %mul3A_932 : f32 to vector<16xf32>
      %mul3A_934 = arith.mulf %get3A_931, %mul3A_933 : vector<16xf32>
      %add3A_935 = arith.constant 0 : i32
      %add3A_936 = arith.addi %mul3A_895, %add3A_935 : i32
      %swap3A_937 = arith.index_cast %add3A_936 : i32 to index
      %swap3A_938 = arith.constant 32 : index
      %swap3A_939 = tpu.vector_load %arg6[%swap3A_937, %swap3A_938] {strides = array<i32>} : memref<640x64xf32, #tpu.memory_space<vmem>>, vector<1x16xf32>,
      %swap3A_940 = vector.shape_cast %swap3A_939 : vector<1x16xf32> to vector<16xf32>
      %swap3A_941 = vector.shape_cast %mul3A_934 : vector<16xf32> to vector<1x16xf32>
      tpu.vector_store %arg6[%swap3A_937, %swap3A_938], %swap3A_941 {strides = array<i32>} : memref<640x64xf32, #tpu.memory_space<vmem>>, vector<1x16xf32>,
      %add3A_942 = arith.constant 0 : i32
      %add3A_943 = arith.addi %mul3A_895, %add3A_942 : i32
      %get3A_944 = arith.index_cast %add3A_943 : i32 to index
      %get3A_945 = arith.constant 48 : index
      %get3A_946 = tpu.vector_load %arg6[%get3A_944, %get3A_945] {strides = array<i32>} : memref<640x64xf32, #tpu.memory_space<vmem>>, vector<1x16xf32>,
      %get3A_947 = vector.shape_cast %get3A_946 : vector<1x16xf32> to vector<16xf32>
      %mul3A_948 = arith.constant 8.000000e+00 : f32
      %mul3A_949 = vector.broadcast %mul3A_948 : f32 to vector<16xf32>
      %mul3A_950 = arith.mulf %get3A_947, %mul3A_949 : vector<16xf32>
      %add3A_951 = arith.constant 0 : i32
      %add3A_952 = arith.addi %mul3A_895, %add3A_951 : i32
      %swap3A_953 = arith.index_cast %add3A_952 : i32 to index
      %swap3A_954 = arith.constant 48 : index
      %swap3A_955 = tpu.vector_load %arg6[%swap3A_953, %swap3A_954] {strides = array<i32>} : memref<640x64xf32, #tpu.memory_space<vmem>>, vector<1x16xf32>,
      %swap3A_956 = vector.shape_cast %swap3A_955 : vector<1x16xf32> to vector<16xf32>
      %swap3A_957 = vector.shape_cast %mul3A_950 : vector<16xf32> to vector<1x16xf32>
      tpu.vector_store %arg6[%swap3A_953, %swap3A_954], %swap3A_957 {strides = array<i32>} : memref<640x64xf32, #tpu.memory_space<vmem>>, vector<1x16xf32>,
      %add3A_958 = arith.constant 1 : i32
      %add3A_959 = arith.addi %mul3A_895, %add3A_958 : i32
      %get3A_960 = arith.index_cast %add3A_959 : i32 to index
      %get3A_961 = arith.constant 0 : index
      %get3A_962 = tpu.vector_load %arg6[%get3A_960, %get3A_961] {strides = array<i32>} : memref<640x64xf32, #tpu.memory_space<vmem>>, vector<1x16xf32>,
      %get3A_963 = vector.shape_cast %get3A_962 : vector<1x16xf32> to vector<16xf32>
      %mul3A_964 = arith.constant 8.000000e+00 : f32
      %mul3A_965 = vector.broadcast %mul3A_964 : f32 to vector<16xf32>
      %mul3A_966 = arith.mulf %get3A_963, %mul3A_965 : vector<16xf32>
      %add3A_967 = arith.constant 1 : i32
      %add3A_968 = arith.addi %mul3A_895, %add3A_967 : i32
      %swap3A_969 = arith.index_cast %add3A_968 : i32 to index
      %swap3A_970 = arith.constant 0 : index
      %swap3A_971 = tpu.vector_load %arg6[%swap3A_969, %swap3A_970] {strides = array<i32>} : memref<640x64xf32, #tpu.memory_space<vmem>>, vector<1x16xf32>,
      %swap3A_972 = vector.shape_cast %swap3A_971 : vector<1x16xf32> to vector<16xf32>
      %swap3A_973 = vector.shape_cast %mul3A_966 : vector<16xf32> to vector<1x16xf32>
      tpu.vector_store %arg6[%swap3A_969, %swap3A_970], %swap3A_973 {strides = array<i32>} : memref<640x64xf32, #tpu.memory_space<vmem>>, vector<1x16xf32>,
      %add3A_974 = arith.constant 1 : i32
      %add3A_975 = arith.addi %mul3A_895, %add3A_974 : i32
      %get3A_976 = arith.index_cast %add3A_975 : i32 to index
      %get3A_977 = arith.constant 16 : index
      %get3A_978 = tpu.vector_load %arg6[%get3A_976, %get3A_977] {strides = array<i32>} : memref<640x64xf32, #tpu.memory_space<vmem>>, vector<1x16xf32>,
      %get3A_979 = vector.shape_cast %get3A_978 : vector<1x16xf32> to vector<16xf32>
      %mul3A_980 = arith.constant 8.000000e+00 : f32
      %mul3A_981 = vector.broadcast %mul3A_980 : f32 to vector<16xf32>
      %mul3A_982 = arith.mulf %get3A_979, %mul3A_981 : vector<16xf32>
      %add3A_983 = arith.constant 1 : i32
      %add3A_984 = arith.addi %mul3A_895, %add3A_983 : i32
      %swap3A_985 = arith.index_cast %add3A_984 : i32 to index
      %swap3A_986 = arith.constant 16 : index
      %swap3A_987 = tpu.vector_load %arg6[%swap3A_985, %swap3A_986] {strides = array<i32>} : memref<640x64xf32, #tpu.memory_space<vmem>>, vector<1x16xf32>,
      %swap3A_988 = vector.shape_cast %swap3A_987 : vector<1x16xf32> to vector<16xf32>
      %swap3A_989 = vector.shape_cast %mul3A_982 : vector<16xf32> to vector<1x16xf32>
      tpu.vector_store %arg6[%swap3A_985, %swap3A_986], %swap3A_989 {strides = array<i32>} : memref<640x64xf32, #tpu.memory_space<vmem>>, vector<1x16xf32>,
      %add3A_990 = arith.constant 1 : i32
      %add3A_991 = arith.addi %mul3A_895, %add3A_990 : i32
      %get3A_992 = arith.index_cast %add3A_991 : i32 to index
      %get3A_993 = arith.constant 32 : index
      %get3A_994 = tpu.vector_load %arg6[%get3A_992, %get3A_993] {strides = array<i32>} : memref<640x64xf32, #tpu.memory_space<vmem>>, vector<1x16xf32>,
      %get3A_995 = vector.shape_cast %get3A_994 : vector<1x16xf32> to vector<16xf32>
      %mul3A_996 = arith.constant 8.000000e+00 : f32
      %mul3A_997 = vector.broadcast %mul3A_996 : f32 to vector<16xf32>
      %mul3A_998 = arith.mulf %get3A_995, %mul3A_997 : vector<16xf32>
      %add3A_999 = arith.constant 1 : i32
      %add3A_1000 = arith.addi %mul3A_895, %add3A_999 : i32
      %swap3A_1001 = arith.index_cast %add3A_1000 : i32 to index
      %swap3A_1002 = arith.constant 32 : index
      %swap3A_1003 = tpu.vector_load %arg6[%swap3A_1001, %swap3A_1002] {strides = array<i32>} : memref<640x64xf32, #tpu.memory_space<vmem>>, vector<1x16xf32>,
      %swap3A_1004 = vector.shape_cast %swap3A_1003 : vector<1x16xf32> to vector<16xf32>
      %swap3A_1005 = vector.shape_cast %mul3A_998 : vector<16xf32> to vector<1x16xf32>
      tpu.vector_store %arg6[%swap3A_1001, %swap3A_1002], %swap3A_1005 {strides = array<i32>} : memref<640x64xf32, #tpu.memory_space<vmem>>, vector<1x16xf32>,
      %add3A_1006 = arith.constant 1 : i32
      %add3A_1007 = arith.addi %mul3A_895, %add3A_1006 : i32
      %get3A_1008 = arith.index_cast %add3A_1007 : i32 to index
      %get3A_1009 = arith.constant 48 : index
      %get3A_1010 = tpu.vector_load %arg6[%get3A_1008, %get3A_1009] {strides = array<i32>} : memref<640x64xf32, #tpu.memory_space<vmem>>, vector<1x16xf32>,
      %get3A_1011 = vector.shape_cast %get3A_1010 : vector<1x16xf32> to vector<16xf32>
      %mul3A_1012 = arith.constant 8.000000e+00 : f32
      %mul3A_1013 = vector.broadcast %mul3A_1012 : f32 to vector<16xf32>
      %mul3A_1014 = arith.mulf %get3A_1011, %mul3A_1013 : vector<16xf32>
      %add3A_1015 = arith.constant 1 : i32
      %add3A_1016 = arith.addi %mul3A_895, %add3A_1015 : i32
      %swap3A_1017 = arith.index_cast %add3A_1016 : i32 to index
      %swap3A_1018 = arith.constant 48 : index
      %swap3A_1019 = tpu.vector_load %arg6[%swap3A_1017, %swap3A_1018] {strides = array<i32>} : memref<640x64xf32, #tpu.memory_space<vmem>>, vector<1x16xf32>,
      %swap3A_1020 = vector.shape_cast %swap3A_1019 : vector<1x16xf32> to vector<16xf32>
      %swap3A_1021 = vector.shape_cast %mul3A_1014 : vector<16xf32> to vector<1x16xf32>
      tpu.vector_store %arg6[%swap3A_1017, %swap3A_1018], %swap3A_1021 {strides = array<i32>} : memref<640x64xf32, #tpu.memory_space<vmem>>, vector<1x16xf32>,
      %add3A_1022 = arith.constant 2 : i32
      %add3A_1023 = arith.addi %mul3A_895, %add3A_1022 : i32
      %get3A_1024 = arith.index_cast %add3A_1023 : i32 to index
      %get3A_1025 = arith.constant 0 : index
      %get3A_1026 = tpu.vector_load %arg6[%get3A_1024, %get3A_1025] {strides = array<i32>} : memref<640x64xf32, #tpu.memory_space<vmem>>, vector<1x16xf32>,
      %get3A_1027 = vector.shape_cast %get3A_1026 : vector<1x16xf32> to vector<16xf32>
      %mul3A_1028 = arith.constant 8.000000e+00 : f32
      %mul3A_1029 = vector.broadcast %mul3A_1028 : f32 to vector<16xf32>
      %mul3A_1030 = arith.mulf %get3A_1027, %mul3A_1029 : vector<16xf32>
      %add3A_1031 = arith.constant 2 : i32
      %add3A_1032 = arith.addi %mul3A_895, %add3A_1031 : i32
      %swap3A_1033 = arith.index_cast %add3A_1032 : i32 to index
      %swap3A_1034 = arith.constant 0 : index
      %swap3A_1035 = tpu.vector_load %arg6[%swap3A_1033, %swap3A_1034] {strides = array<i32>} : memref<640x64xf32, #tpu.memory_space<vmem>>, vector<1x16xf32>,
      %swap3A_1036 = vector.shape_cast %swap3A_1035 : vector<1x16xf32> to vector<16xf32>
      %swap3A_1037 = vector.shape_cast %mul3A_1030 : vector<16xf32> to vector<1x16xf32>
      tpu.vector_store %arg6[%swap3A_1033, %swap3A_1034], %swap3A_1037 {strides = array<i32>} : memref<640x64xf32, #tpu.memory_space<vmem>>, vector<1x16xf32>,
      %add3A_1038 = arith.constant 2 : i32
      %add3A_1039 = arith.addi %mul3A_895, %add3A_1038 : i32
      %get3A_1040 = arith.index_cast %add3A_1039 : i32 to index
      %get3A_1041 = arith.constant 16 : index
      %get3A_1042 = tpu.vector_load %arg6[%get3A_1040, %get3A_1041] {strides = array<i32>} : memref<640x64xf32, #tpu.memory_space<vmem>>, vector<1x16xf32>,
      %get3A_1043 = vector.shape_cast %get3A_1042 : vector<1x16xf32> to vector<16xf32>
      %mul3A_1044 = arith.constant 8.000000e+00 : f32
      %mul3A_1045 = vector.broadcast %mul3A_1044 : f32 to vector<16xf32>
      %mul3A_1046 = arith.mulf %get3A_1043, %mul3A_1045 : vector<16xf32>
      %add3A_1047 = arith.constant 2 : i32
      %add3A_1048 = arith.addi %mul3A_895, %add3A_1047 : i32
      %swap3A_1049 = arith.index_cast %add3A_1048 : i32 to index
      %swap3A_1050 = arith.constant 16 : index
      %swap3A_1051 = tpu.vector_load %arg6[%swap3A_1049, %swap3A_1050] {strides = array<i32>} : memref<640x64xf32, #tpu.memory_space<vmem>>, vector<1x16xf32>,
      %swap3A_1052 = vector.shape_cast %swap3A_1051 : vector<1x16xf32> to vector<16xf32>
      %swap3A_1053 = vector.shape_cast %mul3A_1046 : vector<16xf32> to vector<1x16xf32>
      tpu.vector_store %arg6[%swap3A_1049, %swap3A_1050], %swap3A_1053 {strides = array<i32>} : memref<640x64xf32, #tpu.memory_space<vmem>>, vector<1x16xf32>,
      %add3A_1054 = arith.constant 2 : i32
      %add3A_1055 = arith.addi %mul3A_895, %add3A_1054 : i32
      %get3A_1056 = arith.index_cast %add3A_1055 : i32 to index
      %get3A_1057 = arith.constant 32 : index
      %get3A_1058 = tpu.vector_load %arg6[%get3A_1056, %get3A_1057] {strides = array<i32>} : memref<640x64xf32, #tpu.memory_space<vmem>>, vector<1x16xf32>,
      %get3A_1059 = vector.shape_cast %get3A_1058 : vector<1x16xf32> to vector<16xf32>
      %mul3A_1060 = arith.constant 8.000000e+00 : f32
      %mul3A_1061 = vector.broadcast %mul3A_1060 : f32 to vector<16xf32>
      %mul3A_1062 = arith.mulf %get3A_1059, %mul3A_1061 : vector<16xf32>
      %add3A_1063 = arith.constant 2 : i32
      %add3A_1064 = arith.addi %mul3A_895, %add3A_1063 : i32
      %swap3A_1065 = arith.index_cast %add3A_1064 : i32 to index
      %swap3A_1066 = arith.constant 32 : index
      %swap3A_1067 = tpu.vector_load %arg6[%swap3A_1065, %swap3A_1066] {strides = array<i32>} : memref<640x64xf32, #tpu.memory_space<vmem>>, vector<1x16xf32>,
      %swap3A_1068 = vector.shape_cast %swap3A_1067 : vector<1x16xf32> to vector<16xf32>
      %swap3A_1069 = vector.shape_cast %mul3A_1062 : vector<16xf32> to vector<1x16xf32>
      tpu.vector_store %arg6[%swap3A_1065, %swap3A_1066], %swap3A_1069 {strides = array<i32>} : memref<640x64xf32, #tpu.memory_space<vmem>>, vector<1x16xf32>,
      %add3A_1070 = arith.constant 2 : i32
      %add3A_1071 = arith.addi %mul3A_895, %add3A_1070 : i32
      %get3A_1072 = arith.index_cast %add3A_1071 : i32 to index
      %get3A_1073 = arith.constant 48 : index
      %get3A_1074 = tpu.vector_load %arg6[%get3A_1072, %get3A_1073] {strides = array<i32>} : memref<640x64xf32, #tpu.memory_space<vmem>>, vector<1x16xf32>,
      %get3A_1075 = vector.shape_cast %get3A_1074 : vector<1x16xf32> to vector<16xf32>
      %mul3A_1076 = arith.constant 8.000000e+00 : f32
      %mul3A_1077 = vector.broadcast %mul3A_1076 : f32 to vector<16xf32>
      %mul3A_1078 = arith.mulf %get3A_1075, %mul3A_1077 : vector<16xf32>
      %add3A_1079 = arith.constant 2 : i32
      %add3A_1080 = arith.addi %mul3A_895, %add3A_1079 : i32
      %swap3A_1081 = arith.index_cast %add3A_1080 : i32 to index
      %swap3A_1082 = arith.constant 48 : index
      %swap3A_1083 = tpu.vector_load %arg6[%swap3A_1081, %swap3A_1082] {strides = array<i32>} : memref<640x64xf32, #tpu.memory_space<vmem>>, vector<1x16xf32>,
      %swap3A_1084 = vector.shape_cast %swap3A_1083 : vector<1x16xf32> to vector<16xf32>
      %swap3A_1085 = vector.shape_cast %mul3A_1078 : vector<16xf32> to vector<1x16xf32>
      tpu.vector_store %arg6[%swap3A_1081, %swap3A_1082], %swap3A_1085 {strides = array<i32>} : memref<640x64xf32, #tpu.memory_space<vmem>>, vector<1x16xf32>,
      %add3A_1086 = arith.constant 3 : i32
      %add3A_1087 = arith.addi %mul3A_895, %add3A_1086 : i32
      %get3A_1088 = arith.index_cast %add3A_1087 : i32 to index
      %get3A_1089 = arith.constant 0 : index
      %get3A_1090 = tpu.vector_load %arg6[%get3A_1088, %get3A_1089] {strides = array<i32>} : memref<640x64xf32, #tpu.memory_space<vmem>>, vector<1x16xf32>,
      %get3A_1091 = vector.shape_cast %get3A_1090 : vector<1x16xf32> to vector<16xf32>
      %mul3A_1092 = arith.constant 8.000000e+00 : f32
      %mul3A_1093 = vector.broadcast %mul3A_1092 : f32 to vector<16xf32>
      %mul3A_1094 = arith.mulf %get3A_1091, %mul3A_1093 : vector<16xf32>
      %add3A_1095 = arith.constant 3 : i32
      %add3A_1096 = arith.addi %mul3A_895, %add3A_1095 : i32
      %swap3A_1097 = arith.index_cast %add3A_1096 : i32 to index
      %swap3A_1098 = arith.constant 0 : index
      %swap3A_1099 = tpu.vector_load %arg6[%swap3A_1097, %swap3A_1098] {strides = array<i32>} : memref<640x64xf32, #tpu.memory_space<vmem>>, vector<1x16xf32>,
      %swap3A_1100 = vector.shape_cast %swap3A_1099 : vector<1x16xf32> to vector<16xf32>
      %swap3A_1101 = vector.shape_cast %mul3A_1094 : vector<16xf32> to vector<1x16xf32>
      tpu.vector_store %arg6[%swap3A_1097, %swap3A_1098], %swap3A_1101 {strides = array<i32>} : memref<640x64xf32, #tpu.memory_space<vmem>>, vector<1x16xf32>,
      %add3A_1102 = arith.constant 3 : i32
      %add3A_1103 = arith.addi %mul3A_895, %add3A_1102 : i32
      %get3A_1104 = arith.index_cast %add3A_1103 : i32 to index
      %get3A_1105 = arith.constant 16 : index
      %get3A_1106 = tpu.vector_load %arg6[%get3A_1104, %get3A_1105] {strides = array<i32>} : memref<640x64xf32, #tpu.memory_space<vmem>>, vector<1x16xf32>,
      %get3A_1107 = vector.shape_cast %get3A_1106 : vector<1x16xf32> to vector<16xf32>
      %mul3A_1108 = arith.constant 8.000000e+00 : f32
      %mul3A_1109 = vector.broadcast %mul3A_1108 : f32 to vector<16xf32>
      %mul3A_1110 = arith.mulf %get3A_1107, %mul3A_1109 : vector<16xf32>
      %add3A_1111 = arith.constant 3 : i32
      %add3A_1112 = arith.addi %mul3A_895, %add3A_1111 : i32
      %swap3A_1113 = arith.index_cast %add3A_1112 : i32 to index
      %swap3A_1114 = arith.constant 16 : index
      %swap3A_1115 = tpu.vector_load %arg6[%swap3A_1113, %swap3A_1114] {strides = array<i32>} : memref<640x64xf32, #tpu.memory_space<vmem>>, vector<1x16xf32>,
      %swap3A_1116 = vector.shape_cast %swap3A_1115 : vector<1x16xf32> to vector<16xf32>
      %swap3A_1117 = vector.shape_cast %mul3A_1110 : vector<16xf32> to vector<1x16xf32>
      tpu.vector_store %arg6[%swap3A_1113, %swap3A_1114], %swap3A_1117 {strides = array<i32>} : memref<640x64xf32, #tpu.memory_space<vmem>>, vector<1x16xf32>,
      %add3A_1118 = arith.constant 3 : i32
      %add3A_1119 = arith.addi %mul3A_895, %add3A_1118 : i32
      %get3A_1120 = arith.index_cast %add3A_1119 : i32 to index
      %get3A_1121 = arith.constant 32 : index
      %get3A_1122 = tpu.vector_load %arg6[%get3A_1120, %get3A_1121] {strides = array<i32>} : memref<640x64xf32, #tpu.memory_space<vmem>>, vector<1x16xf32>,
      %get3A_1123 = vector.shape_cast %get3A_1122 : vector<1x16xf32> to vector<16xf32>
      %mul3A_1124 = arith.constant 8.000000e+00 : f32
      %mul3A_1125 = vector.broadcast %mul3A_1124 : f32 to vector<16xf32>
      %mul3A_1126 = arith.mulf %get3A_1123, %mul3A_1125 : vector<16xf32>
      %add3A_1127 = arith.constant 3 : i32
      %add3A_1128 = arith.addi %mul3A_895, %add3A_1127 : i32
      %swap3A_1129 = arith.index_cast %add3A_1128 : i32 to index
      %swap3A_1130 = arith.constant 32 : index
      %swap3A_1131 = tpu.vector_load %arg6[%swap3A_1129, %swap3A_1130] {strides = array<i32>} : memref<640x64xf32, #tpu.memory_space<vmem>>, vector<1x16xf32>,
      %swap3A_1132 = vector.shape_cast %swap3A_1131 : vector<1x16xf32> to vector<16xf32>
      %swap3A_1133 = vector.shape_cast %mul3A_1126 : vector<16xf32> to vector<1x16xf32>
      tpu.vector_store %arg6[%swap3A_1129, %swap3A_1130], %swap3A_1133 {strides = array<i32>} : memref<640x64xf32, #tpu.memory_space<vmem>>, vector<1x16xf32>,
      %add3A_1134 = arith.constant 3 : i32
      %add3A_1135 = arith.addi %mul3A_895, %add3A_1134 : i32
      %get3A_1136 = arith.index_cast %add3A_1135 : i32 to index
      %get3A_1137 = arith.constant 48 : index
      %get3A_1138 = tpu.vector_load %arg6[%get3A_1136, %get3A_1137] {strides = array<i32>} : memref<640x64xf32, #tpu.memory_space<vmem>>, vector<1x16xf32>,
      %get3A_1139 = vector.shape_cast %get3A_1138 : vector<1x16xf32> to vector<16xf32>
      %mul3A_1140 = arith.constant 8.000000e+00 : f32
      %mul3A_1141 = vector.broadcast %mul3A_1140 : f32 to vector<16xf32>
      %mul3A_1142 = arith.mulf %get3A_1139, %mul3A_1141 : vector<16xf32>
      %add3A_1143 = arith.constant 3 : i32
      %add3A_1144 = arith.addi %mul3A_895, %add3A_1143 : i32
      %swap3A_1145 = arith.index_cast %add3A_1144 : i32 to index
      %swap3A_1146 = arith.constant 48 : index
      %swap3A_1147 = tpu.vector_load %arg6[%swap3A_1145, %swap3A_1146] {strides = array<i32>} : memref<640x64xf32, #tpu.memory_space<vmem>>, vector<1x16xf32>,
      %swap3A_1148 = vector.shape_cast %swap3A_1147 : vector<1x16xf32> to vector<16xf32>
      %swap3A_1149 = vector.shape_cast %mul3A_1142 : vector<16xf32> to vector<1x16xf32>
      tpu.vector_store %arg6[%swap3A_1145, %swap3A_1146], %swap3A_1149 {strides = array<i32>} : memref<640x64xf32, #tpu.memory_space<vmem>>, vector<1x16xf32>,
      %scan3A_1150 = arith.constant 0 : i32
      scf.yield %scan3A_1150 : i32
    }
    %scan3A_306 = arith.constant 160 : i32
    %add3A_307 = arith.constant 1280 : i32
    %add3A_308 = arith.addi %mul3A_4, %add3A_307 : i32
    "tpu.region"() ({
      %run_scoped3A = tpu.sem_alloc : memref<!tpu.dma_semaphore, #tpu.memory_space<semaphore_mem>>
      %dma_start3A_892 = arith.constant 0 : i32
      %dma_start3A_893 = tpu.memref_slice %arg4[%add3A_308, %dma_start3A_892] : memref<204800x64xf32, #tpu.memory_space<hbm>> -> memref<640x64xf32, #tpu.memory_space<hbm>>
      %dma_start3A_894 = arith.constant 0 : i32
      %dma_start3A_895 = tpu.memref_slice %arg4[%add3A_308, %dma_start3A_894] : memref<204800x64xf32, #tpu.memory_space<hbm>> -> memref<640x64xf32, #tpu.memory_space<hbm>>
      tpu.enqueue_dma source(%arg6 : memref<640x64xf32, #tpu.memory_space<vmem>>) target(%dma_start3A_895 : memref<640x64xf32, #tpu.memory_space<hbm>>) target_semaphore(%run_scoped3A : memref<!tpu.dma_semaphore, #tpu.memory_space<semaphore_mem>>)
      %dma_wait3A_896 = arith.constant 0 : i32
      %dma_wait3A_897 = tpu.memref_slice %arg4[%add3A_308, %dma_wait3A_896] : memref<204800x64xf32, #tpu.memory_space<hbm>> -> memref<640x64xf32, #tpu.memory_space<hbm>>
      %dma_wait3A_898 = arith.constant 0 : i32
      %dma_wait3A_899 = tpu.memref_slice %arg4[%add3A_308, %dma_wait3A_898] : memref<204800x64xf32, #tpu.memory_space<hbm>> -> memref<640x64xf32, #tpu.memory_space<hbm>>
      tpu.wait_dma2 semaphore(%run_scoped3A : memref<!tpu.dma_semaphore, #tpu.memory_space<semaphore_mem>>) src(%arg6 : memref<640x64xf32, #tpu.memory_space<vmem>>) dst(%dma_wait3A_899 : memref<640x64xf32, #tpu.memory_space<hbm>>)
      tpu.yield
    }) : () -> ()
    %dma_start3A_309 = arith.constant 0 : i32
    %dma_start3A_310 = arith.constant 0 : i32
    %dma_start3A_311 = tpu.memref_slice %arg6[%dma_start3A_309, %dma_start3A_310] : memref<640x64xf32, #tpu.memory_space<vmem>> -> memref<128x64xf32, #tpu.memory_space<vmem>>
    %dma_start3A_312 = arith.constant 2560 : i32
    %dma_start3A_313 = tpu.memref_slice %arg5[%dma_start3A_312] : memref<6400xi32, #tpu.memory_space<vmem>> -> memref<128xi32, #tpu.memory_space<vmem>>
    %dma_start3A_314 = arith.constant 0 : i32
    %dma_start3A_315 = arith.constant 0 : i32
    %dma_start3A_316 = tpu.memref_slice %arg2[%dma_start3A_314, %dma_start3A_315] : memref<1000000x64xf32, #tpu.memory_space<hbm>> -> memref<1000000x64xf32, #tpu.memory_space<hbm>>
    tpu.enqueue_indirect_dma source(%dma_start3A_316 : memref<1000000x64xf32, #tpu.memory_space<hbm>>) target(%dma_start3A_311 : memref<128x64xf32, #tpu.memory_space<vmem>>) offsets(%dma_start3A_313 : memref<128xi32, #tpu.memory_space<vmem>>) semaphore(%arg8 : memref<!tpu.dma_semaphore, #tpu.memory_space<semaphore_mem>>)
    %dma_start3A_317 = arith.constant 128 : i32
    %dma_start3A_318 = arith.constant 0 : i32
    %dma_start3A_319 = tpu.memref_slice %arg6[%dma_start3A_317, %dma_start3A_318] : memref<640x64xf32, #tpu.memory_space<vmem>> -> memref<128x64xf32, #tpu.memory_space<vmem>>
    %dma_start3A_320 = arith.constant 2688 : i32
    %dma_start3A_321 = tpu.memref_slice %arg5[%dma_start3A_320] : memref<6400xi32, #tpu.memory_space<vmem>> -> memref<128xi32, #tpu.memory_space<vmem>>
    %dma_start3A_322 = arith.constant 0 : i32
    %dma_start3A_323 = arith.constant 0 : i32
    %dma_start3A_324 = tpu.memref_slice %arg2[%dma_start3A_322, %dma_start3A_323] : memref<1000000x64xf32, #tpu.memory_space<hbm>> -> memref<1000000x64xf32, #tpu.memory_space<hbm>>
    tpu.enqueue_indirect_dma source(%dma_start3A_324 : memref<1000000x64xf32, #tpu.memory_space<hbm>>) target(%dma_start3A_319 : memref<128x64xf32, #tpu.memory_space<vmem>>) offsets(%dma_start3A_321 : memref<128xi32, #tpu.memory_space<vmem>>) semaphore(%arg8 : memref<!tpu.dma_semaphore, #tpu.memory_space<semaphore_mem>>)
    %dma_start3A_325 = arith.constant 256 : i32
    %dma_start3A_326 = arith.constant 0 : i32
    %dma_start3A_327 = tpu.memref_slice %arg6[%dma_start3A_325, %dma_start3A_326] : memref<640x64xf32, #tpu.memory_space<vmem>> -> memref<128x64xf32, #tpu.memory_space<vmem>>
    %dma_start3A_328 = arith.constant 2816 : i32
    %dma_start3A_329 = tpu.memref_slice %arg5[%dma_start3A_328] : memref<6400xi32, #tpu.memory_space<vmem>> -> memref<128xi32, #tpu.memory_space<vmem>>
    %dma_start3A_330 = arith.constant 0 : i32
    %dma_start3A_331 = arith.constant 0 : i32
    %dma_start3A_332 = tpu.memref_slice %arg2[%dma_start3A_330, %dma_start3A_331] : memref<1000000x64xf32, #tpu.memory_space<hbm>> -> memref<1000000x64xf32, #tpu.memory_space<hbm>>
    tpu.enqueue_indirect_dma source(%dma_start3A_332 : memref<1000000x64xf32, #tpu.memory_space<hbm>>) target(%dma_start3A_327 : memref<128x64xf32, #tpu.memory_space<vmem>>) offsets(%dma_start3A_329 : memref<128xi32, #tpu.memory_space<vmem>>) semaphore(%arg8 : memref<!tpu.dma_semaphore, #tpu.memory_space<semaphore_mem>>)
    %dma_start3A_333 = arith.constant 384 : i32
    %dma_start3A_334 = arith.constant 0 : i32
    %dma_start3A_335 = tpu.memref_slice %arg6[%dma_start3A_333, %dma_start3A_334] : memref<640x64xf32, #tpu.memory_space<vmem>> -> memref<128x64xf32, #tpu.memory_space<vmem>>
    %dma_start3A_336 = arith.constant 2944 : i32
    %dma_start3A_337 = tpu.memref_slice %arg5[%dma_start3A_336] : memref<6400xi32, #tpu.memory_space<vmem>> -> memref<128xi32, #tpu.memory_space<vmem>>
    %dma_start3A_338 = arith.constant 0 : i32
    %dma_start3A_339 = arith.constant 0 : i32
    %dma_start3A_340 = tpu.memref_slice %arg2[%dma_start3A_338, %dma_start3A_339] : memref<1000000x64xf32, #tpu.memory_space<hbm>> -> memref<1000000x64xf32, #tpu.memory_space<hbm>>
    tpu.enqueue_indirect_dma source(%dma_start3A_340 : memref<1000000x64xf32, #tpu.memory_space<hbm>>) target(%dma_start3A_335 : memref<128x64xf32, #tpu.memory_space<vmem>>) offsets(%dma_start3A_337 : memref<128xi32, #tpu.memory_space<vmem>>) semaphore(%arg8 : memref<!tpu.dma_semaphore, #tpu.memory_space<semaphore_mem>>)
    %dma_start3A_341 = arith.constant 512 : i32
    %dma_start3A_342 = arith.constant 0 : i32
    %dma_start3A_343 = tpu.memref_slice %arg6[%dma_start3A_341, %dma_start3A_342] : memref<640x64xf32, #tpu.memory_space<vmem>> -> memref<128x64xf32, #tpu.memory_space<vmem>>
    %dma_start3A_344 = arith.constant 3072 : i32
    %dma_start3A_345 = tpu.memref_slice %arg5[%dma_start3A_344] : memref<6400xi32, #tpu.memory_space<vmem>> -> memref<128xi32, #tpu.memory_space<vmem>>
    %dma_start3A_346 = arith.constant 0 : i32
    %dma_start3A_347 = arith.constant 0 : i32
    %dma_start3A_348 = tpu.memref_slice %arg2[%dma_start3A_346, %dma_start3A_347] : memref<1000000x64xf32, #tpu.memory_space<hbm>> -> memref<1000000x64xf32, #tpu.memory_space<hbm>>
    tpu.enqueue_indirect_dma source(%dma_start3A_348 : memref<1000000x64xf32, #tpu.memory_space<hbm>>) target(%dma_start3A_343 : memref<128x64xf32, #tpu.memory_space<vmem>>) offsets(%dma_start3A_345 : memref<128xi32, #tpu.memory_space<vmem>>) semaphore(%arg8 : memref<!tpu.dma_semaphore, #tpu.memory_space<semaphore_mem>>)
    %dma_wait3A_349 = arith.constant 0 : i32
    %dma_wait3A_350 = arith.constant 0 : i32
    %dma_wait3A_351 = tpu.memref_slice %arg7[%dma_wait3A_349, %dma_wait3A_350] : memref<640x64xf32, #tpu.memory_space<vmem>> -> memref<128x64xf32, #tpu.memory_space<vmem>>
    %dma_wait3A_352 = arith.constant 1920 : i32
    %dma_wait3A_353 = tpu.memref_slice %arg5[%dma_wait3A_352] : memref<6400xi32, #tpu.memory_space<vmem>> -> memref<128xi32, #tpu.memory_space<vmem>>
    %dma_wait3A_354 = arith.constant 0 : i32
    %dma_wait3A_355 = arith.constant 0 : i32
    %dma_wait3A_356 = tpu.memref_slice %arg2[%dma_wait3A_354, %dma_wait3A_355] : memref<1000000x64xf32, #tpu.memory_space<hbm>> -> memref<1000000x64xf32, #tpu.memory_space<hbm>>
    tpu.wait_indirect_dma semaphore(%arg9 : memref<!tpu.dma_semaphore, #tpu.memory_space<semaphore_mem>>) src(%dma_wait3A_356 : memref<1000000x64xf32, #tpu.memory_space<hbm>>) dst(%dma_wait3A_351 : memref<128x64xf32, #tpu.memory_space<vmem>>)
    %dma_wait3A_357 = arith.constant 128 : i32
    %dma_wait3A_358 = arith.constant 0 : i32
    %dma_wait3A_359 = tpu.memref_slice %arg7[%dma_wait3A_357, %dma_wait3A_358] : memref<640x64xf32, #tpu.memory_space<vmem>> -> memref<128x64xf32, #tpu.memory_space<vmem>>
    %dma_wait3A_360 = arith.constant 2048 : i32
    %dma_wait3A_361 = tpu.memref_slice %arg5[%dma_wait3A_360] : memref<6400xi32, #tpu.memory_space<vmem>> -> memref<128xi32, #tpu.memory_space<vmem>>
    %dma_wait3A_362 = arith.constant 0 : i32
    %dma_wait3A_363 = arith.constant 0 : i32
    %dma_wait3A_364 = tpu.memref_slice %arg2[%dma_wait3A_362, %dma_wait3A_363] : memref<1000000x64xf32, #tpu.memory_space<hbm>> -> memref<1000000x64xf32, #tpu.memory_space<hbm>>
    tpu.wait_indirect_dma semaphore(%arg9 : memref<!tpu.dma_semaphore, #tpu.memory_space<semaphore_mem>>) src(%dma_wait3A_364 : memref<1000000x64xf32, #tpu.memory_space<hbm>>) dst(%dma_wait3A_359 : memref<128x64xf32, #tpu.memory_space<vmem>>)
    %dma_wait3A_365 = arith.constant 256 : i32
    %dma_wait3A_366 = arith.constant 0 : i32
    %dma_wait3A_367 = tpu.memref_slice %arg7[%dma_wait3A_365, %dma_wait3A_366] : memref<640x64xf32, #tpu.memory_space<vmem>> -> memref<128x64xf32, #tpu.memory_space<vmem>>
    %dma_wait3A_368 = arith.constant 2176 : i32
    %dma_wait3A_369 = tpu.memref_slice %arg5[%dma_wait3A_368] : memref<6400xi32, #tpu.memory_space<vmem>> -> memref<128xi32, #tpu.memory_space<vmem>>
    %dma_wait3A_370 = arith.constant 0 : i32
    %dma_wait3A_371 = arith.constant 0 : i32
    %dma_wait3A_372 = tpu.memref_slice %arg2[%dma_wait3A_370, %dma_wait3A_371] : memref<1000000x64xf32, #tpu.memory_space<hbm>> -> memref<1000000x64xf32, #tpu.memory_space<hbm>>
    tpu.wait_indirect_dma semaphore(%arg9 : memref<!tpu.dma_semaphore, #tpu.memory_space<semaphore_mem>>) src(%dma_wait3A_372 : memref<1000000x64xf32, #tpu.memory_space<hbm>>) dst(%dma_wait3A_367 : memref<128x64xf32, #tpu.memory_space<vmem>>)
    %dma_wait3A_373 = arith.constant 384 : i32
    %dma_wait3A_374 = arith.constant 0 : i32
    %dma_wait3A_375 = tpu.memref_slice %arg7[%dma_wait3A_373, %dma_wait3A_374] : memref<640x64xf32, #tpu.memory_space<vmem>> -> memref<128x64xf32, #tpu.memory_space<vmem>>
    %dma_wait3A_376 = arith.constant 2304 : i32
    %dma_wait3A_377 = tpu.memref_slice %arg5[%dma_wait3A_376] : memref<6400xi32, #tpu.memory_space<vmem>> -> memref<128xi32, #tpu.memory_space<vmem>>
    %dma_wait3A_378 = arith.constant 0 : i32
    %dma_wait3A_379 = arith.constant 0 : i32
    %dma_wait3A_380 = tpu.memref_slice %arg2[%dma_wait3A_378, %dma_wait3A_379] : memref<1000000x64xf32, #tpu.memory_space<hbm>> -> memref<1000000x64xf32, #tpu.memory_space<hbm>>
    tpu.wait_indirect_dma semaphore(%arg9 : memref<!tpu.dma_semaphore, #tpu.memory_space<semaphore_mem>>) src(%dma_wait3A_380 : memref<1000000x64xf32, #tpu.memory_space<hbm>>) dst(%dma_wait3A_375 : memref<128x64xf32, #tpu.memory_space<vmem>>)
    %dma_wait3A_381 = arith.constant 512 : i32
    %dma_wait3A_382 = arith.constant 0 : i32
    %dma_wait3A_383 = tpu.memref_slice %arg7[%dma_wait3A_381, %dma_wait3A_382] : memref<640x64xf32, #tpu.memory_space<vmem>> -> memref<128x64xf32, #tpu.memory_space<vmem>>
    %dma_wait3A_384 = arith.constant 2432 : i32
    %dma_wait3A_385 = tpu.memref_slice %arg5[%dma_wait3A_384] : memref<6400xi32, #tpu.memory_space<vmem>> -> memref<128xi32, #tpu.memory_space<vmem>>
    %dma_wait3A_386 = arith.constant 0 : i32
    %dma_wait3A_387 = arith.constant 0 : i32
    %dma_wait3A_388 = tpu.memref_slice %arg2[%dma_wait3A_386, %dma_wait3A_387] : memref<1000000x64xf32, #tpu.memory_space<hbm>> -> memref<1000000x64xf32, #tpu.memory_space<hbm>>
    tpu.wait_indirect_dma semaphore(%arg9 : memref<!tpu.dma_semaphore, #tpu.memory_space<semaphore_mem>>) src(%dma_wait3A_388 : memref<1000000x64xf32, #tpu.memory_space<hbm>>) dst(%dma_wait3A_383 : memref<128x64xf32, #tpu.memory_space<vmem>>)
    %scan3A_389 = arith.constant 0 : i32
    %scan3A_390 = arith.constant 0 : i32
    %scan3A_391 = arith.constant 160 : i32
    %scan3A_392 = arith.addi %scan3A_390, %scan3A_391 : i32
    %scan3A_393 = arith.constant 1 : i32
    %scan3A_394 = scf.for %scan3A_892 = %scan3A_390 to %scan3A_392 step %scan3A_393 iter_args(%scan3A_893 = %scan3A_389) -> (i32)  : i32 {
      %mul3A_894 = arith.constant 4 : i32
      %mul3A_895 = arith.muli %scan3A_892, %mul3A_894 : i32
      %add3A_896 = arith.constant 0 : i32
      %add3A_897 = arith.addi %mul3A_895, %add3A_896 : i32
      %get3A = arith.index_cast %add3A_897 : i32 to index
      %get3A_898 = arith.constant 0 : index
      %get3A_899 = tpu.vector_load %arg7[%get3A, %get3A_898] {strides = array<i32>} : memref<640x64xf32, #tpu.memory_space<vmem>>, vector<1x16xf32>,
      %get3A_900 = vector.shape_cast %get3A_899 : vector<1x16xf32> to vector<16xf32>
      %mul3A_901 = arith.constant 8.000000e+00 : f32
      %mul3A_902 = vector.broadcast %mul3A_901 : f32 to vector<16xf32>
      %mul3A_903 = arith.mulf %get3A_900, %mul3A_902 : vector<16xf32>
      %add3A_904 = arith.constant 0 : i32
      %add3A_905 = arith.addi %mul3A_895, %add3A_904 : i32
      %swap3A = arith.index_cast %add3A_905 : i32 to index
      %swap3A_906 = arith.constant 0 : index
      %swap3A_907 = tpu.vector_load %arg7[%swap3A, %swap3A_906] {strides = array<i32>} : memref<640x64xf32, #tpu.memory_space<vmem>>, vector<1x16xf32>,
      %swap3A_908 = vector.shape_cast %swap3A_907 : vector<1x16xf32> to vector<16xf32>
      %swap3A_909 = vector.shape_cast %mul3A_903 : vector<16xf32> to vector<1x16xf32>
      tpu.vector_store %arg7[%swap3A, %swap3A_906], %swap3A_909 {strides = array<i32>} : memref<640x64xf32, #tpu.memory_space<vmem>>, vector<1x16xf32>,
      %add3A_910 = arith.constant 0 : i32
      %add3A_911 = arith.addi %mul3A_895, %add3A_910 : i32
      %get3A_912 = arith.index_cast %add3A_911 : i32 to index
      %get3A_913 = arith.constant 16 : index
      %get3A_914 = tpu.vector_load %arg7[%get3A_912, %get3A_913] {strides = array<i32>} : memref<640x64xf32, #tpu.memory_space<vmem>>, vector<1x16xf32>,
      %get3A_915 = vector.shape_cast %get3A_914 : vector<1x16xf32> to vector<16xf32>
      %mul3A_916 = arith.constant 8.000000e+00 : f32
      %mul3A_917 = vector.broadcast %mul3A_916 : f32 to vector<16xf32>
      %mul3A_918 = arith.mulf %get3A_915, %mul3A_917 : vector<16xf32>
      %add3A_919 = arith.constant 0 : i32
      %add3A_920 = arith.addi %mul3A_895, %add3A_919 : i32
      %swap3A_921 = arith.index_cast %add3A_920 : i32 to index
      %swap3A_922 = arith.constant 16 : index
      %swap3A_923 = tpu.vector_load %arg7[%swap3A_921, %swap3A_922] {strides = array<i32>} : memref<640x64xf32, #tpu.memory_space<vmem>>, vector<1x16xf32>,
      %swap3A_924 = vector.shape_cast %swap3A_923 : vector<1x16xf32> to vector<16xf32>
      %swap3A_925 = vector.shape_cast %mul3A_918 : vector<16xf32> to vector<1x16xf32>
      tpu.vector_store %arg7[%swap3A_921, %swap3A_922], %swap3A_925 {strides = array<i32>} : memref<640x64xf32, #tpu.memory_space<vmem>>, vector<1x16xf32>,
      %add3A_926 = arith.constant 0 : i32
      %add3A_927 = arith.addi %mul3A_895, %add3A_926 : i32
      %get3A_928 = arith.index_cast %add3A_927 : i32 to index
      %get3A_929 = arith.constant 32 : index
      %get3A_930 = tpu.vector_load %arg7[%get3A_928, %get3A_929] {strides = array<i32>} : memref<640x64xf32, #tpu.memory_space<vmem>>, vector<1x16xf32>,
      %get3A_931 = vector.shape_cast %get3A_930 : vector<1x16xf32> to vector<16xf32>
      %mul3A_932 = arith.constant 8.000000e+00 : f32
      %mul3A_933 = vector.broadcast %mul3A_932 : f32 to vector<16xf32>
      %mul3A_934 = arith.mulf %get3A_931, %mul3A_933 : vector<16xf32>
      %add3A_935 = arith.constant 0 : i32
      %add3A_936 = arith.addi %mul3A_895, %add3A_935 : i32
      %swap3A_937 = arith.index_cast %add3A_936 : i32 to index
      %swap3A_938 = arith.constant 32 : index
      %swap3A_939 = tpu.vector_load %arg7[%swap3A_937, %swap3A_938] {strides = array<i32>} : memref<640x64xf32, #tpu.memory_space<vmem>>, vector<1x16xf32>,
      %swap3A_940 = vector.shape_cast %swap3A_939 : vector<1x16xf32> to vector<16xf32>
      %swap3A_941 = vector.shape_cast %mul3A_934 : vector<16xf32> to vector<1x16xf32>
      tpu.vector_store %arg7[%swap3A_937, %swap3A_938], %swap3A_941 {strides = array<i32>} : memref<640x64xf32, #tpu.memory_space<vmem>>, vector<1x16xf32>,
      %add3A_942 = arith.constant 0 : i32
      %add3A_943 = arith.addi %mul3A_895, %add3A_942 : i32
      %get3A_944 = arith.index_cast %add3A_943 : i32 to index
      %get3A_945 = arith.constant 48 : index
      %get3A_946 = tpu.vector_load %arg7[%get3A_944, %get3A_945] {strides = array<i32>} : memref<640x64xf32, #tpu.memory_space<vmem>>, vector<1x16xf32>,
      %get3A_947 = vector.shape_cast %get3A_946 : vector<1x16xf32> to vector<16xf32>
      %mul3A_948 = arith.constant 8.000000e+00 : f32
      %mul3A_949 = vector.broadcast %mul3A_948 : f32 to vector<16xf32>
      %mul3A_950 = arith.mulf %get3A_947, %mul3A_949 : vector<16xf32>
      %add3A_951 = arith.constant 0 : i32
      %add3A_952 = arith.addi %mul3A_895, %add3A_951 : i32
      %swap3A_953 = arith.index_cast %add3A_952 : i32 to index
      %swap3A_954 = arith.constant 48 : index
      %swap3A_955 = tpu.vector_load %arg7[%swap3A_953, %swap3A_954] {strides = array<i32>} : memref<640x64xf32, #tpu.memory_space<vmem>>, vector<1x16xf32>,
      %swap3A_956 = vector.shape_cast %swap3A_955 : vector<1x16xf32> to vector<16xf32>
      %swap3A_957 = vector.shape_cast %mul3A_950 : vector<16xf32> to vector<1x16xf32>
      tpu.vector_store %arg7[%swap3A_953, %swap3A_954], %swap3A_957 {strides = array<i32>} : memref<640x64xf32, #tpu.memory_space<vmem>>, vector<1x16xf32>,
      %add3A_958 = arith.constant 1 : i32
      %add3A_959 = arith.addi %mul3A_895, %add3A_958 : i32
      %get3A_960 = arith.index_cast %add3A_959 : i32 to index
      %get3A_961 = arith.constant 0 : index
      %get3A_962 = tpu.vector_load %arg7[%get3A_960, %get3A_961] {strides = array<i32>} : memref<640x64xf32, #tpu.memory_space<vmem>>, vector<1x16xf32>,
      %get3A_963 = vector.shape_cast %get3A_962 : vector<1x16xf32> to vector<16xf32>
      %mul3A_964 = arith.constant 8.000000e+00 : f32
      %mul3A_965 = vector.broadcast %mul3A_964 : f32 to vector<16xf32>
      %mul3A_966 = arith.mulf %get3A_963, %mul3A_965 : vector<16xf32>
      %add3A_967 = arith.constant 1 : i32
      %add3A_968 = arith.addi %mul3A_895, %add3A_967 : i32
      %swap3A_969 = arith.index_cast %add3A_968 : i32 to index
      %swap3A_970 = arith.constant 0 : index
      %swap3A_971 = tpu.vector_load %arg7[%swap3A_969, %swap3A_970] {strides = array<i32>} : memref<640x64xf32, #tpu.memory_space<vmem>>, vector<1x16xf32>,
      %swap3A_972 = vector.shape_cast %swap3A_971 : vector<1x16xf32> to vector<16xf32>
      %swap3A_973 = vector.shape_cast %mul3A_966 : vector<16xf32> to vector<1x16xf32>
      tpu.vector_store %arg7[%swap3A_969, %swap3A_970], %swap3A_973 {strides = array<i32>} : memref<640x64xf32, #tpu.memory_space<vmem>>, vector<1x16xf32>,
      %add3A_974 = arith.constant 1 : i32
      %add3A_975 = arith.addi %mul3A_895, %add3A_974 : i32
      %get3A_976 = arith.index_cast %add3A_975 : i32 to index
      %get3A_977 = arith.constant 16 : index
      %get3A_978 = tpu.vector_load %arg7[%get3A_976, %get3A_977] {strides = array<i32>} : memref<640x64xf32, #tpu.memory_space<vmem>>, vector<1x16xf32>,
      %get3A_979 = vector.shape_cast %get3A_978 : vector<1x16xf32> to vector<16xf32>
      %mul3A_980 = arith.constant 8.000000e+00 : f32
      %mul3A_981 = vector.broadcast %mul3A_980 : f32 to vector<16xf32>
      %mul3A_982 = arith.mulf %get3A_979, %mul3A_981 : vector<16xf32>
      %add3A_983 = arith.constant 1 : i32
      %add3A_984 = arith.addi %mul3A_895, %add3A_983 : i32
      %swap3A_985 = arith.index_cast %add3A_984 : i32 to index
      %swap3A_986 = arith.constant 16 : index
      %swap3A_987 = tpu.vector_load %arg7[%swap3A_985, %swap3A_986] {strides = array<i32>} : memref<640x64xf32, #tpu.memory_space<vmem>>, vector<1x16xf32>,
      %swap3A_988 = vector.shape_cast %swap3A_987 : vector<1x16xf32> to vector<16xf32>
      %swap3A_989 = vector.shape_cast %mul3A_982 : vector<16xf32> to vector<1x16xf32>
      tpu.vector_store %arg7[%swap3A_985, %swap3A_986], %swap3A_989 {strides = array<i32>} : memref<640x64xf32, #tpu.memory_space<vmem>>, vector<1x16xf32>,
      %add3A_990 = arith.constant 1 : i32
      %add3A_991 = arith.addi %mul3A_895, %add3A_990 : i32
      %get3A_992 = arith.index_cast %add3A_991 : i32 to index
      %get3A_993 = arith.constant 32 : index
      %get3A_994 = tpu.vector_load %arg7[%get3A_992, %get3A_993] {strides = array<i32>} : memref<640x64xf32, #tpu.memory_space<vmem>>, vector<1x16xf32>,
      %get3A_995 = vector.shape_cast %get3A_994 : vector<1x16xf32> to vector<16xf32>
      %mul3A_996 = arith.constant 8.000000e+00 : f32
      %mul3A_997 = vector.broadcast %mul3A_996 : f32 to vector<16xf32>
      %mul3A_998 = arith.mulf %get3A_995, %mul3A_997 : vector<16xf32>
      %add3A_999 = arith.constant 1 : i32
      %add3A_1000 = arith.addi %mul3A_895, %add3A_999 : i32
      %swap3A_1001 = arith.index_cast %add3A_1000 : i32 to index
      %swap3A_1002 = arith.constant 32 : index
      %swap3A_1003 = tpu.vector_load %arg7[%swap3A_1001, %swap3A_1002] {strides = array<i32>} : memref<640x64xf32, #tpu.memory_space<vmem>>, vector<1x16xf32>,
      %swap3A_1004 = vector.shape_cast %swap3A_1003 : vector<1x16xf32> to vector<16xf32>
      %swap3A_1005 = vector.shape_cast %mul3A_998 : vector<16xf32> to vector<1x16xf32>
      tpu.vector_store %arg7[%swap3A_1001, %swap3A_1002], %swap3A_1005 {strides = array<i32>} : memref<640x64xf32, #tpu.memory_space<vmem>>, vector<1x16xf32>,
      %add3A_1006 = arith.constant 1 : i32
      %add3A_1007 = arith.addi %mul3A_895, %add3A_1006 : i32
      %get3A_1008 = arith.index_cast %add3A_1007 : i32 to index
      %get3A_1009 = arith.constant 48 : index
      %get3A_1010 = tpu.vector_load %arg7[%get3A_1008, %get3A_1009] {strides = array<i32>} : memref<640x64xf32, #tpu.memory_space<vmem>>, vector<1x16xf32>,
      %get3A_1011 = vector.shape_cast %get3A_1010 : vector<1x16xf32> to vector<16xf32>
      %mul3A_1012 = arith.constant 8.000000e+00 : f32
      %mul3A_1013 = vector.broadcast %mul3A_1012 : f32 to vector<16xf32>
      %mul3A_1014 = arith.mulf %get3A_1011, %mul3A_1013 : vector<16xf32>
      %add3A_1015 = arith.constant 1 : i32
      %add3A_1016 = arith.addi %mul3A_895, %add3A_1015 : i32
      %swap3A_1017 = arith.index_cast %add3A_1016 : i32 to index
      %swap3A_1018 = arith.constant 48 : index
      %swap3A_1019 = tpu.vector_load %arg7[%swap3A_1017, %swap3A_1018] {strides = array<i32>} : memref<640x64xf32, #tpu.memory_space<vmem>>, vector<1x16xf32>,
      %swap3A_1020 = vector.shape_cast %swap3A_1019 : vector<1x16xf32> to vector<16xf32>
      %swap3A_1021 = vector.shape_cast %mul3A_1014 : vector<16xf32> to vector<1x16xf32>
      tpu.vector_store %arg7[%swap3A_1017, %swap3A_1018], %swap3A_1021 {strides = array<i32>} : memref<640x64xf32, #tpu.memory_space<vmem>>, vector<1x16xf32>,
      %add3A_1022 = arith.constant 2 : i32
      %add3A_1023 = arith.addi %mul3A_895, %add3A_1022 : i32
      %get3A_1024 = arith.index_cast %add3A_1023 : i32 to index
      %get3A_1025 = arith.constant 0 : index
      %get3A_1026 = tpu.vector_load %arg7[%get3A_1024, %get3A_1025] {strides = array<i32>} : memref<640x64xf32, #tpu.memory_space<vmem>>, vector<1x16xf32>,
      %get3A_1027 = vector.shape_cast %get3A_1026 : vector<1x16xf32> to vector<16xf32>
      %mul3A_1028 = arith.constant 8.000000e+00 : f32
      %mul3A_1029 = vector.broadcast %mul3A_1028 : f32 to vector<16xf32>
      %mul3A_1030 = arith.mulf %get3A_1027, %mul3A_1029 : vector<16xf32>
      %add3A_1031 = arith.constant 2 : i32
      %add3A_1032 = arith.addi %mul3A_895, %add3A_1031 : i32
      %swap3A_1033 = arith.index_cast %add3A_1032 : i32 to index
      %swap3A_1034 = arith.constant 0 : index
      %swap3A_1035 = tpu.vector_load %arg7[%swap3A_1033, %swap3A_1034] {strides = array<i32>} : memref<640x64xf32, #tpu.memory_space<vmem>>, vector<1x16xf32>,
      %swap3A_1036 = vector.shape_cast %swap3A_1035 : vector<1x16xf32> to vector<16xf32>
      %swap3A_1037 = vector.shape_cast %mul3A_1030 : vector<16xf32> to vector<1x16xf32>
      tpu.vector_store %arg7[%swap3A_1033, %swap3A_1034], %swap3A_1037 {strides = array<i32>} : memref<640x64xf32, #tpu.memory_space<vmem>>, vector<1x16xf32>,
      %add3A_1038 = arith.constant 2 : i32
      %add3A_1039 = arith.addi %mul3A_895, %add3A_1038 : i32
      %get3A_1040 = arith.index_cast %add3A_1039 : i32 to index
      %get3A_1041 = arith.constant 16 : index
      %get3A_1042 = tpu.vector_load %arg7[%get3A_1040, %get3A_1041] {strides = array<i32>} : memref<640x64xf32, #tpu.memory_space<vmem>>, vector<1x16xf32>,
      %get3A_1043 = vector.shape_cast %get3A_1042 : vector<1x16xf32> to vector<16xf32>
      %mul3A_1044 = arith.constant 8.000000e+00 : f32
      %mul3A_1045 = vector.broadcast %mul3A_1044 : f32 to vector<16xf32>
      %mul3A_1046 = arith.mulf %get3A_1043, %mul3A_1045 : vector<16xf32>
      %add3A_1047 = arith.constant 2 : i32
      %add3A_1048 = arith.addi %mul3A_895, %add3A_1047 : i32
      %swap3A_1049 = arith.index_cast %add3A_1048 : i32 to index
      %swap3A_1050 = arith.constant 16 : index
      %swap3A_1051 = tpu.vector_load %arg7[%swap3A_1049, %swap3A_1050] {strides = array<i32>} : memref<640x64xf32, #tpu.memory_space<vmem>>, vector<1x16xf32>,
      %swap3A_1052 = vector.shape_cast %swap3A_1051 : vector<1x16xf32> to vector<16xf32>
      %swap3A_1053 = vector.shape_cast %mul3A_1046 : vector<16xf32> to vector<1x16xf32>
      tpu.vector_store %arg7[%swap3A_1049, %swap3A_1050], %swap3A_1053 {strides = array<i32>} : memref<640x64xf32, #tpu.memory_space<vmem>>, vector<1x16xf32>,
      %add3A_1054 = arith.constant 2 : i32
      %add3A_1055 = arith.addi %mul3A_895, %add3A_1054 : i32
      %get3A_1056 = arith.index_cast %add3A_1055 : i32 to index
      %get3A_1057 = arith.constant 32 : index
      %get3A_1058 = tpu.vector_load %arg7[%get3A_1056, %get3A_1057] {strides = array<i32>} : memref<640x64xf32, #tpu.memory_space<vmem>>, vector<1x16xf32>,
      %get3A_1059 = vector.shape_cast %get3A_1058 : vector<1x16xf32> to vector<16xf32>
      %mul3A_1060 = arith.constant 8.000000e+00 : f32
      %mul3A_1061 = vector.broadcast %mul3A_1060 : f32 to vector<16xf32>
      %mul3A_1062 = arith.mulf %get3A_1059, %mul3A_1061 : vector<16xf32>
      %add3A_1063 = arith.constant 2 : i32
      %add3A_1064 = arith.addi %mul3A_895, %add3A_1063 : i32
      %swap3A_1065 = arith.index_cast %add3A_1064 : i32 to index
      %swap3A_1066 = arith.constant 32 : index
      %swap3A_1067 = tpu.vector_load %arg7[%swap3A_1065, %swap3A_1066] {strides = array<i32>} : memref<640x64xf32, #tpu.memory_space<vmem>>, vector<1x16xf32>,
      %swap3A_1068 = vector.shape_cast %swap3A_1067 : vector<1x16xf32> to vector<16xf32>
      %swap3A_1069 = vector.shape_cast %mul3A_1062 : vector<16xf32> to vector<1x16xf32>
      tpu.vector_store %arg7[%swap3A_1065, %swap3A_1066], %swap3A_1069 {strides = array<i32>} : memref<640x64xf32, #tpu.memory_space<vmem>>, vector<1x16xf32>,
      %add3A_1070 = arith.constant 2 : i32
      %add3A_1071 = arith.addi %mul3A_895, %add3A_1070 : i32
      %get3A_1072 = arith.index_cast %add3A_1071 : i32 to index
      %get3A_1073 = arith.constant 48 : index
      %get3A_1074 = tpu.vector_load %arg7[%get3A_1072, %get3A_1073] {strides = array<i32>} : memref<640x64xf32, #tpu.memory_space<vmem>>, vector<1x16xf32>,
      %get3A_1075 = vector.shape_cast %get3A_1074 : vector<1x16xf32> to vector<16xf32>
      %mul3A_1076 = arith.constant 8.000000e+00 : f32
      %mul3A_1077 = vector.broadcast %mul3A_1076 : f32 to vector<16xf32>
      %mul3A_1078 = arith.mulf %get3A_1075, %mul3A_1077 : vector<16xf32>
      %add3A_1079 = arith.constant 2 : i32
      %add3A_1080 = arith.addi %mul3A_895, %add3A_1079 : i32
      %swap3A_1081 = arith.index_cast %add3A_1080 : i32 to index
      %swap3A_1082 = arith.constant 48 : index
      %swap3A_1083 = tpu.vector_load %arg7[%swap3A_1081, %swap3A_1082] {strides = array<i32>} : memref<640x64xf32, #tpu.memory_space<vmem>>, vector<1x16xf32>,
      %swap3A_1084 = vector.shape_cast %swap3A_1083 : vector<1x16xf32> to vector<16xf32>
      %swap3A_1085 = vector.shape_cast %mul3A_1078 : vector<16xf32> to vector<1x16xf32>
      tpu.vector_store %arg7[%swap3A_1081, %swap3A_1082], %swap3A_1085 {strides = array<i32>} : memref<640x64xf32, #tpu.memory_space<vmem>>, vector<1x16xf32>,
      %add3A_1086 = arith.constant 3 : i32
      %add3A_1087 = arith.addi %mul3A_895, %add3A_1086 : i32
      %get3A_1088 = arith.index_cast %add3A_1087 : i32 to index
      %get3A_1089 = arith.constant 0 : index
      %get3A_1090 = tpu.vector_load %arg7[%get3A_1088, %get3A_1089] {strides = array<i32>} : memref<640x64xf32, #tpu.memory_space<vmem>>, vector<1x16xf32>,
      %get3A_1091 = vector.shape_cast %get3A_1090 : vector<1x16xf32> to vector<16xf32>
      %mul3A_1092 = arith.constant 8.000000e+00 : f32
      %mul3A_1093 = vector.broadcast %mul3A_1092 : f32 to vector<16xf32>
      %mul3A_1094 = arith.mulf %get3A_1091, %mul3A_1093 : vector<16xf32>
      %add3A_1095 = arith.constant 3 : i32
      %add3A_1096 = arith.addi %mul3A_895, %add3A_1095 : i32
      %swap3A_1097 = arith.index_cast %add3A_1096 : i32 to index
      %swap3A_1098 = arith.constant 0 : index
      %swap3A_1099 = tpu.vector_load %arg7[%swap3A_1097, %swap3A_1098] {strides = array<i32>} : memref<640x64xf32, #tpu.memory_space<vmem>>, vector<1x16xf32>,
      %swap3A_1100 = vector.shape_cast %swap3A_1099 : vector<1x16xf32> to vector<16xf32>
      %swap3A_1101 = vector.shape_cast %mul3A_1094 : vector<16xf32> to vector<1x16xf32>
      tpu.vector_store %arg7[%swap3A_1097, %swap3A_1098], %swap3A_1101 {strides = array<i32>} : memref<640x64xf32, #tpu.memory_space<vmem>>, vector<1x16xf32>,
      %add3A_1102 = arith.constant 3 : i32
      %add3A_1103 = arith.addi %mul3A_895, %add3A_1102 : i32
      %get3A_1104 = arith.index_cast %add3A_1103 : i32 to index
      %get3A_1105 = arith.constant 16 : index
      %get3A_1106 = tpu.vector_load %arg7[%get3A_1104, %get3A_1105] {strides = array<i32>} : memref<640x64xf32, #tpu.memory_space<vmem>>, vector<1x16xf32>,
      %get3A_1107 = vector.shape_cast %get3A_1106 : vector<1x16xf32> to vector<16xf32>
      %mul3A_1108 = arith.constant 8.000000e+00 : f32
      %mul3A_1109 = vector.broadcast %mul3A_1108 : f32 to vector<16xf32>
      %mul3A_1110 = arith.mulf %get3A_1107, %mul3A_1109 : vector<16xf32>
      %add3A_1111 = arith.constant 3 : i32
      %add3A_1112 = arith.addi %mul3A_895, %add3A_1111 : i32
      %swap3A_1113 = arith.index_cast %add3A_1112 : i32 to index
      %swap3A_1114 = arith.constant 16 : index
      %swap3A_1115 = tpu.vector_load %arg7[%swap3A_1113, %swap3A_1114] {strides = array<i32>} : memref<640x64xf32, #tpu.memory_space<vmem>>, vector<1x16xf32>,
      %swap3A_1116 = vector.shape_cast %swap3A_1115 : vector<1x16xf32> to vector<16xf32>
      %swap3A_1117 = vector.shape_cast %mul3A_1110 : vector<16xf32> to vector<1x16xf32>
      tpu.vector_store %arg7[%swap3A_1113, %swap3A_1114], %swap3A_1117 {strides = array<i32>} : memref<640x64xf32, #tpu.memory_space<vmem>>, vector<1x16xf32>,
      %add3A_1118 = arith.constant 3 : i32
      %add3A_1119 = arith.addi %mul3A_895, %add3A_1118 : i32
      %get3A_1120 = arith.index_cast %add3A_1119 : i32 to index
      %get3A_1121 = arith.constant 32 : index
      %get3A_1122 = tpu.vector_load %arg7[%get3A_1120, %get3A_1121] {strides = array<i32>} : memref<640x64xf32, #tpu.memory_space<vmem>>, vector<1x16xf32>,
      %get3A_1123 = vector.shape_cast %get3A_1122 : vector<1x16xf32> to vector<16xf32>
      %mul3A_1124 = arith.constant 8.000000e+00 : f32
      %mul3A_1125 = vector.broadcast %mul3A_1124 : f32 to vector<16xf32>
      %mul3A_1126 = arith.mulf %get3A_1123, %mul3A_1125 : vector<16xf32>
      %add3A_1127 = arith.constant 3 : i32
      %add3A_1128 = arith.addi %mul3A_895, %add3A_1127 : i32
      %swap3A_1129 = arith.index_cast %add3A_1128 : i32 to index
      %swap3A_1130 = arith.constant 32 : index
      %swap3A_1131 = tpu.vector_load %arg7[%swap3A_1129, %swap3A_1130] {strides = array<i32>} : memref<640x64xf32, #tpu.memory_space<vmem>>, vector<1x16xf32>,
      %swap3A_1132 = vector.shape_cast %swap3A_1131 : vector<1x16xf32> to vector<16xf32>
      %swap3A_1133 = vector.shape_cast %mul3A_1126 : vector<16xf32> to vector<1x16xf32>
      tpu.vector_store %arg7[%swap3A_1129, %swap3A_1130], %swap3A_1133 {strides = array<i32>} : memref<640x64xf32, #tpu.memory_space<vmem>>, vector<1x16xf32>,
      %add3A_1134 = arith.constant 3 : i32
      %add3A_1135 = arith.addi %mul3A_895, %add3A_1134 : i32
      %get3A_1136 = arith.index_cast %add3A_1135 : i32 to index
      %get3A_1137 = arith.constant 48 : index
      %get3A_1138 = tpu.vector_load %arg7[%get3A_1136, %get3A_1137] {strides = array<i32>} : memref<640x64xf32, #tpu.memory_space<vmem>>, vector<1x16xf32>,
      %get3A_1139 = vector.shape_cast %get3A_1138 : vector<1x16xf32> to vector<16xf32>
      %mul3A_1140 = arith.constant 8.000000e+00 : f32
      %mul3A_1141 = vector.broadcast %mul3A_1140 : f32 to vector<16xf32>
      %mul3A_1142 = arith.mulf %get3A_1139, %mul3A_1141 : vector<16xf32>
      %add3A_1143 = arith.constant 3 : i32
      %add3A_1144 = arith.addi %mul3A_895, %add3A_1143 : i32
      %swap3A_1145 = arith.index_cast %add3A_1144 : i32 to index
      %swap3A_1146 = arith.constant 48 : index
      %swap3A_1147 = tpu.vector_load %arg7[%swap3A_1145, %swap3A_1146] {strides = array<i32>} : memref<640x64xf32, #tpu.memory_space<vmem>>, vector<1x16xf32>,
      %swap3A_1148 = vector.shape_cast %swap3A_1147 : vector<1x16xf32> to vector<16xf32>
      %swap3A_1149 = vector.shape_cast %mul3A_1142 : vector<16xf32> to vector<1x16xf32>
      tpu.vector_store %arg7[%swap3A_1145, %swap3A_1146], %swap3A_1149 {strides = array<i32>} : memref<640x64xf32, #tpu.memory_space<vmem>>, vector<1x16xf32>,
      %scan3A_1150 = arith.constant 0 : i32
      scf.yield %scan3A_1150 : i32
    }
    %scan3A_395 = arith.constant 160 : i32
    %add3A_396 = arith.constant 1920 : i32
    %add3A_397 = arith.addi %mul3A_4, %add3A_396 : i32
    "tpu.region"() ({
      %run_scoped3A = tpu.sem_alloc : memref<!tpu.dma_semaphore, #tpu.memory_space<semaphore_mem>>
      %dma_start3A_892 = arith.constant 0 : i32
      %dma_start3A_893 = tpu.memref_slice %arg4[%add3A_397, %dma_start3A_892] : memref<204800x64xf32, #tpu.memory_space<hbm>> -> memref<640x64xf32, #tpu.memory_space<hbm>>
      %dma_start3A_894 = arith.constant 0 : i32
      %dma_start3A_895 = tpu.memref_slice %arg4[%add3A_397, %dma_start3A_894] : memref<204800x64xf32, #tpu.memory_space<hbm>> -> memref<640x64xf32, #tpu.memory_space<hbm>>
      tpu.enqueue_dma source(%arg7 : memref<640x64xf32, #tpu.memory_space<vmem>>) target(%dma_start3A_895 : memref<640x64xf32, #tpu.memory_space<hbm>>) target_semaphore(%run_scoped3A : memref<!tpu.dma_semaphore, #tpu.memory_space<semaphore_mem>>)
      %dma_wait3A_896 = arith.constant 0 : i32
      %dma_wait3A_897 = tpu.memref_slice %arg4[%add3A_397, %dma_wait3A_896] : memref<204800x64xf32, #tpu.memory_space<hbm>> -> memref<640x64xf32, #tpu.memory_space<hbm>>
      %dma_wait3A_898 = arith.constant 0 : i32
      %dma_wait3A_899 = tpu.memref_slice %arg4[%add3A_397, %dma_wait3A_898] : memref<204800x64xf32, #tpu.memory_space<hbm>> -> memref<640x64xf32, #tpu.memory_space<hbm>>
      tpu.wait_dma2 semaphore(%run_scoped3A : memref<!tpu.dma_semaphore, #tpu.memory_space<semaphore_mem>>) src(%arg7 : memref<640x64xf32, #tpu.memory_space<vmem>>) dst(%dma_wait3A_899 : memref<640x64xf32, #tpu.memory_space<hbm>>)
      tpu.yield
    }) : () -> ()
    %dma_start3A_398 = arith.constant 0 : i32
    %dma_start3A_399 = arith.constant 0 : i32
    %dma_start3A_400 = tpu.memref_slice %arg7[%dma_start3A_398, %dma_start3A_399] : memref<640x64xf32, #tpu.memory_space<vmem>> -> memref<128x64xf32, #tpu.memory_space<vmem>>
    %dma_start3A_401 = arith.constant 3200 : i32
    %dma_start3A_402 = tpu.memref_slice %arg5[%dma_start3A_401] : memref<6400xi32, #tpu.memory_space<vmem>> -> memref<128xi32, #tpu.memory_space<vmem>>
    %dma_start3A_403 = arith.constant 0 : i32
    %dma_start3A_404 = arith.constant 0 : i32
    %dma_start3A_405 = tpu.memref_slice %arg2[%dma_start3A_403, %dma_start3A_404] : memref<1000000x64xf32, #tpu.memory_space<hbm>> -> memref<1000000x64xf32, #tpu.memory_space<hbm>>
    tpu.enqueue_indirect_dma source(%dma_start3A_405 : memref<1000000x64xf32, #tpu.memory_space<hbm>>) target(%dma_start3A_400 : memref<128x64xf32, #tpu.memory_space<vmem>>) offsets(%dma_start3A_402 : memref<128xi32, #tpu.memory_space<vmem>>) semaphore(%arg9 : memref<!tpu.dma_semaphore, #tpu.memory_space<semaphore_mem>>)
    %dma_start3A_406 = arith.constant 128 : i32
    %dma_start3A_407 = arith.constant 0 : i32
    %dma_start3A_408 = tpu.memref_slice %arg7[%dma_start3A_406, %dma_start3A_407] : memref<640x64xf32, #tpu.memory_space<vmem>> -> memref<128x64xf32, #tpu.memory_space<vmem>>
    %dma_start3A_409 = arith.constant 3328 : i32
    %dma_start3A_410 = tpu.memref_slice %arg5[%dma_start3A_409] : memref<6400xi32, #tpu.memory_space<vmem>> -> memref<128xi32, #tpu.memory_space<vmem>>
    %dma_start3A_411 = arith.constant 0 : i32
    %dma_start3A_412 = arith.constant 0 : i32
    %dma_start3A_413 = tpu.memref_slice %arg2[%dma_start3A_411, %dma_start3A_412] : memref<1000000x64xf32, #tpu.memory_space<hbm>> -> memref<1000000x64xf32, #tpu.memory_space<hbm>>
    tpu.enqueue_indirect_dma source(%dma_start3A_413 : memref<1000000x64xf32, #tpu.memory_space<hbm>>) target(%dma_start3A_408 : memref<128x64xf32, #tpu.memory_space<vmem>>) offsets(%dma_start3A_410 : memref<128xi32, #tpu.memory_space<vmem>>) semaphore(%arg9 : memref<!tpu.dma_semaphore, #tpu.memory_space<semaphore_mem>>)
    %dma_start3A_414 = arith.constant 256 : i32
    %dma_start3A_415 = arith.constant 0 : i32
    %dma_start3A_416 = tpu.memref_slice %arg7[%dma_start3A_414, %dma_start3A_415] : memref<640x64xf32, #tpu.memory_space<vmem>> -> memref<128x64xf32, #tpu.memory_space<vmem>>
    %dma_start3A_417 = arith.constant 3456 : i32
    %dma_start3A_418 = tpu.memref_slice %arg5[%dma_start3A_417] : memref<6400xi32, #tpu.memory_space<vmem>> -> memref<128xi32, #tpu.memory_space<vmem>>
    %dma_start3A_419 = arith.constant 0 : i32
    %dma_start3A_420 = arith.constant 0 : i32
    %dma_start3A_421 = tpu.memref_slice %arg2[%dma_start3A_419, %dma_start3A_420] : memref<1000000x64xf32, #tpu.memory_space<hbm>> -> memref<1000000x64xf32, #tpu.memory_space<hbm>>
    tpu.enqueue_indirect_dma source(%dma_start3A_421 : memref<1000000x64xf32, #tpu.memory_space<hbm>>) target(%dma_start3A_416 : memref<128x64xf32, #tpu.memory_space<vmem>>) offsets(%dma_start3A_418 : memref<128xi32, #tpu.memory_space<vmem>>) semaphore(%arg9 : memref<!tpu.dma_semaphore, #tpu.memory_space<semaphore_mem>>)
    %dma_start3A_422 = arith.constant 384 : i32
    %dma_start3A_423 = arith.constant 0 : i32
    %dma_start3A_424 = tpu.memref_slice %arg7[%dma_start3A_422, %dma_start3A_423] : memref<640x64xf32, #tpu.memory_space<vmem>> -> memref<128x64xf32, #tpu.memory_space<vmem>>
    %dma_start3A_425 = arith.constant 3584 : i32
    %dma_start3A_426 = tpu.memref_slice %arg5[%dma_start3A_425] : memref<6400xi32, #tpu.memory_space<vmem>> -> memref<128xi32, #tpu.memory_space<vmem>>
    %dma_start3A_427 = arith.constant 0 : i32
    %dma_start3A_428 = arith.constant 0 : i32
    %dma_start3A_429 = tpu.memref_slice %arg2[%dma_start3A_427, %dma_start3A_428] : memref<1000000x64xf32, #tpu.memory_space<hbm>> -> memref<1000000x64xf32, #tpu.memory_space<hbm>>
    tpu.enqueue_indirect_dma source(%dma_start3A_429 : memref<1000000x64xf32, #tpu.memory_space<hbm>>) target(%dma_start3A_424 : memref<128x64xf32, #tpu.memory_space<vmem>>) offsets(%dma_start3A_426 : memref<128xi32, #tpu.memory_space<vmem>>) semaphore(%arg9 : memref<!tpu.dma_semaphore, #tpu.memory_space<semaphore_mem>>)
    %dma_start3A_430 = arith.constant 512 : i32
    %dma_start3A_431 = arith.constant 0 : i32
    %dma_start3A_432 = tpu.memref_slice %arg7[%dma_start3A_430, %dma_start3A_431] : memref<640x64xf32, #tpu.memory_space<vmem>> -> memref<128x64xf32, #tpu.memory_space<vmem>>
    %dma_start3A_433 = arith.constant 3712 : i32
    %dma_start3A_434 = tpu.memref_slice %arg5[%dma_start3A_433] : memref<6400xi32, #tpu.memory_space<vmem>> -> memref<128xi32, #tpu.memory_space<vmem>>
    %dma_start3A_435 = arith.constant 0 : i32
    %dma_start3A_436 = arith.constant 0 : i32
    %dma_start3A_437 = tpu.memref_slice %arg2[%dma_start3A_435, %dma_start3A_436] : memref<1000000x64xf32, #tpu.memory_space<hbm>> -> memref<1000000x64xf32, #tpu.memory_space<hbm>>
    tpu.enqueue_indirect_dma source(%dma_start3A_437 : memref<1000000x64xf32, #tpu.memory_space<hbm>>) target(%dma_start3A_432 : memref<128x64xf32, #tpu.memory_space<vmem>>) offsets(%dma_start3A_434 : memref<128xi32, #tpu.memory_space<vmem>>) semaphore(%arg9 : memref<!tpu.dma_semaphore, #tpu.memory_space<semaphore_mem>>)
    %dma_wait3A_438 = arith.constant 0 : i32
    %dma_wait3A_439 = arith.constant 0 : i32
    %dma_wait3A_440 = tpu.memref_slice %arg6[%dma_wait3A_438, %dma_wait3A_439] : memref<640x64xf32, #tpu.memory_space<vmem>> -> memref<128x64xf32, #tpu.memory_space<vmem>>
    %dma_wait3A_441 = arith.constant 2560 : i32
    %dma_wait3A_442 = tpu.memref_slice %arg5[%dma_wait3A_441] : memref<6400xi32, #tpu.memory_space<vmem>> -> memref<128xi32, #tpu.memory_space<vmem>>
    %dma_wait3A_443 = arith.constant 0 : i32
    %dma_wait3A_444 = arith.constant 0 : i32
    %dma_wait3A_445 = tpu.memref_slice %arg2[%dma_wait3A_443, %dma_wait3A_444] : memref<1000000x64xf32, #tpu.memory_space<hbm>> -> memref<1000000x64xf32, #tpu.memory_space<hbm>>
    tpu.wait_indirect_dma semaphore(%arg8 : memref<!tpu.dma_semaphore, #tpu.memory_space<semaphore_mem>>) src(%dma_wait3A_445 : memref<1000000x64xf32, #tpu.memory_space<hbm>>) dst(%dma_wait3A_440 : memref<128x64xf32, #tpu.memory_space<vmem>>)
    %dma_wait3A_446 = arith.constant 128 : i32
    %dma_wait3A_447 = arith.constant 0 : i32
    %dma_wait3A_448 = tpu.memref_slice %arg6[%dma_wait3A_446, %dma_wait3A_447] : memref<640x64xf32, #tpu.memory_space<vmem>> -> memref<128x64xf32, #tpu.memory_space<vmem>>
    %dma_wait3A_449 = arith.constant 2688 : i32
    %dma_wait3A_450 = tpu.memref_slice %arg5[%dma_wait3A_449] : memref<6400xi32, #tpu.memory_space<vmem>> -> memref<128xi32, #tpu.memory_space<vmem>>
    %dma_wait3A_451 = arith.constant 0 : i32
    %dma_wait3A_452 = arith.constant 0 : i32
    %dma_wait3A_453 = tpu.memref_slice %arg2[%dma_wait3A_451, %dma_wait3A_452] : memref<1000000x64xf32, #tpu.memory_space<hbm>> -> memref<1000000x64xf32, #tpu.memory_space<hbm>>
    tpu.wait_indirect_dma semaphore(%arg8 : memref<!tpu.dma_semaphore, #tpu.memory_space<semaphore_mem>>) src(%dma_wait3A_453 : memref<1000000x64xf32, #tpu.memory_space<hbm>>) dst(%dma_wait3A_448 : memref<128x64xf32, #tpu.memory_space<vmem>>)
    %dma_wait3A_454 = arith.constant 256 : i32
    %dma_wait3A_455 = arith.constant 0 : i32
    %dma_wait3A_456 = tpu.memref_slice %arg6[%dma_wait3A_454, %dma_wait3A_455] : memref<640x64xf32, #tpu.memory_space<vmem>> -> memref<128x64xf32, #tpu.memory_space<vmem>>
    %dma_wait3A_457 = arith.constant 2816 : i32
    %dma_wait3A_458 = tpu.memref_slice %arg5[%dma_wait3A_457] : memref<6400xi32, #tpu.memory_space<vmem>> -> memref<128xi32, #tpu.memory_space<vmem>>
    %dma_wait3A_459 = arith.constant 0 : i32
    %dma_wait3A_460 = arith.constant 0 : i32
    %dma_wait3A_461 = tpu.memref_slice %arg2[%dma_wait3A_459, %dma_wait3A_460] : memref<1000000x64xf32, #tpu.memory_space<hbm>> -> memref<1000000x64xf32, #tpu.memory_space<hbm>>
    tpu.wait_indirect_dma semaphore(%arg8 : memref<!tpu.dma_semaphore, #tpu.memory_space<semaphore_mem>>) src(%dma_wait3A_461 : memref<1000000x64xf32, #tpu.memory_space<hbm>>) dst(%dma_wait3A_456 : memref<128x64xf32, #tpu.memory_space<vmem>>)
    %dma_wait3A_462 = arith.constant 384 : i32
    %dma_wait3A_463 = arith.constant 0 : i32
    %dma_wait3A_464 = tpu.memref_slice %arg6[%dma_wait3A_462, %dma_wait3A_463] : memref<640x64xf32, #tpu.memory_space<vmem>> -> memref<128x64xf32, #tpu.memory_space<vmem>>
    %dma_wait3A_465 = arith.constant 2944 : i32
    %dma_wait3A_466 = tpu.memref_slice %arg5[%dma_wait3A_465] : memref<6400xi32, #tpu.memory_space<vmem>> -> memref<128xi32, #tpu.memory_space<vmem>>
    %dma_wait3A_467 = arith.constant 0 : i32
    %dma_wait3A_468 = arith.constant 0 : i32
    %dma_wait3A_469 = tpu.memref_slice %arg2[%dma_wait3A_467, %dma_wait3A_468] : memref<1000000x64xf32, #tpu.memory_space<hbm>> -> memref<1000000x64xf32, #tpu.memory_space<hbm>>
    tpu.wait_indirect_dma semaphore(%arg8 : memref<!tpu.dma_semaphore, #tpu.memory_space<semaphore_mem>>) src(%dma_wait3A_469 : memref<1000000x64xf32, #tpu.memory_space<hbm>>) dst(%dma_wait3A_464 : memref<128x64xf32, #tpu.memory_space<vmem>>)
    %dma_wait3A_470 = arith.constant 512 : i32
    %dma_wait3A_471 = arith.constant 0 : i32
    %dma_wait3A_472 = tpu.memref_slice %arg6[%dma_wait3A_470, %dma_wait3A_471] : memref<640x64xf32, #tpu.memory_space<vmem>> -> memref<128x64xf32, #tpu.memory_space<vmem>>
    %dma_wait3A_473 = arith.constant 3072 : i32
    %dma_wait3A_474 = tpu.memref_slice %arg5[%dma_wait3A_473] : memref<6400xi32, #tpu.memory_space<vmem>> -> memref<128xi32, #tpu.memory_space<vmem>>
    %dma_wait3A_475 = arith.constant 0 : i32
    %dma_wait3A_476 = arith.constant 0 : i32
    %dma_wait3A_477 = tpu.memref_slice %arg2[%dma_wait3A_475, %dma_wait3A_476] : memref<1000000x64xf32, #tpu.memory_space<hbm>> -> memref<1000000x64xf32, #tpu.memory_space<hbm>>
    tpu.wait_indirect_dma semaphore(%arg8 : memref<!tpu.dma_semaphore, #tpu.memory_space<semaphore_mem>>) src(%dma_wait3A_477 : memref<1000000x64xf32, #tpu.memory_space<hbm>>) dst(%dma_wait3A_472 : memref<128x64xf32, #tpu.memory_space<vmem>>)
    %scan3A_478 = arith.constant 0 : i32
    %scan3A_479 = arith.constant 0 : i32
    %scan3A_480 = arith.constant 160 : i32
    %scan3A_481 = arith.addi %scan3A_479, %scan3A_480 : i32
    %scan3A_482 = arith.constant 1 : i32
    %scan3A_483 = scf.for %scan3A_892 = %scan3A_479 to %scan3A_481 step %scan3A_482 iter_args(%scan3A_893 = %scan3A_478) -> (i32)  : i32 {
      %mul3A_894 = arith.constant 4 : i32
      %mul3A_895 = arith.muli %scan3A_892, %mul3A_894 : i32
      %add3A_896 = arith.constant 0 : i32
      %add3A_897 = arith.addi %mul3A_895, %add3A_896 : i32
      %get3A = arith.index_cast %add3A_897 : i32 to index
      %get3A_898 = arith.constant 0 : index
      %get3A_899 = tpu.vector_load %arg6[%get3A, %get3A_898] {strides = array<i32>} : memref<640x64xf32, #tpu.memory_space<vmem>>, vector<1x16xf32>,
      %get3A_900 = vector.shape_cast %get3A_899 : vector<1x16xf32> to vector<16xf32>
      %mul3A_901 = arith.constant 8.000000e+00 : f32
      %mul3A_902 = vector.broadcast %mul3A_901 : f32 to vector<16xf32>
      %mul3A_903 = arith.mulf %get3A_900, %mul3A_902 : vector<16xf32>
      %add3A_904 = arith.constant 0 : i32
      %add3A_905 = arith.addi %mul3A_895, %add3A_904 : i32
      %swap3A = arith.index_cast %add3A_905 : i32 to index
      %swap3A_906 = arith.constant 0 : index
      %swap3A_907 = tpu.vector_load %arg6[%swap3A, %swap3A_906] {strides = array<i32>} : memref<640x64xf32, #tpu.memory_space<vmem>>, vector<1x16xf32>,
      %swap3A_908 = vector.shape_cast %swap3A_907 : vector<1x16xf32> to vector<16xf32>
      %swap3A_909 = vector.shape_cast %mul3A_903 : vector<16xf32> to vector<1x16xf32>
      tpu.vector_store %arg6[%swap3A, %swap3A_906], %swap3A_909 {strides = array<i32>} : memref<640x64xf32, #tpu.memory_space<vmem>>, vector<1x16xf32>,
      %add3A_910 = arith.constant 0 : i32
      %add3A_911 = arith.addi %mul3A_895, %add3A_910 : i32
      %get3A_912 = arith.index_cast %add3A_911 : i32 to index
      %get3A_913 = arith.constant 16 : index
      %get3A_914 = tpu.vector_load %arg6[%get3A_912, %get3A_913] {strides = array<i32>} : memref<640x64xf32, #tpu.memory_space<vmem>>, vector<1x16xf32>,
      %get3A_915 = vector.shape_cast %get3A_914 : vector<1x16xf32> to vector<16xf32>
      %mul3A_916 = arith.constant 8.000000e+00 : f32
      %mul3A_917 = vector.broadcast %mul3A_916 : f32 to vector<16xf32>
      %mul3A_918 = arith.mulf %get3A_915, %mul3A_917 : vector<16xf32>
      %add3A_919 = arith.constant 0 : i32
      %add3A_920 = arith.addi %mul3A_895, %add3A_919 : i32
      %swap3A_921 = arith.index_cast %add3A_920 : i32 to index
      %swap3A_922 = arith.constant 16 : index
      %swap3A_923 = tpu.vector_load %arg6[%swap3A_921, %swap3A_922] {strides = array<i32>} : memref<640x64xf32, #tpu.memory_space<vmem>>, vector<1x16xf32>,
      %swap3A_924 = vector.shape_cast %swap3A_923 : vector<1x16xf32> to vector<16xf32>
      %swap3A_925 = vector.shape_cast %mul3A_918 : vector<16xf32> to vector<1x16xf32>
      tpu.vector_store %arg6[%swap3A_921, %swap3A_922], %swap3A_925 {strides = array<i32>} : memref<640x64xf32, #tpu.memory_space<vmem>>, vector<1x16xf32>,
      %add3A_926 = arith.constant 0 : i32
      %add3A_927 = arith.addi %mul3A_895, %add3A_926 : i32
      %get3A_928 = arith.index_cast %add3A_927 : i32 to index
      %get3A_929 = arith.constant 32 : index
      %get3A_930 = tpu.vector_load %arg6[%get3A_928, %get3A_929] {strides = array<i32>} : memref<640x64xf32, #tpu.memory_space<vmem>>, vector<1x16xf32>,
      %get3A_931 = vector.shape_cast %get3A_930 : vector<1x16xf32> to vector<16xf32>
      %mul3A_932 = arith.constant 8.000000e+00 : f32
      %mul3A_933 = vector.broadcast %mul3A_932 : f32 to vector<16xf32>
      %mul3A_934 = arith.mulf %get3A_931, %mul3A_933 : vector<16xf32>
      %add3A_935 = arith.constant 0 : i32
      %add3A_936 = arith.addi %mul3A_895, %add3A_935 : i32
      %swap3A_937 = arith.index_cast %add3A_936 : i32 to index
      %swap3A_938 = arith.constant 32 : index
      %swap3A_939 = tpu.vector_load %arg6[%swap3A_937, %swap3A_938] {strides = array<i32>} : memref<640x64xf32, #tpu.memory_space<vmem>>, vector<1x16xf32>,
      %swap3A_940 = vector.shape_cast %swap3A_939 : vector<1x16xf32> to vector<16xf32>
      %swap3A_941 = vector.shape_cast %mul3A_934 : vector<16xf32> to vector<1x16xf32>
      tpu.vector_store %arg6[%swap3A_937, %swap3A_938], %swap3A_941 {strides = array<i32>} : memref<640x64xf32, #tpu.memory_space<vmem>>, vector<1x16xf32>,
      %add3A_942 = arith.constant 0 : i32
      %add3A_943 = arith.addi %mul3A_895, %add3A_942 : i32
      %get3A_944 = arith.index_cast %add3A_943 : i32 to index
      %get3A_945 = arith.constant 48 : index
      %get3A_946 = tpu.vector_load %arg6[%get3A_944, %get3A_945] {strides = array<i32>} : memref<640x64xf32, #tpu.memory_space<vmem>>, vector<1x16xf32>,
      %get3A_947 = vector.shape_cast %get3A_946 : vector<1x16xf32> to vector<16xf32>
      %mul3A_948 = arith.constant 8.000000e+00 : f32
      %mul3A_949 = vector.broadcast %mul3A_948 : f32 to vector<16xf32>
      %mul3A_950 = arith.mulf %get3A_947, %mul3A_949 : vector<16xf32>
      %add3A_951 = arith.constant 0 : i32
      %add3A_952 = arith.addi %mul3A_895, %add3A_951 : i32
      %swap3A_953 = arith.index_cast %add3A_952 : i32 to index
      %swap3A_954 = arith.constant 48 : index
      %swap3A_955 = tpu.vector_load %arg6[%swap3A_953, %swap3A_954] {strides = array<i32>} : memref<640x64xf32, #tpu.memory_space<vmem>>, vector<1x16xf32>,
      %swap3A_956 = vector.shape_cast %swap3A_955 : vector<1x16xf32> to vector<16xf32>
      %swap3A_957 = vector.shape_cast %mul3A_950 : vector<16xf32> to vector<1x16xf32>
      tpu.vector_store %arg6[%swap3A_953, %swap3A_954], %swap3A_957 {strides = array<i32>} : memref<640x64xf32, #tpu.memory_space<vmem>>, vector<1x16xf32>,
      %add3A_958 = arith.constant 1 : i32
      %add3A_959 = arith.addi %mul3A_895, %add3A_958 : i32
      %get3A_960 = arith.index_cast %add3A_959 : i32 to index
      %get3A_961 = arith.constant 0 : index
      %get3A_962 = tpu.vector_load %arg6[%get3A_960, %get3A_961] {strides = array<i32>} : memref<640x64xf32, #tpu.memory_space<vmem>>, vector<1x16xf32>,
      %get3A_963 = vector.shape_cast %get3A_962 : vector<1x16xf32> to vector<16xf32>
      %mul3A_964 = arith.constant 8.000000e+00 : f32
      %mul3A_965 = vector.broadcast %mul3A_964 : f32 to vector<16xf32>
      %mul3A_966 = arith.mulf %get3A_963, %mul3A_965 : vector<16xf32>
      %add3A_967 = arith.constant 1 : i32
      %add3A_968 = arith.addi %mul3A_895, %add3A_967 : i32
      %swap3A_969 = arith.index_cast %add3A_968 : i32 to index
      %swap3A_970 = arith.constant 0 : index
      %swap3A_971 = tpu.vector_load %arg6[%swap3A_969, %swap3A_970] {strides = array<i32>} : memref<640x64xf32, #tpu.memory_space<vmem>>, vector<1x16xf32>,
      %swap3A_972 = vector.shape_cast %swap3A_971 : vector<1x16xf32> to vector<16xf32>
      %swap3A_973 = vector.shape_cast %mul3A_966 : vector<16xf32> to vector<1x16xf32>
      tpu.vector_store %arg6[%swap3A_969, %swap3A_970], %swap3A_973 {strides = array<i32>} : memref<640x64xf32, #tpu.memory_space<vmem>>, vector<1x16xf32>,
      %add3A_974 = arith.constant 1 : i32
      %add3A_975 = arith.addi %mul3A_895, %add3A_974 : i32
      %get3A_976 = arith.index_cast %add3A_975 : i32 to index
      %get3A_977 = arith.constant 16 : index
      %get3A_978 = tpu.vector_load %arg6[%get3A_976, %get3A_977] {strides = array<i32>} : memref<640x64xf32, #tpu.memory_space<vmem>>, vector<1x16xf32>,
      %get3A_979 = vector.shape_cast %get3A_978 : vector<1x16xf32> to vector<16xf32>
      %mul3A_980 = arith.constant 8.000000e+00 : f32
      %mul3A_981 = vector.broadcast %mul3A_980 : f32 to vector<16xf32>
      %mul3A_982 = arith.mulf %get3A_979, %mul3A_981 : vector<16xf32>
      %add3A_983 = arith.constant 1 : i32
      %add3A_984 = arith.addi %mul3A_895, %add3A_983 : i32
      %swap3A_985 = arith.index_cast %add3A_984 : i32 to index
      %swap3A_986 = arith.constant 16 : index
      %swap3A_987 = tpu.vector_load %arg6[%swap3A_985, %swap3A_986] {strides = array<i32>} : memref<640x64xf32, #tpu.memory_space<vmem>>, vector<1x16xf32>,
      %swap3A_988 = vector.shape_cast %swap3A_987 : vector<1x16xf32> to vector<16xf32>
      %swap3A_989 = vector.shape_cast %mul3A_982 : vector<16xf32> to vector<1x16xf32>
      tpu.vector_store %arg6[%swap3A_985, %swap3A_986], %swap3A_989 {strides = array<i32>} : memref<640x64xf32, #tpu.memory_space<vmem>>, vector<1x16xf32>,
      %add3A_990 = arith.constant 1 : i32
      %add3A_991 = arith.addi %mul3A_895, %add3A_990 : i32
      %get3A_992 = arith.index_cast %add3A_991 : i32 to index
      %get3A_993 = arith.constant 32 : index
      %get3A_994 = tpu.vector_load %arg6[%get3A_992, %get3A_993] {strides = array<i32>} : memref<640x64xf32, #tpu.memory_space<vmem>>, vector<1x16xf32>,
      %get3A_995 = vector.shape_cast %get3A_994 : vector<1x16xf32> to vector<16xf32>
      %mul3A_996 = arith.constant 8.000000e+00 : f32
      %mul3A_997 = vector.broadcast %mul3A_996 : f32 to vector<16xf32>
      %mul3A_998 = arith.mulf %get3A_995, %mul3A_997 : vector<16xf32>
      %add3A_999 = arith.constant 1 : i32
      %add3A_1000 = arith.addi %mul3A_895, %add3A_999 : i32
      %swap3A_1001 = arith.index_cast %add3A_1000 : i32 to index
      %swap3A_1002 = arith.constant 32 : index
      %swap3A_1003 = tpu.vector_load %arg6[%swap3A_1001, %swap3A_1002] {strides = array<i32>} : memref<640x64xf32, #tpu.memory_space<vmem>>, vector<1x16xf32>,
      %swap3A_1004 = vector.shape_cast %swap3A_1003 : vector<1x16xf32> to vector<16xf32>
      %swap3A_1005 = vector.shape_cast %mul3A_998 : vector<16xf32> to vector<1x16xf32>
      tpu.vector_store %arg6[%swap3A_1001, %swap3A_1002], %swap3A_1005 {strides = array<i32>} : memref<640x64xf32, #tpu.memory_space<vmem>>, vector<1x16xf32>,
      %add3A_1006 = arith.constant 1 : i32
      %add3A_1007 = arith.addi %mul3A_895, %add3A_1006 : i32
      %get3A_1008 = arith.index_cast %add3A_1007 : i32 to index
      %get3A_1009 = arith.constant 48 : index
      %get3A_1010 = tpu.vector_load %arg6[%get3A_1008, %get3A_1009] {strides = array<i32>} : memref<640x64xf32, #tpu.memory_space<vmem>>, vector<1x16xf32>,
      %get3A_1011 = vector.shape_cast %get3A_1010 : vector<1x16xf32> to vector<16xf32>
      %mul3A_1012 = arith.constant 8.000000e+00 : f32
      %mul3A_1013 = vector.broadcast %mul3A_1012 : f32 to vector<16xf32>
      %mul3A_1014 = arith.mulf %get3A_1011, %mul3A_1013 : vector<16xf32>
      %add3A_1015 = arith.constant 1 : i32
      %add3A_1016 = arith.addi %mul3A_895, %add3A_1015 : i32
      %swap3A_1017 = arith.index_cast %add3A_1016 : i32 to index
      %swap3A_1018 = arith.constant 48 : index
      %swap3A_1019 = tpu.vector_load %arg6[%swap3A_1017, %swap3A_1018] {strides = array<i32>} : memref<640x64xf32, #tpu.memory_space<vmem>>, vector<1x16xf32>,
      %swap3A_1020 = vector.shape_cast %swap3A_1019 : vector<1x16xf32> to vector<16xf32>
      %swap3A_1021 = vector.shape_cast %mul3A_1014 : vector<16xf32> to vector<1x16xf32>
      tpu.vector_store %arg6[%swap3A_1017, %swap3A_1018], %swap3A_1021 {strides = array<i32>} : memref<640x64xf32, #tpu.memory_space<vmem>>, vector<1x16xf32>,
      %add3A_1022 = arith.constant 2 : i32
      %add3A_1023 = arith.addi %mul3A_895, %add3A_1022 : i32
      %get3A_1024 = arith.index_cast %add3A_1023 : i32 to index
      %get3A_1025 = arith.constant 0 : index
      %get3A_1026 = tpu.vector_load %arg6[%get3A_1024, %get3A_1025] {strides = array<i32>} : memref<640x64xf32, #tpu.memory_space<vmem>>, vector<1x16xf32>,
      %get3A_1027 = vector.shape_cast %get3A_1026 : vector<1x16xf32> to vector<16xf32>
      %mul3A_1028 = arith.constant 8.000000e+00 : f32
      %mul3A_1029 = vector.broadcast %mul3A_1028 : f32 to vector<16xf32>
      %mul3A_1030 = arith.mulf %get3A_1027, %mul3A_1029 : vector<16xf32>
      %add3A_1031 = arith.constant 2 : i32
      %add3A_1032 = arith.addi %mul3A_895, %add3A_1031 : i32
      %swap3A_1033 = arith.index_cast %add3A_1032 : i32 to index
      %swap3A_1034 = arith.constant 0 : index
      %swap3A_1035 = tpu.vector_load %arg6[%swap3A_1033, %swap3A_1034] {strides = array<i32>} : memref<640x64xf32, #tpu.memory_space<vmem>>, vector<1x16xf32>,
      %swap3A_1036 = vector.shape_cast %swap3A_1035 : vector<1x16xf32> to vector<16xf32>
      %swap3A_1037 = vector.shape_cast %mul3A_1030 : vector<16xf32> to vector<1x16xf32>
      tpu.vector_store %arg6[%swap3A_1033, %swap3A_1034], %swap3A_1037 {strides = array<i32>} : memref<640x64xf32, #tpu.memory_space<vmem>>, vector<1x16xf32>,
      %add3A_1038 = arith.constant 2 : i32
      %add3A_1039 = arith.addi %mul3A_895, %add3A_1038 : i32
      %get3A_1040 = arith.index_cast %add3A_1039 : i32 to index
      %get3A_1041 = arith.constant 16 : index
      %get3A_1042 = tpu.vector_load %arg6[%get3A_1040, %get3A_1041] {strides = array<i32>} : memref<640x64xf32, #tpu.memory_space<vmem>>, vector<1x16xf32>,
      %get3A_1043 = vector.shape_cast %get3A_1042 : vector<1x16xf32> to vector<16xf32>
      %mul3A_1044 = arith.constant 8.000000e+00 : f32
      %mul3A_1045 = vector.broadcast %mul3A_1044 : f32 to vector<16xf32>
      %mul3A_1046 = arith.mulf %get3A_1043, %mul3A_1045 : vector<16xf32>
      %add3A_1047 = arith.constant 2 : i32
      %add3A_1048 = arith.addi %mul3A_895, %add3A_1047 : i32
      %swap3A_1049 = arith.index_cast %add3A_1048 : i32 to index
      %swap3A_1050 = arith.constant 16 : index
      %swap3A_1051 = tpu.vector_load %arg6[%swap3A_1049, %swap3A_1050] {strides = array<i32>} : memref<640x64xf32, #tpu.memory_space<vmem>>, vector<1x16xf32>,
      %swap3A_1052 = vector.shape_cast %swap3A_1051 : vector<1x16xf32> to vector<16xf32>
      %swap3A_1053 = vector.shape_cast %mul3A_1046 : vector<16xf32> to vector<1x16xf32>
      tpu.vector_store %arg6[%swap3A_1049, %swap3A_1050], %swap3A_1053 {strides = array<i32>} : memref<640x64xf32, #tpu.memory_space<vmem>>, vector<1x16xf32>,
      %add3A_1054 = arith.constant 2 : i32
      %add3A_1055 = arith.addi %mul3A_895, %add3A_1054 : i32
      %get3A_1056 = arith.index_cast %add3A_1055 : i32 to index
      %get3A_1057 = arith.constant 32 : index
      %get3A_1058 = tpu.vector_load %arg6[%get3A_1056, %get3A_1057] {strides = array<i32>} : memref<640x64xf32, #tpu.memory_space<vmem>>, vector<1x16xf32>,
      %get3A_1059 = vector.shape_cast %get3A_1058 : vector<1x16xf32> to vector<16xf32>
      %mul3A_1060 = arith.constant 8.000000e+00 : f32
      %mul3A_1061 = vector.broadcast %mul3A_1060 : f32 to vector<16xf32>
      %mul3A_1062 = arith.mulf %get3A_1059, %mul3A_1061 : vector<16xf32>
      %add3A_1063 = arith.constant 2 : i32
      %add3A_1064 = arith.addi %mul3A_895, %add3A_1063 : i32
      %swap3A_1065 = arith.index_cast %add3A_1064 : i32 to index
      %swap3A_1066 = arith.constant 32 : index
      %swap3A_1067 = tpu.vector_load %arg6[%swap3A_1065, %swap3A_1066] {strides = array<i32>} : memref<640x64xf32, #tpu.memory_space<vmem>>, vector<1x16xf32>,
      %swap3A_1068 = vector.shape_cast %swap3A_1067 : vector<1x16xf32> to vector<16xf32>
      %swap3A_1069 = vector.shape_cast %mul3A_1062 : vector<16xf32> to vector<1x16xf32>
      tpu.vector_store %arg6[%swap3A_1065, %swap3A_1066], %swap3A_1069 {strides = array<i32>} : memref<640x64xf32, #tpu.memory_space<vmem>>, vector<1x16xf32>,
      %add3A_1070 = arith.constant 2 : i32
      %add3A_1071 = arith.addi %mul3A_895, %add3A_1070 : i32
      %get3A_1072 = arith.index_cast %add3A_1071 : i32 to index
      %get3A_1073 = arith.constant 48 : index
      %get3A_1074 = tpu.vector_load %arg6[%get3A_1072, %get3A_1073] {strides = array<i32>} : memref<640x64xf32, #tpu.memory_space<vmem>>, vector<1x16xf32>,
      %get3A_1075 = vector.shape_cast %get3A_1074 : vector<1x16xf32> to vector<16xf32>
      %mul3A_1076 = arith.constant 8.000000e+00 : f32
      %mul3A_1077 = vector.broadcast %mul3A_1076 : f32 to vector<16xf32>
      %mul3A_1078 = arith.mulf %get3A_1075, %mul3A_1077 : vector<16xf32>
      %add3A_1079 = arith.constant 2 : i32
      %add3A_1080 = arith.addi %mul3A_895, %add3A_1079 : i32
      %swap3A_1081 = arith.index_cast %add3A_1080 : i32 to index
      %swap3A_1082 = arith.constant 48 : index
      %swap3A_1083 = tpu.vector_load %arg6[%swap3A_1081, %swap3A_1082] {strides = array<i32>} : memref<640x64xf32, #tpu.memory_space<vmem>>, vector<1x16xf32>,
      %swap3A_1084 = vector.shape_cast %swap3A_1083 : vector<1x16xf32> to vector<16xf32>
      %swap3A_1085 = vector.shape_cast %mul3A_1078 : vector<16xf32> to vector<1x16xf32>
      tpu.vector_store %arg6[%swap3A_1081, %swap3A_1082], %swap3A_1085 {strides = array<i32>} : memref<640x64xf32, #tpu.memory_space<vmem>>, vector<1x16xf32>,
      %add3A_1086 = arith.constant 3 : i32
      %add3A_1087 = arith.addi %mul3A_895, %add3A_1086 : i32
      %get3A_1088 = arith.index_cast %add3A_1087 : i32 to index
      %get3A_1089 = arith.constant 0 : index
      %get3A_1090 = tpu.vector_load %arg6[%get3A_1088, %get3A_1089] {strides = array<i32>} : memref<640x64xf32, #tpu.memory_space<vmem>>, vector<1x16xf32>,
      %get3A_1091 = vector.shape_cast %get3A_1090 : vector<1x16xf32> to vector<16xf32>
      %mul3A_1092 = arith.constant 8.000000e+00 : f32
      %mul3A_1093 = vector.broadcast %mul3A_1092 : f32 to vector<16xf32>
      %mul3A_1094 = arith.mulf %get3A_1091, %mul3A_1093 : vector<16xf32>
      %add3A_1095 = arith.constant 3 : i32
      %add3A_1096 = arith.addi %mul3A_895, %add3A_1095 : i32
      %swap3A_1097 = arith.index_cast %add3A_1096 : i32 to index
      %swap3A_1098 = arith.constant 0 : index
      %swap3A_1099 = tpu.vector_load %arg6[%swap3A_1097, %swap3A_1098] {strides = array<i32>} : memref<640x64xf32, #tpu.memory_space<vmem>>, vector<1x16xf32>,
      %swap3A_1100 = vector.shape_cast %swap3A_1099 : vector<1x16xf32> to vector<16xf32>
      %swap3A_1101 = vector.shape_cast %mul3A_1094 : vector<16xf32> to vector<1x16xf32>
      tpu.vector_store %arg6[%swap3A_1097, %swap3A_1098], %swap3A_1101 {strides = array<i32>} : memref<640x64xf32, #tpu.memory_space<vmem>>, vector<1x16xf32>,
      %add3A_1102 = arith.constant 3 : i32
      %add3A_1103 = arith.addi %mul3A_895, %add3A_1102 : i32
      %get3A_1104 = arith.index_cast %add3A_1103 : i32 to index
      %get3A_1105 = arith.constant 16 : index
      %get3A_1106 = tpu.vector_load %arg6[%get3A_1104, %get3A_1105] {strides = array<i32>} : memref<640x64xf32, #tpu.memory_space<vmem>>, vector<1x16xf32>,
      %get3A_1107 = vector.shape_cast %get3A_1106 : vector<1x16xf32> to vector<16xf32>
      %mul3A_1108 = arith.constant 8.000000e+00 : f32
      %mul3A_1109 = vector.broadcast %mul3A_1108 : f32 to vector<16xf32>
      %mul3A_1110 = arith.mulf %get3A_1107, %mul3A_1109 : vector<16xf32>
      %add3A_1111 = arith.constant 3 : i32
      %add3A_1112 = arith.addi %mul3A_895, %add3A_1111 : i32
      %swap3A_1113 = arith.index_cast %add3A_1112 : i32 to index
      %swap3A_1114 = arith.constant 16 : index
      %swap3A_1115 = tpu.vector_load %arg6[%swap3A_1113, %swap3A_1114] {strides = array<i32>} : memref<640x64xf32, #tpu.memory_space<vmem>>, vector<1x16xf32>,
      %swap3A_1116 = vector.shape_cast %swap3A_1115 : vector<1x16xf32> to vector<16xf32>
      %swap3A_1117 = vector.shape_cast %mul3A_1110 : vector<16xf32> to vector<1x16xf32>
      tpu.vector_store %arg6[%swap3A_1113, %swap3A_1114], %swap3A_1117 {strides = array<i32>} : memref<640x64xf32, #tpu.memory_space<vmem>>, vector<1x16xf32>,
      %add3A_1118 = arith.constant 3 : i32
      %add3A_1119 = arith.addi %mul3A_895, %add3A_1118 : i32
      %get3A_1120 = arith.index_cast %add3A_1119 : i32 to index
      %get3A_1121 = arith.constant 32 : index
      %get3A_1122 = tpu.vector_load %arg6[%get3A_1120, %get3A_1121] {strides = array<i32>} : memref<640x64xf32, #tpu.memory_space<vmem>>, vector<1x16xf32>,
      %get3A_1123 = vector.shape_cast %get3A_1122 : vector<1x16xf32> to vector<16xf32>
      %mul3A_1124 = arith.constant 8.000000e+00 : f32
      %mul3A_1125 = vector.broadcast %mul3A_1124 : f32 to vector<16xf32>
      %mul3A_1126 = arith.mulf %get3A_1123, %mul3A_1125 : vector<16xf32>
      %add3A_1127 = arith.constant 3 : i32
      %add3A_1128 = arith.addi %mul3A_895, %add3A_1127 : i32
      %swap3A_1129 = arith.index_cast %add3A_1128 : i32 to index
      %swap3A_1130 = arith.constant 32 : index
      %swap3A_1131 = tpu.vector_load %arg6[%swap3A_1129, %swap3A_1130] {strides = array<i32>} : memref<640x64xf32, #tpu.memory_space<vmem>>, vector<1x16xf32>,
      %swap3A_1132 = vector.shape_cast %swap3A_1131 : vector<1x16xf32> to vector<16xf32>
      %swap3A_1133 = vector.shape_cast %mul3A_1126 : vector<16xf32> to vector<1x16xf32>
      tpu.vector_store %arg6[%swap3A_1129, %swap3A_1130], %swap3A_1133 {strides = array<i32>} : memref<640x64xf32, #tpu.memory_space<vmem>>, vector<1x16xf32>,
      %add3A_1134 = arith.constant 3 : i32
      %add3A_1135 = arith.addi %mul3A_895, %add3A_1134 : i32
      %get3A_1136 = arith.index_cast %add3A_1135 : i32 to index
      %get3A_1137 = arith.constant 48 : index
      %get3A_1138 = tpu.vector_load %arg6[%get3A_1136, %get3A_1137] {strides = array<i32>} : memref<640x64xf32, #tpu.memory_space<vmem>>, vector<1x16xf32>,
      %get3A_1139 = vector.shape_cast %get3A_1138 : vector<1x16xf32> to vector<16xf32>
      %mul3A_1140 = arith.constant 8.000000e+00 : f32
      %mul3A_1141 = vector.broadcast %mul3A_1140 : f32 to vector<16xf32>
      %mul3A_1142 = arith.mulf %get3A_1139, %mul3A_1141 : vector<16xf32>
      %add3A_1143 = arith.constant 3 : i32
      %add3A_1144 = arith.addi %mul3A_895, %add3A_1143 : i32
      %swap3A_1145 = arith.index_cast %add3A_1144 : i32 to index
      %swap3A_1146 = arith.constant 48 : index
      %swap3A_1147 = tpu.vector_load %arg6[%swap3A_1145, %swap3A_1146] {strides = array<i32>} : memref<640x64xf32, #tpu.memory_space<vmem>>, vector<1x16xf32>,
      %swap3A_1148 = vector.shape_cast %swap3A_1147 : vector<1x16xf32> to vector<16xf32>
      %swap3A_1149 = vector.shape_cast %mul3A_1142 : vector<16xf32> to vector<1x16xf32>
      tpu.vector_store %arg6[%swap3A_1145, %swap3A_1146], %swap3A_1149 {strides = array<i32>} : memref<640x64xf32, #tpu.memory_space<vmem>>, vector<1x16xf32>,
      %scan3A_1150 = arith.constant 0 : i32
      scf.yield %scan3A_1150 : i32
    }
    %scan3A_484 = arith.constant 160 : i32
    %add3A_485 = arith.constant 2560 : i32
    %add3A_486 = arith.addi %mul3A_4, %add3A_485 : i32
    "tpu.region"() ({
      %run_scoped3A = tpu.sem_alloc : memref<!tpu.dma_semaphore, #tpu.memory_space<semaphore_mem>>
      %dma_start3A_892 = arith.constant 0 : i32
      %dma_start3A_893 = tpu.memref_slice %arg4[%add3A_486, %dma_start3A_892] : memref<204800x64xf32, #tpu.memory_space<hbm>> -> memref<640x64xf32, #tpu.memory_space<hbm>>
      %dma_start3A_894 = arith.constant 0 : i32
      %dma_start3A_895 = tpu.memref_slice %arg4[%add3A_486, %dma_start3A_894] : memref<204800x64xf32, #tpu.memory_space<hbm>> -> memref<640x64xf32, #tpu.memory_space<hbm>>
      tpu.enqueue_dma source(%arg6 : memref<640x64xf32, #tpu.memory_space<vmem>>) target(%dma_start3A_895 : memref<640x64xf32, #tpu.memory_space<hbm>>) target_semaphore(%run_scoped3A : memref<!tpu.dma_semaphore, #tpu.memory_space<semaphore_mem>>)
      %dma_wait3A_896 = arith.constant 0 : i32
      %dma_wait3A_897 = tpu.memref_slice %arg4[%add3A_486, %dma_wait3A_896] : memref<204800x64xf32, #tpu.memory_space<hbm>> -> memref<640x64xf32, #tpu.memory_space<hbm>>
      %dma_wait3A_898 = arith.constant 0 : i32
      %dma_wait3A_899 = tpu.memref_slice %arg4[%add3A_486, %dma_wait3A_898] : memref<204800x64xf32, #tpu.memory_space<hbm>> -> memref<640x64xf32, #tpu.memory_space<hbm>>
      tpu.wait_dma2 semaphore(%run_scoped3A : memref<!tpu.dma_semaphore, #tpu.memory_space<semaphore_mem>>) src(%arg6 : memref<640x64xf32, #tpu.memory_space<vmem>>) dst(%dma_wait3A_899 : memref<640x64xf32, #tpu.memory_space<hbm>>)
      tpu.yield
    }) : () -> ()
    %dma_start3A_487 = arith.constant 0 : i32
    %dma_start3A_488 = arith.constant 0 : i32
    %dma_start3A_489 = tpu.memref_slice %arg6[%dma_start3A_487, %dma_start3A_488] : memref<640x64xf32, #tpu.memory_space<vmem>> -> memref<128x64xf32, #tpu.memory_space<vmem>>
    %dma_start3A_490 = arith.constant 3840 : i32
    %dma_start3A_491 = tpu.memref_slice %arg5[%dma_start3A_490] : memref<6400xi32, #tpu.memory_space<vmem>> -> memref<128xi32, #tpu.memory_space<vmem>>
    %dma_start3A_492 = arith.constant 0 : i32
    %dma_start3A_493 = arith.constant 0 : i32
    %dma_start3A_494 = tpu.memref_slice %arg2[%dma_start3A_492, %dma_start3A_493] : memref<1000000x64xf32, #tpu.memory_space<hbm>> -> memref<1000000x64xf32, #tpu.memory_space<hbm>>
    tpu.enqueue_indirect_dma source(%dma_start3A_494 : memref<1000000x64xf32, #tpu.memory_space<hbm>>) target(%dma_start3A_489 : memref<128x64xf32, #tpu.memory_space<vmem>>) offsets(%dma_start3A_491 : memref<128xi32, #tpu.memory_space<vmem>>) semaphore(%arg8 : memref<!tpu.dma_semaphore, #tpu.memory_space<semaphore_mem>>)
    %dma_start3A_495 = arith.constant 128 : i32
    %dma_start3A_496 = arith.constant 0 : i32
    %dma_start3A_497 = tpu.memref_slice %arg6[%dma_start3A_495, %dma_start3A_496] : memref<640x64xf32, #tpu.memory_space<vmem>> -> memref<128x64xf32, #tpu.memory_space<vmem>>
    %dma_start3A_498 = arith.constant 3968 : i32
    %dma_start3A_499 = tpu.memref_slice %arg5[%dma_start3A_498] : memref<6400xi32, #tpu.memory_space<vmem>> -> memref<128xi32, #tpu.memory_space<vmem>>
    %dma_start3A_500 = arith.constant 0 : i32
    %dma_start3A_501 = arith.constant 0 : i32
    %dma_start3A_502 = tpu.memref_slice %arg2[%dma_start3A_500, %dma_start3A_501] : memref<1000000x64xf32, #tpu.memory_space<hbm>> -> memref<1000000x64xf32, #tpu.memory_space<hbm>>
    tpu.enqueue_indirect_dma source(%dma_start3A_502 : memref<1000000x64xf32, #tpu.memory_space<hbm>>) target(%dma_start3A_497 : memref<128x64xf32, #tpu.memory_space<vmem>>) offsets(%dma_start3A_499 : memref<128xi32, #tpu.memory_space<vmem>>) semaphore(%arg8 : memref<!tpu.dma_semaphore, #tpu.memory_space<semaphore_mem>>)
    %dma_start3A_503 = arith.constant 256 : i32
    %dma_start3A_504 = arith.constant 0 : i32
    %dma_start3A_505 = tpu.memref_slice %arg6[%dma_start3A_503, %dma_start3A_504] : memref<640x64xf32, #tpu.memory_space<vmem>> -> memref<128x64xf32, #tpu.memory_space<vmem>>
    %dma_start3A_506 = arith.constant 4096 : i32
    %dma_start3A_507 = tpu.memref_slice %arg5[%dma_start3A_506] : memref<6400xi32, #tpu.memory_space<vmem>> -> memref<128xi32, #tpu.memory_space<vmem>>
    %dma_start3A_508 = arith.constant 0 : i32
    %dma_start3A_509 = arith.constant 0 : i32
    %dma_start3A_510 = tpu.memref_slice %arg2[%dma_start3A_508, %dma_start3A_509] : memref<1000000x64xf32, #tpu.memory_space<hbm>> -> memref<1000000x64xf32, #tpu.memory_space<hbm>>
    tpu.enqueue_indirect_dma source(%dma_start3A_510 : memref<1000000x64xf32, #tpu.memory_space<hbm>>) target(%dma_start3A_505 : memref<128x64xf32, #tpu.memory_space<vmem>>) offsets(%dma_start3A_507 : memref<128xi32, #tpu.memory_space<vmem>>) semaphore(%arg8 : memref<!tpu.dma_semaphore, #tpu.memory_space<semaphore_mem>>)
    %dma_start3A_511 = arith.constant 384 : i32
    %dma_start3A_512 = arith.constant 0 : i32
    %dma_start3A_513 = tpu.memref_slice %arg6[%dma_start3A_511, %dma_start3A_512] : memref<640x64xf32, #tpu.memory_space<vmem>> -> memref<128x64xf32, #tpu.memory_space<vmem>>
    %dma_start3A_514 = arith.constant 4224 : i32
    %dma_start3A_515 = tpu.memref_slice %arg5[%dma_start3A_514] : memref<6400xi32, #tpu.memory_space<vmem>> -> memref<128xi32, #tpu.memory_space<vmem>>
    %dma_start3A_516 = arith.constant 0 : i32
    %dma_start3A_517 = arith.constant 0 : i32
    %dma_start3A_518 = tpu.memref_slice %arg2[%dma_start3A_516, %dma_start3A_517] : memref<1000000x64xf32, #tpu.memory_space<hbm>> -> memref<1000000x64xf32, #tpu.memory_space<hbm>>
    tpu.enqueue_indirect_dma source(%dma_start3A_518 : memref<1000000x64xf32, #tpu.memory_space<hbm>>) target(%dma_start3A_513 : memref<128x64xf32, #tpu.memory_space<vmem>>) offsets(%dma_start3A_515 : memref<128xi32, #tpu.memory_space<vmem>>) semaphore(%arg8 : memref<!tpu.dma_semaphore, #tpu.memory_space<semaphore_mem>>)
    %dma_start3A_519 = arith.constant 512 : i32
    %dma_start3A_520 = arith.constant 0 : i32
    %dma_start3A_521 = tpu.memref_slice %arg6[%dma_start3A_519, %dma_start3A_520] : memref<640x64xf32, #tpu.memory_space<vmem>> -> memref<128x64xf32, #tpu.memory_space<vmem>>
    %dma_start3A_522 = arith.constant 4352 : i32
    %dma_start3A_523 = tpu.memref_slice %arg5[%dma_start3A_522] : memref<6400xi32, #tpu.memory_space<vmem>> -> memref<128xi32, #tpu.memory_space<vmem>>
    %dma_start3A_524 = arith.constant 0 : i32
    %dma_start3A_525 = arith.constant 0 : i32
    %dma_start3A_526 = tpu.memref_slice %arg2[%dma_start3A_524, %dma_start3A_525] : memref<1000000x64xf32, #tpu.memory_space<hbm>> -> memref<1000000x64xf32, #tpu.memory_space<hbm>>
    tpu.enqueue_indirect_dma source(%dma_start3A_526 : memref<1000000x64xf32, #tpu.memory_space<hbm>>) target(%dma_start3A_521 : memref<128x64xf32, #tpu.memory_space<vmem>>) offsets(%dma_start3A_523 : memref<128xi32, #tpu.memory_space<vmem>>) semaphore(%arg8 : memref<!tpu.dma_semaphore, #tpu.memory_space<semaphore_mem>>)
    %dma_wait3A_527 = arith.constant 0 : i32
    %dma_wait3A_528 = arith.constant 0 : i32
    %dma_wait3A_529 = tpu.memref_slice %arg7[%dma_wait3A_527, %dma_wait3A_528] : memref<640x64xf32, #tpu.memory_space<vmem>> -> memref<128x64xf32, #tpu.memory_space<vmem>>
    %dma_wait3A_530 = arith.constant 3200 : i32
    %dma_wait3A_531 = tpu.memref_slice %arg5[%dma_wait3A_530] : memref<6400xi32, #tpu.memory_space<vmem>> -> memref<128xi32, #tpu.memory_space<vmem>>
    %dma_wait3A_532 = arith.constant 0 : i32
    %dma_wait3A_533 = arith.constant 0 : i32
    %dma_wait3A_534 = tpu.memref_slice %arg2[%dma_wait3A_532, %dma_wait3A_533] : memref<1000000x64xf32, #tpu.memory_space<hbm>> -> memref<1000000x64xf32, #tpu.memory_space<hbm>>
    tpu.wait_indirect_dma semaphore(%arg9 : memref<!tpu.dma_semaphore, #tpu.memory_space<semaphore_mem>>) src(%dma_wait3A_534 : memref<1000000x64xf32, #tpu.memory_space<hbm>>) dst(%dma_wait3A_529 : memref<128x64xf32, #tpu.memory_space<vmem>>)
    %dma_wait3A_535 = arith.constant 128 : i32
    %dma_wait3A_536 = arith.constant 0 : i32
    %dma_wait3A_537 = tpu.memref_slice %arg7[%dma_wait3A_535, %dma_wait3A_536] : memref<640x64xf32, #tpu.memory_space<vmem>> -> memref<128x64xf32, #tpu.memory_space<vmem>>
    %dma_wait3A_538 = arith.constant 3328 : i32
    %dma_wait3A_539 = tpu.memref_slice %arg5[%dma_wait3A_538] : memref<6400xi32, #tpu.memory_space<vmem>> -> memref<128xi32, #tpu.memory_space<vmem>>
    %dma_wait3A_540 = arith.constant 0 : i32
    %dma_wait3A_541 = arith.constant 0 : i32
    %dma_wait3A_542 = tpu.memref_slice %arg2[%dma_wait3A_540, %dma_wait3A_541] : memref<1000000x64xf32, #tpu.memory_space<hbm>> -> memref<1000000x64xf32, #tpu.memory_space<hbm>>
    tpu.wait_indirect_dma semaphore(%arg9 : memref<!tpu.dma_semaphore, #tpu.memory_space<semaphore_mem>>) src(%dma_wait3A_542 : memref<1000000x64xf32, #tpu.memory_space<hbm>>) dst(%dma_wait3A_537 : memref<128x64xf32, #tpu.memory_space<vmem>>)
    %dma_wait3A_543 = arith.constant 256 : i32
    %dma_wait3A_544 = arith.constant 0 : i32
    %dma_wait3A_545 = tpu.memref_slice %arg7[%dma_wait3A_543, %dma_wait3A_544] : memref<640x64xf32, #tpu.memory_space<vmem>> -> memref<128x64xf32, #tpu.memory_space<vmem>>
    %dma_wait3A_546 = arith.constant 3456 : i32
    %dma_wait3A_547 = tpu.memref_slice %arg5[%dma_wait3A_546] : memref<6400xi32, #tpu.memory_space<vmem>> -> memref<128xi32, #tpu.memory_space<vmem>>
    %dma_wait3A_548 = arith.constant 0 : i32
    %dma_wait3A_549 = arith.constant 0 : i32
    %dma_wait3A_550 = tpu.memref_slice %arg2[%dma_wait3A_548, %dma_wait3A_549] : memref<1000000x64xf32, #tpu.memory_space<hbm>> -> memref<1000000x64xf32, #tpu.memory_space<hbm>>
    tpu.wait_indirect_dma semaphore(%arg9 : memref<!tpu.dma_semaphore, #tpu.memory_space<semaphore_mem>>) src(%dma_wait3A_550 : memref<1000000x64xf32, #tpu.memory_space<hbm>>) dst(%dma_wait3A_545 : memref<128x64xf32, #tpu.memory_space<vmem>>)
    %dma_wait3A_551 = arith.constant 384 : i32
    %dma_wait3A_552 = arith.constant 0 : i32
    %dma_wait3A_553 = tpu.memref_slice %arg7[%dma_wait3A_551, %dma_wait3A_552] : memref<640x64xf32, #tpu.memory_space<vmem>> -> memref<128x64xf32, #tpu.memory_space<vmem>>
    %dma_wait3A_554 = arith.constant 3584 : i32
    %dma_wait3A_555 = tpu.memref_slice %arg5[%dma_wait3A_554] : memref<6400xi32, #tpu.memory_space<vmem>> -> memref<128xi32, #tpu.memory_space<vmem>>
    %dma_wait3A_556 = arith.constant 0 : i32
    %dma_wait3A_557 = arith.constant 0 : i32
    %dma_wait3A_558 = tpu.memref_slice %arg2[%dma_wait3A_556, %dma_wait3A_557] : memref<1000000x64xf32, #tpu.memory_space<hbm>> -> memref<1000000x64xf32, #tpu.memory_space<hbm>>
    tpu.wait_indirect_dma semaphore(%arg9 : memref<!tpu.dma_semaphore, #tpu.memory_space<semaphore_mem>>) src(%dma_wait3A_558 : memref<1000000x64xf32, #tpu.memory_space<hbm>>) dst(%dma_wait3A_553 : memref<128x64xf32, #tpu.memory_space<vmem>>)
    %dma_wait3A_559 = arith.constant 512 : i32
    %dma_wait3A_560 = arith.constant 0 : i32
    %dma_wait3A_561 = tpu.memref_slice %arg7[%dma_wait3A_559, %dma_wait3A_560] : memref<640x64xf32, #tpu.memory_space<vmem>> -> memref<128x64xf32, #tpu.memory_space<vmem>>
    %dma_wait3A_562 = arith.constant 3712 : i32
    %dma_wait3A_563 = tpu.memref_slice %arg5[%dma_wait3A_562] : memref<6400xi32, #tpu.memory_space<vmem>> -> memref<128xi32, #tpu.memory_space<vmem>>
    %dma_wait3A_564 = arith.constant 0 : i32
    %dma_wait3A_565 = arith.constant 0 : i32
    %dma_wait3A_566 = tpu.memref_slice %arg2[%dma_wait3A_564, %dma_wait3A_565] : memref<1000000x64xf32, #tpu.memory_space<hbm>> -> memref<1000000x64xf32, #tpu.memory_space<hbm>>
    tpu.wait_indirect_dma semaphore(%arg9 : memref<!tpu.dma_semaphore, #tpu.memory_space<semaphore_mem>>) src(%dma_wait3A_566 : memref<1000000x64xf32, #tpu.memory_space<hbm>>) dst(%dma_wait3A_561 : memref<128x64xf32, #tpu.memory_space<vmem>>)
    %scan3A_567 = arith.constant 0 : i32
    %scan3A_568 = arith.constant 0 : i32
    %scan3A_569 = arith.constant 160 : i32
    %scan3A_570 = arith.addi %scan3A_568, %scan3A_569 : i32
    %scan3A_571 = arith.constant 1 : i32
    %scan3A_572 = scf.for %scan3A_892 = %scan3A_568 to %scan3A_570 step %scan3A_571 iter_args(%scan3A_893 = %scan3A_567) -> (i32)  : i32 {
      %mul3A_894 = arith.constant 4 : i32
      %mul3A_895 = arith.muli %scan3A_892, %mul3A_894 : i32
      %add3A_896 = arith.constant 0 : i32
      %add3A_897 = arith.addi %mul3A_895, %add3A_896 : i32
      %get3A = arith.index_cast %add3A_897 : i32 to index
      %get3A_898 = arith.constant 0 : index
      %get3A_899 = tpu.vector_load %arg7[%get3A, %get3A_898] {strides = array<i32>} : memref<640x64xf32, #tpu.memory_space<vmem>>, vector<1x16xf32>,
      %get3A_900 = vector.shape_cast %get3A_899 : vector<1x16xf32> to vector<16xf32>
      %mul3A_901 = arith.constant 8.000000e+00 : f32
      %mul3A_902 = vector.broadcast %mul3A_901 : f32 to vector<16xf32>
      %mul3A_903 = arith.mulf %get3A_900, %mul3A_902 : vector<16xf32>
      %add3A_904 = arith.constant 0 : i32
      %add3A_905 = arith.addi %mul3A_895, %add3A_904 : i32
      %swap3A = arith.index_cast %add3A_905 : i32 to index
      %swap3A_906 = arith.constant 0 : index
      %swap3A_907 = tpu.vector_load %arg7[%swap3A, %swap3A_906] {strides = array<i32>} : memref<640x64xf32, #tpu.memory_space<vmem>>, vector<1x16xf32>,
      %swap3A_908 = vector.shape_cast %swap3A_907 : vector<1x16xf32> to vector<16xf32>
      %swap3A_909 = vector.shape_cast %mul3A_903 : vector<16xf32> to vector<1x16xf32>
      tpu.vector_store %arg7[%swap3A, %swap3A_906], %swap3A_909 {strides = array<i32>} : memref<640x64xf32, #tpu.memory_space<vmem>>, vector<1x16xf32>,
      %add3A_910 = arith.constant 0 : i32
      %add3A_911 = arith.addi %mul3A_895, %add3A_910 : i32
      %get3A_912 = arith.index_cast %add3A_911 : i32 to index
      %get3A_913 = arith.constant 16 : index
      %get3A_914 = tpu.vector_load %arg7[%get3A_912, %get3A_913] {strides = array<i32>} : memref<640x64xf32, #tpu.memory_space<vmem>>, vector<1x16xf32>,
      %get3A_915 = vector.shape_cast %get3A_914 : vector<1x16xf32> to vector<16xf32>
      %mul3A_916 = arith.constant 8.000000e+00 : f32
      %mul3A_917 = vector.broadcast %mul3A_916 : f32 to vector<16xf32>
      %mul3A_918 = arith.mulf %get3A_915, %mul3A_917 : vector<16xf32>
      %add3A_919 = arith.constant 0 : i32
      %add3A_920 = arith.addi %mul3A_895, %add3A_919 : i32
      %swap3A_921 = arith.index_cast %add3A_920 : i32 to index
      %swap3A_922 = arith.constant 16 : index
      %swap3A_923 = tpu.vector_load %arg7[%swap3A_921, %swap3A_922] {strides = array<i32>} : memref<640x64xf32, #tpu.memory_space<vmem>>, vector<1x16xf32>,
      %swap3A_924 = vector.shape_cast %swap3A_923 : vector<1x16xf32> to vector<16xf32>
      %swap3A_925 = vector.shape_cast %mul3A_918 : vector<16xf32> to vector<1x16xf32>
      tpu.vector_store %arg7[%swap3A_921, %swap3A_922], %swap3A_925 {strides = array<i32>} : memref<640x64xf32, #tpu.memory_space<vmem>>, vector<1x16xf32>,
      %add3A_926 = arith.constant 0 : i32
      %add3A_927 = arith.addi %mul3A_895, %add3A_926 : i32
      %get3A_928 = arith.index_cast %add3A_927 : i32 to index
      %get3A_929 = arith.constant 32 : index
      %get3A_930 = tpu.vector_load %arg7[%get3A_928, %get3A_929] {strides = array<i32>} : memref<640x64xf32, #tpu.memory_space<vmem>>, vector<1x16xf32>,
      %get3A_931 = vector.shape_cast %get3A_930 : vector<1x16xf32> to vector<16xf32>
      %mul3A_932 = arith.constant 8.000000e+00 : f32
      %mul3A_933 = vector.broadcast %mul3A_932 : f32 to vector<16xf32>
      %mul3A_934 = arith.mulf %get3A_931, %mul3A_933 : vector<16xf32>
      %add3A_935 = arith.constant 0 : i32
      %add3A_936 = arith.addi %mul3A_895, %add3A_935 : i32
      %swap3A_937 = arith.index_cast %add3A_936 : i32 to index
      %swap3A_938 = arith.constant 32 : index
      %swap3A_939 = tpu.vector_load %arg7[%swap3A_937, %swap3A_938] {strides = array<i32>} : memref<640x64xf32, #tpu.memory_space<vmem>>, vector<1x16xf32>,
      %swap3A_940 = vector.shape_cast %swap3A_939 : vector<1x16xf32> to vector<16xf32>
      %swap3A_941 = vector.shape_cast %mul3A_934 : vector<16xf32> to vector<1x16xf32>
      tpu.vector_store %arg7[%swap3A_937, %swap3A_938], %swap3A_941 {strides = array<i32>} : memref<640x64xf32, #tpu.memory_space<vmem>>, vector<1x16xf32>,
      %add3A_942 = arith.constant 0 : i32
      %add3A_943 = arith.addi %mul3A_895, %add3A_942 : i32
      %get3A_944 = arith.index_cast %add3A_943 : i32 to index
      %get3A_945 = arith.constant 48 : index
      %get3A_946 = tpu.vector_load %arg7[%get3A_944, %get3A_945] {strides = array<i32>} : memref<640x64xf32, #tpu.memory_space<vmem>>, vector<1x16xf32>,
      %get3A_947 = vector.shape_cast %get3A_946 : vector<1x16xf32> to vector<16xf32>
      %mul3A_948 = arith.constant 8.000000e+00 : f32
      %mul3A_949 = vector.broadcast %mul3A_948 : f32 to vector<16xf32>
      %mul3A_950 = arith.mulf %get3A_947, %mul3A_949 : vector<16xf32>
      %add3A_951 = arith.constant 0 : i32
      %add3A_952 = arith.addi %mul3A_895, %add3A_951 : i32
      %swap3A_953 = arith.index_cast %add3A_952 : i32 to index
      %swap3A_954 = arith.constant 48 : index
      %swap3A_955 = tpu.vector_load %arg7[%swap3A_953, %swap3A_954] {strides = array<i32>} : memref<640x64xf32, #tpu.memory_space<vmem>>, vector<1x16xf32>,
      %swap3A_956 = vector.shape_cast %swap3A_955 : vector<1x16xf32> to vector<16xf32>
      %swap3A_957 = vector.shape_cast %mul3A_950 : vector<16xf32> to vector<1x16xf32>
      tpu.vector_store %arg7[%swap3A_953, %swap3A_954], %swap3A_957 {strides = array<i32>} : memref<640x64xf32, #tpu.memory_space<vmem>>, vector<1x16xf32>,
      %add3A_958 = arith.constant 1 : i32
      %add3A_959 = arith.addi %mul3A_895, %add3A_958 : i32
      %get3A_960 = arith.index_cast %add3A_959 : i32 to index
      %get3A_961 = arith.constant 0 : index
      %get3A_962 = tpu.vector_load %arg7[%get3A_960, %get3A_961] {strides = array<i32>} : memref<640x64xf32, #tpu.memory_space<vmem>>, vector<1x16xf32>,
      %get3A_963 = vector.shape_cast %get3A_962 : vector<1x16xf32> to vector<16xf32>
      %mul3A_964 = arith.constant 8.000000e+00 : f32
      %mul3A_965 = vector.broadcast %mul3A_964 : f32 to vector<16xf32>
      %mul3A_966 = arith.mulf %get3A_963, %mul3A_965 : vector<16xf32>
      %add3A_967 = arith.constant 1 : i32
      %add3A_968 = arith.addi %mul3A_895, %add3A_967 : i32
      %swap3A_969 = arith.index_cast %add3A_968 : i32 to index
      %swap3A_970 = arith.constant 0 : index
      %swap3A_971 = tpu.vector_load %arg7[%swap3A_969, %swap3A_970] {strides = array<i32>} : memref<640x64xf32, #tpu.memory_space<vmem>>, vector<1x16xf32>,
      %swap3A_972 = vector.shape_cast %swap3A_971 : vector<1x16xf32> to vector<16xf32>
      %swap3A_973 = vector.shape_cast %mul3A_966 : vector<16xf32> to vector<1x16xf32>
      tpu.vector_store %arg7[%swap3A_969, %swap3A_970], %swap3A_973 {strides = array<i32>} : memref<640x64xf32, #tpu.memory_space<vmem>>, vector<1x16xf32>,
      %add3A_974 = arith.constant 1 : i32
      %add3A_975 = arith.addi %mul3A_895, %add3A_974 : i32
      %get3A_976 = arith.index_cast %add3A_975 : i32 to index
      %get3A_977 = arith.constant 16 : index
      %get3A_978 = tpu.vector_load %arg7[%get3A_976, %get3A_977] {strides = array<i32>} : memref<640x64xf32, #tpu.memory_space<vmem>>, vector<1x16xf32>,
      %get3A_979 = vector.shape_cast %get3A_978 : vector<1x16xf32> to vector<16xf32>
      %mul3A_980 = arith.constant 8.000000e+00 : f32
      %mul3A_981 = vector.broadcast %mul3A_980 : f32 to vector<16xf32>
      %mul3A_982 = arith.mulf %get3A_979, %mul3A_981 : vector<16xf32>
      %add3A_983 = arith.constant 1 : i32
      %add3A_984 = arith.addi %mul3A_895, %add3A_983 : i32
      %swap3A_985 = arith.index_cast %add3A_984 : i32 to index
      %swap3A_986 = arith.constant 16 : index
      %swap3A_987 = tpu.vector_load %arg7[%swap3A_985, %swap3A_986] {strides = array<i32>} : memref<640x64xf32, #tpu.memory_space<vmem>>, vector<1x16xf32>,
      %swap3A_988 = vector.shape_cast %swap3A_987 : vector<1x16xf32> to vector<16xf32>
      %swap3A_989 = vector.shape_cast %mul3A_982 : vector<16xf32> to vector<1x16xf32>
      tpu.vector_store %arg7[%swap3A_985, %swap3A_986], %swap3A_989 {strides = array<i32>} : memref<640x64xf32, #tpu.memory_space<vmem>>, vector<1x16xf32>,
      %add3A_990 = arith.constant 1 : i32
      %add3A_991 = arith.addi %mul3A_895, %add3A_990 : i32
      %get3A_992 = arith.index_cast %add3A_991 : i32 to index
      %get3A_993 = arith.constant 32 : index
      %get3A_994 = tpu.vector_load %arg7[%get3A_992, %get3A_993] {strides = array<i32>} : memref<640x64xf32, #tpu.memory_space<vmem>>, vector<1x16xf32>,
      %get3A_995 = vector.shape_cast %get3A_994 : vector<1x16xf32> to vector<16xf32>
      %mul3A_996 = arith.constant 8.000000e+00 : f32
      %mul3A_997 = vector.broadcast %mul3A_996 : f32 to vector<16xf32>
      %mul3A_998 = arith.mulf %get3A_995, %mul3A_997 : vector<16xf32>
      %add3A_999 = arith.constant 1 : i32
      %add3A_1000 = arith.addi %mul3A_895, %add3A_999 : i32
      %swap3A_1001 = arith.index_cast %add3A_1000 : i32 to index
      %swap3A_1002 = arith.constant 32 : index
      %swap3A_1003 = tpu.vector_load %arg7[%swap3A_1001, %swap3A_1002] {strides = array<i32>} : memref<640x64xf32, #tpu.memory_space<vmem>>, vector<1x16xf32>,
      %swap3A_1004 = vector.shape_cast %swap3A_1003 : vector<1x16xf32> to vector<16xf32>
      %swap3A_1005 = vector.shape_cast %mul3A_998 : vector<16xf32> to vector<1x16xf32>
      tpu.vector_store %arg7[%swap3A_1001, %swap3A_1002], %swap3A_1005 {strides = array<i32>} : memref<640x64xf32, #tpu.memory_space<vmem>>, vector<1x16xf32>,
      %add3A_1006 = arith.constant 1 : i32
      %add3A_1007 = arith.addi %mul3A_895, %add3A_1006 : i32
      %get3A_1008 = arith.index_cast %add3A_1007 : i32 to index
      %get3A_1009 = arith.constant 48 : index
      %get3A_1010 = tpu.vector_load %arg7[%get3A_1008, %get3A_1009] {strides = array<i32>} : memref<640x64xf32, #tpu.memory_space<vmem>>, vector<1x16xf32>,
      %get3A_1011 = vector.shape_cast %get3A_1010 : vector<1x16xf32> to vector<16xf32>
      %mul3A_1012 = arith.constant 8.000000e+00 : f32
      %mul3A_1013 = vector.broadcast %mul3A_1012 : f32 to vector<16xf32>
      %mul3A_1014 = arith.mulf %get3A_1011, %mul3A_1013 : vector<16xf32>
      %add3A_1015 = arith.constant 1 : i32
      %add3A_1016 = arith.addi %mul3A_895, %add3A_1015 : i32
      %swap3A_1017 = arith.index_cast %add3A_1016 : i32 to index
      %swap3A_1018 = arith.constant 48 : index
      %swap3A_1019 = tpu.vector_load %arg7[%swap3A_1017, %swap3A_1018] {strides = array<i32>} : memref<640x64xf32, #tpu.memory_space<vmem>>, vector<1x16xf32>,
      %swap3A_1020 = vector.shape_cast %swap3A_1019 : vector<1x16xf32> to vector<16xf32>
      %swap3A_1021 = vector.shape_cast %mul3A_1014 : vector<16xf32> to vector<1x16xf32>
      tpu.vector_store %arg7[%swap3A_1017, %swap3A_1018], %swap3A_1021 {strides = array<i32>} : memref<640x64xf32, #tpu.memory_space<vmem>>, vector<1x16xf32>,
      %add3A_1022 = arith.constant 2 : i32
      %add3A_1023 = arith.addi %mul3A_895, %add3A_1022 : i32
      %get3A_1024 = arith.index_cast %add3A_1023 : i32 to index
      %get3A_1025 = arith.constant 0 : index
      %get3A_1026 = tpu.vector_load %arg7[%get3A_1024, %get3A_1025] {strides = array<i32>} : memref<640x64xf32, #tpu.memory_space<vmem>>, vector<1x16xf32>,
      %get3A_1027 = vector.shape_cast %get3A_1026 : vector<1x16xf32> to vector<16xf32>
      %mul3A_1028 = arith.constant 8.000000e+00 : f32
      %mul3A_1029 = vector.broadcast %mul3A_1028 : f32 to vector<16xf32>
      %mul3A_1030 = arith.mulf %get3A_1027, %mul3A_1029 : vector<16xf32>
      %add3A_1031 = arith.constant 2 : i32
      %add3A_1032 = arith.addi %mul3A_895, %add3A_1031 : i32
      %swap3A_1033 = arith.index_cast %add3A_1032 : i32 to index
      %swap3A_1034 = arith.constant 0 : index
      %swap3A_1035 = tpu.vector_load %arg7[%swap3A_1033, %swap3A_1034] {strides = array<i32>} : memref<640x64xf32, #tpu.memory_space<vmem>>, vector<1x16xf32>,
      %swap3A_1036 = vector.shape_cast %swap3A_1035 : vector<1x16xf32> to vector<16xf32>
      %swap3A_1037 = vector.shape_cast %mul3A_1030 : vector<16xf32> to vector<1x16xf32>
      tpu.vector_store %arg7[%swap3A_1033, %swap3A_1034], %swap3A_1037 {strides = array<i32>} : memref<640x64xf32, #tpu.memory_space<vmem>>, vector<1x16xf32>,
      %add3A_1038 = arith.constant 2 : i32
      %add3A_1039 = arith.addi %mul3A_895, %add3A_1038 : i32
      %get3A_1040 = arith.index_cast %add3A_1039 : i32 to index
      %get3A_1041 = arith.constant 16 : index
      %get3A_1042 = tpu.vector_load %arg7[%get3A_1040, %get3A_1041] {strides = array<i32>} : memref<640x64xf32, #tpu.memory_space<vmem>>, vector<1x16xf32>,
      %get3A_1043 = vector.shape_cast %get3A_1042 : vector<1x16xf32> to vector<16xf32>
      %mul3A_1044 = arith.constant 8.000000e+00 : f32
      %mul3A_1045 = vector.broadcast %mul3A_1044 : f32 to vector<16xf32>
      %mul3A_1046 = arith.mulf %get3A_1043, %mul3A_1045 : vector<16xf32>
      %add3A_1047 = arith.constant 2 : i32
      %add3A_1048 = arith.addi %mul3A_895, %add3A_1047 : i32
      %swap3A_1049 = arith.index_cast %add3A_1048 : i32 to index
      %swap3A_1050 = arith.constant 16 : index
      %swap3A_1051 = tpu.vector_load %arg7[%swap3A_1049, %swap3A_1050] {strides = array<i32>} : memref<640x64xf32, #tpu.memory_space<vmem>>, vector<1x16xf32>,
      %swap3A_1052 = vector.shape_cast %swap3A_1051 : vector<1x16xf32> to vector<16xf32>
      %swap3A_1053 = vector.shape_cast %mul3A_1046 : vector<16xf32> to vector<1x16xf32>
      tpu.vector_store %arg7[%swap3A_1049, %swap3A_1050], %swap3A_1053 {strides = array<i32>} : memref<640x64xf32, #tpu.memory_space<vmem>>, vector<1x16xf32>,
      %add3A_1054 = arith.constant 2 : i32
      %add3A_1055 = arith.addi %mul3A_895, %add3A_1054 : i32
      %get3A_1056 = arith.index_cast %add3A_1055 : i32 to index
      %get3A_1057 = arith.constant 32 : index
      %get3A_1058 = tpu.vector_load %arg7[%get3A_1056, %get3A_1057] {strides = array<i32>} : memref<640x64xf32, #tpu.memory_space<vmem>>, vector<1x16xf32>,
      %get3A_1059 = vector.shape_cast %get3A_1058 : vector<1x16xf32> to vector<16xf32>
      %mul3A_1060 = arith.constant 8.000000e+00 : f32
      %mul3A_1061 = vector.broadcast %mul3A_1060 : f32 to vector<16xf32>
      %mul3A_1062 = arith.mulf %get3A_1059, %mul3A_1061 : vector<16xf32>
      %add3A_1063 = arith.constant 2 : i32
      %add3A_1064 = arith.addi %mul3A_895, %add3A_1063 : i32
      %swap3A_1065 = arith.index_cast %add3A_1064 : i32 to index
      %swap3A_1066 = arith.constant 32 : index
      %swap3A_1067 = tpu.vector_load %arg7[%swap3A_1065, %swap3A_1066] {strides = array<i32>} : memref<640x64xf32, #tpu.memory_space<vmem>>, vector<1x16xf32>,
      %swap3A_1068 = vector.shape_cast %swap3A_1067 : vector<1x16xf32> to vector<16xf32>
      %swap3A_1069 = vector.shape_cast %mul3A_1062 : vector<16xf32> to vector<1x16xf32>
      tpu.vector_store %arg7[%swap3A_1065, %swap3A_1066], %swap3A_1069 {strides = array<i32>} : memref<640x64xf32, #tpu.memory_space<vmem>>, vector<1x16xf32>,
      %add3A_1070 = arith.constant 2 : i32
      %add3A_1071 = arith.addi %mul3A_895, %add3A_1070 : i32
      %get3A_1072 = arith.index_cast %add3A_1071 : i32 to index
      %get3A_1073 = arith.constant 48 : index
      %get3A_1074 = tpu.vector_load %arg7[%get3A_1072, %get3A_1073] {strides = array<i32>} : memref<640x64xf32, #tpu.memory_space<vmem>>, vector<1x16xf32>,
      %get3A_1075 = vector.shape_cast %get3A_1074 : vector<1x16xf32> to vector<16xf32>
      %mul3A_1076 = arith.constant 8.000000e+00 : f32
      %mul3A_1077 = vector.broadcast %mul3A_1076 : f32 to vector<16xf32>
      %mul3A_1078 = arith.mulf %get3A_1075, %mul3A_1077 : vector<16xf32>
      %add3A_1079 = arith.constant 2 : i32
      %add3A_1080 = arith.addi %mul3A_895, %add3A_1079 : i32
      %swap3A_1081 = arith.index_cast %add3A_1080 : i32 to index
      %swap3A_1082 = arith.constant 48 : index
      %swap3A_1083 = tpu.vector_load %arg7[%swap3A_1081, %swap3A_1082] {strides = array<i32>} : memref<640x64xf32, #tpu.memory_space<vmem>>, vector<1x16xf32>,
      %swap3A_1084 = vector.shape_cast %swap3A_1083 : vector<1x16xf32> to vector<16xf32>
      %swap3A_1085 = vector.shape_cast %mul3A_1078 : vector<16xf32> to vector<1x16xf32>
      tpu.vector_store %arg7[%swap3A_1081, %swap3A_1082], %swap3A_1085 {strides = array<i32>} : memref<640x64xf32, #tpu.memory_space<vmem>>, vector<1x16xf32>,
      %add3A_1086 = arith.constant 3 : i32
      %add3A_1087 = arith.addi %mul3A_895, %add3A_1086 : i32
      %get3A_1088 = arith.index_cast %add3A_1087 : i32 to index
      %get3A_1089 = arith.constant 0 : index
      %get3A_1090 = tpu.vector_load %arg7[%get3A_1088, %get3A_1089] {strides = array<i32>} : memref<640x64xf32, #tpu.memory_space<vmem>>, vector<1x16xf32>,
      %get3A_1091 = vector.shape_cast %get3A_1090 : vector<1x16xf32> to vector<16xf32>
      %mul3A_1092 = arith.constant 8.000000e+00 : f32
      %mul3A_1093 = vector.broadcast %mul3A_1092 : f32 to vector<16xf32>
      %mul3A_1094 = arith.mulf %get3A_1091, %mul3A_1093 : vector<16xf32>
      %add3A_1095 = arith.constant 3 : i32
      %add3A_1096 = arith.addi %mul3A_895, %add3A_1095 : i32
      %swap3A_1097 = arith.index_cast %add3A_1096 : i32 to index
      %swap3A_1098 = arith.constant 0 : index
      %swap3A_1099 = tpu.vector_load %arg7[%swap3A_1097, %swap3A_1098] {strides = array<i32>} : memref<640x64xf32, #tpu.memory_space<vmem>>, vector<1x16xf32>,
      %swap3A_1100 = vector.shape_cast %swap3A_1099 : vector<1x16xf32> to vector<16xf32>
      %swap3A_1101 = vector.shape_cast %mul3A_1094 : vector<16xf32> to vector<1x16xf32>
      tpu.vector_store %arg7[%swap3A_1097, %swap3A_1098], %swap3A_1101 {strides = array<i32>} : memref<640x64xf32, #tpu.memory_space<vmem>>, vector<1x16xf32>,
      %add3A_1102 = arith.constant 3 : i32
      %add3A_1103 = arith.addi %mul3A_895, %add3A_1102 : i32
      %get3A_1104 = arith.index_cast %add3A_1103 : i32 to index
      %get3A_1105 = arith.constant 16 : index
      %get3A_1106 = tpu.vector_load %arg7[%get3A_1104, %get3A_1105] {strides = array<i32>} : memref<640x64xf32, #tpu.memory_space<vmem>>, vector<1x16xf32>,
      %get3A_1107 = vector.shape_cast %get3A_1106 : vector<1x16xf32> to vector<16xf32>
      %mul3A_1108 = arith.constant 8.000000e+00 : f32
      %mul3A_1109 = vector.broadcast %mul3A_1108 : f32 to vector<16xf32>
      %mul3A_1110 = arith.mulf %get3A_1107, %mul3A_1109 : vector<16xf32>
      %add3A_1111 = arith.constant 3 : i32
      %add3A_1112 = arith.addi %mul3A_895, %add3A_1111 : i32
      %swap3A_1113 = arith.index_cast %add3A_1112 : i32 to index
      %swap3A_1114 = arith.constant 16 : index
      %swap3A_1115 = tpu.vector_load %arg7[%swap3A_1113, %swap3A_1114] {strides = array<i32>} : memref<640x64xf32, #tpu.memory_space<vmem>>, vector<1x16xf32>,
      %swap3A_1116 = vector.shape_cast %swap3A_1115 : vector<1x16xf32> to vector<16xf32>
      %swap3A_1117 = vector.shape_cast %mul3A_1110 : vector<16xf32> to vector<1x16xf32>
      tpu.vector_store %arg7[%swap3A_1113, %swap3A_1114], %swap3A_1117 {strides = array<i32>} : memref<640x64xf32, #tpu.memory_space<vmem>>, vector<1x16xf32>,
      %add3A_1118 = arith.constant 3 : i32
      %add3A_1119 = arith.addi %mul3A_895, %add3A_1118 : i32
      %get3A_1120 = arith.index_cast %add3A_1119 : i32 to index
      %get3A_1121 = arith.constant 32 : index
      %get3A_1122 = tpu.vector_load %arg7[%get3A_1120, %get3A_1121] {strides = array<i32>} : memref<640x64xf32, #tpu.memory_space<vmem>>, vector<1x16xf32>,
      %get3A_1123 = vector.shape_cast %get3A_1122 : vector<1x16xf32> to vector<16xf32>
      %mul3A_1124 = arith.constant 8.000000e+00 : f32
      %mul3A_1125 = vector.broadcast %mul3A_1124 : f32 to vector<16xf32>
      %mul3A_1126 = arith.mulf %get3A_1123, %mul3A_1125 : vector<16xf32>
      %add3A_1127 = arith.constant 3 : i32
      %add3A_1128 = arith.addi %mul3A_895, %add3A_1127 : i32
      %swap3A_1129 = arith.index_cast %add3A_1128 : i32 to index
      %swap3A_1130 = arith.constant 32 : index
      %swap3A_1131 = tpu.vector_load %arg7[%swap3A_1129, %swap3A_1130] {strides = array<i32>} : memref<640x64xf32, #tpu.memory_space<vmem>>, vector<1x16xf32>,
      %swap3A_1132 = vector.shape_cast %swap3A_1131 : vector<1x16xf32> to vector<16xf32>
      %swap3A_1133 = vector.shape_cast %mul3A_1126 : vector<16xf32> to vector<1x16xf32>
      tpu.vector_store %arg7[%swap3A_1129, %swap3A_1130], %swap3A_1133 {strides = array<i32>} : memref<640x64xf32, #tpu.memory_space<vmem>>, vector<1x16xf32>,
      %add3A_1134 = arith.constant 3 : i32
      %add3A_1135 = arith.addi %mul3A_895, %add3A_1134 : i32
      %get3A_1136 = arith.index_cast %add3A_1135 : i32 to index
      %get3A_1137 = arith.constant 48 : index
      %get3A_1138 = tpu.vector_load %arg7[%get3A_1136, %get3A_1137] {strides = array<i32>} : memref<640x64xf32, #tpu.memory_space<vmem>>, vector<1x16xf32>,
      %get3A_1139 = vector.shape_cast %get3A_1138 : vector<1x16xf32> to vector<16xf32>
      %mul3A_1140 = arith.constant 8.000000e+00 : f32
      %mul3A_1141 = vector.broadcast %mul3A_1140 : f32 to vector<16xf32>
      %mul3A_1142 = arith.mulf %get3A_1139, %mul3A_1141 : vector<16xf32>
      %add3A_1143 = arith.constant 3 : i32
      %add3A_1144 = arith.addi %mul3A_895, %add3A_1143 : i32
      %swap3A_1145 = arith.index_cast %add3A_1144 : i32 to index
      %swap3A_1146 = arith.constant 48 : index
      %swap3A_1147 = tpu.vector_load %arg7[%swap3A_1145, %swap3A_1146] {strides = array<i32>} : memref<640x64xf32, #tpu.memory_space<vmem>>, vector<1x16xf32>,
      %swap3A_1148 = vector.shape_cast %swap3A_1147 : vector<1x16xf32> to vector<16xf32>
      %swap3A_1149 = vector.shape_cast %mul3A_1142 : vector<16xf32> to vector<1x16xf32>
      tpu.vector_store %arg7[%swap3A_1145, %swap3A_1146], %swap3A_1149 {strides = array<i32>} : memref<640x64xf32, #tpu.memory_space<vmem>>, vector<1x16xf32>,
      %scan3A_1150 = arith.constant 0 : i32
      scf.yield %scan3A_1150 : i32
    }
    %scan3A_573 = arith.constant 160 : i32
    %add3A_574 = arith.constant 3200 : i32
    %add3A_575 = arith.addi %mul3A_4, %add3A_574 : i32
    "tpu.region"() ({
      %run_scoped3A = tpu.sem_alloc : memref<!tpu.dma_semaphore, #tpu.memory_space<semaphore_mem>>
      %dma_start3A_892 = arith.constant 0 : i32
      %dma_start3A_893 = tpu.memref_slice %arg4[%add3A_575, %dma_start3A_892] : memref<204800x64xf32, #tpu.memory_space<hbm>> -> memref<640x64xf32, #tpu.memory_space<hbm>>
      %dma_start3A_894 = arith.constant 0 : i32
      %dma_start3A_895 = tpu.memref_slice %arg4[%add3A_575, %dma_start3A_894] : memref<204800x64xf32, #tpu.memory_space<hbm>> -> memref<640x64xf32, #tpu.memory_space<hbm>>
      tpu.enqueue_dma source(%arg7 : memref<640x64xf32, #tpu.memory_space<vmem>>) target(%dma_start3A_895 : memref<640x64xf32, #tpu.memory_space<hbm>>) target_semaphore(%run_scoped3A : memref<!tpu.dma_semaphore, #tpu.memory_space<semaphore_mem>>)
      %dma_wait3A_896 = arith.constant 0 : i32
      %dma_wait3A_897 = tpu.memref_slice %arg4[%add3A_575, %dma_wait3A_896] : memref<204800x64xf32, #tpu.memory_space<hbm>> -> memref<640x64xf32, #tpu.memory_space<hbm>>
      %dma_wait3A_898 = arith.constant 0 : i32
      %dma_wait3A_899 = tpu.memref_slice %arg4[%add3A_575, %dma_wait3A_898] : memref<204800x64xf32, #tpu.memory_space<hbm>> -> memref<640x64xf32, #tpu.memory_space<hbm>>
      tpu.wait_dma2 semaphore(%run_scoped3A : memref<!tpu.dma_semaphore, #tpu.memory_space<semaphore_mem>>) src(%arg7 : memref<640x64xf32, #tpu.memory_space<vmem>>) dst(%dma_wait3A_899 : memref<640x64xf32, #tpu.memory_space<hbm>>)
      tpu.yield
    }) : () -> ()
    %dma_start3A_576 = arith.constant 0 : i32
    %dma_start3A_577 = arith.constant 0 : i32
    %dma_start3A_578 = tpu.memref_slice %arg7[%dma_start3A_576, %dma_start3A_577] : memref<640x64xf32, #tpu.memory_space<vmem>> -> memref<128x64xf32, #tpu.memory_space<vmem>>
    %dma_start3A_579 = arith.constant 4480 : i32
    %dma_start3A_580 = tpu.memref_slice %arg5[%dma_start3A_579] : memref<6400xi32, #tpu.memory_space<vmem>> -> memref<128xi32, #tpu.memory_space<vmem>>
    %dma_start3A_581 = arith.constant 0 : i32
    %dma_start3A_582 = arith.constant 0 : i32
    %dma_start3A_583 = tpu.memref_slice %arg2[%dma_start3A_581, %dma_start3A_582] : memref<1000000x64xf32, #tpu.memory_space<hbm>> -> memref<1000000x64xf32, #tpu.memory_space<hbm>>
    tpu.enqueue_indirect_dma source(%dma_start3A_583 : memref<1000000x64xf32, #tpu.memory_space<hbm>>) target(%dma_start3A_578 : memref<128x64xf32, #tpu.memory_space<vmem>>) offsets(%dma_start3A_580 : memref<128xi32, #tpu.memory_space<vmem>>) semaphore(%arg9 : memref<!tpu.dma_semaphore, #tpu.memory_space<semaphore_mem>>)
    %dma_start3A_584 = arith.constant 128 : i32
    %dma_start3A_585 = arith.constant 0 : i32
    %dma_start3A_586 = tpu.memref_slice %arg7[%dma_start3A_584, %dma_start3A_585] : memref<640x64xf32, #tpu.memory_space<vmem>> -> memref<128x64xf32, #tpu.memory_space<vmem>>
    %dma_start3A_587 = arith.constant 4608 : i32
    %dma_start3A_588 = tpu.memref_slice %arg5[%dma_start3A_587] : memref<6400xi32, #tpu.memory_space<vmem>> -> memref<128xi32, #tpu.memory_space<vmem>>
    %dma_start3A_589 = arith.constant 0 : i32
    %dma_start3A_590 = arith.constant 0 : i32
    %dma_start3A_591 = tpu.memref_slice %arg2[%dma_start3A_589, %dma_start3A_590] : memref<1000000x64xf32, #tpu.memory_space<hbm>> -> memref<1000000x64xf32, #tpu.memory_space<hbm>>
    tpu.enqueue_indirect_dma source(%dma_start3A_591 : memref<1000000x64xf32, #tpu.memory_space<hbm>>) target(%dma_start3A_586 : memref<128x64xf32, #tpu.memory_space<vmem>>) offsets(%dma_start3A_588 : memref<128xi32, #tpu.memory_space<vmem>>) semaphore(%arg9 : memref<!tpu.dma_semaphore, #tpu.memory_space<semaphore_mem>>)
    %dma_start3A_592 = arith.constant 256 : i32
    %dma_start3A_593 = arith.constant 0 : i32
    %dma_start3A_594 = tpu.memref_slice %arg7[%dma_start3A_592, %dma_start3A_593] : memref<640x64xf32, #tpu.memory_space<vmem>> -> memref<128x64xf32, #tpu.memory_space<vmem>>
    %dma_start3A_595 = arith.constant 4736 : i32
    %dma_start3A_596 = tpu.memref_slice %arg5[%dma_start3A_595] : memref<6400xi32, #tpu.memory_space<vmem>> -> memref<128xi32, #tpu.memory_space<vmem>>
    %dma_start3A_597 = arith.constant 0 : i32
    %dma_start3A_598 = arith.constant 0 : i32
    %dma_start3A_599 = tpu.memref_slice %arg2[%dma_start3A_597, %dma_start3A_598] : memref<1000000x64xf32, #tpu.memory_space<hbm>> -> memref<1000000x64xf32, #tpu.memory_space<hbm>>
    tpu.enqueue_indirect_dma source(%dma_start3A_599 : memref<1000000x64xf32, #tpu.memory_space<hbm>>) target(%dma_start3A_594 : memref<128x64xf32, #tpu.memory_space<vmem>>) offsets(%dma_start3A_596 : memref<128xi32, #tpu.memory_space<vmem>>) semaphore(%arg9 : memref<!tpu.dma_semaphore, #tpu.memory_space<semaphore_mem>>)
    %dma_start3A_600 = arith.constant 384 : i32
    %dma_start3A_601 = arith.constant 0 : i32
    %dma_start3A_602 = tpu.memref_slice %arg7[%dma_start3A_600, %dma_start3A_601] : memref<640x64xf32, #tpu.memory_space<vmem>> -> memref<128x64xf32, #tpu.memory_space<vmem>>
    %dma_start3A_603 = arith.constant 4864 : i32
    %dma_start3A_604 = tpu.memref_slice %arg5[%dma_start3A_603] : memref<6400xi32, #tpu.memory_space<vmem>> -> memref<128xi32, #tpu.memory_space<vmem>>
    %dma_start3A_605 = arith.constant 0 : i32
    %dma_start3A_606 = arith.constant 0 : i32
    %dma_start3A_607 = tpu.memref_slice %arg2[%dma_start3A_605, %dma_start3A_606] : memref<1000000x64xf32, #tpu.memory_space<hbm>> -> memref<1000000x64xf32, #tpu.memory_space<hbm>>
    tpu.enqueue_indirect_dma source(%dma_start3A_607 : memref<1000000x64xf32, #tpu.memory_space<hbm>>) target(%dma_start3A_602 : memref<128x64xf32, #tpu.memory_space<vmem>>) offsets(%dma_start3A_604 : memref<128xi32, #tpu.memory_space<vmem>>) semaphore(%arg9 : memref<!tpu.dma_semaphore, #tpu.memory_space<semaphore_mem>>)
    %dma_start3A_608 = arith.constant 512 : i32
    %dma_start3A_609 = arith.constant 0 : i32
    %dma_start3A_610 = tpu.memref_slice %arg7[%dma_start3A_608, %dma_start3A_609] : memref<640x64xf32, #tpu.memory_space<vmem>> -> memref<128x64xf32, #tpu.memory_space<vmem>>
    %dma_start3A_611 = arith.constant 4992 : i32
    %dma_start3A_612 = tpu.memref_slice %arg5[%dma_start3A_611] : memref<6400xi32, #tpu.memory_space<vmem>> -> memref<128xi32, #tpu.memory_space<vmem>>
    %dma_start3A_613 = arith.constant 0 : i32
    %dma_start3A_614 = arith.constant 0 : i32
    %dma_start3A_615 = tpu.memref_slice %arg2[%dma_start3A_613, %dma_start3A_614] : memref<1000000x64xf32, #tpu.memory_space<hbm>> -> memref<1000000x64xf32, #tpu.memory_space<hbm>>
    tpu.enqueue_indirect_dma source(%dma_start3A_615 : memref<1000000x64xf32, #tpu.memory_space<hbm>>) target(%dma_start3A_610 : memref<128x64xf32, #tpu.memory_space<vmem>>) offsets(%dma_start3A_612 : memref<128xi32, #tpu.memory_space<vmem>>) semaphore(%arg9 : memref<!tpu.dma_semaphore, #tpu.memory_space<semaphore_mem>>)
    %dma_wait3A_616 = arith.constant 0 : i32
    %dma_wait3A_617 = arith.constant 0 : i32
    %dma_wait3A_618 = tpu.memref_slice %arg6[%dma_wait3A_616, %dma_wait3A_617] : memref<640x64xf32, #tpu.memory_space<vmem>> -> memref<128x64xf32, #tpu.memory_space<vmem>>
    %dma_wait3A_619 = arith.constant 3840 : i32
    %dma_wait3A_620 = tpu.memref_slice %arg5[%dma_wait3A_619] : memref<6400xi32, #tpu.memory_space<vmem>> -> memref<128xi32, #tpu.memory_space<vmem>>
    %dma_wait3A_621 = arith.constant 0 : i32
    %dma_wait3A_622 = arith.constant 0 : i32
    %dma_wait3A_623 = tpu.memref_slice %arg2[%dma_wait3A_621, %dma_wait3A_622] : memref<1000000x64xf32, #tpu.memory_space<hbm>> -> memref<1000000x64xf32, #tpu.memory_space<hbm>>
    tpu.wait_indirect_dma semaphore(%arg8 : memref<!tpu.dma_semaphore, #tpu.memory_space<semaphore_mem>>) src(%dma_wait3A_623 : memref<1000000x64xf32, #tpu.memory_space<hbm>>) dst(%dma_wait3A_618 : memref<128x64xf32, #tpu.memory_space<vmem>>)
    %dma_wait3A_624 = arith.constant 128 : i32
    %dma_wait3A_625 = arith.constant 0 : i32
    %dma_wait3A_626 = tpu.memref_slice %arg6[%dma_wait3A_624, %dma_wait3A_625] : memref<640x64xf32, #tpu.memory_space<vmem>> -> memref<128x64xf32, #tpu.memory_space<vmem>>
    %dma_wait3A_627 = arith.constant 3968 : i32
    %dma_wait3A_628 = tpu.memref_slice %arg5[%dma_wait3A_627] : memref<6400xi32, #tpu.memory_space<vmem>> -> memref<128xi32, #tpu.memory_space<vmem>>
    %dma_wait3A_629 = arith.constant 0 : i32
    %dma_wait3A_630 = arith.constant 0 : i32
    %dma_wait3A_631 = tpu.memref_slice %arg2[%dma_wait3A_629, %dma_wait3A_630] : memref<1000000x64xf32, #tpu.memory_space<hbm>> -> memref<1000000x64xf32, #tpu.memory_space<hbm>>
    tpu.wait_indirect_dma semaphore(%arg8 : memref<!tpu.dma_semaphore, #tpu.memory_space<semaphore_mem>>) src(%dma_wait3A_631 : memref<1000000x64xf32, #tpu.memory_space<hbm>>) dst(%dma_wait3A_626 : memref<128x64xf32, #tpu.memory_space<vmem>>)
    %dma_wait3A_632 = arith.constant 256 : i32
    %dma_wait3A_633 = arith.constant 0 : i32
    %dma_wait3A_634 = tpu.memref_slice %arg6[%dma_wait3A_632, %dma_wait3A_633] : memref<640x64xf32, #tpu.memory_space<vmem>> -> memref<128x64xf32, #tpu.memory_space<vmem>>
    %dma_wait3A_635 = arith.constant 4096 : i32
    %dma_wait3A_636 = tpu.memref_slice %arg5[%dma_wait3A_635] : memref<6400xi32, #tpu.memory_space<vmem>> -> memref<128xi32, #tpu.memory_space<vmem>>
    %dma_wait3A_637 = arith.constant 0 : i32
    %dma_wait3A_638 = arith.constant 0 : i32
    %dma_wait3A_639 = tpu.memref_slice %arg2[%dma_wait3A_637, %dma_wait3A_638] : memref<1000000x64xf32, #tpu.memory_space<hbm>> -> memref<1000000x64xf32, #tpu.memory_space<hbm>>
    tpu.wait_indirect_dma semaphore(%arg8 : memref<!tpu.dma_semaphore, #tpu.memory_space<semaphore_mem>>) src(%dma_wait3A_639 : memref<1000000x64xf32, #tpu.memory_space<hbm>>) dst(%dma_wait3A_634 : memref<128x64xf32, #tpu.memory_space<vmem>>)
    %dma_wait3A_640 = arith.constant 384 : i32
    %dma_wait3A_641 = arith.constant 0 : i32
    %dma_wait3A_642 = tpu.memref_slice %arg6[%dma_wait3A_640, %dma_wait3A_641] : memref<640x64xf32, #tpu.memory_space<vmem>> -> memref<128x64xf32, #tpu.memory_space<vmem>>
    %dma_wait3A_643 = arith.constant 4224 : i32
    %dma_wait3A_644 = tpu.memref_slice %arg5[%dma_wait3A_643] : memref<6400xi32, #tpu.memory_space<vmem>> -> memref<128xi32, #tpu.memory_space<vmem>>
    %dma_wait3A_645 = arith.constant 0 : i32
    %dma_wait3A_646 = arith.constant 0 : i32
    %dma_wait3A_647 = tpu.memref_slice %arg2[%dma_wait3A_645, %dma_wait3A_646] : memref<1000000x64xf32, #tpu.memory_space<hbm>> -> memref<1000000x64xf32, #tpu.memory_space<hbm>>
    tpu.wait_indirect_dma semaphore(%arg8 : memref<!tpu.dma_semaphore, #tpu.memory_space<semaphore_mem>>) src(%dma_wait3A_647 : memref<1000000x64xf32, #tpu.memory_space<hbm>>) dst(%dma_wait3A_642 : memref<128x64xf32, #tpu.memory_space<vmem>>)
    %dma_wait3A_648 = arith.constant 512 : i32
    %dma_wait3A_649 = arith.constant 0 : i32
    %dma_wait3A_650 = tpu.memref_slice %arg6[%dma_wait3A_648, %dma_wait3A_649] : memref<640x64xf32, #tpu.memory_space<vmem>> -> memref<128x64xf32, #tpu.memory_space<vmem>>
    %dma_wait3A_651 = arith.constant 4352 : i32
    %dma_wait3A_652 = tpu.memref_slice %arg5[%dma_wait3A_651] : memref<6400xi32, #tpu.memory_space<vmem>> -> memref<128xi32, #tpu.memory_space<vmem>>
    %dma_wait3A_653 = arith.constant 0 : i32
    %dma_wait3A_654 = arith.constant 0 : i32
    %dma_wait3A_655 = tpu.memref_slice %arg2[%dma_wait3A_653, %dma_wait3A_654] : memref<1000000x64xf32, #tpu.memory_space<hbm>> -> memref<1000000x64xf32, #tpu.memory_space<hbm>>
    tpu.wait_indirect_dma semaphore(%arg8 : memref<!tpu.dma_semaphore, #tpu.memory_space<semaphore_mem>>) src(%dma_wait3A_655 : memref<1000000x64xf32, #tpu.memory_space<hbm>>) dst(%dma_wait3A_650 : memref<128x64xf32, #tpu.memory_space<vmem>>)
    %scan3A_656 = arith.constant 0 : i32
    %scan3A_657 = arith.constant 0 : i32
    %scan3A_658 = arith.constant 160 : i32
    %scan3A_659 = arith.addi %scan3A_657, %scan3A_658 : i32
    %scan3A_660 = arith.constant 1 : i32
    %scan3A_661 = scf.for %scan3A_892 = %scan3A_657 to %scan3A_659 step %scan3A_660 iter_args(%scan3A_893 = %scan3A_656) -> (i32)  : i32 {
      %mul3A_894 = arith.constant 4 : i32
      %mul3A_895 = arith.muli %scan3A_892, %mul3A_894 : i32
      %add3A_896 = arith.constant 0 : i32
      %add3A_897 = arith.addi %mul3A_895, %add3A_896 : i32
      %get3A = arith.index_cast %add3A_897 : i32 to index
      %get3A_898 = arith.constant 0 : index
      %get3A_899 = tpu.vector_load %arg6[%get3A, %get3A_898] {strides = array<i32>} : memref<640x64xf32, #tpu.memory_space<vmem>>, vector<1x16xf32>,
      %get3A_900 = vector.shape_cast %get3A_899 : vector<1x16xf32> to vector<16xf32>
      %mul3A_901 = arith.constant 8.000000e+00 : f32
      %mul3A_902 = vector.broadcast %mul3A_901 : f32 to vector<16xf32>
      %mul3A_903 = arith.mulf %get3A_900, %mul3A_902 : vector<16xf32>
      %add3A_904 = arith.constant 0 : i32
      %add3A_905 = arith.addi %mul3A_895, %add3A_904 : i32
      %swap3A = arith.index_cast %add3A_905 : i32 to index
      %swap3A_906 = arith.constant 0 : index
      %swap3A_907 = tpu.vector_load %arg6[%swap3A, %swap3A_906] {strides = array<i32>} : memref<640x64xf32, #tpu.memory_space<vmem>>, vector<1x16xf32>,
      %swap3A_908 = vector.shape_cast %swap3A_907 : vector<1x16xf32> to vector<16xf32>
      %swap3A_909 = vector.shape_cast %mul3A_903 : vector<16xf32> to vector<1x16xf32>
      tpu.vector_store %arg6[%swap3A, %swap3A_906], %swap3A_909 {strides = array<i32>} : memref<640x64xf32, #tpu.memory_space<vmem>>, vector<1x16xf32>,
      %add3A_910 = arith.constant 0 : i32
      %add3A_911 = arith.addi %mul3A_895, %add3A_910 : i32
      %get3A_912 = arith.index_cast %add3A_911 : i32 to index
      %get3A_913 = arith.constant 16 : index
      %get3A_914 = tpu.vector_load %arg6[%get3A_912, %get3A_913] {strides = array<i32>} : memref<640x64xf32, #tpu.memory_space<vmem>>, vector<1x16xf32>,
      %get3A_915 = vector.shape_cast %get3A_914 : vector<1x16xf32> to vector<16xf32>
      %mul3A_916 = arith.constant 8.000000e+00 : f32
      %mul3A_917 = vector.broadcast %mul3A_916 : f32 to vector<16xf32>
      %mul3A_918 = arith.mulf %get3A_915, %mul3A_917 : vector<16xf32>
      %add3A_919 = arith.constant 0 : i32
      %add3A_920 = arith.addi %mul3A_895, %add3A_919 : i32
      %swap3A_921 = arith.index_cast %add3A_920 : i32 to index
      %swap3A_922 = arith.constant 16 : index
      %swap3A_923 = tpu.vector_load %arg6[%swap3A_921, %swap3A_922] {strides = array<i32>} : memref<640x64xf32, #tpu.memory_space<vmem>>, vector<1x16xf32>,
      %swap3A_924 = vector.shape_cast %swap3A_923 : vector<1x16xf32> to vector<16xf32>
      %swap3A_925 = vector.shape_cast %mul3A_918 : vector<16xf32> to vector<1x16xf32>
      tpu.vector_store %arg6[%swap3A_921, %swap3A_922], %swap3A_925 {strides = array<i32>} : memref<640x64xf32, #tpu.memory_space<vmem>>, vector<1x16xf32>,
      %add3A_926 = arith.constant 0 : i32
      %add3A_927 = arith.addi %mul3A_895, %add3A_926 : i32
      %get3A_928 = arith.index_cast %add3A_927 : i32 to index
      %get3A_929 = arith.constant 32 : index
      %get3A_930 = tpu.vector_load %arg6[%get3A_928, %get3A_929] {strides = array<i32>} : memref<640x64xf32, #tpu.memory_space<vmem>>, vector<1x16xf32>,
      %get3A_931 = vector.shape_cast %get3A_930 : vector<1x16xf32> to vector<16xf32>
      %mul3A_932 = arith.constant 8.000000e+00 : f32
      %mul3A_933 = vector.broadcast %mul3A_932 : f32 to vector<16xf32>
      %mul3A_934 = arith.mulf %get3A_931, %mul3A_933 : vector<16xf32>
      %add3A_935 = arith.constant 0 : i32
      %add3A_936 = arith.addi %mul3A_895, %add3A_935 : i32
      %swap3A_937 = arith.index_cast %add3A_936 : i32 to index
      %swap3A_938 = arith.constant 32 : index
      %swap3A_939 = tpu.vector_load %arg6[%swap3A_937, %swap3A_938] {strides = array<i32>} : memref<640x64xf32, #tpu.memory_space<vmem>>, vector<1x16xf32>,
      %swap3A_940 = vector.shape_cast %swap3A_939 : vector<1x16xf32> to vector<16xf32>
      %swap3A_941 = vector.shape_cast %mul3A_934 : vector<16xf32> to vector<1x16xf32>
      tpu.vector_store %arg6[%swap3A_937, %swap3A_938], %swap3A_941 {strides = array<i32>} : memref<640x64xf32, #tpu.memory_space<vmem>>, vector<1x16xf32>,
      %add3A_942 = arith.constant 0 : i32
      %add3A_943 = arith.addi %mul3A_895, %add3A_942 : i32
      %get3A_944 = arith.index_cast %add3A_943 : i32 to index
      %get3A_945 = arith.constant 48 : index
      %get3A_946 = tpu.vector_load %arg6[%get3A_944, %get3A_945] {strides = array<i32>} : memref<640x64xf32, #tpu.memory_space<vmem>>, vector<1x16xf32>,
      %get3A_947 = vector.shape_cast %get3A_946 : vector<1x16xf32> to vector<16xf32>
      %mul3A_948 = arith.constant 8.000000e+00 : f32
      %mul3A_949 = vector.broadcast %mul3A_948 : f32 to vector<16xf32>
      %mul3A_950 = arith.mulf %get3A_947, %mul3A_949 : vector<16xf32>
      %add3A_951 = arith.constant 0 : i32
      %add3A_952 = arith.addi %mul3A_895, %add3A_951 : i32
      %swap3A_953 = arith.index_cast %add3A_952 : i32 to index
      %swap3A_954 = arith.constant 48 : index
      %swap3A_955 = tpu.vector_load %arg6[%swap3A_953, %swap3A_954] {strides = array<i32>} : memref<640x64xf32, #tpu.memory_space<vmem>>, vector<1x16xf32>,
      %swap3A_956 = vector.shape_cast %swap3A_955 : vector<1x16xf32> to vector<16xf32>
      %swap3A_957 = vector.shape_cast %mul3A_950 : vector<16xf32> to vector<1x16xf32>
      tpu.vector_store %arg6[%swap3A_953, %swap3A_954], %swap3A_957 {strides = array<i32>} : memref<640x64xf32, #tpu.memory_space<vmem>>, vector<1x16xf32>,
      %add3A_958 = arith.constant 1 : i32
      %add3A_959 = arith.addi %mul3A_895, %add3A_958 : i32
      %get3A_960 = arith.index_cast %add3A_959 : i32 to index
      %get3A_961 = arith.constant 0 : index
      %get3A_962 = tpu.vector_load %arg6[%get3A_960, %get3A_961] {strides = array<i32>} : memref<640x64xf32, #tpu.memory_space<vmem>>, vector<1x16xf32>,
      %get3A_963 = vector.shape_cast %get3A_962 : vector<1x16xf32> to vector<16xf32>
      %mul3A_964 = arith.constant 8.000000e+00 : f32
      %mul3A_965 = vector.broadcast %mul3A_964 : f32 to vector<16xf32>
      %mul3A_966 = arith.mulf %get3A_963, %mul3A_965 : vector<16xf32>
      %add3A_967 = arith.constant 1 : i32
      %add3A_968 = arith.addi %mul3A_895, %add3A_967 : i32
      %swap3A_969 = arith.index_cast %add3A_968 : i32 to index
      %swap3A_970 = arith.constant 0 : index
      %swap3A_971 = tpu.vector_load %arg6[%swap3A_969, %swap3A_970] {strides = array<i32>} : memref<640x64xf32, #tpu.memory_space<vmem>>, vector<1x16xf32>,
      %swap3A_972 = vector.shape_cast %swap3A_971 : vector<1x16xf32> to vector<16xf32>
      %swap3A_973 = vector.shape_cast %mul3A_966 : vector<16xf32> to vector<1x16xf32>
      tpu.vector_store %arg6[%swap3A_969, %swap3A_970], %swap3A_973 {strides = array<i32>} : memref<640x64xf32, #tpu.memory_space<vmem>>, vector<1x16xf32>,
      %add3A_974 = arith.constant 1 : i32
      %add3A_975 = arith.addi %mul3A_895, %add3A_974 : i32
      %get3A_976 = arith.index_cast %add3A_975 : i32 to index
      %get3A_977 = arith.constant 16 : index
      %get3A_978 = tpu.vector_load %arg6[%get3A_976, %get3A_977] {strides = array<i32>} : memref<640x64xf32, #tpu.memory_space<vmem>>, vector<1x16xf32>,
      %get3A_979 = vector.shape_cast %get3A_978 : vector<1x16xf32> to vector<16xf32>
      %mul3A_980 = arith.constant 8.000000e+00 : f32
      %mul3A_981 = vector.broadcast %mul3A_980 : f32 to vector<16xf32>
      %mul3A_982 = arith.mulf %get3A_979, %mul3A_981 : vector<16xf32>
      %add3A_983 = arith.constant 1 : i32
      %add3A_984 = arith.addi %mul3A_895, %add3A_983 : i32
      %swap3A_985 = arith.index_cast %add3A_984 : i32 to index
      %swap3A_986 = arith.constant 16 : index
      %swap3A_987 = tpu.vector_load %arg6[%swap3A_985, %swap3A_986] {strides = array<i32>} : memref<640x64xf32, #tpu.memory_space<vmem>>, vector<1x16xf32>,
      %swap3A_988 = vector.shape_cast %swap3A_987 : vector<1x16xf32> to vector<16xf32>
      %swap3A_989 = vector.shape_cast %mul3A_982 : vector<16xf32> to vector<1x16xf32>
      tpu.vector_store %arg6[%swap3A_985, %swap3A_986], %swap3A_989 {strides = array<i32>} : memref<640x64xf32, #tpu.memory_space<vmem>>, vector<1x16xf32>,
      %add3A_990 = arith.constant 1 : i32
      %add3A_991 = arith.addi %mul3A_895, %add3A_990 : i32
      %get3A_992 = arith.index_cast %add3A_991 : i32 to index
      %get3A_993 = arith.constant 32 : index
      %get3A_994 = tpu.vector_load %arg6[%get3A_992, %get3A_993] {strides = array<i32>} : memref<640x64xf32, #tpu.memory_space<vmem>>, vector<1x16xf32>,
      %get3A_995 = vector.shape_cast %get3A_994 : vector<1x16xf32> to vector<16xf32>
      %mul3A_996 = arith.constant 8.000000e+00 : f32
      %mul3A_997 = vector.broadcast %mul3A_996 : f32 to vector<16xf32>
      %mul3A_998 = arith.mulf %get3A_995, %mul3A_997 : vector<16xf32>
      %add3A_999 = arith.constant 1 : i32
      %add3A_1000 = arith.addi %mul3A_895, %add3A_999 : i32
      %swap3A_1001 = arith.index_cast %add3A_1000 : i32 to index
      %swap3A_1002 = arith.constant 32 : index
      %swap3A_1003 = tpu.vector_load %arg6[%swap3A_1001, %swap3A_1002] {strides = array<i32>} : memref<640x64xf32, #tpu.memory_space<vmem>>, vector<1x16xf32>,
      %swap3A_1004 = vector.shape_cast %swap3A_1003 : vector<1x16xf32> to vector<16xf32>
      %swap3A_1005 = vector.shape_cast %mul3A_998 : vector<16xf32> to vector<1x16xf32>
      tpu.vector_store %arg6[%swap3A_1001, %swap3A_1002], %swap3A_1005 {strides = array<i32>} : memref<640x64xf32, #tpu.memory_space<vmem>>, vector<1x16xf32>,
      %add3A_1006 = arith.constant 1 : i32
      %add3A_1007 = arith.addi %mul3A_895, %add3A_1006 : i32
      %get3A_1008 = arith.index_cast %add3A_1007 : i32 to index
      %get3A_1009 = arith.constant 48 : index
      %get3A_1010 = tpu.vector_load %arg6[%get3A_1008, %get3A_1009] {strides = array<i32>} : memref<640x64xf32, #tpu.memory_space<vmem>>, vector<1x16xf32>,
      %get3A_1011 = vector.shape_cast %get3A_1010 : vector<1x16xf32> to vector<16xf32>
      %mul3A_1012 = arith.constant 8.000000e+00 : f32
      %mul3A_1013 = vector.broadcast %mul3A_1012 : f32 to vector<16xf32>
      %mul3A_1014 = arith.mulf %get3A_1011, %mul3A_1013 : vector<16xf32>
      %add3A_1015 = arith.constant 1 : i32
      %add3A_1016 = arith.addi %mul3A_895, %add3A_1015 : i32
      %swap3A_1017 = arith.index_cast %add3A_1016 : i32 to index
      %swap3A_1018 = arith.constant 48 : index
      %swap3A_1019 = tpu.vector_load %arg6[%swap3A_1017, %swap3A_1018] {strides = array<i32>} : memref<640x64xf32, #tpu.memory_space<vmem>>, vector<1x16xf32>,
      %swap3A_1020 = vector.shape_cast %swap3A_1019 : vector<1x16xf32> to vector<16xf32>
      %swap3A_1021 = vector.shape_cast %mul3A_1014 : vector<16xf32> to vector<1x16xf32>
      tpu.vector_store %arg6[%swap3A_1017, %swap3A_1018], %swap3A_1021 {strides = array<i32>} : memref<640x64xf32, #tpu.memory_space<vmem>>, vector<1x16xf32>,
      %add3A_1022 = arith.constant 2 : i32
      %add3A_1023 = arith.addi %mul3A_895, %add3A_1022 : i32
      %get3A_1024 = arith.index_cast %add3A_1023 : i32 to index
      %get3A_1025 = arith.constant 0 : index
      %get3A_1026 = tpu.vector_load %arg6[%get3A_1024, %get3A_1025] {strides = array<i32>} : memref<640x64xf32, #tpu.memory_space<vmem>>, vector<1x16xf32>,
      %get3A_1027 = vector.shape_cast %get3A_1026 : vector<1x16xf32> to vector<16xf32>
      %mul3A_1028 = arith.constant 8.000000e+00 : f32
      %mul3A_1029 = vector.broadcast %mul3A_1028 : f32 to vector<16xf32>
      %mul3A_1030 = arith.mulf %get3A_1027, %mul3A_1029 : vector<16xf32>
      %add3A_1031 = arith.constant 2 : i32
      %add3A_1032 = arith.addi %mul3A_895, %add3A_1031 : i32
      %swap3A_1033 = arith.index_cast %add3A_1032 : i32 to index
      %swap3A_1034 = arith.constant 0 : index
      %swap3A_1035 = tpu.vector_load %arg6[%swap3A_1033, %swap3A_1034] {strides = array<i32>} : memref<640x64xf32, #tpu.memory_space<vmem>>, vector<1x16xf32>,
      %swap3A_1036 = vector.shape_cast %swap3A_1035 : vector<1x16xf32> to vector<16xf32>
      %swap3A_1037 = vector.shape_cast %mul3A_1030 : vector<16xf32> to vector<1x16xf32>
      tpu.vector_store %arg6[%swap3A_1033, %swap3A_1034], %swap3A_1037 {strides = array<i32>} : memref<640x64xf32, #tpu.memory_space<vmem>>, vector<1x16xf32>,
      %add3A_1038 = arith.constant 2 : i32
      %add3A_1039 = arith.addi %mul3A_895, %add3A_1038 : i32
      %get3A_1040 = arith.index_cast %add3A_1039 : i32 to index
      %get3A_1041 = arith.constant 16 : index
      %get3A_1042 = tpu.vector_load %arg6[%get3A_1040, %get3A_1041] {strides = array<i32>} : memref<640x64xf32, #tpu.memory_space<vmem>>, vector<1x16xf32>,
      %get3A_1043 = vector.shape_cast %get3A_1042 : vector<1x16xf32> to vector<16xf32>
      %mul3A_1044 = arith.constant 8.000000e+00 : f32
      %mul3A_1045 = vector.broadcast %mul3A_1044 : f32 to vector<16xf32>
      %mul3A_1046 = arith.mulf %get3A_1043, %mul3A_1045 : vector<16xf32>
      %add3A_1047 = arith.constant 2 : i32
      %add3A_1048 = arith.addi %mul3A_895, %add3A_1047 : i32
      %swap3A_1049 = arith.index_cast %add3A_1048 : i32 to index
      %swap3A_1050 = arith.constant 16 : index
      %swap3A_1051 = tpu.vector_load %arg6[%swap3A_1049, %swap3A_1050] {strides = array<i32>} : memref<640x64xf32, #tpu.memory_space<vmem>>, vector<1x16xf32>,
      %swap3A_1052 = vector.shape_cast %swap3A_1051 : vector<1x16xf32> to vector<16xf32>
      %swap3A_1053 = vector.shape_cast %mul3A_1046 : vector<16xf32> to vector<1x16xf32>
      tpu.vector_store %arg6[%swap3A_1049, %swap3A_1050], %swap3A_1053 {strides = array<i32>} : memref<640x64xf32, #tpu.memory_space<vmem>>, vector<1x16xf32>,
      %add3A_1054 = arith.constant 2 : i32
      %add3A_1055 = arith.addi %mul3A_895, %add3A_1054 : i32
      %get3A_1056 = arith.index_cast %add3A_1055 : i32 to index
      %get3A_1057 = arith.constant 32 : index
      %get3A_1058 = tpu.vector_load %arg6[%get3A_1056, %get3A_1057] {strides = array<i32>} : memref<640x64xf32, #tpu.memory_space<vmem>>, vector<1x16xf32>,
      %get3A_1059 = vector.shape_cast %get3A_1058 : vector<1x16xf32> to vector<16xf32>
      %mul3A_1060 = arith.constant 8.000000e+00 : f32
      %mul3A_1061 = vector.broadcast %mul3A_1060 : f32 to vector<16xf32>
      %mul3A_1062 = arith.mulf %get3A_1059, %mul3A_1061 : vector<16xf32>
      %add3A_1063 = arith.constant 2 : i32
      %add3A_1064 = arith.addi %mul3A_895, %add3A_1063 : i32
      %swap3A_1065 = arith.index_cast %add3A_1064 : i32 to index
      %swap3A_1066 = arith.constant 32 : index
      %swap3A_1067 = tpu.vector_load %arg6[%swap3A_1065, %swap3A_1066] {strides = array<i32>} : memref<640x64xf32, #tpu.memory_space<vmem>>, vector<1x16xf32>,
      %swap3A_1068 = vector.shape_cast %swap3A_1067 : vector<1x16xf32> to vector<16xf32>
      %swap3A_1069 = vector.shape_cast %mul3A_1062 : vector<16xf32> to vector<1x16xf32>
      tpu.vector_store %arg6[%swap3A_1065, %swap3A_1066], %swap3A_1069 {strides = array<i32>} : memref<640x64xf32, #tpu.memory_space<vmem>>, vector<1x16xf32>,
      %add3A_1070 = arith.constant 2 : i32
      %add3A_1071 = arith.addi %mul3A_895, %add3A_1070 : i32
      %get3A_1072 = arith.index_cast %add3A_1071 : i32 to index
      %get3A_1073 = arith.constant 48 : index
      %get3A_1074 = tpu.vector_load %arg6[%get3A_1072, %get3A_1073] {strides = array<i32>} : memref<640x64xf32, #tpu.memory_space<vmem>>, vector<1x16xf32>,
      %get3A_1075 = vector.shape_cast %get3A_1074 : vector<1x16xf32> to vector<16xf32>
      %mul3A_1076 = arith.constant 8.000000e+00 : f32
      %mul3A_1077 = vector.broadcast %mul3A_1076 : f32 to vector<16xf32>
      %mul3A_1078 = arith.mulf %get3A_1075, %mul3A_1077 : vector<16xf32>
      %add3A_1079 = arith.constant 2 : i32
      %add3A_1080 = arith.addi %mul3A_895, %add3A_1079 : i32
      %swap3A_1081 = arith.index_cast %add3A_1080 : i32 to index
      %swap3A_1082 = arith.constant 48 : index
      %swap3A_1083 = tpu.vector_load %arg6[%swap3A_1081, %swap3A_1082] {strides = array<i32>} : memref<640x64xf32, #tpu.memory_space<vmem>>, vector<1x16xf32>,
      %swap3A_1084 = vector.shape_cast %swap3A_1083 : vector<1x16xf32> to vector<16xf32>
      %swap3A_1085 = vector.shape_cast %mul3A_1078 : vector<16xf32> to vector<1x16xf32>
      tpu.vector_store %arg6[%swap3A_1081, %swap3A_1082], %swap3A_1085 {strides = array<i32>} : memref<640x64xf32, #tpu.memory_space<vmem>>, vector<1x16xf32>,
      %add3A_1086 = arith.constant 3 : i32
      %add3A_1087 = arith.addi %mul3A_895, %add3A_1086 : i32
      %get3A_1088 = arith.index_cast %add3A_1087 : i32 to index
      %get3A_1089 = arith.constant 0 : index
      %get3A_1090 = tpu.vector_load %arg6[%get3A_1088, %get3A_1089] {strides = array<i32>} : memref<640x64xf32, #tpu.memory_space<vmem>>, vector<1x16xf32>,
      %get3A_1091 = vector.shape_cast %get3A_1090 : vector<1x16xf32> to vector<16xf32>
      %mul3A_1092 = arith.constant 8.000000e+00 : f32
      %mul3A_1093 = vector.broadcast %mul3A_1092 : f32 to vector<16xf32>
      %mul3A_1094 = arith.mulf %get3A_1091, %mul3A_1093 : vector<16xf32>
      %add3A_1095 = arith.constant 3 : i32
      %add3A_1096 = arith.addi %mul3A_895, %add3A_1095 : i32
      %swap3A_1097 = arith.index_cast %add3A_1096 : i32 to index
      %swap3A_1098 = arith.constant 0 : index
      %swap3A_1099 = tpu.vector_load %arg6[%swap3A_1097, %swap3A_1098] {strides = array<i32>} : memref<640x64xf32, #tpu.memory_space<vmem>>, vector<1x16xf32>,
      %swap3A_1100 = vector.shape_cast %swap3A_1099 : vector<1x16xf32> to vector<16xf32>
      %swap3A_1101 = vector.shape_cast %mul3A_1094 : vector<16xf32> to vector<1x16xf32>
      tpu.vector_store %arg6[%swap3A_1097, %swap3A_1098], %swap3A_1101 {strides = array<i32>} : memref<640x64xf32, #tpu.memory_space<vmem>>, vector<1x16xf32>,
      %add3A_1102 = arith.constant 3 : i32
      %add3A_1103 = arith.addi %mul3A_895, %add3A_1102 : i32
      %get3A_1104 = arith.index_cast %add3A_1103 : i32 to index
      %get3A_1105 = arith.constant 16 : index
      %get3A_1106 = tpu.vector_load %arg6[%get3A_1104, %get3A_1105] {strides = array<i32>} : memref<640x64xf32, #tpu.memory_space<vmem>>, vector<1x16xf32>,
      %get3A_1107 = vector.shape_cast %get3A_1106 : vector<1x16xf32> to vector<16xf32>
      %mul3A_1108 = arith.constant 8.000000e+00 : f32
      %mul3A_1109 = vector.broadcast %mul3A_1108 : f32 to vector<16xf32>
      %mul3A_1110 = arith.mulf %get3A_1107, %mul3A_1109 : vector<16xf32>
      %add3A_1111 = arith.constant 3 : i32
      %add3A_1112 = arith.addi %mul3A_895, %add3A_1111 : i32
      %swap3A_1113 = arith.index_cast %add3A_1112 : i32 to index
      %swap3A_1114 = arith.constant 16 : index
      %swap3A_1115 = tpu.vector_load %arg6[%swap3A_1113, %swap3A_1114] {strides = array<i32>} : memref<640x64xf32, #tpu.memory_space<vmem>>, vector<1x16xf32>,
      %swap3A_1116 = vector.shape_cast %swap3A_1115 : vector<1x16xf32> to vector<16xf32>
      %swap3A_1117 = vector.shape_cast %mul3A_1110 : vector<16xf32> to vector<1x16xf32>
      tpu.vector_store %arg6[%swap3A_1113, %swap3A_1114], %swap3A_1117 {strides = array<i32>} : memref<640x64xf32, #tpu.memory_space<vmem>>, vector<1x16xf32>,
      %add3A_1118 = arith.constant 3 : i32
      %add3A_1119 = arith.addi %mul3A_895, %add3A_1118 : i32
      %get3A_1120 = arith.index_cast %add3A_1119 : i32 to index
      %get3A_1121 = arith.constant 32 : index
      %get3A_1122 = tpu.vector_load %arg6[%get3A_1120, %get3A_1121] {strides = array<i32>} : memref<640x64xf32, #tpu.memory_space<vmem>>, vector<1x16xf32>,
      %get3A_1123 = vector.shape_cast %get3A_1122 : vector<1x16xf32> to vector<16xf32>
      %mul3A_1124 = arith.constant 8.000000e+00 : f32
      %mul3A_1125 = vector.broadcast %mul3A_1124 : f32 to vector<16xf32>
      %mul3A_1126 = arith.mulf %get3A_1123, %mul3A_1125 : vector<16xf32>
      %add3A_1127 = arith.constant 3 : i32
      %add3A_1128 = arith.addi %mul3A_895, %add3A_1127 : i32
      %swap3A_1129 = arith.index_cast %add3A_1128 : i32 to index
      %swap3A_1130 = arith.constant 32 : index
      %swap3A_1131 = tpu.vector_load %arg6[%swap3A_1129, %swap3A_1130] {strides = array<i32>} : memref<640x64xf32, #tpu.memory_space<vmem>>, vector<1x16xf32>,
      %swap3A_1132 = vector.shape_cast %swap3A_1131 : vector<1x16xf32> to vector<16xf32>
      %swap3A_1133 = vector.shape_cast %mul3A_1126 : vector<16xf32> to vector<1x16xf32>
      tpu.vector_store %arg6[%swap3A_1129, %swap3A_1130], %swap3A_1133 {strides = array<i32>} : memref<640x64xf32, #tpu.memory_space<vmem>>, vector<1x16xf32>,
      %add3A_1134 = arith.constant 3 : i32
      %add3A_1135 = arith.addi %mul3A_895, %add3A_1134 : i32
      %get3A_1136 = arith.index_cast %add3A_1135 : i32 to index
      %get3A_1137 = arith.constant 48 : index
      %get3A_1138 = tpu.vector_load %arg6[%get3A_1136, %get3A_1137] {strides = array<i32>} : memref<640x64xf32, #tpu.memory_space<vmem>>, vector<1x16xf32>,
      %get3A_1139 = vector.shape_cast %get3A_1138 : vector<1x16xf32> to vector<16xf32>
      %mul3A_1140 = arith.constant 8.000000e+00 : f32
      %mul3A_1141 = vector.broadcast %mul3A_1140 : f32 to vector<16xf32>
      %mul3A_1142 = arith.mulf %get3A_1139, %mul3A_1141 : vector<16xf32>
      %add3A_1143 = arith.constant 3 : i32
      %add3A_1144 = arith.addi %mul3A_895, %add3A_1143 : i32
      %swap3A_1145 = arith.index_cast %add3A_1144 : i32 to index
      %swap3A_1146 = arith.constant 48 : index
      %swap3A_1147 = tpu.vector_load %arg6[%swap3A_1145, %swap3A_1146] {strides = array<i32>} : memref<640x64xf32, #tpu.memory_space<vmem>>, vector<1x16xf32>,
      %swap3A_1148 = vector.shape_cast %swap3A_1147 : vector<1x16xf32> to vector<16xf32>
      %swap3A_1149 = vector.shape_cast %mul3A_1142 : vector<16xf32> to vector<1x16xf32>
      tpu.vector_store %arg6[%swap3A_1145, %swap3A_1146], %swap3A_1149 {strides = array<i32>} : memref<640x64xf32, #tpu.memory_space<vmem>>, vector<1x16xf32>,
      %scan3A_1150 = arith.constant 0 : i32
      scf.yield %scan3A_1150 : i32
    }
    %scan3A_662 = arith.constant 160 : i32
    %add3A_663 = arith.constant 3840 : i32
    %add3A_664 = arith.addi %mul3A_4, %add3A_663 : i32
    "tpu.region"() ({
      %run_scoped3A = tpu.sem_alloc : memref<!tpu.dma_semaphore, #tpu.memory_space<semaphore_mem>>
      %dma_start3A_892 = arith.constant 0 : i32
      %dma_start3A_893 = tpu.memref_slice %arg4[%add3A_664, %dma_start3A_892] : memref<204800x64xf32, #tpu.memory_space<hbm>> -> memref<640x64xf32, #tpu.memory_space<hbm>>
      %dma_start3A_894 = arith.constant 0 : i32
      %dma_start3A_895 = tpu.memref_slice %arg4[%add3A_664, %dma_start3A_894] : memref<204800x64xf32, #tpu.memory_space<hbm>> -> memref<640x64xf32, #tpu.memory_space<hbm>>
      tpu.enqueue_dma source(%arg6 : memref<640x64xf32, #tpu.memory_space<vmem>>) target(%dma_start3A_895 : memref<640x64xf32, #tpu.memory_space<hbm>>) target_semaphore(%run_scoped3A : memref<!tpu.dma_semaphore, #tpu.memory_space<semaphore_mem>>)
      %dma_wait3A_896 = arith.constant 0 : i32
      %dma_wait3A_897 = tpu.memref_slice %arg4[%add3A_664, %dma_wait3A_896] : memref<204800x64xf32, #tpu.memory_space<hbm>> -> memref<640x64xf32, #tpu.memory_space<hbm>>
      %dma_wait3A_898 = arith.constant 0 : i32
      %dma_wait3A_899 = tpu.memref_slice %arg4[%add3A_664, %dma_wait3A_898] : memref<204800x64xf32, #tpu.memory_space<hbm>> -> memref<640x64xf32, #tpu.memory_space<hbm>>
      tpu.wait_dma2 semaphore(%run_scoped3A : memref<!tpu.dma_semaphore, #tpu.memory_space<semaphore_mem>>) src(%arg6 : memref<640x64xf32, #tpu.memory_space<vmem>>) dst(%dma_wait3A_899 : memref<640x64xf32, #tpu.memory_space<hbm>>)
      tpu.yield
    }) : () -> ()
    %dma_start3A_665 = arith.constant 0 : i32
    %dma_start3A_666 = arith.constant 0 : i32
    %dma_start3A_667 = tpu.memref_slice %arg6[%dma_start3A_665, %dma_start3A_666] : memref<640x64xf32, #tpu.memory_space<vmem>> -> memref<128x64xf32, #tpu.memory_space<vmem>>
    %dma_start3A_668 = arith.constant 5120 : i32
    %dma_start3A_669 = tpu.memref_slice %arg5[%dma_start3A_668] : memref<6400xi32, #tpu.memory_space<vmem>> -> memref<128xi32, #tpu.memory_space<vmem>>
    %dma_start3A_670 = arith.constant 0 : i32
    %dma_start3A_671 = arith.constant 0 : i32
    %dma_start3A_672 = tpu.memref_slice %arg2[%dma_start3A_670, %dma_start3A_671] : memref<1000000x64xf32, #tpu.memory_space<hbm>> -> memref<1000000x64xf32, #tpu.memory_space<hbm>>
    tpu.enqueue_indirect_dma source(%dma_start3A_672 : memref<1000000x64xf32, #tpu.memory_space<hbm>>) target(%dma_start3A_667 : memref<128x64xf32, #tpu.memory_space<vmem>>) offsets(%dma_start3A_669 : memref<128xi32, #tpu.memory_space<vmem>>) semaphore(%arg8 : memref<!tpu.dma_semaphore, #tpu.memory_space<semaphore_mem>>)
    %dma_start3A_673 = arith.constant 128 : i32
    %dma_start3A_674 = arith.constant 0 : i32
    %dma_start3A_675 = tpu.memref_slice %arg6[%dma_start3A_673, %dma_start3A_674] : memref<640x64xf32, #tpu.memory_space<vmem>> -> memref<128x64xf32, #tpu.memory_space<vmem>>
    %dma_start3A_676 = arith.constant 5248 : i32
    %dma_start3A_677 = tpu.memref_slice %arg5[%dma_start3A_676] : memref<6400xi32, #tpu.memory_space<vmem>> -> memref<128xi32, #tpu.memory_space<vmem>>
    %dma_start3A_678 = arith.constant 0 : i32
    %dma_start3A_679 = arith.constant 0 : i32
    %dma_start3A_680 = tpu.memref_slice %arg2[%dma_start3A_678, %dma_start3A_679] : memref<1000000x64xf32, #tpu.memory_space<hbm>> -> memref<1000000x64xf32, #tpu.memory_space<hbm>>
    tpu.enqueue_indirect_dma source(%dma_start3A_680 : memref<1000000x64xf32, #tpu.memory_space<hbm>>) target(%dma_start3A_675 : memref<128x64xf32, #tpu.memory_space<vmem>>) offsets(%dma_start3A_677 : memref<128xi32, #tpu.memory_space<vmem>>) semaphore(%arg8 : memref<!tpu.dma_semaphore, #tpu.memory_space<semaphore_mem>>)
    %dma_start3A_681 = arith.constant 256 : i32
    %dma_start3A_682 = arith.constant 0 : i32
    %dma_start3A_683 = tpu.memref_slice %arg6[%dma_start3A_681, %dma_start3A_682] : memref<640x64xf32, #tpu.memory_space<vmem>> -> memref<128x64xf32, #tpu.memory_space<vmem>>
    %dma_start3A_684 = arith.constant 5376 : i32
    %dma_start3A_685 = tpu.memref_slice %arg5[%dma_start3A_684] : memref<6400xi32, #tpu.memory_space<vmem>> -> memref<128xi32, #tpu.memory_space<vmem>>
    %dma_start3A_686 = arith.constant 0 : i32
    %dma_start3A_687 = arith.constant 0 : i32
    %dma_start3A_688 = tpu.memref_slice %arg2[%dma_start3A_686, %dma_start3A_687] : memref<1000000x64xf32, #tpu.memory_space<hbm>> -> memref<1000000x64xf32, #tpu.memory_space<hbm>>
    tpu.enqueue_indirect_dma source(%dma_start3A_688 : memref<1000000x64xf32, #tpu.memory_space<hbm>>) target(%dma_start3A_683 : memref<128x64xf32, #tpu.memory_space<vmem>>) offsets(%dma_start3A_685 : memref<128xi32, #tpu.memory_space<vmem>>) semaphore(%arg8 : memref<!tpu.dma_semaphore, #tpu.memory_space<semaphore_mem>>)
    %dma_start3A_689 = arith.constant 384 : i32
    %dma_start3A_690 = arith.constant 0 : i32
    %dma_start3A_691 = tpu.memref_slice %arg6[%dma_start3A_689, %dma_start3A_690] : memref<640x64xf32, #tpu.memory_space<vmem>> -> memref<128x64xf32, #tpu.memory_space<vmem>>
    %dma_start3A_692 = arith.constant 5504 : i32
    %dma_start3A_693 = tpu.memref_slice %arg5[%dma_start3A_692] : memref<6400xi32, #tpu.memory_space<vmem>> -> memref<128xi32, #tpu.memory_space<vmem>>
    %dma_start3A_694 = arith.constant 0 : i32
    %dma_start3A_695 = arith.constant 0 : i32
    %dma_start3A_696 = tpu.memref_slice %arg2[%dma_start3A_694, %dma_start3A_695] : memref<1000000x64xf32, #tpu.memory_space<hbm>> -> memref<1000000x64xf32, #tpu.memory_space<hbm>>
    tpu.enqueue_indirect_dma source(%dma_start3A_696 : memref<1000000x64xf32, #tpu.memory_space<hbm>>) target(%dma_start3A_691 : memref<128x64xf32, #tpu.memory_space<vmem>>) offsets(%dma_start3A_693 : memref<128xi32, #tpu.memory_space<vmem>>) semaphore(%arg8 : memref<!tpu.dma_semaphore, #tpu.memory_space<semaphore_mem>>)
    %dma_start3A_697 = arith.constant 512 : i32
    %dma_start3A_698 = arith.constant 0 : i32
    %dma_start3A_699 = tpu.memref_slice %arg6[%dma_start3A_697, %dma_start3A_698] : memref<640x64xf32, #tpu.memory_space<vmem>> -> memref<128x64xf32, #tpu.memory_space<vmem>>
    %dma_start3A_700 = arith.constant 5632 : i32
    %dma_start3A_701 = tpu.memref_slice %arg5[%dma_start3A_700] : memref<6400xi32, #tpu.memory_space<vmem>> -> memref<128xi32, #tpu.memory_space<vmem>>
    %dma_start3A_702 = arith.constant 0 : i32
    %dma_start3A_703 = arith.constant 0 : i32
    %dma_start3A_704 = tpu.memref_slice %arg2[%dma_start3A_702, %dma_start3A_703] : memref<1000000x64xf32, #tpu.memory_space<hbm>> -> memref<1000000x64xf32, #tpu.memory_space<hbm>>
    tpu.enqueue_indirect_dma source(%dma_start3A_704 : memref<1000000x64xf32, #tpu.memory_space<hbm>>) target(%dma_start3A_699 : memref<128x64xf32, #tpu.memory_space<vmem>>) offsets(%dma_start3A_701 : memref<128xi32, #tpu.memory_space<vmem>>) semaphore(%arg8 : memref<!tpu.dma_semaphore, #tpu.memory_space<semaphore_mem>>)
    %dma_wait3A_705 = arith.constant 0 : i32
    %dma_wait3A_706 = arith.constant 0 : i32
    %dma_wait3A_707 = tpu.memref_slice %arg7[%dma_wait3A_705, %dma_wait3A_706] : memref<640x64xf32, #tpu.memory_space<vmem>> -> memref<128x64xf32, #tpu.memory_space<vmem>>
    %dma_wait3A_708 = arith.constant 4480 : i32
    %dma_wait3A_709 = tpu.memref_slice %arg5[%dma_wait3A_708] : memref<6400xi32, #tpu.memory_space<vmem>> -> memref<128xi32, #tpu.memory_space<vmem>>
    %dma_wait3A_710 = arith.constant 0 : i32
    %dma_wait3A_711 = arith.constant 0 : i32
    %dma_wait3A_712 = tpu.memref_slice %arg2[%dma_wait3A_710, %dma_wait3A_711] : memref<1000000x64xf32, #tpu.memory_space<hbm>> -> memref<1000000x64xf32, #tpu.memory_space<hbm>>
    tpu.wait_indirect_dma semaphore(%arg9 : memref<!tpu.dma_semaphore, #tpu.memory_space<semaphore_mem>>) src(%dma_wait3A_712 : memref<1000000x64xf32, #tpu.memory_space<hbm>>) dst(%dma_wait3A_707 : memref<128x64xf32, #tpu.memory_space<vmem>>)
    %dma_wait3A_713 = arith.constant 128 : i32
    %dma_wait3A_714 = arith.constant 0 : i32
    %dma_wait3A_715 = tpu.memref_slice %arg7[%dma_wait3A_713, %dma_wait3A_714] : memref<640x64xf32, #tpu.memory_space<vmem>> -> memref<128x64xf32, #tpu.memory_space<vmem>>
    %dma_wait3A_716 = arith.constant 4608 : i32
    %dma_wait3A_717 = tpu.memref_slice %arg5[%dma_wait3A_716] : memref<6400xi32, #tpu.memory_space<vmem>> -> memref<128xi32, #tpu.memory_space<vmem>>
    %dma_wait3A_718 = arith.constant 0 : i32
    %dma_wait3A_719 = arith.constant 0 : i32
    %dma_wait3A_720 = tpu.memref_slice %arg2[%dma_wait3A_718, %dma_wait3A_719] : memref<1000000x64xf32, #tpu.memory_space<hbm>> -> memref<1000000x64xf32, #tpu.memory_space<hbm>>
    tpu.wait_indirect_dma semaphore(%arg9 : memref<!tpu.dma_semaphore, #tpu.memory_space<semaphore_mem>>) src(%dma_wait3A_720 : memref<1000000x64xf32, #tpu.memory_space<hbm>>) dst(%dma_wait3A_715 : memref<128x64xf32, #tpu.memory_space<vmem>>)
    %dma_wait3A_721 = arith.constant 256 : i32
    %dma_wait3A_722 = arith.constant 0 : i32
    %dma_wait3A_723 = tpu.memref_slice %arg7[%dma_wait3A_721, %dma_wait3A_722] : memref<640x64xf32, #tpu.memory_space<vmem>> -> memref<128x64xf32, #tpu.memory_space<vmem>>
    %dma_wait3A_724 = arith.constant 4736 : i32
    %dma_wait3A_725 = tpu.memref_slice %arg5[%dma_wait3A_724] : memref<6400xi32, #tpu.memory_space<vmem>> -> memref<128xi32, #tpu.memory_space<vmem>>
    %dma_wait3A_726 = arith.constant 0 : i32
    %dma_wait3A_727 = arith.constant 0 : i32
    %dma_wait3A_728 = tpu.memref_slice %arg2[%dma_wait3A_726, %dma_wait3A_727] : memref<1000000x64xf32, #tpu.memory_space<hbm>> -> memref<1000000x64xf32, #tpu.memory_space<hbm>>
    tpu.wait_indirect_dma semaphore(%arg9 : memref<!tpu.dma_semaphore, #tpu.memory_space<semaphore_mem>>) src(%dma_wait3A_728 : memref<1000000x64xf32, #tpu.memory_space<hbm>>) dst(%dma_wait3A_723 : memref<128x64xf32, #tpu.memory_space<vmem>>)
    %dma_wait3A_729 = arith.constant 384 : i32
    %dma_wait3A_730 = arith.constant 0 : i32
    %dma_wait3A_731 = tpu.memref_slice %arg7[%dma_wait3A_729, %dma_wait3A_730] : memref<640x64xf32, #tpu.memory_space<vmem>> -> memref<128x64xf32, #tpu.memory_space<vmem>>
    %dma_wait3A_732 = arith.constant 4864 : i32
    %dma_wait3A_733 = tpu.memref_slice %arg5[%dma_wait3A_732] : memref<6400xi32, #tpu.memory_space<vmem>> -> memref<128xi32, #tpu.memory_space<vmem>>
    %dma_wait3A_734 = arith.constant 0 : i32
    %dma_wait3A_735 = arith.constant 0 : i32
    %dma_wait3A_736 = tpu.memref_slice %arg2[%dma_wait3A_734, %dma_wait3A_735] : memref<1000000x64xf32, #tpu.memory_space<hbm>> -> memref<1000000x64xf32, #tpu.memory_space<hbm>>
    tpu.wait_indirect_dma semaphore(%arg9 : memref<!tpu.dma_semaphore, #tpu.memory_space<semaphore_mem>>) src(%dma_wait3A_736 : memref<1000000x64xf32, #tpu.memory_space<hbm>>) dst(%dma_wait3A_731 : memref<128x64xf32, #tpu.memory_space<vmem>>)
    %dma_wait3A_737 = arith.constant 512 : i32
    %dma_wait3A_738 = arith.constant 0 : i32
    %dma_wait3A_739 = tpu.memref_slice %arg7[%dma_wait3A_737, %dma_wait3A_738] : memref<640x64xf32, #tpu.memory_space<vmem>> -> memref<128x64xf32, #tpu.memory_space<vmem>>
    %dma_wait3A_740 = arith.constant 4992 : i32
    %dma_wait3A_741 = tpu.memref_slice %arg5[%dma_wait3A_740] : memref<6400xi32, #tpu.memory_space<vmem>> -> memref<128xi32, #tpu.memory_space<vmem>>
    %dma_wait3A_742 = arith.constant 0 : i32
    %dma_wait3A_743 = arith.constant 0 : i32
    %dma_wait3A_744 = tpu.memref_slice %arg2[%dma_wait3A_742, %dma_wait3A_743] : memref<1000000x64xf32, #tpu.memory_space<hbm>> -> memref<1000000x64xf32, #tpu.memory_space<hbm>>
    tpu.wait_indirect_dma semaphore(%arg9 : memref<!tpu.dma_semaphore, #tpu.memory_space<semaphore_mem>>) src(%dma_wait3A_744 : memref<1000000x64xf32, #tpu.memory_space<hbm>>) dst(%dma_wait3A_739 : memref<128x64xf32, #tpu.memory_space<vmem>>)
    %scan3A_745 = arith.constant 0 : i32
    %scan3A_746 = arith.constant 0 : i32
    %scan3A_747 = arith.constant 160 : i32
    %scan3A_748 = arith.addi %scan3A_746, %scan3A_747 : i32
    %scan3A_749 = arith.constant 1 : i32
    %scan3A_750 = scf.for %scan3A_892 = %scan3A_746 to %scan3A_748 step %scan3A_749 iter_args(%scan3A_893 = %scan3A_745) -> (i32)  : i32 {
      %mul3A_894 = arith.constant 4 : i32
      %mul3A_895 = arith.muli %scan3A_892, %mul3A_894 : i32
      %add3A_896 = arith.constant 0 : i32
      %add3A_897 = arith.addi %mul3A_895, %add3A_896 : i32
      %get3A = arith.index_cast %add3A_897 : i32 to index
      %get3A_898 = arith.constant 0 : index
      %get3A_899 = tpu.vector_load %arg7[%get3A, %get3A_898] {strides = array<i32>} : memref<640x64xf32, #tpu.memory_space<vmem>>, vector<1x16xf32>,
      %get3A_900 = vector.shape_cast %get3A_899 : vector<1x16xf32> to vector<16xf32>
      %mul3A_901 = arith.constant 8.000000e+00 : f32
      %mul3A_902 = vector.broadcast %mul3A_901 : f32 to vector<16xf32>
      %mul3A_903 = arith.mulf %get3A_900, %mul3A_902 : vector<16xf32>
      %add3A_904 = arith.constant 0 : i32
      %add3A_905 = arith.addi %mul3A_895, %add3A_904 : i32
      %swap3A = arith.index_cast %add3A_905 : i32 to index
      %swap3A_906 = arith.constant 0 : index
      %swap3A_907 = tpu.vector_load %arg7[%swap3A, %swap3A_906] {strides = array<i32>} : memref<640x64xf32, #tpu.memory_space<vmem>>, vector<1x16xf32>,
      %swap3A_908 = vector.shape_cast %swap3A_907 : vector<1x16xf32> to vector<16xf32>
      %swap3A_909 = vector.shape_cast %mul3A_903 : vector<16xf32> to vector<1x16xf32>
      tpu.vector_store %arg7[%swap3A, %swap3A_906], %swap3A_909 {strides = array<i32>} : memref<640x64xf32, #tpu.memory_space<vmem>>, vector<1x16xf32>,
      %add3A_910 = arith.constant 0 : i32
      %add3A_911 = arith.addi %mul3A_895, %add3A_910 : i32
      %get3A_912 = arith.index_cast %add3A_911 : i32 to index
      %get3A_913 = arith.constant 16 : index
      %get3A_914 = tpu.vector_load %arg7[%get3A_912, %get3A_913] {strides = array<i32>} : memref<640x64xf32, #tpu.memory_space<vmem>>, vector<1x16xf32>,
      %get3A_915 = vector.shape_cast %get3A_914 : vector<1x16xf32> to vector<16xf32>
      %mul3A_916 = arith.constant 8.000000e+00 : f32
      %mul3A_917 = vector.broadcast %mul3A_916 : f32 to vector<16xf32>
      %mul3A_918 = arith.mulf %get3A_915, %mul3A_917 : vector<16xf32>
      %add3A_919 = arith.constant 0 : i32
      %add3A_920 = arith.addi %mul3A_895, %add3A_919 : i32
      %swap3A_921 = arith.index_cast %add3A_920 : i32 to index
      %swap3A_922 = arith.constant 16 : index
      %swap3A_923 = tpu.vector_load %arg7[%swap3A_921, %swap3A_922] {strides = array<i32>} : memref<640x64xf32, #tpu.memory_space<vmem>>, vector<1x16xf32>,
      %swap3A_924 = vector.shape_cast %swap3A_923 : vector<1x16xf32> to vector<16xf32>
      %swap3A_925 = vector.shape_cast %mul3A_918 : vector<16xf32> to vector<1x16xf32>
      tpu.vector_store %arg7[%swap3A_921, %swap3A_922], %swap3A_925 {strides = array<i32>} : memref<640x64xf32, #tpu.memory_space<vmem>>, vector<1x16xf32>,
      %add3A_926 = arith.constant 0 : i32
      %add3A_927 = arith.addi %mul3A_895, %add3A_926 : i32
      %get3A_928 = arith.index_cast %add3A_927 : i32 to index
      %get3A_929 = arith.constant 32 : index
      %get3A_930 = tpu.vector_load %arg7[%get3A_928, %get3A_929] {strides = array<i32>} : memref<640x64xf32, #tpu.memory_space<vmem>>, vector<1x16xf32>,
      %get3A_931 = vector.shape_cast %get3A_930 : vector<1x16xf32> to vector<16xf32>
      %mul3A_932 = arith.constant 8.000000e+00 : f32
      %mul3A_933 = vector.broadcast %mul3A_932 : f32 to vector<16xf32>
      %mul3A_934 = arith.mulf %get3A_931, %mul3A_933 : vector<16xf32>
      %add3A_935 = arith.constant 0 : i32
      %add3A_936 = arith.addi %mul3A_895, %add3A_935 : i32
      %swap3A_937 = arith.index_cast %add3A_936 : i32 to index
      %swap3A_938 = arith.constant 32 : index
      %swap3A_939 = tpu.vector_load %arg7[%swap3A_937, %swap3A_938] {strides = array<i32>} : memref<640x64xf32, #tpu.memory_space<vmem>>, vector<1x16xf32>,
      %swap3A_940 = vector.shape_cast %swap3A_939 : vector<1x16xf32> to vector<16xf32>
      %swap3A_941 = vector.shape_cast %mul3A_934 : vector<16xf32> to vector<1x16xf32>
      tpu.vector_store %arg7[%swap3A_937, %swap3A_938], %swap3A_941 {strides = array<i32>} : memref<640x64xf32, #tpu.memory_space<vmem>>, vector<1x16xf32>,
      %add3A_942 = arith.constant 0 : i32
      %add3A_943 = arith.addi %mul3A_895, %add3A_942 : i32
      %get3A_944 = arith.index_cast %add3A_943 : i32 to index
      %get3A_945 = arith.constant 48 : index
      %get3A_946 = tpu.vector_load %arg7[%get3A_944, %get3A_945] {strides = array<i32>} : memref<640x64xf32, #tpu.memory_space<vmem>>, vector<1x16xf32>,
      %get3A_947 = vector.shape_cast %get3A_946 : vector<1x16xf32> to vector<16xf32>
      %mul3A_948 = arith.constant 8.000000e+00 : f32
      %mul3A_949 = vector.broadcast %mul3A_948 : f32 to vector<16xf32>
      %mul3A_950 = arith.mulf %get3A_947, %mul3A_949 : vector<16xf32>
      %add3A_951 = arith.constant 0 : i32
      %add3A_952 = arith.addi %mul3A_895, %add3A_951 : i32
      %swap3A_953 = arith.index_cast %add3A_952 : i32 to index
      %swap3A_954 = arith.constant 48 : index
      %swap3A_955 = tpu.vector_load %arg7[%swap3A_953, %swap3A_954] {strides = array<i32>} : memref<640x64xf32, #tpu.memory_space<vmem>>, vector<1x16xf32>,
      %swap3A_956 = vector.shape_cast %swap3A_955 : vector<1x16xf32> to vector<16xf32>
      %swap3A_957 = vector.shape_cast %mul3A_950 : vector<16xf32> to vector<1x16xf32>
      tpu.vector_store %arg7[%swap3A_953, %swap3A_954], %swap3A_957 {strides = array<i32>} : memref<640x64xf32, #tpu.memory_space<vmem>>, vector<1x16xf32>,
      %add3A_958 = arith.constant 1 : i32
      %add3A_959 = arith.addi %mul3A_895, %add3A_958 : i32
      %get3A_960 = arith.index_cast %add3A_959 : i32 to index
      %get3A_961 = arith.constant 0 : index
      %get3A_962 = tpu.vector_load %arg7[%get3A_960, %get3A_961] {strides = array<i32>} : memref<640x64xf32, #tpu.memory_space<vmem>>, vector<1x16xf32>,
      %get3A_963 = vector.shape_cast %get3A_962 : vector<1x16xf32> to vector<16xf32>
      %mul3A_964 = arith.constant 8.000000e+00 : f32
      %mul3A_965 = vector.broadcast %mul3A_964 : f32 to vector<16xf32>
      %mul3A_966 = arith.mulf %get3A_963, %mul3A_965 : vector<16xf32>
      %add3A_967 = arith.constant 1 : i32
      %add3A_968 = arith.addi %mul3A_895, %add3A_967 : i32
      %swap3A_969 = arith.index_cast %add3A_968 : i32 to index
      %swap3A_970 = arith.constant 0 : index
      %swap3A_971 = tpu.vector_load %arg7[%swap3A_969, %swap3A_970] {strides = array<i32>} : memref<640x64xf32, #tpu.memory_space<vmem>>, vector<1x16xf32>,
      %swap3A_972 = vector.shape_cast %swap3A_971 : vector<1x16xf32> to vector<16xf32>
      %swap3A_973 = vector.shape_cast %mul3A_966 : vector<16xf32> to vector<1x16xf32>
      tpu.vector_store %arg7[%swap3A_969, %swap3A_970], %swap3A_973 {strides = array<i32>} : memref<640x64xf32, #tpu.memory_space<vmem>>, vector<1x16xf32>,
      %add3A_974 = arith.constant 1 : i32
      %add3A_975 = arith.addi %mul3A_895, %add3A_974 : i32
      %get3A_976 = arith.index_cast %add3A_975 : i32 to index
      %get3A_977 = arith.constant 16 : index
      %get3A_978 = tpu.vector_load %arg7[%get3A_976, %get3A_977] {strides = array<i32>} : memref<640x64xf32, #tpu.memory_space<vmem>>, vector<1x16xf32>,
      %get3A_979 = vector.shape_cast %get3A_978 : vector<1x16xf32> to vector<16xf32>
      %mul3A_980 = arith.constant 8.000000e+00 : f32
      %mul3A_981 = vector.broadcast %mul3A_980 : f32 to vector<16xf32>
      %mul3A_982 = arith.mulf %get3A_979, %mul3A_981 : vector<16xf32>
      %add3A_983 = arith.constant 1 : i32
      %add3A_984 = arith.addi %mul3A_895, %add3A_983 : i32
      %swap3A_985 = arith.index_cast %add3A_984 : i32 to index
      %swap3A_986 = arith.constant 16 : index
      %swap3A_987 = tpu.vector_load %arg7[%swap3A_985, %swap3A_986] {strides = array<i32>} : memref<640x64xf32, #tpu.memory_space<vmem>>, vector<1x16xf32>,
      %swap3A_988 = vector.shape_cast %swap3A_987 : vector<1x16xf32> to vector<16xf32>
      %swap3A_989 = vector.shape_cast %mul3A_982 : vector<16xf32> to vector<1x16xf32>
      tpu.vector_store %arg7[%swap3A_985, %swap3A_986], %swap3A_989 {strides = array<i32>} : memref<640x64xf32, #tpu.memory_space<vmem>>, vector<1x16xf32>,
      %add3A_990 = arith.constant 1 : i32
      %add3A_991 = arith.addi %mul3A_895, %add3A_990 : i32
      %get3A_992 = arith.index_cast %add3A_991 : i32 to index
      %get3A_993 = arith.constant 32 : index
      %get3A_994 = tpu.vector_load %arg7[%get3A_992, %get3A_993] {strides = array<i32>} : memref<640x64xf32, #tpu.memory_space<vmem>>, vector<1x16xf32>,
      %get3A_995 = vector.shape_cast %get3A_994 : vector<1x16xf32> to vector<16xf32>
      %mul3A_996 = arith.constant 8.000000e+00 : f32
      %mul3A_997 = vector.broadcast %mul3A_996 : f32 to vector<16xf32>
      %mul3A_998 = arith.mulf %get3A_995, %mul3A_997 : vector<16xf32>
      %add3A_999 = arith.constant 1 : i32
      %add3A_1000 = arith.addi %mul3A_895, %add3A_999 : i32
      %swap3A_1001 = arith.index_cast %add3A_1000 : i32 to index
      %swap3A_1002 = arith.constant 32 : index
      %swap3A_1003 = tpu.vector_load %arg7[%swap3A_1001, %swap3A_1002] {strides = array<i32>} : memref<640x64xf32, #tpu.memory_space<vmem>>, vector<1x16xf32>,
      %swap3A_1004 = vector.shape_cast %swap3A_1003 : vector<1x16xf32> to vector<16xf32>
      %swap3A_1005 = vector.shape_cast %mul3A_998 : vector<16xf32> to vector<1x16xf32>
      tpu.vector_store %arg7[%swap3A_1001, %swap3A_1002], %swap3A_1005 {strides = array<i32>} : memref<640x64xf32, #tpu.memory_space<vmem>>, vector<1x16xf32>,
      %add3A_1006 = arith.constant 1 : i32
      %add3A_1007 = arith.addi %mul3A_895, %add3A_1006 : i32
      %get3A_1008 = arith.index_cast %add3A_1007 : i32 to index
      %get3A_1009 = arith.constant 48 : index
      %get3A_1010 = tpu.vector_load %arg7[%get3A_1008, %get3A_1009] {strides = array<i32>} : memref<640x64xf32, #tpu.memory_space<vmem>>, vector<1x16xf32>,
      %get3A_1011 = vector.shape_cast %get3A_1010 : vector<1x16xf32> to vector<16xf32>
      %mul3A_1012 = arith.constant 8.000000e+00 : f32
      %mul3A_1013 = vector.broadcast %mul3A_1012 : f32 to vector<16xf32>
      %mul3A_1014 = arith.mulf %get3A_1011, %mul3A_1013 : vector<16xf32>
      %add3A_1015 = arith.constant 1 : i32
      %add3A_1016 = arith.addi %mul3A_895, %add3A_1015 : i32
      %swap3A_1017 = arith.index_cast %add3A_1016 : i32 to index
      %swap3A_1018 = arith.constant 48 : index
      %swap3A_1019 = tpu.vector_load %arg7[%swap3A_1017, %swap3A_1018] {strides = array<i32>} : memref<640x64xf32, #tpu.memory_space<vmem>>, vector<1x16xf32>,
      %swap3A_1020 = vector.shape_cast %swap3A_1019 : vector<1x16xf32> to vector<16xf32>
      %swap3A_1021 = vector.shape_cast %mul3A_1014 : vector<16xf32> to vector<1x16xf32>
      tpu.vector_store %arg7[%swap3A_1017, %swap3A_1018], %swap3A_1021 {strides = array<i32>} : memref<640x64xf32, #tpu.memory_space<vmem>>, vector<1x16xf32>,
      %add3A_1022 = arith.constant 2 : i32
      %add3A_1023 = arith.addi %mul3A_895, %add3A_1022 : i32
      %get3A_1024 = arith.index_cast %add3A_1023 : i32 to index
      %get3A_1025 = arith.constant 0 : index
      %get3A_1026 = tpu.vector_load %arg7[%get3A_1024, %get3A_1025] {strides = array<i32>} : memref<640x64xf32, #tpu.memory_space<vmem>>, vector<1x16xf32>,
      %get3A_1027 = vector.shape_cast %get3A_1026 : vector<1x16xf32> to vector<16xf32>
      %mul3A_1028 = arith.constant 8.000000e+00 : f32
      %mul3A_1029 = vector.broadcast %mul3A_1028 : f32 to vector<16xf32>
      %mul3A_1030 = arith.mulf %get3A_1027, %mul3A_1029 : vector<16xf32>
      %add3A_1031 = arith.constant 2 : i32
      %add3A_1032 = arith.addi %mul3A_895, %add3A_1031 : i32
      %swap3A_1033 = arith.index_cast %add3A_1032 : i32 to index
      %swap3A_1034 = arith.constant 0 : index
      %swap3A_1035 = tpu.vector_load %arg7[%swap3A_1033, %swap3A_1034] {strides = array<i32>} : memref<640x64xf32, #tpu.memory_space<vmem>>, vector<1x16xf32>,
      %swap3A_1036 = vector.shape_cast %swap3A_1035 : vector<1x16xf32> to vector<16xf32>
      %swap3A_1037 = vector.shape_cast %mul3A_1030 : vector<16xf32> to vector<1x16xf32>
      tpu.vector_store %arg7[%swap3A_1033, %swap3A_1034], %swap3A_1037 {strides = array<i32>} : memref<640x64xf32, #tpu.memory_space<vmem>>, vector<1x16xf32>,
      %add3A_1038 = arith.constant 2 : i32
      %add3A_1039 = arith.addi %mul3A_895, %add3A_1038 : i32
      %get3A_1040 = arith.index_cast %add3A_1039 : i32 to index
      %get3A_1041 = arith.constant 16 : index
      %get3A_1042 = tpu.vector_load %arg7[%get3A_1040, %get3A_1041] {strides = array<i32>} : memref<640x64xf32, #tpu.memory_space<vmem>>, vector<1x16xf32>,
      %get3A_1043 = vector.shape_cast %get3A_1042 : vector<1x16xf32> to vector<16xf32>
      %mul3A_1044 = arith.constant 8.000000e+00 : f32
      %mul3A_1045 = vector.broadcast %mul3A_1044 : f32 to vector<16xf32>
      %mul3A_1046 = arith.mulf %get3A_1043, %mul3A_1045 : vector<16xf32>
      %add3A_1047 = arith.constant 2 : i32
      %add3A_1048 = arith.addi %mul3A_895, %add3A_1047 : i32
      %swap3A_1049 = arith.index_cast %add3A_1048 : i32 to index
      %swap3A_1050 = arith.constant 16 : index
      %swap3A_1051 = tpu.vector_load %arg7[%swap3A_1049, %swap3A_1050] {strides = array<i32>} : memref<640x64xf32, #tpu.memory_space<vmem>>, vector<1x16xf32>,
      %swap3A_1052 = vector.shape_cast %swap3A_1051 : vector<1x16xf32> to vector<16xf32>
      %swap3A_1053 = vector.shape_cast %mul3A_1046 : vector<16xf32> to vector<1x16xf32>
      tpu.vector_store %arg7[%swap3A_1049, %swap3A_1050], %swap3A_1053 {strides = array<i32>} : memref<640x64xf32, #tpu.memory_space<vmem>>, vector<1x16xf32>,
      %add3A_1054 = arith.constant 2 : i32
      %add3A_1055 = arith.addi %mul3A_895, %add3A_1054 : i32
      %get3A_1056 = arith.index_cast %add3A_1055 : i32 to index
      %get3A_1057 = arith.constant 32 : index
      %get3A_1058 = tpu.vector_load %arg7[%get3A_1056, %get3A_1057] {strides = array<i32>} : memref<640x64xf32, #tpu.memory_space<vmem>>, vector<1x16xf32>,
      %get3A_1059 = vector.shape_cast %get3A_1058 : vector<1x16xf32> to vector<16xf32>
      %mul3A_1060 = arith.constant 8.000000e+00 : f32
      %mul3A_1061 = vector.broadcast %mul3A_1060 : f32 to vector<16xf32>
      %mul3A_1062 = arith.mulf %get3A_1059, %mul3A_1061 : vector<16xf32>
      %add3A_1063 = arith.constant 2 : i32
      %add3A_1064 = arith.addi %mul3A_895, %add3A_1063 : i32
      %swap3A_1065 = arith.index_cast %add3A_1064 : i32 to index
      %swap3A_1066 = arith.constant 32 : index
      %swap3A_1067 = tpu.vector_load %arg7[%swap3A_1065, %swap3A_1066] {strides = array<i32>} : memref<640x64xf32, #tpu.memory_space<vmem>>, vector<1x16xf32>,
      %swap3A_1068 = vector.shape_cast %swap3A_1067 : vector<1x16xf32> to vector<16xf32>
      %swap3A_1069 = vector.shape_cast %mul3A_1062 : vector<16xf32> to vector<1x16xf32>
      tpu.vector_store %arg7[%swap3A_1065, %swap3A_1066], %swap3A_1069 {strides = array<i32>} : memref<640x64xf32, #tpu.memory_space<vmem>>, vector<1x16xf32>,
      %add3A_1070 = arith.constant 2 : i32
      %add3A_1071 = arith.addi %mul3A_895, %add3A_1070 : i32
      %get3A_1072 = arith.index_cast %add3A_1071 : i32 to index
      %get3A_1073 = arith.constant 48 : index
      %get3A_1074 = tpu.vector_load %arg7[%get3A_1072, %get3A_1073] {strides = array<i32>} : memref<640x64xf32, #tpu.memory_space<vmem>>, vector<1x16xf32>,
      %get3A_1075 = vector.shape_cast %get3A_1074 : vector<1x16xf32> to vector<16xf32>
      %mul3A_1076 = arith.constant 8.000000e+00 : f32
      %mul3A_1077 = vector.broadcast %mul3A_1076 : f32 to vector<16xf32>
      %mul3A_1078 = arith.mulf %get3A_1075, %mul3A_1077 : vector<16xf32>
      %add3A_1079 = arith.constant 2 : i32
      %add3A_1080 = arith.addi %mul3A_895, %add3A_1079 : i32
      %swap3A_1081 = arith.index_cast %add3A_1080 : i32 to index
      %swap3A_1082 = arith.constant 48 : index
      %swap3A_1083 = tpu.vector_load %arg7[%swap3A_1081, %swap3A_1082] {strides = array<i32>} : memref<640x64xf32, #tpu.memory_space<vmem>>, vector<1x16xf32>,
      %swap3A_1084 = vector.shape_cast %swap3A_1083 : vector<1x16xf32> to vector<16xf32>
      %swap3A_1085 = vector.shape_cast %mul3A_1078 : vector<16xf32> to vector<1x16xf32>
      tpu.vector_store %arg7[%swap3A_1081, %swap3A_1082], %swap3A_1085 {strides = array<i32>} : memref<640x64xf32, #tpu.memory_space<vmem>>, vector<1x16xf32>,
      %add3A_1086 = arith.constant 3 : i32
      %add3A_1087 = arith.addi %mul3A_895, %add3A_1086 : i32
      %get3A_1088 = arith.index_cast %add3A_1087 : i32 to index
      %get3A_1089 = arith.constant 0 : index
      %get3A_1090 = tpu.vector_load %arg7[%get3A_1088, %get3A_1089] {strides = array<i32>} : memref<640x64xf32, #tpu.memory_space<vmem>>, vector<1x16xf32>,
      %get3A_1091 = vector.shape_cast %get3A_1090 : vector<1x16xf32> to vector<16xf32>
      %mul3A_1092 = arith.constant 8.000000e+00 : f32
      %mul3A_1093 = vector.broadcast %mul3A_1092 : f32 to vector<16xf32>
      %mul3A_1094 = arith.mulf %get3A_1091, %mul3A_1093 : vector<16xf32>
      %add3A_1095 = arith.constant 3 : i32
      %add3A_1096 = arith.addi %mul3A_895, %add3A_1095 : i32
      %swap3A_1097 = arith.index_cast %add3A_1096 : i32 to index
      %swap3A_1098 = arith.constant 0 : index
      %swap3A_1099 = tpu.vector_load %arg7[%swap3A_1097, %swap3A_1098] {strides = array<i32>} : memref<640x64xf32, #tpu.memory_space<vmem>>, vector<1x16xf32>,
      %swap3A_1100 = vector.shape_cast %swap3A_1099 : vector<1x16xf32> to vector<16xf32>
      %swap3A_1101 = vector.shape_cast %mul3A_1094 : vector<16xf32> to vector<1x16xf32>
      tpu.vector_store %arg7[%swap3A_1097, %swap3A_1098], %swap3A_1101 {strides = array<i32>} : memref<640x64xf32, #tpu.memory_space<vmem>>, vector<1x16xf32>,
      %add3A_1102 = arith.constant 3 : i32
      %add3A_1103 = arith.addi %mul3A_895, %add3A_1102 : i32
      %get3A_1104 = arith.index_cast %add3A_1103 : i32 to index
      %get3A_1105 = arith.constant 16 : index
      %get3A_1106 = tpu.vector_load %arg7[%get3A_1104, %get3A_1105] {strides = array<i32>} : memref<640x64xf32, #tpu.memory_space<vmem>>, vector<1x16xf32>,
      %get3A_1107 = vector.shape_cast %get3A_1106 : vector<1x16xf32> to vector<16xf32>
      %mul3A_1108 = arith.constant 8.000000e+00 : f32
      %mul3A_1109 = vector.broadcast %mul3A_1108 : f32 to vector<16xf32>
      %mul3A_1110 = arith.mulf %get3A_1107, %mul3A_1109 : vector<16xf32>
      %add3A_1111 = arith.constant 3 : i32
      %add3A_1112 = arith.addi %mul3A_895, %add3A_1111 : i32
      %swap3A_1113 = arith.index_cast %add3A_1112 : i32 to index
      %swap3A_1114 = arith.constant 16 : index
      %swap3A_1115 = tpu.vector_load %arg7[%swap3A_1113, %swap3A_1114] {strides = array<i32>} : memref<640x64xf32, #tpu.memory_space<vmem>>, vector<1x16xf32>,
      %swap3A_1116 = vector.shape_cast %swap3A_1115 : vector<1x16xf32> to vector<16xf32>
      %swap3A_1117 = vector.shape_cast %mul3A_1110 : vector<16xf32> to vector<1x16xf32>
      tpu.vector_store %arg7[%swap3A_1113, %swap3A_1114], %swap3A_1117 {strides = array<i32>} : memref<640x64xf32, #tpu.memory_space<vmem>>, vector<1x16xf32>,
      %add3A_1118 = arith.constant 3 : i32
      %add3A_1119 = arith.addi %mul3A_895, %add3A_1118 : i32
      %get3A_1120 = arith.index_cast %add3A_1119 : i32 to index
      %get3A_1121 = arith.constant 32 : index
      %get3A_1122 = tpu.vector_load %arg7[%get3A_1120, %get3A_1121] {strides = array<i32>} : memref<640x64xf32, #tpu.memory_space<vmem>>, vector<1x16xf32>,
      %get3A_1123 = vector.shape_cast %get3A_1122 : vector<1x16xf32> to vector<16xf32>
      %mul3A_1124 = arith.constant 8.000000e+00 : f32
      %mul3A_1125 = vector.broadcast %mul3A_1124 : f32 to vector<16xf32>
      %mul3A_1126 = arith.mulf %get3A_1123, %mul3A_1125 : vector<16xf32>
      %add3A_1127 = arith.constant 3 : i32
      %add3A_1128 = arith.addi %mul3A_895, %add3A_1127 : i32
      %swap3A_1129 = arith.index_cast %add3A_1128 : i32 to index
      %swap3A_1130 = arith.constant 32 : index
      %swap3A_1131 = tpu.vector_load %arg7[%swap3A_1129, %swap3A_1130] {strides = array<i32>} : memref<640x64xf32, #tpu.memory_space<vmem>>, vector<1x16xf32>,
      %swap3A_1132 = vector.shape_cast %swap3A_1131 : vector<1x16xf32> to vector<16xf32>
      %swap3A_1133 = vector.shape_cast %mul3A_1126 : vector<16xf32> to vector<1x16xf32>
      tpu.vector_store %arg7[%swap3A_1129, %swap3A_1130], %swap3A_1133 {strides = array<i32>} : memref<640x64xf32, #tpu.memory_space<vmem>>, vector<1x16xf32>,
      %add3A_1134 = arith.constant 3 : i32
      %add3A_1135 = arith.addi %mul3A_895, %add3A_1134 : i32
      %get3A_1136 = arith.index_cast %add3A_1135 : i32 to index
      %get3A_1137 = arith.constant 48 : index
      %get3A_1138 = tpu.vector_load %arg7[%get3A_1136, %get3A_1137] {strides = array<i32>} : memref<640x64xf32, #tpu.memory_space<vmem>>, vector<1x16xf32>,
      %get3A_1139 = vector.shape_cast %get3A_1138 : vector<1x16xf32> to vector<16xf32>
      %mul3A_1140 = arith.constant 8.000000e+00 : f32
      %mul3A_1141 = vector.broadcast %mul3A_1140 : f32 to vector<16xf32>
      %mul3A_1142 = arith.mulf %get3A_1139, %mul3A_1141 : vector<16xf32>
      %add3A_1143 = arith.constant 3 : i32
      %add3A_1144 = arith.addi %mul3A_895, %add3A_1143 : i32
      %swap3A_1145 = arith.index_cast %add3A_1144 : i32 to index
      %swap3A_1146 = arith.constant 48 : index
      %swap3A_1147 = tpu.vector_load %arg7[%swap3A_1145, %swap3A_1146] {strides = array<i32>} : memref<640x64xf32, #tpu.memory_space<vmem>>, vector<1x16xf32>,
      %swap3A_1148 = vector.shape_cast %swap3A_1147 : vector<1x16xf32> to vector<16xf32>
      %swap3A_1149 = vector.shape_cast %mul3A_1142 : vector<16xf32> to vector<1x16xf32>
      tpu.vector_store %arg7[%swap3A_1145, %swap3A_1146], %swap3A_1149 {strides = array<i32>} : memref<640x64xf32, #tpu.memory_space<vmem>>, vector<1x16xf32>,
      %scan3A_1150 = arith.constant 0 : i32
      scf.yield %scan3A_1150 : i32
    }
    %scan3A_751 = arith.constant 160 : i32
    %add3A_752 = arith.constant 4480 : i32
    %add3A_753 = arith.addi %mul3A_4, %add3A_752 : i32
    "tpu.region"() ({
      %run_scoped3A = tpu.sem_alloc : memref<!tpu.dma_semaphore, #tpu.memory_space<semaphore_mem>>
      %dma_start3A_892 = arith.constant 0 : i32
      %dma_start3A_893 = tpu.memref_slice %arg4[%add3A_753, %dma_start3A_892] : memref<204800x64xf32, #tpu.memory_space<hbm>> -> memref<640x64xf32, #tpu.memory_space<hbm>>
      %dma_start3A_894 = arith.constant 0 : i32
      %dma_start3A_895 = tpu.memref_slice %arg4[%add3A_753, %dma_start3A_894] : memref<204800x64xf32, #tpu.memory_space<hbm>> -> memref<640x64xf32, #tpu.memory_space<hbm>>
      tpu.enqueue_dma source(%arg7 : memref<640x64xf32, #tpu.memory_space<vmem>>) target(%dma_start3A_895 : memref<640x64xf32, #tpu.memory_space<hbm>>) target_semaphore(%run_scoped3A : memref<!tpu.dma_semaphore, #tpu.memory_space<semaphore_mem>>)
      %dma_wait3A_896 = arith.constant 0 : i32
      %dma_wait3A_897 = tpu.memref_slice %arg4[%add3A_753, %dma_wait3A_896] : memref<204800x64xf32, #tpu.memory_space<hbm>> -> memref<640x64xf32, #tpu.memory_space<hbm>>
      %dma_wait3A_898 = arith.constant 0 : i32
      %dma_wait3A_899 = tpu.memref_slice %arg4[%add3A_753, %dma_wait3A_898] : memref<204800x64xf32, #tpu.memory_space<hbm>> -> memref<640x64xf32, #tpu.memory_space<hbm>>
      tpu.wait_dma2 semaphore(%run_scoped3A : memref<!tpu.dma_semaphore, #tpu.memory_space<semaphore_mem>>) src(%arg7 : memref<640x64xf32, #tpu.memory_space<vmem>>) dst(%dma_wait3A_899 : memref<640x64xf32, #tpu.memory_space<hbm>>)
      tpu.yield
    }) : () -> ()
    %dma_start3A_754 = arith.constant 0 : i32
    %dma_start3A_755 = arith.constant 0 : i32
    %dma_start3A_756 = tpu.memref_slice %arg7[%dma_start3A_754, %dma_start3A_755] : memref<640x64xf32, #tpu.memory_space<vmem>> -> memref<128x64xf32, #tpu.memory_space<vmem>>
    %dma_start3A_757 = arith.constant 5760 : i32
    %dma_start3A_758 = tpu.memref_slice %arg5[%dma_start3A_757] : memref<6400xi32, #tpu.memory_space<vmem>> -> memref<128xi32, #tpu.memory_space<vmem>>
    %dma_start3A_759 = arith.constant 0 : i32
    %dma_start3A_760 = arith.constant 0 : i32
    %dma_start3A_761 = tpu.memref_slice %arg2[%dma_start3A_759, %dma_start3A_760] : memref<1000000x64xf32, #tpu.memory_space<hbm>> -> memref<1000000x64xf32, #tpu.memory_space<hbm>>
    tpu.enqueue_indirect_dma source(%dma_start3A_761 : memref<1000000x64xf32, #tpu.memory_space<hbm>>) target(%dma_start3A_756 : memref<128x64xf32, #tpu.memory_space<vmem>>) offsets(%dma_start3A_758 : memref<128xi32, #tpu.memory_space<vmem>>) semaphore(%arg9 : memref<!tpu.dma_semaphore, #tpu.memory_space<semaphore_mem>>)
    %dma_start3A_762 = arith.constant 128 : i32
    %dma_start3A_763 = arith.constant 0 : i32
    %dma_start3A_764 = tpu.memref_slice %arg7[%dma_start3A_762, %dma_start3A_763] : memref<640x64xf32, #tpu.memory_space<vmem>> -> memref<128x64xf32, #tpu.memory_space<vmem>>
    %dma_start3A_765 = arith.constant 5888 : i32
    %dma_start3A_766 = tpu.memref_slice %arg5[%dma_start3A_765] : memref<6400xi32, #tpu.memory_space<vmem>> -> memref<128xi32, #tpu.memory_space<vmem>>
    %dma_start3A_767 = arith.constant 0 : i32
    %dma_start3A_768 = arith.constant 0 : i32
    %dma_start3A_769 = tpu.memref_slice %arg2[%dma_start3A_767, %dma_start3A_768] : memref<1000000x64xf32, #tpu.memory_space<hbm>> -> memref<1000000x64xf32, #tpu.memory_space<hbm>>
    tpu.enqueue_indirect_dma source(%dma_start3A_769 : memref<1000000x64xf32, #tpu.memory_space<hbm>>) target(%dma_start3A_764 : memref<128x64xf32, #tpu.memory_space<vmem>>) offsets(%dma_start3A_766 : memref<128xi32, #tpu.memory_space<vmem>>) semaphore(%arg9 : memref<!tpu.dma_semaphore, #tpu.memory_space<semaphore_mem>>)
    %dma_start3A_770 = arith.constant 256 : i32
    %dma_start3A_771 = arith.constant 0 : i32
    %dma_start3A_772 = tpu.memref_slice %arg7[%dma_start3A_770, %dma_start3A_771] : memref<640x64xf32, #tpu.memory_space<vmem>> -> memref<128x64xf32, #tpu.memory_space<vmem>>
    %dma_start3A_773 = arith.constant 6016 : i32
    %dma_start3A_774 = tpu.memref_slice %arg5[%dma_start3A_773] : memref<6400xi32, #tpu.memory_space<vmem>> -> memref<128xi32, #tpu.memory_space<vmem>>
    %dma_start3A_775 = arith.constant 0 : i32
    %dma_start3A_776 = arith.constant 0 : i32
    %dma_start3A_777 = tpu.memref_slice %arg2[%dma_start3A_775, %dma_start3A_776] : memref<1000000x64xf32, #tpu.memory_space<hbm>> -> memref<1000000x64xf32, #tpu.memory_space<hbm>>
    tpu.enqueue_indirect_dma source(%dma_start3A_777 : memref<1000000x64xf32, #tpu.memory_space<hbm>>) target(%dma_start3A_772 : memref<128x64xf32, #tpu.memory_space<vmem>>) offsets(%dma_start3A_774 : memref<128xi32, #tpu.memory_space<vmem>>) semaphore(%arg9 : memref<!tpu.dma_semaphore, #tpu.memory_space<semaphore_mem>>)
    %dma_start3A_778 = arith.constant 384 : i32
    %dma_start3A_779 = arith.constant 0 : i32
    %dma_start3A_780 = tpu.memref_slice %arg7[%dma_start3A_778, %dma_start3A_779] : memref<640x64xf32, #tpu.memory_space<vmem>> -> memref<128x64xf32, #tpu.memory_space<vmem>>
    %dma_start3A_781 = arith.constant 6144 : i32
    %dma_start3A_782 = tpu.memref_slice %arg5[%dma_start3A_781] : memref<6400xi32, #tpu.memory_space<vmem>> -> memref<128xi32, #tpu.memory_space<vmem>>
    %dma_start3A_783 = arith.constant 0 : i32
    %dma_start3A_784 = arith.constant 0 : i32
    %dma_start3A_785 = tpu.memref_slice %arg2[%dma_start3A_783, %dma_start3A_784] : memref<1000000x64xf32, #tpu.memory_space<hbm>> -> memref<1000000x64xf32, #tpu.memory_space<hbm>>
    tpu.enqueue_indirect_dma source(%dma_start3A_785 : memref<1000000x64xf32, #tpu.memory_space<hbm>>) target(%dma_start3A_780 : memref<128x64xf32, #tpu.memory_space<vmem>>) offsets(%dma_start3A_782 : memref<128xi32, #tpu.memory_space<vmem>>) semaphore(%arg9 : memref<!tpu.dma_semaphore, #tpu.memory_space<semaphore_mem>>)
    %dma_start3A_786 = arith.constant 512 : i32
    %dma_start3A_787 = arith.constant 0 : i32
    %dma_start3A_788 = tpu.memref_slice %arg7[%dma_start3A_786, %dma_start3A_787] : memref<640x64xf32, #tpu.memory_space<vmem>> -> memref<128x64xf32, #tpu.memory_space<vmem>>
    %dma_start3A_789 = arith.constant 6272 : i32
    %dma_start3A_790 = tpu.memref_slice %arg5[%dma_start3A_789] : memref<6400xi32, #tpu.memory_space<vmem>> -> memref<128xi32, #tpu.memory_space<vmem>>
    %dma_start3A_791 = arith.constant 0 : i32
    %dma_start3A_792 = arith.constant 0 : i32
    %dma_start3A_793 = tpu.memref_slice %arg2[%dma_start3A_791, %dma_start3A_792] : memref<1000000x64xf32, #tpu.memory_space<hbm>> -> memref<1000000x64xf32, #tpu.memory_space<hbm>>
    tpu.enqueue_indirect_dma source(%dma_start3A_793 : memref<1000000x64xf32, #tpu.memory_space<hbm>>) target(%dma_start3A_788 : memref<128x64xf32, #tpu.memory_space<vmem>>) offsets(%dma_start3A_790 : memref<128xi32, #tpu.memory_space<vmem>>) semaphore(%arg9 : memref<!tpu.dma_semaphore, #tpu.memory_space<semaphore_mem>>)
    %dma_wait3A_794 = arith.constant 0 : i32
    %dma_wait3A_795 = arith.constant 0 : i32
    %dma_wait3A_796 = tpu.memref_slice %arg6[%dma_wait3A_794, %dma_wait3A_795] : memref<640x64xf32, #tpu.memory_space<vmem>> -> memref<128x64xf32, #tpu.memory_space<vmem>>
    %dma_wait3A_797 = arith.constant 5120 : i32
    %dma_wait3A_798 = tpu.memref_slice %arg5[%dma_wait3A_797] : memref<6400xi32, #tpu.memory_space<vmem>> -> memref<128xi32, #tpu.memory_space<vmem>>
    %dma_wait3A_799 = arith.constant 0 : i32
    %dma_wait3A_800 = arith.constant 0 : i32
    %dma_wait3A_801 = tpu.memref_slice %arg2[%dma_wait3A_799, %dma_wait3A_800] : memref<1000000x64xf32, #tpu.memory_space<hbm>> -> memref<1000000x64xf32, #tpu.memory_space<hbm>>
    tpu.wait_indirect_dma semaphore(%arg8 : memref<!tpu.dma_semaphore, #tpu.memory_space<semaphore_mem>>) src(%dma_wait3A_801 : memref<1000000x64xf32, #tpu.memory_space<hbm>>) dst(%dma_wait3A_796 : memref<128x64xf32, #tpu.memory_space<vmem>>)
    %dma_wait3A_802 = arith.constant 128 : i32
    %dma_wait3A_803 = arith.constant 0 : i32
    %dma_wait3A_804 = tpu.memref_slice %arg6[%dma_wait3A_802, %dma_wait3A_803] : memref<640x64xf32, #tpu.memory_space<vmem>> -> memref<128x64xf32, #tpu.memory_space<vmem>>
    %dma_wait3A_805 = arith.constant 5248 : i32
    %dma_wait3A_806 = tpu.memref_slice %arg5[%dma_wait3A_805] : memref<6400xi32, #tpu.memory_space<vmem>> -> memref<128xi32, #tpu.memory_space<vmem>>
    %dma_wait3A_807 = arith.constant 0 : i32
    %dma_wait3A_808 = arith.constant 0 : i32
    %dma_wait3A_809 = tpu.memref_slice %arg2[%dma_wait3A_807, %dma_wait3A_808] : memref<1000000x64xf32, #tpu.memory_space<hbm>> -> memref<1000000x64xf32, #tpu.memory_space<hbm>>
    tpu.wait_indirect_dma semaphore(%arg8 : memref<!tpu.dma_semaphore, #tpu.memory_space<semaphore_mem>>) src(%dma_wait3A_809 : memref<1000000x64xf32, #tpu.memory_space<hbm>>) dst(%dma_wait3A_804 : memref<128x64xf32, #tpu.memory_space<vmem>>)
    %dma_wait3A_810 = arith.constant 256 : i32
    %dma_wait3A_811 = arith.constant 0 : i32
    %dma_wait3A_812 = tpu.memref_slice %arg6[%dma_wait3A_810, %dma_wait3A_811] : memref<640x64xf32, #tpu.memory_space<vmem>> -> memref<128x64xf32, #tpu.memory_space<vmem>>
    %dma_wait3A_813 = arith.constant 5376 : i32
    %dma_wait3A_814 = tpu.memref_slice %arg5[%dma_wait3A_813] : memref<6400xi32, #tpu.memory_space<vmem>> -> memref<128xi32, #tpu.memory_space<vmem>>
    %dma_wait3A_815 = arith.constant 0 : i32
    %dma_wait3A_816 = arith.constant 0 : i32
    %dma_wait3A_817 = tpu.memref_slice %arg2[%dma_wait3A_815, %dma_wait3A_816] : memref<1000000x64xf32, #tpu.memory_space<hbm>> -> memref<1000000x64xf32, #tpu.memory_space<hbm>>
    tpu.wait_indirect_dma semaphore(%arg8 : memref<!tpu.dma_semaphore, #tpu.memory_space<semaphore_mem>>) src(%dma_wait3A_817 : memref<1000000x64xf32, #tpu.memory_space<hbm>>) dst(%dma_wait3A_812 : memref<128x64xf32, #tpu.memory_space<vmem>>)
    %dma_wait3A_818 = arith.constant 384 : i32
    %dma_wait3A_819 = arith.constant 0 : i32
    %dma_wait3A_820 = tpu.memref_slice %arg6[%dma_wait3A_818, %dma_wait3A_819] : memref<640x64xf32, #tpu.memory_space<vmem>> -> memref<128x64xf32, #tpu.memory_space<vmem>>
    %dma_wait3A_821 = arith.constant 5504 : i32
    %dma_wait3A_822 = tpu.memref_slice %arg5[%dma_wait3A_821] : memref<6400xi32, #tpu.memory_space<vmem>> -> memref<128xi32, #tpu.memory_space<vmem>>
    %dma_wait3A_823 = arith.constant 0 : i32
    %dma_wait3A_824 = arith.constant 0 : i32
    %dma_wait3A_825 = tpu.memref_slice %arg2[%dma_wait3A_823, %dma_wait3A_824] : memref<1000000x64xf32, #tpu.memory_space<hbm>> -> memref<1000000x64xf32, #tpu.memory_space<hbm>>
    tpu.wait_indirect_dma semaphore(%arg8 : memref<!tpu.dma_semaphore, #tpu.memory_space<semaphore_mem>>) src(%dma_wait3A_825 : memref<1000000x64xf32, #tpu.memory_space<hbm>>) dst(%dma_wait3A_820 : memref<128x64xf32, #tpu.memory_space<vmem>>)
    %dma_wait3A_826 = arith.constant 512 : i32
    %dma_wait3A_827 = arith.constant 0 : i32
    %dma_wait3A_828 = tpu.memref_slice %arg6[%dma_wait3A_826, %dma_wait3A_827] : memref<640x64xf32, #tpu.memory_space<vmem>> -> memref<128x64xf32, #tpu.memory_space<vmem>>
    %dma_wait3A_829 = arith.constant 5632 : i32
    %dma_wait3A_830 = tpu.memref_slice %arg5[%dma_wait3A_829] : memref<6400xi32, #tpu.memory_space<vmem>> -> memref<128xi32, #tpu.memory_space<vmem>>
    %dma_wait3A_831 = arith.constant 0 : i32
    %dma_wait3A_832 = arith.constant 0 : i32
    %dma_wait3A_833 = tpu.memref_slice %arg2[%dma_wait3A_831, %dma_wait3A_832] : memref<1000000x64xf32, #tpu.memory_space<hbm>> -> memref<1000000x64xf32, #tpu.memory_space<hbm>>
    tpu.wait_indirect_dma semaphore(%arg8 : memref<!tpu.dma_semaphore, #tpu.memory_space<semaphore_mem>>) src(%dma_wait3A_833 : memref<1000000x64xf32, #tpu.memory_space<hbm>>) dst(%dma_wait3A_828 : memref<128x64xf32, #tpu.memory_space<vmem>>)
    %scan3A_834 = arith.constant 0 : i32
    %scan3A_835 = arith.constant 0 : i32
    %scan3A_836 = arith.constant 160 : i32
    %scan3A_837 = arith.addi %scan3A_835, %scan3A_836 : i32
    %scan3A_838 = arith.constant 1 : i32
    %scan3A_839 = scf.for %scan3A_892 = %scan3A_835 to %scan3A_837 step %scan3A_838 iter_args(%scan3A_893 = %scan3A_834) -> (i32)  : i32 {
      %mul3A_894 = arith.constant 4 : i32
      %mul3A_895 = arith.muli %scan3A_892, %mul3A_894 : i32
      %add3A_896 = arith.constant 0 : i32
      %add3A_897 = arith.addi %mul3A_895, %add3A_896 : i32
      %get3A = arith.index_cast %add3A_897 : i32 to index
      %get3A_898 = arith.constant 0 : index
      %get3A_899 = tpu.vector_load %arg6[%get3A, %get3A_898] {strides = array<i32>} : memref<640x64xf32, #tpu.memory_space<vmem>>, vector<1x16xf32>,
      %get3A_900 = vector.shape_cast %get3A_899 : vector<1x16xf32> to vector<16xf32>
      %mul3A_901 = arith.constant 8.000000e+00 : f32
      %mul3A_902 = vector.broadcast %mul3A_901 : f32 to vector<16xf32>
      %mul3A_903 = arith.mulf %get3A_900, %mul3A_902 : vector<16xf32>
      %add3A_904 = arith.constant 0 : i32
      %add3A_905 = arith.addi %mul3A_895, %add3A_904 : i32
      %swap3A = arith.index_cast %add3A_905 : i32 to index
      %swap3A_906 = arith.constant 0 : index
      %swap3A_907 = tpu.vector_load %arg6[%swap3A, %swap3A_906] {strides = array<i32>} : memref<640x64xf32, #tpu.memory_space<vmem>>, vector<1x16xf32>,
      %swap3A_908 = vector.shape_cast %swap3A_907 : vector<1x16xf32> to vector<16xf32>
      %swap3A_909 = vector.shape_cast %mul3A_903 : vector<16xf32> to vector<1x16xf32>
      tpu.vector_store %arg6[%swap3A, %swap3A_906], %swap3A_909 {strides = array<i32>} : memref<640x64xf32, #tpu.memory_space<vmem>>, vector<1x16xf32>,
      %add3A_910 = arith.constant 0 : i32
      %add3A_911 = arith.addi %mul3A_895, %add3A_910 : i32
      %get3A_912 = arith.index_cast %add3A_911 : i32 to index
      %get3A_913 = arith.constant 16 : index
      %get3A_914 = tpu.vector_load %arg6[%get3A_912, %get3A_913] {strides = array<i32>} : memref<640x64xf32, #tpu.memory_space<vmem>>, vector<1x16xf32>,
      %get3A_915 = vector.shape_cast %get3A_914 : vector<1x16xf32> to vector<16xf32>
      %mul3A_916 = arith.constant 8.000000e+00 : f32
      %mul3A_917 = vector.broadcast %mul3A_916 : f32 to vector<16xf32>
      %mul3A_918 = arith.mulf %get3A_915, %mul3A_917 : vector<16xf32>
      %add3A_919 = arith.constant 0 : i32
      %add3A_920 = arith.addi %mul3A_895, %add3A_919 : i32
      %swap3A_921 = arith.index_cast %add3A_920 : i32 to index
      %swap3A_922 = arith.constant 16 : index
      %swap3A_923 = tpu.vector_load %arg6[%swap3A_921, %swap3A_922] {strides = array<i32>} : memref<640x64xf32, #tpu.memory_space<vmem>>, vector<1x16xf32>,
      %swap3A_924 = vector.shape_cast %swap3A_923 : vector<1x16xf32> to vector<16xf32>
      %swap3A_925 = vector.shape_cast %mul3A_918 : vector<16xf32> to vector<1x16xf32>
      tpu.vector_store %arg6[%swap3A_921, %swap3A_922], %swap3A_925 {strides = array<i32>} : memref<640x64xf32, #tpu.memory_space<vmem>>, vector<1x16xf32>,
      %add3A_926 = arith.constant 0 : i32
      %add3A_927 = arith.addi %mul3A_895, %add3A_926 : i32
      %get3A_928 = arith.index_cast %add3A_927 : i32 to index
      %get3A_929 = arith.constant 32 : index
      %get3A_930 = tpu.vector_load %arg6[%get3A_928, %get3A_929] {strides = array<i32>} : memref<640x64xf32, #tpu.memory_space<vmem>>, vector<1x16xf32>,
      %get3A_931 = vector.shape_cast %get3A_930 : vector<1x16xf32> to vector<16xf32>
      %mul3A_932 = arith.constant 8.000000e+00 : f32
      %mul3A_933 = vector.broadcast %mul3A_932 : f32 to vector<16xf32>
      %mul3A_934 = arith.mulf %get3A_931, %mul3A_933 : vector<16xf32>
      %add3A_935 = arith.constant 0 : i32
      %add3A_936 = arith.addi %mul3A_895, %add3A_935 : i32
      %swap3A_937 = arith.index_cast %add3A_936 : i32 to index
      %swap3A_938 = arith.constant 32 : index
      %swap3A_939 = tpu.vector_load %arg6[%swap3A_937, %swap3A_938] {strides = array<i32>} : memref<640x64xf32, #tpu.memory_space<vmem>>, vector<1x16xf32>,
      %swap3A_940 = vector.shape_cast %swap3A_939 : vector<1x16xf32> to vector<16xf32>
      %swap3A_941 = vector.shape_cast %mul3A_934 : vector<16xf32> to vector<1x16xf32>
      tpu.vector_store %arg6[%swap3A_937, %swap3A_938], %swap3A_941 {strides = array<i32>} : memref<640x64xf32, #tpu.memory_space<vmem>>, vector<1x16xf32>,
      %add3A_942 = arith.constant 0 : i32
      %add3A_943 = arith.addi %mul3A_895, %add3A_942 : i32
      %get3A_944 = arith.index_cast %add3A_943 : i32 to index
      %get3A_945 = arith.constant 48 : index
      %get3A_946 = tpu.vector_load %arg6[%get3A_944, %get3A_945] {strides = array<i32>} : memref<640x64xf32, #tpu.memory_space<vmem>>, vector<1x16xf32>,
      %get3A_947 = vector.shape_cast %get3A_946 : vector<1x16xf32> to vector<16xf32>
      %mul3A_948 = arith.constant 8.000000e+00 : f32
      %mul3A_949 = vector.broadcast %mul3A_948 : f32 to vector<16xf32>
      %mul3A_950 = arith.mulf %get3A_947, %mul3A_949 : vector<16xf32>
      %add3A_951 = arith.constant 0 : i32
      %add3A_952 = arith.addi %mul3A_895, %add3A_951 : i32
      %swap3A_953 = arith.index_cast %add3A_952 : i32 to index
      %swap3A_954 = arith.constant 48 : index
      %swap3A_955 = tpu.vector_load %arg6[%swap3A_953, %swap3A_954] {strides = array<i32>} : memref<640x64xf32, #tpu.memory_space<vmem>>, vector<1x16xf32>,
      %swap3A_956 = vector.shape_cast %swap3A_955 : vector<1x16xf32> to vector<16xf32>
      %swap3A_957 = vector.shape_cast %mul3A_950 : vector<16xf32> to vector<1x16xf32>
      tpu.vector_store %arg6[%swap3A_953, %swap3A_954], %swap3A_957 {strides = array<i32>} : memref<640x64xf32, #tpu.memory_space<vmem>>, vector<1x16xf32>,
      %add3A_958 = arith.constant 1 : i32
      %add3A_959 = arith.addi %mul3A_895, %add3A_958 : i32
      %get3A_960 = arith.index_cast %add3A_959 : i32 to index
      %get3A_961 = arith.constant 0 : index
      %get3A_962 = tpu.vector_load %arg6[%get3A_960, %get3A_961] {strides = array<i32>} : memref<640x64xf32, #tpu.memory_space<vmem>>, vector<1x16xf32>,
      %get3A_963 = vector.shape_cast %get3A_962 : vector<1x16xf32> to vector<16xf32>
      %mul3A_964 = arith.constant 8.000000e+00 : f32
      %mul3A_965 = vector.broadcast %mul3A_964 : f32 to vector<16xf32>
      %mul3A_966 = arith.mulf %get3A_963, %mul3A_965 : vector<16xf32>
      %add3A_967 = arith.constant 1 : i32
      %add3A_968 = arith.addi %mul3A_895, %add3A_967 : i32
      %swap3A_969 = arith.index_cast %add3A_968 : i32 to index
      %swap3A_970 = arith.constant 0 : index
      %swap3A_971 = tpu.vector_load %arg6[%swap3A_969, %swap3A_970] {strides = array<i32>} : memref<640x64xf32, #tpu.memory_space<vmem>>, vector<1x16xf32>,
      %swap3A_972 = vector.shape_cast %swap3A_971 : vector<1x16xf32> to vector<16xf32>
      %swap3A_973 = vector.shape_cast %mul3A_966 : vector<16xf32> to vector<1x16xf32>
      tpu.vector_store %arg6[%swap3A_969, %swap3A_970], %swap3A_973 {strides = array<i32>} : memref<640x64xf32, #tpu.memory_space<vmem>>, vector<1x16xf32>,
      %add3A_974 = arith.constant 1 : i32
      %add3A_975 = arith.addi %mul3A_895, %add3A_974 : i32
      %get3A_976 = arith.index_cast %add3A_975 : i32 to index
      %get3A_977 = arith.constant 16 : index
      %get3A_978 = tpu.vector_load %arg6[%get3A_976, %get3A_977] {strides = array<i32>} : memref<640x64xf32, #tpu.memory_space<vmem>>, vector<1x16xf32>,
      %get3A_979 = vector.shape_cast %get3A_978 : vector<1x16xf32> to vector<16xf32>
      %mul3A_980 = arith.constant 8.000000e+00 : f32
      %mul3A_981 = vector.broadcast %mul3A_980 : f32 to vector<16xf32>
      %mul3A_982 = arith.mulf %get3A_979, %mul3A_981 : vector<16xf32>
      %add3A_983 = arith.constant 1 : i32
      %add3A_984 = arith.addi %mul3A_895, %add3A_983 : i32
      %swap3A_985 = arith.index_cast %add3A_984 : i32 to index
      %swap3A_986 = arith.constant 16 : index
      %swap3A_987 = tpu.vector_load %arg6[%swap3A_985, %swap3A_986] {strides = array<i32>} : memref<640x64xf32, #tpu.memory_space<vmem>>, vector<1x16xf32>,
      %swap3A_988 = vector.shape_cast %swap3A_987 : vector<1x16xf32> to vector<16xf32>
      %swap3A_989 = vector.shape_cast %mul3A_982 : vector<16xf32> to vector<1x16xf32>
      tpu.vector_store %arg6[%swap3A_985, %swap3A_986], %swap3A_989 {strides = array<i32>} : memref<640x64xf32, #tpu.memory_space<vmem>>, vector<1x16xf32>,
      %add3A_990 = arith.constant 1 : i32
      %add3A_991 = arith.addi %mul3A_895, %add3A_990 : i32
      %get3A_992 = arith.index_cast %add3A_991 : i32 to index
      %get3A_993 = arith.constant 32 : index
      %get3A_994 = tpu.vector_load %arg6[%get3A_992, %get3A_993] {strides = array<i32>} : memref<640x64xf32, #tpu.memory_space<vmem>>, vector<1x16xf32>,
      %get3A_995 = vector.shape_cast %get3A_994 : vector<1x16xf32> to vector<16xf32>
      %mul3A_996 = arith.constant 8.000000e+00 : f32
      %mul3A_997 = vector.broadcast %mul3A_996 : f32 to vector<16xf32>
      %mul3A_998 = arith.mulf %get3A_995, %mul3A_997 : vector<16xf32>
      %add3A_999 = arith.constant 1 : i32
      %add3A_1000 = arith.addi %mul3A_895, %add3A_999 : i32
      %swap3A_1001 = arith.index_cast %add3A_1000 : i32 to index
      %swap3A_1002 = arith.constant 32 : index
      %swap3A_1003 = tpu.vector_load %arg6[%swap3A_1001, %swap3A_1002] {strides = array<i32>} : memref<640x64xf32, #tpu.memory_space<vmem>>, vector<1x16xf32>,
      %swap3A_1004 = vector.shape_cast %swap3A_1003 : vector<1x16xf32> to vector<16xf32>
      %swap3A_1005 = vector.shape_cast %mul3A_998 : vector<16xf32> to vector<1x16xf32>
      tpu.vector_store %arg6[%swap3A_1001, %swap3A_1002], %swap3A_1005 {strides = array<i32>} : memref<640x64xf32, #tpu.memory_space<vmem>>, vector<1x16xf32>,
      %add3A_1006 = arith.constant 1 : i32
      %add3A_1007 = arith.addi %mul3A_895, %add3A_1006 : i32
      %get3A_1008 = arith.index_cast %add3A_1007 : i32 to index
      %get3A_1009 = arith.constant 48 : index
      %get3A_1010 = tpu.vector_load %arg6[%get3A_1008, %get3A_1009] {strides = array<i32>} : memref<640x64xf32, #tpu.memory_space<vmem>>, vector<1x16xf32>,
      %get3A_1011 = vector.shape_cast %get3A_1010 : vector<1x16xf32> to vector<16xf32>
      %mul3A_1012 = arith.constant 8.000000e+00 : f32
      %mul3A_1013 = vector.broadcast %mul3A_1012 : f32 to vector<16xf32>
      %mul3A_1014 = arith.mulf %get3A_1011, %mul3A_1013 : vector<16xf32>
      %add3A_1015 = arith.constant 1 : i32
      %add3A_1016 = arith.addi %mul3A_895, %add3A_1015 : i32
      %swap3A_1017 = arith.index_cast %add3A_1016 : i32 to index
      %swap3A_1018 = arith.constant 48 : index
      %swap3A_1019 = tpu.vector_load %arg6[%swap3A_1017, %swap3A_1018] {strides = array<i32>} : memref<640x64xf32, #tpu.memory_space<vmem>>, vector<1x16xf32>,
      %swap3A_1020 = vector.shape_cast %swap3A_1019 : vector<1x16xf32> to vector<16xf32>
      %swap3A_1021 = vector.shape_cast %mul3A_1014 : vector<16xf32> to vector<1x16xf32>
      tpu.vector_store %arg6[%swap3A_1017, %swap3A_1018], %swap3A_1021 {strides = array<i32>} : memref<640x64xf32, #tpu.memory_space<vmem>>, vector<1x16xf32>,
      %add3A_1022 = arith.constant 2 : i32
      %add3A_1023 = arith.addi %mul3A_895, %add3A_1022 : i32
      %get3A_1024 = arith.index_cast %add3A_1023 : i32 to index
      %get3A_1025 = arith.constant 0 : index
      %get3A_1026 = tpu.vector_load %arg6[%get3A_1024, %get3A_1025] {strides = array<i32>} : memref<640x64xf32, #tpu.memory_space<vmem>>, vector<1x16xf32>,
      %get3A_1027 = vector.shape_cast %get3A_1026 : vector<1x16xf32> to vector<16xf32>
      %mul3A_1028 = arith.constant 8.000000e+00 : f32
      %mul3A_1029 = vector.broadcast %mul3A_1028 : f32 to vector<16xf32>
      %mul3A_1030 = arith.mulf %get3A_1027, %mul3A_1029 : vector<16xf32>
      %add3A_1031 = arith.constant 2 : i32
      %add3A_1032 = arith.addi %mul3A_895, %add3A_1031 : i32
      %swap3A_1033 = arith.index_cast %add3A_1032 : i32 to index
      %swap3A_1034 = arith.constant 0 : index
      %swap3A_1035 = tpu.vector_load %arg6[%swap3A_1033, %swap3A_1034] {strides = array<i32>} : memref<640x64xf32, #tpu.memory_space<vmem>>, vector<1x16xf32>,
      %swap3A_1036 = vector.shape_cast %swap3A_1035 : vector<1x16xf32> to vector<16xf32>
      %swap3A_1037 = vector.shape_cast %mul3A_1030 : vector<16xf32> to vector<1x16xf32>
      tpu.vector_store %arg6[%swap3A_1033, %swap3A_1034], %swap3A_1037 {strides = array<i32>} : memref<640x64xf32, #tpu.memory_space<vmem>>, vector<1x16xf32>,
      %add3A_1038 = arith.constant 2 : i32
      %add3A_1039 = arith.addi %mul3A_895, %add3A_1038 : i32
      %get3A_1040 = arith.index_cast %add3A_1039 : i32 to index
      %get3A_1041 = arith.constant 16 : index
      %get3A_1042 = tpu.vector_load %arg6[%get3A_1040, %get3A_1041] {strides = array<i32>} : memref<640x64xf32, #tpu.memory_space<vmem>>, vector<1x16xf32>,
      %get3A_1043 = vector.shape_cast %get3A_1042 : vector<1x16xf32> to vector<16xf32>
      %mul3A_1044 = arith.constant 8.000000e+00 : f32
      %mul3A_1045 = vector.broadcast %mul3A_1044 : f32 to vector<16xf32>
      %mul3A_1046 = arith.mulf %get3A_1043, %mul3A_1045 : vector<16xf32>
      %add3A_1047 = arith.constant 2 : i32
      %add3A_1048 = arith.addi %mul3A_895, %add3A_1047 : i32
      %swap3A_1049 = arith.index_cast %add3A_1048 : i32 to index
      %swap3A_1050 = arith.constant 16 : index
      %swap3A_1051 = tpu.vector_load %arg6[%swap3A_1049, %swap3A_1050] {strides = array<i32>} : memref<640x64xf32, #tpu.memory_space<vmem>>, vector<1x16xf32>,
      %swap3A_1052 = vector.shape_cast %swap3A_1051 : vector<1x16xf32> to vector<16xf32>
      %swap3A_1053 = vector.shape_cast %mul3A_1046 : vector<16xf32> to vector<1x16xf32>
      tpu.vector_store %arg6[%swap3A_1049, %swap3A_1050], %swap3A_1053 {strides = array<i32>} : memref<640x64xf32, #tpu.memory_space<vmem>>, vector<1x16xf32>,
      %add3A_1054 = arith.constant 2 : i32
      %add3A_1055 = arith.addi %mul3A_895, %add3A_1054 : i32
      %get3A_1056 = arith.index_cast %add3A_1055 : i32 to index
      %get3A_1057 = arith.constant 32 : index
      %get3A_1058 = tpu.vector_load %arg6[%get3A_1056, %get3A_1057] {strides = array<i32>} : memref<640x64xf32, #tpu.memory_space<vmem>>, vector<1x16xf32>,
      %get3A_1059 = vector.shape_cast %get3A_1058 : vector<1x16xf32> to vector<16xf32>
      %mul3A_1060 = arith.constant 8.000000e+00 : f32
      %mul3A_1061 = vector.broadcast %mul3A_1060 : f32 to vector<16xf32>
      %mul3A_1062 = arith.mulf %get3A_1059, %mul3A_1061 : vector<16xf32>
      %add3A_1063 = arith.constant 2 : i32
      %add3A_1064 = arith.addi %mul3A_895, %add3A_1063 : i32
      %swap3A_1065 = arith.index_cast %add3A_1064 : i32 to index
      %swap3A_1066 = arith.constant 32 : index
      %swap3A_1067 = tpu.vector_load %arg6[%swap3A_1065, %swap3A_1066] {strides = array<i32>} : memref<640x64xf32, #tpu.memory_space<vmem>>, vector<1x16xf32>,
      %swap3A_1068 = vector.shape_cast %swap3A_1067 : vector<1x16xf32> to vector<16xf32>
      %swap3A_1069 = vector.shape_cast %mul3A_1062 : vector<16xf32> to vector<1x16xf32>
      tpu.vector_store %arg6[%swap3A_1065, %swap3A_1066], %swap3A_1069 {strides = array<i32>} : memref<640x64xf32, #tpu.memory_space<vmem>>, vector<1x16xf32>,
      %add3A_1070 = arith.constant 2 : i32
      %add3A_1071 = arith.addi %mul3A_895, %add3A_1070 : i32
      %get3A_1072 = arith.index_cast %add3A_1071 : i32 to index
      %get3A_1073 = arith.constant 48 : index
      %get3A_1074 = tpu.vector_load %arg6[%get3A_1072, %get3A_1073] {strides = array<i32>} : memref<640x64xf32, #tpu.memory_space<vmem>>, vector<1x16xf32>,
      %get3A_1075 = vector.shape_cast %get3A_1074 : vector<1x16xf32> to vector<16xf32>
      %mul3A_1076 = arith.constant 8.000000e+00 : f32
      %mul3A_1077 = vector.broadcast %mul3A_1076 : f32 to vector<16xf32>
      %mul3A_1078 = arith.mulf %get3A_1075, %mul3A_1077 : vector<16xf32>
      %add3A_1079 = arith.constant 2 : i32
      %add3A_1080 = arith.addi %mul3A_895, %add3A_1079 : i32
      %swap3A_1081 = arith.index_cast %add3A_1080 : i32 to index
      %swap3A_1082 = arith.constant 48 : index
      %swap3A_1083 = tpu.vector_load %arg6[%swap3A_1081, %swap3A_1082] {strides = array<i32>} : memref<640x64xf32, #tpu.memory_space<vmem>>, vector<1x16xf32>,
      %swap3A_1084 = vector.shape_cast %swap3A_1083 : vector<1x16xf32> to vector<16xf32>
      %swap3A_1085 = vector.shape_cast %mul3A_1078 : vector<16xf32> to vector<1x16xf32>
      tpu.vector_store %arg6[%swap3A_1081, %swap3A_1082], %swap3A_1085 {strides = array<i32>} : memref<640x64xf32, #tpu.memory_space<vmem>>, vector<1x16xf32>,
      %add3A_1086 = arith.constant 3 : i32
      %add3A_1087 = arith.addi %mul3A_895, %add3A_1086 : i32
      %get3A_1088 = arith.index_cast %add3A_1087 : i32 to index
      %get3A_1089 = arith.constant 0 : index
      %get3A_1090 = tpu.vector_load %arg6[%get3A_1088, %get3A_1089] {strides = array<i32>} : memref<640x64xf32, #tpu.memory_space<vmem>>, vector<1x16xf32>,
      %get3A_1091 = vector.shape_cast %get3A_1090 : vector<1x16xf32> to vector<16xf32>
      %mul3A_1092 = arith.constant 8.000000e+00 : f32
      %mul3A_1093 = vector.broadcast %mul3A_1092 : f32 to vector<16xf32>
      %mul3A_1094 = arith.mulf %get3A_1091, %mul3A_1093 : vector<16xf32>
      %add3A_1095 = arith.constant 3 : i32
      %add3A_1096 = arith.addi %mul3A_895, %add3A_1095 : i32
      %swap3A_1097 = arith.index_cast %add3A_1096 : i32 to index
      %swap3A_1098 = arith.constant 0 : index
      %swap3A_1099 = tpu.vector_load %arg6[%swap3A_1097, %swap3A_1098] {strides = array<i32>} : memref<640x64xf32, #tpu.memory_space<vmem>>, vector<1x16xf32>,
      %swap3A_1100 = vector.shape_cast %swap3A_1099 : vector<1x16xf32> to vector<16xf32>
      %swap3A_1101 = vector.shape_cast %mul3A_1094 : vector<16xf32> to vector<1x16xf32>
      tpu.vector_store %arg6[%swap3A_1097, %swap3A_1098], %swap3A_1101 {strides = array<i32>} : memref<640x64xf32, #tpu.memory_space<vmem>>, vector<1x16xf32>,
      %add3A_1102 = arith.constant 3 : i32
      %add3A_1103 = arith.addi %mul3A_895, %add3A_1102 : i32
      %get3A_1104 = arith.index_cast %add3A_1103 : i32 to index
      %get3A_1105 = arith.constant 16 : index
      %get3A_1106 = tpu.vector_load %arg6[%get3A_1104, %get3A_1105] {strides = array<i32>} : memref<640x64xf32, #tpu.memory_space<vmem>>, vector<1x16xf32>,
      %get3A_1107 = vector.shape_cast %get3A_1106 : vector<1x16xf32> to vector<16xf32>
      %mul3A_1108 = arith.constant 8.000000e+00 : f32
      %mul3A_1109 = vector.broadcast %mul3A_1108 : f32 to vector<16xf32>
      %mul3A_1110 = arith.mulf %get3A_1107, %mul3A_1109 : vector<16xf32>
      %add3A_1111 = arith.constant 3 : i32
      %add3A_1112 = arith.addi %mul3A_895, %add3A_1111 : i32
      %swap3A_1113 = arith.index_cast %add3A_1112 : i32 to index
      %swap3A_1114 = arith.constant 16 : index
      %swap3A_1115 = tpu.vector_load %arg6[%swap3A_1113, %swap3A_1114] {strides = array<i32>} : memref<640x64xf32, #tpu.memory_space<vmem>>, vector<1x16xf32>,
      %swap3A_1116 = vector.shape_cast %swap3A_1115 : vector<1x16xf32> to vector<16xf32>
      %swap3A_1117 = vector.shape_cast %mul3A_1110 : vector<16xf32> to vector<1x16xf32>
      tpu.vector_store %arg6[%swap3A_1113, %swap3A_1114], %swap3A_1117 {strides = array<i32>} : memref<640x64xf32, #tpu.memory_space<vmem>>, vector<1x16xf32>,
      %add3A_1118 = arith.constant 3 : i32
      %add3A_1119 = arith.addi %mul3A_895, %add3A_1118 : i32
      %get3A_1120 = arith.index_cast %add3A_1119 : i32 to index
      %get3A_1121 = arith.constant 32 : index
      %get3A_1122 = tpu.vector_load %arg6[%get3A_1120, %get3A_1121] {strides = array<i32>} : memref<640x64xf32, #tpu.memory_space<vmem>>, vector<1x16xf32>,
      %get3A_1123 = vector.shape_cast %get3A_1122 : vector<1x16xf32> to vector<16xf32>
      %mul3A_1124 = arith.constant 8.000000e+00 : f32
      %mul3A_1125 = vector.broadcast %mul3A_1124 : f32 to vector<16xf32>
      %mul3A_1126 = arith.mulf %get3A_1123, %mul3A_1125 : vector<16xf32>
      %add3A_1127 = arith.constant 3 : i32
      %add3A_1128 = arith.addi %mul3A_895, %add3A_1127 : i32
      %swap3A_1129 = arith.index_cast %add3A_1128 : i32 to index
      %swap3A_1130 = arith.constant 32 : index
      %swap3A_1131 = tpu.vector_load %arg6[%swap3A_1129, %swap3A_1130] {strides = array<i32>} : memref<640x64xf32, #tpu.memory_space<vmem>>, vector<1x16xf32>,
      %swap3A_1132 = vector.shape_cast %swap3A_1131 : vector<1x16xf32> to vector<16xf32>
      %swap3A_1133 = vector.shape_cast %mul3A_1126 : vector<16xf32> to vector<1x16xf32>
      tpu.vector_store %arg6[%swap3A_1129, %swap3A_1130], %swap3A_1133 {strides = array<i32>} : memref<640x64xf32, #tpu.memory_space<vmem>>, vector<1x16xf32>,
      %add3A_1134 = arith.constant 3 : i32
      %add3A_1135 = arith.addi %mul3A_895, %add3A_1134 : i32
      %get3A_1136 = arith.index_cast %add3A_1135 : i32 to index
      %get3A_1137 = arith.constant 48 : index
      %get3A_1138 = tpu.vector_load %arg6[%get3A_1136, %get3A_1137] {strides = array<i32>} : memref<640x64xf32, #tpu.memory_space<vmem>>, vector<1x16xf32>,
      %get3A_1139 = vector.shape_cast %get3A_1138 : vector<1x16xf32> to vector<16xf32>
      %mul3A_1140 = arith.constant 8.000000e+00 : f32
      %mul3A_1141 = vector.broadcast %mul3A_1140 : f32 to vector<16xf32>
      %mul3A_1142 = arith.mulf %get3A_1139, %mul3A_1141 : vector<16xf32>
      %add3A_1143 = arith.constant 3 : i32
      %add3A_1144 = arith.addi %mul3A_895, %add3A_1143 : i32
      %swap3A_1145 = arith.index_cast %add3A_1144 : i32 to index
      %swap3A_1146 = arith.constant 48 : index
      %swap3A_1147 = tpu.vector_load %arg6[%swap3A_1145, %swap3A_1146] {strides = array<i32>} : memref<640x64xf32, #tpu.memory_space<vmem>>, vector<1x16xf32>,
      %swap3A_1148 = vector.shape_cast %swap3A_1147 : vector<1x16xf32> to vector<16xf32>
      %swap3A_1149 = vector.shape_cast %mul3A_1142 : vector<16xf32> to vector<1x16xf32>
      tpu.vector_store %arg6[%swap3A_1145, %swap3A_1146], %swap3A_1149 {strides = array<i32>} : memref<640x64xf32, #tpu.memory_space<vmem>>, vector<1x16xf32>,
      %scan3A_1150 = arith.constant 0 : i32
      scf.yield %scan3A_1150 : i32
    }
    %scan3A_840 = arith.constant 160 : i32
    %add3A_841 = arith.constant 5120 : i32
    %add3A_842 = arith.addi %mul3A_4, %add3A_841 : i32
    "tpu.region"() ({
      %run_scoped3A = tpu.sem_alloc : memref<!tpu.dma_semaphore, #tpu.memory_space<semaphore_mem>>
      %dma_start3A_892 = arith.constant 0 : i32
      %dma_start3A_893 = tpu.memref_slice %arg4[%add3A_842, %dma_start3A_892] : memref<204800x64xf32, #tpu.memory_space<hbm>> -> memref<640x64xf32, #tpu.memory_space<hbm>>
      %dma_start3A_894 = arith.constant 0 : i32
      %dma_start3A_895 = tpu.memref_slice %arg4[%add3A_842, %dma_start3A_894] : memref<204800x64xf32, #tpu.memory_space<hbm>> -> memref<640x64xf32, #tpu.memory_space<hbm>>
      tpu.enqueue_dma source(%arg6 : memref<640x64xf32, #tpu.memory_space<vmem>>) target(%dma_start3A_895 : memref<640x64xf32, #tpu.memory_space<hbm>>) target_semaphore(%run_scoped3A : memref<!tpu.dma_semaphore, #tpu.memory_space<semaphore_mem>>)
      %dma_wait3A_896 = arith.constant 0 : i32
      %dma_wait3A_897 = tpu.memref_slice %arg4[%add3A_842, %dma_wait3A_896] : memref<204800x64xf32, #tpu.memory_space<hbm>> -> memref<640x64xf32, #tpu.memory_space<hbm>>
      %dma_wait3A_898 = arith.constant 0 : i32
      %dma_wait3A_899 = tpu.memref_slice %arg4[%add3A_842, %dma_wait3A_898] : memref<204800x64xf32, #tpu.memory_space<hbm>> -> memref<640x64xf32, #tpu.memory_space<hbm>>
      tpu.wait_dma2 semaphore(%run_scoped3A : memref<!tpu.dma_semaphore, #tpu.memory_space<semaphore_mem>>) src(%arg6 : memref<640x64xf32, #tpu.memory_space<vmem>>) dst(%dma_wait3A_899 : memref<640x64xf32, #tpu.memory_space<hbm>>)
      tpu.yield
    }) : () -> ()
    %dma_wait3A_843 = arith.constant 0 : i32
    %dma_wait3A_844 = arith.constant 0 : i32
    %dma_wait3A_845 = tpu.memref_slice %arg7[%dma_wait3A_843, %dma_wait3A_844] : memref<640x64xf32, #tpu.memory_space<vmem>> -> memref<128x64xf32, #tpu.memory_space<vmem>>
    %dma_wait3A_846 = arith.constant 5760 : i32
    %dma_wait3A_847 = tpu.memref_slice %arg5[%dma_wait3A_846] : memref<6400xi32, #tpu.memory_space<vmem>> -> memref<128xi32, #tpu.memory_space<vmem>>
    %dma_wait3A_848 = arith.constant 0 : i32
    %dma_wait3A_849 = arith.constant 0 : i32
    %dma_wait3A_850 = tpu.memref_slice %arg2[%dma_wait3A_848, %dma_wait3A_849] : memref<1000000x64xf32, #tpu.memory_space<hbm>> -> memref<1000000x64xf32, #tpu.memory_space<hbm>>
    tpu.wait_indirect_dma semaphore(%arg9 : memref<!tpu.dma_semaphore, #tpu.memory_space<semaphore_mem>>) src(%dma_wait3A_850 : memref<1000000x64xf32, #tpu.memory_space<hbm>>) dst(%dma_wait3A_845 : memref<128x64xf32, #tpu.memory_space<vmem>>)
    %dma_wait3A_851 = arith.constant 128 : i32
    %dma_wait3A_852 = arith.constant 0 : i32
    %dma_wait3A_853 = tpu.memref_slice %arg7[%dma_wait3A_851, %dma_wait3A_852] : memref<640x64xf32, #tpu.memory_space<vmem>> -> memref<128x64xf32, #tpu.memory_space<vmem>>
    %dma_wait3A_854 = arith.constant 5888 : i32
    %dma_wait3A_855 = tpu.memref_slice %arg5[%dma_wait3A_854] : memref<6400xi32, #tpu.memory_space<vmem>> -> memref<128xi32, #tpu.memory_space<vmem>>
    %dma_wait3A_856 = arith.constant 0 : i32
    %dma_wait3A_857 = arith.constant 0 : i32
    %dma_wait3A_858 = tpu.memref_slice %arg2[%dma_wait3A_856, %dma_wait3A_857] : memref<1000000x64xf32, #tpu.memory_space<hbm>> -> memref<1000000x64xf32, #tpu.memory_space<hbm>>
    tpu.wait_indirect_dma semaphore(%arg9 : memref<!tpu.dma_semaphore, #tpu.memory_space<semaphore_mem>>) src(%dma_wait3A_858 : memref<1000000x64xf32, #tpu.memory_space<hbm>>) dst(%dma_wait3A_853 : memref<128x64xf32, #tpu.memory_space<vmem>>)
    %dma_wait3A_859 = arith.constant 256 : i32
    %dma_wait3A_860 = arith.constant 0 : i32
    %dma_wait3A_861 = tpu.memref_slice %arg7[%dma_wait3A_859, %dma_wait3A_860] : memref<640x64xf32, #tpu.memory_space<vmem>> -> memref<128x64xf32, #tpu.memory_space<vmem>>
    %dma_wait3A_862 = arith.constant 6016 : i32
    %dma_wait3A_863 = tpu.memref_slice %arg5[%dma_wait3A_862] : memref<6400xi32, #tpu.memory_space<vmem>> -> memref<128xi32, #tpu.memory_space<vmem>>
    %dma_wait3A_864 = arith.constant 0 : i32
    %dma_wait3A_865 = arith.constant 0 : i32
    %dma_wait3A_866 = tpu.memref_slice %arg2[%dma_wait3A_864, %dma_wait3A_865] : memref<1000000x64xf32, #tpu.memory_space<hbm>> -> memref<1000000x64xf32, #tpu.memory_space<hbm>>
    tpu.wait_indirect_dma semaphore(%arg9 : memref<!tpu.dma_semaphore, #tpu.memory_space<semaphore_mem>>) src(%dma_wait3A_866 : memref<1000000x64xf32, #tpu.memory_space<hbm>>) dst(%dma_wait3A_861 : memref<128x64xf32, #tpu.memory_space<vmem>>)
    %dma_wait3A_867 = arith.constant 384 : i32
    %dma_wait3A_868 = arith.constant 0 : i32
    %dma_wait3A_869 = tpu.memref_slice %arg7[%dma_wait3A_867, %dma_wait3A_868] : memref<640x64xf32, #tpu.memory_space<vmem>> -> memref<128x64xf32, #tpu.memory_space<vmem>>
    %dma_wait3A_870 = arith.constant 6144 : i32
    %dma_wait3A_871 = tpu.memref_slice %arg5[%dma_wait3A_870] : memref<6400xi32, #tpu.memory_space<vmem>> -> memref<128xi32, #tpu.memory_space<vmem>>
    %dma_wait3A_872 = arith.constant 0 : i32
    %dma_wait3A_873 = arith.constant 0 : i32
    %dma_wait3A_874 = tpu.memref_slice %arg2[%dma_wait3A_872, %dma_wait3A_873] : memref<1000000x64xf32, #tpu.memory_space<hbm>> -> memref<1000000x64xf32, #tpu.memory_space<hbm>>
    tpu.wait_indirect_dma semaphore(%arg9 : memref<!tpu.dma_semaphore, #tpu.memory_space<semaphore_mem>>) src(%dma_wait3A_874 : memref<1000000x64xf32, #tpu.memory_space<hbm>>) dst(%dma_wait3A_869 : memref<128x64xf32, #tpu.memory_space<vmem>>)
    %dma_wait3A_875 = arith.constant 512 : i32
    %dma_wait3A_876 = arith.constant 0 : i32
    %dma_wait3A_877 = tpu.memref_slice %arg7[%dma_wait3A_875, %dma_wait3A_876] : memref<640x64xf32, #tpu.memory_space<vmem>> -> memref<128x64xf32, #tpu.memory_space<vmem>>
    %dma_wait3A_878 = arith.constant 6272 : i32
    %dma_wait3A_879 = tpu.memref_slice %arg5[%dma_wait3A_878] : memref<6400xi32, #tpu.memory_space<vmem>> -> memref<128xi32, #tpu.memory_space<vmem>>
    %dma_wait3A_880 = arith.constant 0 : i32
    %dma_wait3A_881 = arith.constant 0 : i32
    %dma_wait3A_882 = tpu.memref_slice %arg2[%dma_wait3A_880, %dma_wait3A_881] : memref<1000000x64xf32, #tpu.memory_space<hbm>> -> memref<1000000x64xf32, #tpu.memory_space<hbm>>
    tpu.wait_indirect_dma semaphore(%arg9 : memref<!tpu.dma_semaphore, #tpu.memory_space<semaphore_mem>>) src(%dma_wait3A_882 : memref<1000000x64xf32, #tpu.memory_space<hbm>>) dst(%dma_wait3A_877 : memref<128x64xf32, #tpu.memory_space<vmem>>)
    %scan3A_883 = arith.constant 0 : i32
    %scan3A_884 = arith.constant 0 : i32
    %scan3A_885 = arith.constant 160 : i32
    %scan3A_886 = arith.addi %scan3A_884, %scan3A_885 : i32
    %scan3A_887 = arith.constant 1 : i32
    %scan3A_888 = scf.for %scan3A_892 = %scan3A_884 to %scan3A_886 step %scan3A_887 iter_args(%scan3A_893 = %scan3A_883) -> (i32)  : i32 {
      %mul3A_894 = arith.constant 4 : i32
      %mul3A_895 = arith.muli %scan3A_892, %mul3A_894 : i32
      %add3A_896 = arith.constant 0 : i32
      %add3A_897 = arith.addi %mul3A_895, %add3A_896 : i32
      %get3A = arith.index_cast %add3A_897 : i32 to index
      %get3A_898 = arith.constant 0 : index
      %get3A_899 = tpu.vector_load %arg7[%get3A, %get3A_898] {strides = array<i32>} : memref<640x64xf32, #tpu.memory_space<vmem>>, vector<1x16xf32>,
      %get3A_900 = vector.shape_cast %get3A_899 : vector<1x16xf32> to vector<16xf32>
      %mul3A_901 = arith.constant 8.000000e+00 : f32
      %mul3A_902 = vector.broadcast %mul3A_901 : f32 to vector<16xf32>
      %mul3A_903 = arith.mulf %get3A_900, %mul3A_902 : vector<16xf32>
      %add3A_904 = arith.constant 0 : i32
      %add3A_905 = arith.addi %mul3A_895, %add3A_904 : i32
      %swap3A = arith.index_cast %add3A_905 : i32 to index
      %swap3A_906 = arith.constant 0 : index
      %swap3A_907 = tpu.vector_load %arg7[%swap3A, %swap3A_906] {strides = array<i32>} : memref<640x64xf32, #tpu.memory_space<vmem>>, vector<1x16xf32>,
      %swap3A_908 = vector.shape_cast %swap3A_907 : vector<1x16xf32> to vector<16xf32>
      %swap3A_909 = vector.shape_cast %mul3A_903 : vector<16xf32> to vector<1x16xf32>
      tpu.vector_store %arg7[%swap3A, %swap3A_906], %swap3A_909 {strides = array<i32>} : memref<640x64xf32, #tpu.memory_space<vmem>>, vector<1x16xf32>,
      %add3A_910 = arith.constant 0 : i32
      %add3A_911 = arith.addi %mul3A_895, %add3A_910 : i32
      %get3A_912 = arith.index_cast %add3A_911 : i32 to index
      %get3A_913 = arith.constant 16 : index
      %get3A_914 = tpu.vector_load %arg7[%get3A_912, %get3A_913] {strides = array<i32>} : memref<640x64xf32, #tpu.memory_space<vmem>>, vector<1x16xf32>,
      %get3A_915 = vector.shape_cast %get3A_914 : vector<1x16xf32> to vector<16xf32>
      %mul3A_916 = arith.constant 8.000000e+00 : f32
      %mul3A_917 = vector.broadcast %mul3A_916 : f32 to vector<16xf32>
      %mul3A_918 = arith.mulf %get3A_915, %mul3A_917 : vector<16xf32>
      %add3A_919 = arith.constant 0 : i32
      %add3A_920 = arith.addi %mul3A_895, %add3A_919 : i32
      %swap3A_921 = arith.index_cast %add3A_920 : i32 to index
      %swap3A_922 = arith.constant 16 : index
      %swap3A_923 = tpu.vector_load %arg7[%swap3A_921, %swap3A_922] {strides = array<i32>} : memref<640x64xf32, #tpu.memory_space<vmem>>, vector<1x16xf32>,
      %swap3A_924 = vector.shape_cast %swap3A_923 : vector<1x16xf32> to vector<16xf32>
      %swap3A_925 = vector.shape_cast %mul3A_918 : vector<16xf32> to vector<1x16xf32>
      tpu.vector_store %arg7[%swap3A_921, %swap3A_922], %swap3A_925 {strides = array<i32>} : memref<640x64xf32, #tpu.memory_space<vmem>>, vector<1x16xf32>,
      %add3A_926 = arith.constant 0 : i32
      %add3A_927 = arith.addi %mul3A_895, %add3A_926 : i32
      %get3A_928 = arith.index_cast %add3A_927 : i32 to index
      %get3A_929 = arith.constant 32 : index
      %get3A_930 = tpu.vector_load %arg7[%get3A_928, %get3A_929] {strides = array<i32>} : memref<640x64xf32, #tpu.memory_space<vmem>>, vector<1x16xf32>,
      %get3A_931 = vector.shape_cast %get3A_930 : vector<1x16xf32> to vector<16xf32>
      %mul3A_932 = arith.constant 8.000000e+00 : f32
      %mul3A_933 = vector.broadcast %mul3A_932 : f32 to vector<16xf32>
      %mul3A_934 = arith.mulf %get3A_931, %mul3A_933 : vector<16xf32>
      %add3A_935 = arith.constant 0 : i32
      %add3A_936 = arith.addi %mul3A_895, %add3A_935 : i32
      %swap3A_937 = arith.index_cast %add3A_936 : i32 to index
      %swap3A_938 = arith.constant 32 : index
      %swap3A_939 = tpu.vector_load %arg7[%swap3A_937, %swap3A_938] {strides = array<i32>} : memref<640x64xf32, #tpu.memory_space<vmem>>, vector<1x16xf32>,
      %swap3A_940 = vector.shape_cast %swap3A_939 : vector<1x16xf32> to vector<16xf32>
      %swap3A_941 = vector.shape_cast %mul3A_934 : vector<16xf32> to vector<1x16xf32>
      tpu.vector_store %arg7[%swap3A_937, %swap3A_938], %swap3A_941 {strides = array<i32>} : memref<640x64xf32, #tpu.memory_space<vmem>>, vector<1x16xf32>,
      %add3A_942 = arith.constant 0 : i32
      %add3A_943 = arith.addi %mul3A_895, %add3A_942 : i32
      %get3A_944 = arith.index_cast %add3A_943 : i32 to index
      %get3A_945 = arith.constant 48 : index
      %get3A_946 = tpu.vector_load %arg7[%get3A_944, %get3A_945] {strides = array<i32>} : memref<640x64xf32, #tpu.memory_space<vmem>>, vector<1x16xf32>,
      %get3A_947 = vector.shape_cast %get3A_946 : vector<1x16xf32> to vector<16xf32>
      %mul3A_948 = arith.constant 8.000000e+00 : f32
      %mul3A_949 = vector.broadcast %mul3A_948 : f32 to vector<16xf32>
      %mul3A_950 = arith.mulf %get3A_947, %mul3A_949 : vector<16xf32>
      %add3A_951 = arith.constant 0 : i32
      %add3A_952 = arith.addi %mul3A_895, %add3A_951 : i32
      %swap3A_953 = arith.index_cast %add3A_952 : i32 to index
      %swap3A_954 = arith.constant 48 : index
      %swap3A_955 = tpu.vector_load %arg7[%swap3A_953, %swap3A_954] {strides = array<i32>} : memref<640x64xf32, #tpu.memory_space<vmem>>, vector<1x16xf32>,
      %swap3A_956 = vector.shape_cast %swap3A_955 : vector<1x16xf32> to vector<16xf32>
      %swap3A_957 = vector.shape_cast %mul3A_950 : vector<16xf32> to vector<1x16xf32>
      tpu.vector_store %arg7[%swap3A_953, %swap3A_954], %swap3A_957 {strides = array<i32>} : memref<640x64xf32, #tpu.memory_space<vmem>>, vector<1x16xf32>,
      %add3A_958 = arith.constant 1 : i32
      %add3A_959 = arith.addi %mul3A_895, %add3A_958 : i32
      %get3A_960 = arith.index_cast %add3A_959 : i32 to index
      %get3A_961 = arith.constant 0 : index
      %get3A_962 = tpu.vector_load %arg7[%get3A_960, %get3A_961] {strides = array<i32>} : memref<640x64xf32, #tpu.memory_space<vmem>>, vector<1x16xf32>,
      %get3A_963 = vector.shape_cast %get3A_962 : vector<1x16xf32> to vector<16xf32>
      %mul3A_964 = arith.constant 8.000000e+00 : f32
      %mul3A_965 = vector.broadcast %mul3A_964 : f32 to vector<16xf32>
      %mul3A_966 = arith.mulf %get3A_963, %mul3A_965 : vector<16xf32>
      %add3A_967 = arith.constant 1 : i32
      %add3A_968 = arith.addi %mul3A_895, %add3A_967 : i32
      %swap3A_969 = arith.index_cast %add3A_968 : i32 to index
      %swap3A_970 = arith.constant 0 : index
      %swap3A_971 = tpu.vector_load %arg7[%swap3A_969, %swap3A_970] {strides = array<i32>} : memref<640x64xf32, #tpu.memory_space<vmem>>, vector<1x16xf32>,
      %swap3A_972 = vector.shape_cast %swap3A_971 : vector<1x16xf32> to vector<16xf32>
      %swap3A_973 = vector.shape_cast %mul3A_966 : vector<16xf32> to vector<1x16xf32>
      tpu.vector_store %arg7[%swap3A_969, %swap3A_970], %swap3A_973 {strides = array<i32>} : memref<640x64xf32, #tpu.memory_space<vmem>>, vector<1x16xf32>,
      %add3A_974 = arith.constant 1 : i32
      %add3A_975 = arith.addi %mul3A_895, %add3A_974 : i32
      %get3A_976 = arith.index_cast %add3A_975 : i32 to index
      %get3A_977 = arith.constant 16 : index
      %get3A_978 = tpu.vector_load %arg7[%get3A_976, %get3A_977] {strides = array<i32>} : memref<640x64xf32, #tpu.memory_space<vmem>>, vector<1x16xf32>,
      %get3A_979 = vector.shape_cast %get3A_978 : vector<1x16xf32> to vector<16xf32>
      %mul3A_980 = arith.constant 8.000000e+00 : f32
      %mul3A_981 = vector.broadcast %mul3A_980 : f32 to vector<16xf32>
      %mul3A_982 = arith.mulf %get3A_979, %mul3A_981 : vector<16xf32>
      %add3A_983 = arith.constant 1 : i32
      %add3A_984 = arith.addi %mul3A_895, %add3A_983 : i32
      %swap3A_985 = arith.index_cast %add3A_984 : i32 to index
      %swap3A_986 = arith.constant 16 : index
      %swap3A_987 = tpu.vector_load %arg7[%swap3A_985, %swap3A_986] {strides = array<i32>} : memref<640x64xf32, #tpu.memory_space<vmem>>, vector<1x16xf32>,
      %swap3A_988 = vector.shape_cast %swap3A_987 : vector<1x16xf32> to vector<16xf32>
      %swap3A_989 = vector.shape_cast %mul3A_982 : vector<16xf32> to vector<1x16xf32>
      tpu.vector_store %arg7[%swap3A_985, %swap3A_986], %swap3A_989 {strides = array<i32>} : memref<640x64xf32, #tpu.memory_space<vmem>>, vector<1x16xf32>,
      %add3A_990 = arith.constant 1 : i32
      %add3A_991 = arith.addi %mul3A_895, %add3A_990 : i32
      %get3A_992 = arith.index_cast %add3A_991 : i32 to index
      %get3A_993 = arith.constant 32 : index
      %get3A_994 = tpu.vector_load %arg7[%get3A_992, %get3A_993] {strides = array<i32>} : memref<640x64xf32, #tpu.memory_space<vmem>>, vector<1x16xf32>,
      %get3A_995 = vector.shape_cast %get3A_994 : vector<1x16xf32> to vector<16xf32>
      %mul3A_996 = arith.constant 8.000000e+00 : f32
      %mul3A_997 = vector.broadcast %mul3A_996 : f32 to vector<16xf32>
      %mul3A_998 = arith.mulf %get3A_995, %mul3A_997 : vector<16xf32>
      %add3A_999 = arith.constant 1 : i32
      %add3A_1000 = arith.addi %mul3A_895, %add3A_999 : i32
      %swap3A_1001 = arith.index_cast %add3A_1000 : i32 to index
      %swap3A_1002 = arith.constant 32 : index
      %swap3A_1003 = tpu.vector_load %arg7[%swap3A_1001, %swap3A_1002] {strides = array<i32>} : memref<640x64xf32, #tpu.memory_space<vmem>>, vector<1x16xf32>,
      %swap3A_1004 = vector.shape_cast %swap3A_1003 : vector<1x16xf32> to vector<16xf32>
      %swap3A_1005 = vector.shape_cast %mul3A_998 : vector<16xf32> to vector<1x16xf32>
      tpu.vector_store %arg7[%swap3A_1001, %swap3A_1002], %swap3A_1005 {strides = array<i32>} : memref<640x64xf32, #tpu.memory_space<vmem>>, vector<1x16xf32>,
      %add3A_1006 = arith.constant 1 : i32
      %add3A_1007 = arith.addi %mul3A_895, %add3A_1006 : i32
      %get3A_1008 = arith.index_cast %add3A_1007 : i32 to index
      %get3A_1009 = arith.constant 48 : index
      %get3A_1010 = tpu.vector_load %arg7[%get3A_1008, %get3A_1009] {strides = array<i32>} : memref<640x64xf32, #tpu.memory_space<vmem>>, vector<1x16xf32>,
      %get3A_1011 = vector.shape_cast %get3A_1010 : vector<1x16xf32> to vector<16xf32>
      %mul3A_1012 = arith.constant 8.000000e+00 : f32
      %mul3A_1013 = vector.broadcast %mul3A_1012 : f32 to vector<16xf32>
      %mul3A_1014 = arith.mulf %get3A_1011, %mul3A_1013 : vector<16xf32>
      %add3A_1015 = arith.constant 1 : i32
      %add3A_1016 = arith.addi %mul3A_895, %add3A_1015 : i32
      %swap3A_1017 = arith.index_cast %add3A_1016 : i32 to index
      %swap3A_1018 = arith.constant 48 : index
      %swap3A_1019 = tpu.vector_load %arg7[%swap3A_1017, %swap3A_1018] {strides = array<i32>} : memref<640x64xf32, #tpu.memory_space<vmem>>, vector<1x16xf32>,
      %swap3A_1020 = vector.shape_cast %swap3A_1019 : vector<1x16xf32> to vector<16xf32>
      %swap3A_1021 = vector.shape_cast %mul3A_1014 : vector<16xf32> to vector<1x16xf32>
      tpu.vector_store %arg7[%swap3A_1017, %swap3A_1018], %swap3A_1021 {strides = array<i32>} : memref<640x64xf32, #tpu.memory_space<vmem>>, vector<1x16xf32>,
      %add3A_1022 = arith.constant 2 : i32
      %add3A_1023 = arith.addi %mul3A_895, %add3A_1022 : i32
      %get3A_1024 = arith.index_cast %add3A_1023 : i32 to index
      %get3A_1025 = arith.constant 0 : index
      %get3A_1026 = tpu.vector_load %arg7[%get3A_1024, %get3A_1025] {strides = array<i32>} : memref<640x64xf32, #tpu.memory_space<vmem>>, vector<1x16xf32>,
      %get3A_1027 = vector.shape_cast %get3A_1026 : vector<1x16xf32> to vector<16xf32>
      %mul3A_1028 = arith.constant 8.000000e+00 : f32
      %mul3A_1029 = vector.broadcast %mul3A_1028 : f32 to vector<16xf32>
      %mul3A_1030 = arith.mulf %get3A_1027, %mul3A_1029 : vector<16xf32>
      %add3A_1031 = arith.constant 2 : i32
      %add3A_1032 = arith.addi %mul3A_895, %add3A_1031 : i32
      %swap3A_1033 = arith.index_cast %add3A_1032 : i32 to index
      %swap3A_1034 = arith.constant 0 : index
      %swap3A_1035 = tpu.vector_load %arg7[%swap3A_1033, %swap3A_1034] {strides = array<i32>} : memref<640x64xf32, #tpu.memory_space<vmem>>, vector<1x16xf32>,
      %swap3A_1036 = vector.shape_cast %swap3A_1035 : vector<1x16xf32> to vector<16xf32>
      %swap3A_1037 = vector.shape_cast %mul3A_1030 : vector<16xf32> to vector<1x16xf32>
      tpu.vector_store %arg7[%swap3A_1033, %swap3A_1034], %swap3A_1037 {strides = array<i32>} : memref<640x64xf32, #tpu.memory_space<vmem>>, vector<1x16xf32>,
      %add3A_1038 = arith.constant 2 : i32
      %add3A_1039 = arith.addi %mul3A_895, %add3A_1038 : i32
      %get3A_1040 = arith.index_cast %add3A_1039 : i32 to index
      %get3A_1041 = arith.constant 16 : index
      %get3A_1042 = tpu.vector_load %arg7[%get3A_1040, %get3A_1041] {strides = array<i32>} : memref<640x64xf32, #tpu.memory_space<vmem>>, vector<1x16xf32>,
      %get3A_1043 = vector.shape_cast %get3A_1042 : vector<1x16xf32> to vector<16xf32>
      %mul3A_1044 = arith.constant 8.000000e+00 : f32
      %mul3A_1045 = vector.broadcast %mul3A_1044 : f32 to vector<16xf32>
      %mul3A_1046 = arith.mulf %get3A_1043, %mul3A_1045 : vector<16xf32>
      %add3A_1047 = arith.constant 2 : i32
      %add3A_1048 = arith.addi %mul3A_895, %add3A_1047 : i32
      %swap3A_1049 = arith.index_cast %add3A_1048 : i32 to index
      %swap3A_1050 = arith.constant 16 : index
      %swap3A_1051 = tpu.vector_load %arg7[%swap3A_1049, %swap3A_1050] {strides = array<i32>} : memref<640x64xf32, #tpu.memory_space<vmem>>, vector<1x16xf32>,
      %swap3A_1052 = vector.shape_cast %swap3A_1051 : vector<1x16xf32> to vector<16xf32>
      %swap3A_1053 = vector.shape_cast %mul3A_1046 : vector<16xf32> to vector<1x16xf32>
      tpu.vector_store %arg7[%swap3A_1049, %swap3A_1050], %swap3A_1053 {strides = array<i32>} : memref<640x64xf32, #tpu.memory_space<vmem>>, vector<1x16xf32>,
      %add3A_1054 = arith.constant 2 : i32
      %add3A_1055 = arith.addi %mul3A_895, %add3A_1054 : i32
      %get3A_1056 = arith.index_cast %add3A_1055 : i32 to index
      %get3A_1057 = arith.constant 32 : index
      %get3A_1058 = tpu.vector_load %arg7[%get3A_1056, %get3A_1057] {strides = array<i32>} : memref<640x64xf32, #tpu.memory_space<vmem>>, vector<1x16xf32>,
      %get3A_1059 = vector.shape_cast %get3A_1058 : vector<1x16xf32> to vector<16xf32>
      %mul3A_1060 = arith.constant 8.000000e+00 : f32
      %mul3A_1061 = vector.broadcast %mul3A_1060 : f32 to vector<16xf32>
      %mul3A_1062 = arith.mulf %get3A_1059, %mul3A_1061 : vector<16xf32>
      %add3A_1063 = arith.constant 2 : i32
      %add3A_1064 = arith.addi %mul3A_895, %add3A_1063 : i32
      %swap3A_1065 = arith.index_cast %add3A_1064 : i32 to index
      %swap3A_1066 = arith.constant 32 : index
      %swap3A_1067 = tpu.vector_load %arg7[%swap3A_1065, %swap3A_1066] {strides = array<i32>} : memref<640x64xf32, #tpu.memory_space<vmem>>, vector<1x16xf32>,
      %swap3A_1068 = vector.shape_cast %swap3A_1067 : vector<1x16xf32> to vector<16xf32>
      %swap3A_1069 = vector.shape_cast %mul3A_1062 : vector<16xf32> to vector<1x16xf32>
      tpu.vector_store %arg7[%swap3A_1065, %swap3A_1066], %swap3A_1069 {strides = array<i32>} : memref<640x64xf32, #tpu.memory_space<vmem>>, vector<1x16xf32>,
      %add3A_1070 = arith.constant 2 : i32
      %add3A_1071 = arith.addi %mul3A_895, %add3A_1070 : i32
      %get3A_1072 = arith.index_cast %add3A_1071 : i32 to index
      %get3A_1073 = arith.constant 48 : index
      %get3A_1074 = tpu.vector_load %arg7[%get3A_1072, %get3A_1073] {strides = array<i32>} : memref<640x64xf32, #tpu.memory_space<vmem>>, vector<1x16xf32>,
      %get3A_1075 = vector.shape_cast %get3A_1074 : vector<1x16xf32> to vector<16xf32>
      %mul3A_1076 = arith.constant 8.000000e+00 : f32
      %mul3A_1077 = vector.broadcast %mul3A_1076 : f32 to vector<16xf32>
      %mul3A_1078 = arith.mulf %get3A_1075, %mul3A_1077 : vector<16xf32>
      %add3A_1079 = arith.constant 2 : i32
      %add3A_1080 = arith.addi %mul3A_895, %add3A_1079 : i32
      %swap3A_1081 = arith.index_cast %add3A_1080 : i32 to index
      %swap3A_1082 = arith.constant 48 : index
      %swap3A_1083 = tpu.vector_load %arg7[%swap3A_1081, %swap3A_1082] {strides = array<i32>} : memref<640x64xf32, #tpu.memory_space<vmem>>, vector<1x16xf32>,
      %swap3A_1084 = vector.shape_cast %swap3A_1083 : vector<1x16xf32> to vector<16xf32>
      %swap3A_1085 = vector.shape_cast %mul3A_1078 : vector<16xf32> to vector<1x16xf32>
      tpu.vector_store %arg7[%swap3A_1081, %swap3A_1082], %swap3A_1085 {strides = array<i32>} : memref<640x64xf32, #tpu.memory_space<vmem>>, vector<1x16xf32>,
      %add3A_1086 = arith.constant 3 : i32
      %add3A_1087 = arith.addi %mul3A_895, %add3A_1086 : i32
      %get3A_1088 = arith.index_cast %add3A_1087 : i32 to index
      %get3A_1089 = arith.constant 0 : index
      %get3A_1090 = tpu.vector_load %arg7[%get3A_1088, %get3A_1089] {strides = array<i32>} : memref<640x64xf32, #tpu.memory_space<vmem>>, vector<1x16xf32>,
      %get3A_1091 = vector.shape_cast %get3A_1090 : vector<1x16xf32> to vector<16xf32>
      %mul3A_1092 = arith.constant 8.000000e+00 : f32
      %mul3A_1093 = vector.broadcast %mul3A_1092 : f32 to vector<16xf32>
      %mul3A_1094 = arith.mulf %get3A_1091, %mul3A_1093 : vector<16xf32>
      %add3A_1095 = arith.constant 3 : i32
      %add3A_1096 = arith.addi %mul3A_895, %add3A_1095 : i32
      %swap3A_1097 = arith.index_cast %add3A_1096 : i32 to index
      %swap3A_1098 = arith.constant 0 : index
      %swap3A_1099 = tpu.vector_load %arg7[%swap3A_1097, %swap3A_1098] {strides = array<i32>} : memref<640x64xf32, #tpu.memory_space<vmem>>, vector<1x16xf32>,
      %swap3A_1100 = vector.shape_cast %swap3A_1099 : vector<1x16xf32> to vector<16xf32>
      %swap3A_1101 = vector.shape_cast %mul3A_1094 : vector<16xf32> to vector<1x16xf32>
      tpu.vector_store %arg7[%swap3A_1097, %swap3A_1098], %swap3A_1101 {strides = array<i32>} : memref<640x64xf32, #tpu.memory_space<vmem>>, vector<1x16xf32>,
      %add3A_1102 = arith.constant 3 : i32
      %add3A_1103 = arith.addi %mul3A_895, %add3A_1102 : i32
      %get3A_1104 = arith.index_cast %add3A_1103 : i32 to index
      %get3A_1105 = arith.constant 16 : index
      %get3A_1106 = tpu.vector_load %arg7[%get3A_1104, %get3A_1105] {strides = array<i32>} : memref<640x64xf32, #tpu.memory_space<vmem>>, vector<1x16xf32>,
      %get3A_1107 = vector.shape_cast %get3A_1106 : vector<1x16xf32> to vector<16xf32>
      %mul3A_1108 = arith.constant 8.000000e+00 : f32
      %mul3A_1109 = vector.broadcast %mul3A_1108 : f32 to vector<16xf32>
      %mul3A_1110 = arith.mulf %get3A_1107, %mul3A_1109 : vector<16xf32>
      %add3A_1111 = arith.constant 3 : i32
      %add3A_1112 = arith.addi %mul3A_895, %add3A_1111 : i32
      %swap3A_1113 = arith.index_cast %add3A_1112 : i32 to index
      %swap3A_1114 = arith.constant 16 : index
      %swap3A_1115 = tpu.vector_load %arg7[%swap3A_1113, %swap3A_1114] {strides = array<i32>} : memref<640x64xf32, #tpu.memory_space<vmem>>, vector<1x16xf32>,
      %swap3A_1116 = vector.shape_cast %swap3A_1115 : vector<1x16xf32> to vector<16xf32>
      %swap3A_1117 = vector.shape_cast %mul3A_1110 : vector<16xf32> to vector<1x16xf32>
      tpu.vector_store %arg7[%swap3A_1113, %swap3A_1114], %swap3A_1117 {strides = array<i32>} : memref<640x64xf32, #tpu.memory_space<vmem>>, vector<1x16xf32>,
      %add3A_1118 = arith.constant 3 : i32
      %add3A_1119 = arith.addi %mul3A_895, %add3A_1118 : i32
      %get3A_1120 = arith.index_cast %add3A_1119 : i32 to index
      %get3A_1121 = arith.constant 32 : index
      %get3A_1122 = tpu.vector_load %arg7[%get3A_1120, %get3A_1121] {strides = array<i32>} : memref<640x64xf32, #tpu.memory_space<vmem>>, vector<1x16xf32>,
      %get3A_1123 = vector.shape_cast %get3A_1122 : vector<1x16xf32> to vector<16xf32>
      %mul3A_1124 = arith.constant 8.000000e+00 : f32
      %mul3A_1125 = vector.broadcast %mul3A_1124 : f32 to vector<16xf32>
      %mul3A_1126 = arith.mulf %get3A_1123, %mul3A_1125 : vector<16xf32>
      %add3A_1127 = arith.constant 3 : i32
      %add3A_1128 = arith.addi %mul3A_895, %add3A_1127 : i32
      %swap3A_1129 = arith.index_cast %add3A_1128 : i32 to index
      %swap3A_1130 = arith.constant 32 : index
      %swap3A_1131 = tpu.vector_load %arg7[%swap3A_1129, %swap3A_1130] {strides = array<i32>} : memref<640x64xf32, #tpu.memory_space<vmem>>, vector<1x16xf32>,
      %swap3A_1132 = vector.shape_cast %swap3A_1131 : vector<1x16xf32> to vector<16xf32>
      %swap3A_1133 = vector.shape_cast %mul3A_1126 : vector<16xf32> to vector<1x16xf32>
      tpu.vector_store %arg7[%swap3A_1129, %swap3A_1130], %swap3A_1133 {strides = array<i32>} : memref<640x64xf32, #tpu.memory_space<vmem>>, vector<1x16xf32>,
      %add3A_1134 = arith.constant 3 : i32
      %add3A_1135 = arith.addi %mul3A_895, %add3A_1134 : i32
      %get3A_1136 = arith.index_cast %add3A_1135 : i32 to index
      %get3A_1137 = arith.constant 48 : index
      %get3A_1138 = tpu.vector_load %arg7[%get3A_1136, %get3A_1137] {strides = array<i32>} : memref<640x64xf32, #tpu.memory_space<vmem>>, vector<1x16xf32>,
      %get3A_1139 = vector.shape_cast %get3A_1138 : vector<1x16xf32> to vector<16xf32>
      %mul3A_1140 = arith.constant 8.000000e+00 : f32
      %mul3A_1141 = vector.broadcast %mul3A_1140 : f32 to vector<16xf32>
      %mul3A_1142 = arith.mulf %get3A_1139, %mul3A_1141 : vector<16xf32>
      %add3A_1143 = arith.constant 3 : i32
      %add3A_1144 = arith.addi %mul3A_895, %add3A_1143 : i32
      %swap3A_1145 = arith.index_cast %add3A_1144 : i32 to index
      %swap3A_1146 = arith.constant 48 : index
      %swap3A_1147 = tpu.vector_load %arg7[%swap3A_1145, %swap3A_1146] {strides = array<i32>} : memref<640x64xf32, #tpu.memory_space<vmem>>, vector<1x16xf32>,
      %swap3A_1148 = vector.shape_cast %swap3A_1147 : vector<1x16xf32> to vector<16xf32>
      %swap3A_1149 = vector.shape_cast %mul3A_1142 : vector<16xf32> to vector<1x16xf32>
      tpu.vector_store %arg7[%swap3A_1145, %swap3A_1146], %swap3A_1149 {strides = array<i32>} : memref<640x64xf32, #tpu.memory_space<vmem>>, vector<1x16xf32>,
      %scan3A_1150 = arith.constant 0 : i32
      scf.yield %scan3A_1150 : i32
    }
    %scan3A_889 = arith.constant 160 : i32
    %add3A_890 = arith.constant 5760 : i32
    %add3A_891 = arith.addi %mul3A_4, %add3A_890 : i32
    "tpu.region"() ({
      %run_scoped3A = tpu.sem_alloc : memref<!tpu.dma_semaphore, #tpu.memory_space<semaphore_mem>>
      %dma_start3A_892 = arith.constant 0 : i32
      %dma_start3A_893 = tpu.memref_slice %arg4[%add3A_891, %dma_start3A_892] : memref<204800x64xf32, #tpu.memory_space<hbm>> -> memref<640x64xf32, #tpu.memory_space<hbm>>
      %dma_start3A_894 = arith.constant 0 : i32
      %dma_start3A_895 = tpu.memref_slice %arg4[%add3A_891, %dma_start3A_894] : memref<204800x64xf32, #tpu.memory_space<hbm>> -> memref<640x64xf32, #tpu.memory_space<hbm>>
      tpu.enqueue_dma source(%arg7 : memref<640x64xf32, #tpu.memory_space<vmem>>) target(%dma_start3A_895 : memref<640x64xf32, #tpu.memory_space<hbm>>) target_semaphore(%run_scoped3A : memref<!tpu.dma_semaphore, #tpu.memory_space<semaphore_mem>>)
      %dma_wait3A_896 = arith.constant 0 : i32
      %dma_wait3A_897 = tpu.memref_slice %arg4[%add3A_891, %dma_wait3A_896] : memref<204800x64xf32, #tpu.memory_space<hbm>> -> memref<640x64xf32, #tpu.memory_space<hbm>>
      %dma_wait3A_898 = arith.constant 0 : i32
      %dma_wait3A_899 = tpu.memref_slice %arg4[%add3A_891, %dma_wait3A_898] : memref<204800x64xf32, #tpu.memory_space<hbm>> -> memref<640x64xf32, #tpu.memory_space<hbm>>
      tpu.wait_dma2 semaphore(%run_scoped3A : memref<!tpu.dma_semaphore, #tpu.memory_space<semaphore_mem>>) src(%arg7 : memref<640x64xf32, #tpu.memory_space<vmem>>) dst(%dma_wait3A_899 : memref<640x64xf32, #tpu.memory_space<hbm>>)
      tpu.yield
    }) : () -> ()
    return
  }
}

</mosaic_0001>

<sc_bundles>
// kernel: _embed_sc.3.cloned.1.call-start
scs
__scs_entry_jumppad:
0x0: {  	(pc) =	sbr.rel $0x88, $3  }
0x1: {  	(tag) =	ssettag $0x0;
	lr =	simm.s32 $0x1  }
0x2: {  	[smem:$0x3F9F] =	sst lr;
	_ =	strace $0xD0000000  }
0x3: {  	_ = 	snop  }
0x4: {  	_ = 	snop  }
0x5: {  	_ = 	snop  }
0x6: {  	_ = 	snop  }
0x7: {  	_ = 	snop  }
__scs_overlays_trampoline_lowered:
0x8: {  	[smem:$0x3FAE] =	sst s0  }
0x9: {  	[smem:$0x3FAF] =	sst s1  }
0xa: {  	[smem:$0x3FB0] =	sst s2  }
0xb: {  	[smem:$0x3FB1] =	sst s3  }
0xc: {  	[smem:$0x3FB2] =	sst s4  }
0xd: {  	[smem:$0x3FB3] =	sst s5  }
0xe: {  	[smem:$0x3FB4] =	sst s6  }
0xf: {  	[smem:$0x3FB5] =	sst s7  }
0x10: {  	[smem:$0x3FB6] =	sst s8  }
0x11: {  	[smem:$0x3FB7] =	sst s9;
	s0 =	simm.s32 @!p0 $0x0  }
0x12: {  	s1 =	sld [smem:$0x3F9D];
	s0 =	simm.s32 @p0 $0x1  }
0x13: {  	[smem:$0x3FB8] =	sst s0;
	s0 =	simm.s32 @!p1 $0x0  }
0x14: {  	s2 =	sld [smem:$0x3F9C];
	s0 =	simm.s32 @p1 $0x1  }
0x15: {  	[smem:$0x3FB9] =	sst s0;
	s0 =	simm.s32 @!p2 $0x0  }
0x16: {  	s3 =	sld [smem:$0x3FDB];
	s0 =	simm.s32 @p2 $0x1  }
0x17: {  	s4 =	simm.s32 $0x1BF5;
	[smem:$0x3FBB] =	sst s0  }
0x18: {  	s0 =	sld [smem:$0x3F9E];
	_ =	swait.ge [sflag:s4], $0x0  }
0x19: {  	s7 =	sld [smem:$0x3F9F]  }
0x1a: {  	s8 =	sadd.s32 $0xFFFFE003, lr  }
0x1b: {  	s9 =	sadd.s32 $0xFFFFFEF7, lr;
	s5 =	simm.s32 $0xFFFFFFFF;
	p2 =	slt.u32 s8, $0xFFFFF086  }
0x1c: {  	p1 =	slt.u32 s9, $0xF7A;
	s5 =	simm.s32 @!p2 $0x0  }
0x1d: {  	s5 =	simm.s32 @p1 $0x1;
	p0 =	seq.s32 s7, s2  }
0x1e: {  	s7 =	smul.u32 @!p0 $0xF7A, s2;
	p2 =	seq.s32 @!p0 s5, $0x0  }
0x1f: {  	s9 =	smul.u32 $0xF7A, s1;
	s8 =	simm.s32 @!p0 $0x1BF5;
	p2 =	por !p2, p0  }
0x20: {  	[sflag:s8] =	ssyncset.s32 @!p0 $0xFFFFF086;
	s6 =	sadd.s32 @!p0 s3, s7;
	s7 =	simm.s32 @!p0 $0x108  }
0x21: {  	s3 =	sadd.s32 s3, s9;
	s6 =	sadd.s32 @!p0 $0x88, s6;
	s7 =	simm.s32 @p2 $0x1082  }
0x22: {  	[simem:s7], [sflag:s8] =	dma.local @!p0 [hbm:s6], $0xF7A  }
0x23: {  	s9 =	sor.u32 $0xD0000000, s2;
	s6 =	simm.s32 $0x108;
	_ =	swait.ge @!p0 [sflag:s8], $0x0  }
0x24: {  	s3 =	sadd.s32 $0x88, s3;
	s6 =	simm.s32 @!p1 $0x1082;
	[sflag:s4] =	ssyncset.s32 $0xFFFFF086  }
0x25: {  	[simem:s6], [sflag:s4] =	dma.local [hbm:s3], $0xF7A  }
0x26: {  	[smem:$0x3F9F] =	sst s1;
	(tag) =	ssettag s2;
	_ =	strace s9  }
0x27: {  	s1 =	sld [smem:$0x3FAF]  }
0x28: {  	s2 =	sld [smem:$0x3FB0]  }
0x29: {  	s4 =	sld [smem:$0x3FB2]  }
0x2a: {  	p0 =	seq.s32 s5, $0x0;
	s5 =	sld [smem:$0x3FB3]  }
0x2b: {  	s6 =	sld [smem:$0x3FB4]  }
0x2c: {  	s7 =	sld [smem:$0x3FB5]  }
0x2d: {  	s3 =	simm.s32 $0x108;
	s8 =	sld [smem:$0x3FB6]  }
0x2e: {  	s3 =	simm.s32 @!p0 $0x1082;
	s9 =	sld [smem:$0x3FB7]  }
0x2f: {  	lr =	sadd.s32 s0, s3;
	s0 =	sld [smem:$0x3FAE]  }
0x30: {  	s3 =	sld [smem:$0x3FB1]  }
0x31: {  	[smem:$0x3FBA] =	sst s10  }
0x32: {  	s10 =	sld [smem:$0x3FB8];
	_ =	sdelay $0x3  }
0x33: {  	p0 =	seq.s32 s10, $0x1;
	s10 =	sld [smem:$0x3FBA];
	_ =	sdelay $0x3  }
0x34: {  	[smem:$0x3FBA] =	sst s10  }
0x35: {  	s10 =	sld [smem:$0x3FB9];
	_ =	sdelay $0x3  }
0x36: {  	p1 =	seq.s32 s10, $0x1;
	s10 =	sld [smem:$0x3FBA];
	_ =	sdelay $0x3  }
0x37: {  	[smem:$0x3FBA] =	sst s10  }
0x38: {  	s10 =	sld [smem:$0x3FBB]  }
0x39: {  	_ = 	snop;
	(pc) =	sbr.ind lr, $3  }
0x3a: {  	_ = 	snop  }
0x3b: {  	_ = 	snop  }
0x3c: {  	p2 =	seq.s32 s10, $0x1;
	s10 =	sld [smem:$0x3FBA]  }
0x3d: {  	_ =	shalt  }
0x3e: {  	_ =	shalt  }
0x3f: {  	_ =	shalt  }
0x40: {  	_ =	shalt  }
0x41: {  	_ =	shalt  }
0x42: {  	_ =	shalt  }
0x43: {  	_ =	shalt  }
0x44: {  	_ =	shalt  }
0x45: {  	_ =	shalt  }
0x46: {  	_ =	shalt  }
0x47: {  	_ =	shalt  }
0x48: {  	_ =	shalt  }
0x49: {  	_ =	shalt  }
0x4a: {  	_ =	shalt  }
0x4b: {  	_ =	shalt  }
0x4c: {  	_ =	shalt  }
0x4d: {  	_ =	shalt  }
0x4e: {  	_ =	shalt  }
0x4f: {  	_ =	shalt  }
0x50: {  	_ =	shalt  }
0x51: {  	_ =	shalt  }
0x52: {  	_ =	shalt  }
0x53: {  	_ =	shalt  }
0x54: {  	_ =	shalt  }
0x55: {  	_ =	shalt  }
0x56: {  	_ =	shalt  }
0x57: {  	_ =	shalt  }
0x58: {  	_ =	shalt  }
0x59: {  	_ =	shalt  }
0x5a: {  	_ =	shalt  }
0x5b: {  	_ =	shalt  }
0x5c: {  	_ =	shalt  }
0x5d: {  	_ =	shalt  }
0x5e: {  	_ =	shalt  }
0x5f: {  	_ =	shalt  }
0x60: {  	_ =	shalt  }
0x61: {  	_ =	shalt  }
0x62: {  	_ =	shalt  }
0x63: {  	_ =	shalt  }
0x64: {  	_ =	shalt  }
0x65: {  	_ =	shalt  }
0x66: {  	_ =	shalt  }
0x67: {  	_ =	shalt  }
0x68: {  	_ =	shalt  }
0x69: {  	_ =	shalt  }
0x6a: {  	_ =	shalt  }
0x6b: {  	_ =	shalt  }
0x6c: {  	_ =	shalt  }
0x6d: {  	_ =	shalt  }
0x6e: {  	_ =	shalt  }
0x6f: {  	_ =	shalt  }
0x70: {  	_ =	shalt  }
0x71: {  	_ =	shalt  }
0x72: {  	_ =	shalt  }
0x73: {  	_ =	shalt  }
0x74: {  	_ =	shalt  }
0x75: {  	_ =	shalt  }
0x76: {  	_ =	shalt  }
0x77: {  	_ =	shalt  }
0x78: {  	_ =	shalt  }
0x79: {  	_ =	shalt  }
0x7a: {  	_ =	shalt  }
0x7b: {  	_ =	shalt  }
0x7c: {  	_ =	shalt  }
0x7d: {  	_ =	shalt  }
0x7e: {  	_ =	shalt  }
0x7f: {  	_ =	shalt  }
0x80: {  	_ =	shalt  }
0x81: {  	_ =	shalt  }
0x82: {  	_ =	shalt  }
0x83: {  	_ =	shalt  }
0x84: {  	_ =	shalt  }
0x85: {  	_ =	shalt  }
0x86: {  	_ =	shalt  }
0x87: {  	_ =	shalt  }
.Lfunc_end0:
.L_simem_size_0:
called_computation.1_lowered:
.L_overlay_start_0:
0x88: {  	s2 =	sld [smem:$0x3FD9]  }
0x89: {  	s3 =	sld [smem:$0x3FFE];
	_ =	sdelay $0x1  }
0x8a: {  	s1 =	srdreg.scid  }
0x8b: {  	s0 =	sand.u32 $0x1, s1  }
0x8c: {  	s17 =	sshll.u32 s0, $0xA;
	s2 =	sadd.s32 s3, s2  }
0x8d: {  	s2 =	sadd.s32 s2, s17  }
0x8e: {  	[smem:$0x3FC6] =	sst s2  }
0x8f: {  	_ = 	snop  }
0x90: {  	s2 =	sld [smem:$0x3FC9]  }
0x91: {  	s18 =	sld [smem:$0x3FD0];
	(tm) =	ssettm $0x1  }
0x92: {  	s4 =	sld [smem:$0x3FFB];
	_ =	sdelay $0x3  }
0x93: {  	_ =	strace s4  }
0x94: {  	s4 =	sld [smem:$0x3FFC];
	_ =	sdelay $0x3  }
0x95: {  	_ =	strace s4  }
0x96: {  	s4 =	sld [smem:$0x3FFD];
	_ =	sdelay $0x3  }
0x97: {  	_ =	strace s4  }
0x98: {  	_ =	strace $0x8FFFFFFF  }
0x99: {  	s19 =	sld [smem:$0x3FDB];
	_ =	sdelay $0x1  }
0x9a: {  	s5 =	simm.s32 $_scs_section_size  }
0x9b: {  	s6 =	simm.s32 $_size__tile_overlayer_lowered;
	s7 =	simm.s32 $_tile_overlayer_lowered  }
0x9c: {  	s22 =	simm.s32 $0x1BFF;
	s21 =	sshll.u32 s7, $0x1;
	s4 =	sadd.s32 s5, s19  }
0x9d: {  	s8 =	simm.s32 $0x0;
	s20 =	sshll.u32 s6, $0x1;
	s6 =	sadd.s32 s21, s4  }
0x9e: {  	[timem:s8], [sflag:s22] =	dma.local [hbm:s6], s20  }
0x9f: {  	_ =	swait.ge [sflag:s22], s20  }
0xa0: {  	s5 =	ssub.s32 $0x0, s20;
	[sflag:s22] =	ssyncset.done $0x0  }
0xa1: {  	[sflag:s22] =	ssyncadd.s32 s5;
	_ =	sdelay $0x1  }
0xa2: {  	s23 =	simm.s32 $0x1B8B  }
0xa3: {  	_ =	swait.ge [sflag:s23], $0x1  }
0xa4: {  	[sflag:s23] =	ssyncset.done $0x0  }
0xa5: {  	s25 =	simm.s32 $0x1B8E;
	s24 =	sld [smem:$0x3FFE];
	[sflag:s23] =	ssyncadd.s32 $0xFFFFFFFF  }
0xa6: {  	s26 =	simm.s32 $execute0_lowered;
	[smem:$0x3FD2] =	sst s25  }
0xa7: {  	s6 =	sshll.u32 s26, $0x1;
	_ =	strace $0x80000046;
	[dreg:$0x1] =	wrdreg $0xFFFFFFFF  }
0xa8: {  	s28 =	simm.s32 $_size_execute0_lowered;
	s4 =	sadd.s32 s4, s6;
	[dreg:$0x0] =	wrdreg $0x0  }
0xa9: {  	s6 =	sshll.u32 s28, $0x1;
	[dreg:$0x2] =	wrdreg s4  }
0xaa: {  	[dreg:$0x3] =	wrdreg s6  }
0xab: {  	[dreg:$0x4] =	wrdreg $0xC0  }
0xac: {  	_ =	task [dreg:s8], $0x5FFFF  }
0xad: {  	[dreg:$0x1] =	wrdreg $0xFFFFFFFF  }
0xae: {  	[dreg:$0x0] =	wrdreg $0x60  }
0xaf: {  	[dreg:$0x2] =	wrdreg s24  }
0xb0: {  	[dreg:$0x3] =	wrdreg s2  }
0xb1: {  	[dreg:$0x4] =	wrdreg s18  }
0xb2: {  	[dreg:$0x5] =	wrdreg $0x9  }
0xb3: {  	_ =	task.clear_ibuf [dreg:s8], $0x6FFFF;
	_ =	strace $0x90000046  }
0xb4: {  	s29 =	simm.s32 $0x9;
	_ =	strace $0x80000048  }
0xb5: {  	_ =	swait.ge [sflag:s29], $0x1  }
0xb6: {  	[sflag:s29] =	ssyncadd.s32 $0xFFFFFFFF  }
0xb7: {  	_ =	strace $0x90000048  }
0xb8: {  	_ =	sfence  }
0xb9: {  	s30 =	sld [smem:$0x0];
	_ =	sdelay $0x2  }
0xba: {  	s31 =	sshll.u32 s1, $0xD;
	s1 =	sshrl.u32 s1, $0x2  }
0xbb: {  	s3 =	sand.u32 $0x4000, s31;
	s1 =	sadd.s32 s1, s30  }
0xbc: {  	s0 =	sor.u32 s3, s0;
	s1 =	sshll.u32 s1, $0x11  }
0xbd: {  	s0 =	sor.u32 s1, s0  }
0xbe: {  	s0 =	sadd.s32 $0x8F2B, s0  }
0xbf: {  	[sflag:s0] =	ssyncadd.remote.s32 $0x1  }
0xc0: {  	_ =	sfence.sel $0xFFFF  }
0xc1: {  	[dreg:$0x0] =	wrdreg $0xFFFFFFFF;
	(pc) =	sbr.abs _section_cstart, $3  }
0xc2: {  	[dreg:$0x1] =	wrdreg $0xFFFFFFFF  }
0xc3: {  	_ =	task.clear_ibuf [dreg:s8], $0x2FFFF;
	_ =	strace $0x9FFFFFFF  }
0xc4: {  	(tm) =	ssettm $0x7FFFFFFF  }
0xc5: {  	_ =	shalt  }
tec
execute0_lowered:
.L_overlay_start_1:
0x0: {  	(tag) =	ssettag $0x1  }
0x1: {  	s0 =	rddreg [dreg:$0x0]  }
0x2: {  	s1 =	rddreg [dreg:$0x1];
	s2 =	srdreg.scid  }
0x3: {  	s4 =	stileid.u32;
	s5 =	rddreg [dreg:$0x2];
	s16 =	simm.s32 $0x3  }
0x4: {  	s17 =	simm.s32 $0x80;
	s18 =	simm.s32 $0x1900;
	s19 =	simm.s32 $0x3900  }
0x5: {  	s21 =	simm.s32 $0x5900;
	s23 =	simm.s32 $0x7900;
	s28 =	simm.s32 $0xB900  }
0x6: {  	s30 =	simm.s32 $0xD900;
	s20 =	simm.s32 $0x11900;
	s24 =	simm.s32 $0x13900  }
0x7: {  	s31 =	simm.s32 $0x2;
	s3 =	sand.u32 $0x1, s2;
	s4 =	sshll.u32 s4, $0x1  }
0x8: {  	s29 =	simm.s32 $0x0;
	s2 =	simm.s32 $0x0;
	s4 =	sor.u32 s3, s4  }
0x9: {  	[smem:$0x7FF] =	sst s2;
	s7 =	ssub.s32 $0x2, s3;
	s6 =	smul.u32 $0x64000, s4  }
0xa: {  	s3 =	sadd.s32 $0xF42C00, s0;
	s8 =	smul.u32 $0x320, s4;
	s9 =	sshrl.u32 s7, $0x1  }
0xb: {  	_ =	strace $0x80000047;
	s10 =	smul.u32 $0xC800, s4;
	s26 =	ssub.s32 s7, s9  }
0xc: {  	s25 =	sshrl.u32 s6, $0x3;
	s1 =	sadd.s32 s1, s8;
	s15 =	smax.u32 s26, $0x1  }
0xd: {  	s26 =	simm.s32 $0x1;
	s14 =	sadd.s32 s5, s25;
	[dreg:$0x4] =	wrdreg s1  }
0xe: {  	s5 =	sadd.s32 s5, s10;
	s25 =	simm.s32 $0x9900;
	s1 =	simm.s32 $0xF900  }
0xf: {  	s6 =	sadd.s32 $0x1400, s14;
	s7 =	sadd.s32 $0x2800, s14;
	s8 =	sadd.s32 $0x3C00, s14  }
0x10: {  	s9 =	sadd.s32 $0x5000, s14;
	s10 =	sadd.s32 $0x6400, s14;
	s11 =	sadd.s32 $0x7800, s14  }
0x11: {  	s12 =	sadd.s32 $0x8C00, s14;
	s13 =	sadd.s32 $0xA000, s14;
	s14 =	sadd.s32 $0xB400, s14  }
.LBB2_1:
0x12: {  	s0 =	rddreg [dreg:$0x4]  }
0x13: {  	[tilespmem:s2], [sflag:$0x3] =	stream.linear.gather [hbm4b:s0+s2], $0x1900, $0x38;
	[tilespmem:$0x15900] =	vst v63  }
0x14: {  	_ =	swait.ge [sflag:s16], $0x1900  }
0x15: {  	[sflag:s16] =	ssyncset.done $0x0  }
0x16: {  	[sflag:s16] =	ssyncadd.s32 $0xFFFFE700  }
0x17: {  	[tilespmem:s18], [sflag:$0x1] =	stream.indirect.gather [hbm4b:s3+s17], $0x40, s2, s17, $0xb8;
	[tilespmem:$0x15900] =	vst v63  }
0x18: {  	_ = 	snop  }
0x19: {  	[tilespmem:s19], [sflag:$0x1] =	stream.indirect.gather [hbm4b:s3+s17], $0x40, s17, s17, $0xb8;
	[tilespmem:$0x15900] =	vst v63  }
0x1a: {  	s4 =	simm.s32 $0x100  }
0x1b: {  	[tilespmem:s21], [sflag:$0x1] =	stream.indirect.gather [hbm4b:s3+s17], $0x40, s4, s17, $0xb8;
	[tilespmem:$0x15900] =	vst v63  }
0x1c: {  	s22 =	simm.s32 $0x180  }
0x1d: {  	[tilespmem:s23], [sflag:$0x1] =	stream.indirect.gather [hbm4b:s3+s17], $0x40, s22, s17, $0xb8;
	[tilespmem:$0x15900] =	vst v63  }
0x1e: {  	s4 =	simm.s32 $0x200  }
0x1f: {  	[tilespmem:s25], [sflag:$0x1] =	stream.indirect.gather [hbm4b:s3+s17], $0x40, s4, s17, $0xb8;
	[tilespmem:$0x15900] =	vst v63  }
0x20: {  	s22 =	simm.s32 $0x280  }
0x21: {  	[tilespmem:s28], [sflag:$0x2] =	stream.indirect.gather [hbm4b:s3+s17], $0x40, s22, s17, $0xb8;
	[tilespmem:$0x15900] =	vst v63  }
0x22: {  	s4 =	simm.s32 $0x300  }
0x23: {  	[tilespmem:s30], [sflag:$0x2] =	stream.indirect.gather [hbm4b:s3+s17], $0x40, s4, s17, $0xb8;
	[tilespmem:$0x15900] =	vst v63  }
0x24: {  	s22 =	simm.s32 $0x380  }
0x25: {  	[tilespmem:s1], [sflag:$0x2] =	stream.indirect.gather [hbm4b:s3+s17], $0x40, s22, s17, $0xb8;
	[tilespmem:$0x15900] =	vst v63  }
0x26: {  	s4 =	simm.s32 $0x400  }
0x27: {  	[tilespmem:s20], [sflag:$0x2] =	stream.indirect.gather [hbm4b:s3+s17], $0x40, s4, s17, $0xb8;
	[tilespmem:$0x15900] =	vst v63  }
0x28: {  	s22 =	simm.s32 $0x480  }
0x29: {  	[tilespmem:s24], [sflag:$0x2] =	stream.indirect.gather [hbm4b:s3+s17], $0x40, s22, s17, $0xb8;
	[tilespmem:$0x15900] =	vst v63  }
0x2a: {  	_ =	swait.ge [sflag:s26], $0x2000  }
0x2b: {  	[sflag:s26] =	ssyncset.done $0x0  }
0x2c: {  	[sflag:s26] =	ssyncadd.s32 $0xFFFFE000  }
0x2d: {  	_ =	swait.ge [sflag:s26], $0x2000  }
0x2e: {  	[sflag:s26] =	ssyncset.done $0x0  }
0x2f: {  	[sflag:s26] =	ssyncadd.s32 $0xFFFFE000  }
0x30: {  	_ =	swait.ge [sflag:s26], $0x2000  }
0x31: {  	[sflag:s26] =	ssyncset.done $0x0  }
0x32: {  	[sflag:s26] =	ssyncadd.s32 $0xFFFFE000  }
0x33: {  	_ =	swait.ge [sflag:s26], $0x2000  }
0x34: {  	[sflag:s26] =	ssyncset.done $0x0  }
0x35: {  	[sflag:s26] =	ssyncadd.s32 $0xFFFFE000  }
0x36: {  	_ =	swait.ge [sflag:s26], $0x2000  }
0x37: {  	[sflag:s26] =	ssyncset.done $0x0  }
0x38: {  	s0 =	simm.s32 $0x0;
	[sflag:s26] =	ssyncadd.s32 $0xFFFFE000  }
0x39: {  	v0 =	vld [tilespmem:s0+$0x1900]  }
0x3a: {  	v1 =	vld [tilespmem:s0+$0x1910]  }
0x3b: {  	v2 =	vld [tilespmem:s0+$0x1920]  }
0x3c: {  	v3 =	vld [tilespmem:s0+$0x1930]  }
0x3d: {  	v4 =	vld [tilespmem:s0+$0x1940]  }
0x3e: {  	v5 =	vld [tilespmem:s0+$0x1950];
	v0 =	vmul.f32 $8.000000000e+00, v0  }
0x3f: {  	v6 =	vld [tilespmem:s0+$0x1960];
	v1 =	vmul.f32 $8.000000000e+00, v1  }
0x40: {  	v7 =	vld [tilespmem:s0+$0x1970];
	[tilespmem:s0+$0x1900] =	vst v0;
	v0 =	vmul.f32 $8.000000000e+00, v2  }
0x41: {  	v8 =	vld [tilespmem:s0+$0x1980];
	[tilespmem:s0+$0x1910] =	vst v1;
	v1 =	vmul.f32 $8.000000000e+00, v3  }
0x42: {  	v9 =	vld [tilespmem:s0+$0x1990];
	[tilespmem:s0+$0x1920] =	vst v0;
	v0 =	vmul.f32 $8.000000000e+00, v4  }
0x43: {  	v2 =	vmul.f32 $8.000000000e+00, v5;
	[tilespmem:s0+$0x1930] =	vst v1;
	v1 =	vld [tilespmem:s0+$0x19A0]  }
0x44: {  	v3 =	vmul.f32 $8.000000000e+00, v6;
	[tilespmem:s0+$0x1940] =	vst v0;
	v0 =	vld [tilespmem:s0+$0x19B0]  }
0x45: {  	[tilespmem:s0+$0x1950] =	vst v2;
	v2 =	vld [tilespmem:s0+$0x19C0];
	v4 =	vmul.f32 $8.000000000e+00, v7  }
0x46: {  	v6 =	vmul.f32 $8.000000000e+00, v8;
	[tilespmem:s0+$0x1960] =	vst v3;
	v3 =	vld [tilespmem:s0+$0x19D0]  }
0x47: {  	s22 =	simm.s32 $0x400;
	v5 =	vmul.f32 $8.000000000e+00, v9;
	[tilespmem:s0+$0x1970] =	vst v4;
	v4 =	vld [tilespmem:s0+$0x19E0]  }
.LBB2_2:
0x48: {  	s4 =	sshra.s32 s22, $0x2;
	p0 =	sne.s32 s22, $0x27C00;
	[tilespmem:s0+$0x1980] =	vst v6;
	v1 =	vmul.f32 $8.000000000e+00, v1;
	v6 =	vld [tilespmem:s0+$0x19F0]  }
0x49: {  	v7 =	vld [tilespmem:s4+$0x1900];
	[tilespmem:s0+$0x1990] =	vst v5;
	v0 =	vmul.f32 $8.000000000e+00, v0  }
0x4a: {  	v5 =	vld [tilespmem:s4+$0x1910];
	[tilespmem:s0+$0x19A0] =	vst v1;
	v1 =	vmul.f32 $8.000000000e+00, v2  }
0x4b: {  	v2 =	vld [tilespmem:s4+$0x1920];
	[tilespmem:s0+$0x19B0] =	vst v0;
	v0 =	vmul.f32 $8.000000000e+00, v3  }
0x4c: {  	v3 =	vld [tilespmem:s4+$0x1930];
	[tilespmem:s0+$0x19C0] =	vst v1;
	v1 =	vmul.f32 $8.000000000e+00, v4  }
0x4d: {  	v4 =	vld [tilespmem:s4+$0x1940];
	[tilespmem:s0+$0x19D0] =	vst v0;
	v0 =	vmul.f32 $8.000000000e+00, v6  }
0x4e: {  	v6 =	vmul.f32 $8.000000000e+00, v7;
	v7 =	vld [tilespmem:s4+$0x1950];
	[tilespmem:s0+$0x19E0] =	vst v1  }
0x4f: {  	v1 =	vmul.f32 $8.000000000e+00, v5;
	v5 =	vld [tilespmem:s4+$0x1960];
	[tilespmem:s0+$0x19F0] =	vst v0;
	s0 =	smov.u32 s4  }
0x50: {  	[tilespmem:s0+$0x1900] =	vst v6;
	v0 =	vmul.f32 $8.000000000e+00, v2;
	v2 =	vld [tilespmem:s0+$0x1970]  }
0x51: {  	[tilespmem:s0+$0x1910] =	vst v1;
	v1 =	vmul.f32 $8.000000000e+00, v3;
	v3 =	vld [tilespmem:s0+$0x1980]  }
0x52: {  	[tilespmem:s0+$0x1920] =	vst v0;
	v0 =	vmul.f32 $8.000000000e+00, v4;
	v4 =	vld [tilespmem:s0+$0x1990]  }
.Ltmp0:
0x53: {  	[tilespmem:s0+$0x1930] =	vst v1;
	v6 =	vmul.f32 $8.000000000e+00, v7;
	v1 =	vld [tilespmem:s0+$0x19A0];
	(pc) =	sbr.rel @p0 .LBB2_2-.Ltmp0, $4  }
0x54: {  	[tilespmem:s0+$0x1940] =	vst v0;
	v5 =	vmul.f32 $8.000000000e+00, v5;
	v0 =	vld [tilespmem:s0+$0x19B0]  }
0x55: {  	[tilespmem:s0+$0x1950] =	vst v6;
	v7 =	vmul.f32 $8.000000000e+00, v2;
	v2 =	vld [tilespmem:s0+$0x19C0]  }
0x56: {  	[tilespmem:s0+$0x1960] =	vst v5;
	v6 =	vmul.f32 $8.000000000e+00, v3;
	v3 =	vld [tilespmem:s0+$0x19D0]  }
0x57: {  	s22 =	sadd.s32 $0x400, s22;
	[tilespmem:s0+$0x1970] =	vst v7;
	v5 =	vmul.f32 $8.000000000e+00, v4;
	v4 =	vld [tilespmem:s0+$0x19E0]  }
0x58: {  	[tilespmem:s0+$0x1980] =	vst v6;
	v1 =	vmul.f32 $8.000000000e+00, v1;
	v6 =	vld [tilespmem:s0+$0x19F0]  }
0x59: {  	[tilespmem:s0+$0x1990] =	vst v5;
	v0 =	vmul.f32 $8.000000000e+00, v0  }
0x5a: {  	[tilespmem:s0+$0x19A0] =	vst v1;
	v1 =	vmul.f32 $8.000000000e+00, v2  }
0x5b: {  	[tilespmem:s0+$0x19B0] =	vst v0;
	v0 =	vmul.f32 $8.000000000e+00, v3  }
0x5c: {  	[tilespmem:s0+$0x19C0] =	vst v1;
	v1 =	vmul.f32 $8.000000000e+00, v4  }
0x5d: {  	[tilespmem:s0+$0x19D0] =	vst v0;
	v0 =	vmul.f32 $8.000000000e+00, v6  }
0x5e: {  	[tilespmem:s0+$0x19E0] =	vst v1  }
0x5f: {  	s4 =	simm.s32 $0x0;
	[tilespmem:s0+$0x19F0] =	vst v0  }
0x60: {  	[hbm4b:s5+s4] =	stream.linear.scatter [tilespmem:s18], [sflag:$0x3], $0xA000, $0x38;
	[tilespmem:$0x15900] =	vst v63  }
0x61: {  	_ =	swait.ge [sflag:s16], $0xA000  }
0x62: {  	[sflag:s16] =	ssyncset.done $0x0  }
0x63: {  	s22 =	simm.s32 $0x500;
	[sflag:s16] =	ssyncadd.s32 $0xFFFF6000  }
0x64: {  	[tilespmem:s18], [sflag:$0x1] =	stream.indirect.gather [hbm4b:s3+s17], $0x40, s22, s17, $0xb8;
	[tilespmem:$0x15900] =	vst v63  }
0x65: {  	s4 =	simm.s32 $0x580  }
0x66: {  	[tilespmem:s19], [sflag:$0x1] =	stream.indirect.gather [hbm4b:s3+s17], $0x40, s4, s17, $0xb8;
	[tilespmem:$0x15900] =	vst v63  }
0x67: {  	s22 =	simm.s32 $0x600  }
0x68: {  	[tilespmem:s21], [sflag:$0x1] =	stream.indirect.gather [hbm4b:s3+s17], $0x40, s22, s17, $0xb8;
	[tilespmem:$0x15900] =	vst v63  }
0x69: {  	s4 =	simm.s32 $0x680  }
0x6a: {  	[tilespmem:s23], [sflag:$0x1] =	stream.indirect.gather [hbm4b:s3+s17], $0x40, s4, s17, $0xb8;
	[tilespmem:$0x15900] =	vst v63  }
0x6b: {  	s22 =	simm.s32 $0x700  }
0x6c: {  	[tilespmem:s25], [sflag:$0x1] =	stream.indirect.gather [hbm4b:s3+s17], $0x40, s22, s17, $0xb8;
	[tilespmem:$0x15900] =	vst v63  }
0x6d: {  	_ =	swait.ge [sflag:s31], $0x2000  }
0x6e: {  	[sflag:s31] =	ssyncset.done $0x0  }
0x6f: {  	[sflag:s31] =	ssyncadd.s32 $0xFFFFE000  }
0x70: {  	_ =	swait.ge [sflag:s31], $0x2000  }
0x71: {  	[sflag:s31] =	ssyncset.done $0x0  }
0x72: {  	[sflag:s31] =	ssyncadd.s32 $0xFFFFE000  }
0x73: {  	_ =	swait.ge [sflag:s31], $0x2000  }
0x74: {  	[sflag:s31] =	ssyncset.done $0x0  }
0x75: {  	[sflag:s31] =	ssyncadd.s32 $0xFFFFE000  }
0x76: {  	_ =	swait.ge [sflag:s31], $0x2000  }
0x77: {  	[sflag:s31] =	ssyncset.done $0x0  }
0x78: {  	[sflag:s31] =	ssyncadd.s32 $0xFFFFE000  }
0x79: {  	_ =	swait.ge [sflag:s31], $0x2000  }
0x7a: {  	[sflag:s31] =	ssyncset.done $0x0  }
0x7b: {  	s0 =	simm.s32 $0x0;
	[sflag:s31] =	ssyncadd.s32 $0xFFFFE000  }
0x7c: {  	v0 =	vld [tilespmem:s0+$0xB900]  }
0x7d: {  	v1 =	vld [tilespmem:s0+$0xB910]  }
0x7e: {  	v2 =	vld [tilespmem:s0+$0xB920]  }
0x7f: {  	v3 =	vld [tilespmem:s0+$0xB930]  }
0x80: {  	v4 =	vld [tilespmem:s0+$0xB940]  }
0x81: {  	v5 =	vld [tilespmem:s0+$0xB950];
	v0 =	vmul.f32 $8.000000000e+00, v0  }
0x82: {  	v6 =	vld [tilespmem:s0+$0xB960];
	v1 =	vmul.f32 $8.000000000e+00, v1  }
0x83: {  	v7 =	vld [tilespmem:s0+$0xB970];
	[tilespmem:s0+$0xB900] =	vst v0;
	v0 =	vmul.f32 $8.000000000e+00, v2  }
0x84: {  	v8 =	vld [tilespmem:s0+$0xB980];
	[tilespmem:s0+$0xB910] =	vst v1;
	v1 =	vmul.f32 $8.000000000e+00, v3  }
0x85: {  	v9 =	vld [tilespmem:s0+$0xB990];
	[tilespmem:s0+$0xB920] =	vst v0;
	v0 =	vmul.f32 $8.000000000e+00, v4  }
0x86: {  	v2 =	vmul.f32 $8.000000000e+00, v5;
	[tilespmem:s0+$0xB930] =	vst v1;
	v1 =	vld [tilespmem:s0+$0xB9A0]  }
0x87: {  	v3 =	vmul.f32 $8.000000000e+00, v6;
	[tilespmem:s0+$0xB940] =	vst v0;
	v0 =	vld [tilespmem:s0+$0xB9B0]  }
0x88: {  	[tilespmem:s0+$0xB950] =	vst v2;
	v2 =	vld [tilespmem:s0+$0xB9C0];
	v4 =	vmul.f32 $8.000000000e+00, v7  }
0x89: {  	v6 =	vmul.f32 $8.000000000e+00, v8;
	[tilespmem:s0+$0xB960] =	vst v3;
	v3 =	vld [tilespmem:s0+$0xB9D0]  }
0x8a: {  	s22 =	simm.s32 $0x400;
	v5 =	vmul.f32 $8.000000000e+00, v9;
	[tilespmem:s0+$0xB970] =	vst v4;
	v4 =	vld [tilespmem:s0+$0xB9E0]  }
.LBB2_4:
0x8b: {  	s4 =	sshra.s32 s22, $0x2;
	p0 =	sne.s32 s22, $0x27C00;
	[tilespmem:s0+$0xB980] =	vst v6;
	v1 =	vmul.f32 $8.000000000e+00, v1;
	v6 =	vld [tilespmem:s0+$0xB9F0]  }
0x8c: {  	v7 =	vld [tilespmem:s4+$0xB900];
	[tilespmem:s0+$0xB990] =	vst v5;
	v0 =	vmul.f32 $8.000000000e+00, v0  }
0x8d: {  	v5 =	vld [tilespmem:s4+$0xB910];
	[tilespmem:s0+$0xB9A0] =	vst v1;
	v1 =	vmul.f32 $8.000000000e+00, v2  }
0x8e: {  	v2 =	vld [tilespmem:s4+$0xB920];
	[tilespmem:s0+$0xB9B0] =	vst v0;
	v0 =	vmul.f32 $8.000000000e+00, v3  }
0x8f: {  	v3 =	vld [tilespmem:s4+$0xB930];
	[tilespmem:s0+$0xB9C0] =	vst v1;
	v1 =	vmul.f32 $8.000000000e+00, v4  }
0x90: {  	v4 =	vld [tilespmem:s4+$0xB940];
	[tilespmem:s0+$0xB9D0] =	vst v0;
	v0 =	vmul.f32 $8.000000000e+00, v6  }
0x91: {  	v6 =	vmul.f32 $8.000000000e+00, v7;
	v7 =	vld [tilespmem:s4+$0xB950];
	[tilespmem:s0+$0xB9E0] =	vst v1  }
0x92: {  	v1 =	vmul.f32 $8.000000000e+00, v5;
	v5 =	vld [tilespmem:s4+$0xB960];
	[tilespmem:s0+$0xB9F0] =	vst v0;
	s0 =	smov.u32 s4  }
0x93: {  	[tilespmem:s0+$0xB900] =	vst v6;
	v0 =	vmul.f32 $8.000000000e+00, v2;
	v2 =	vld [tilespmem:s0+$0xB970]  }
0x94: {  	[tilespmem:s0+$0xB910] =	vst v1;
	v1 =	vmul.f32 $8.000000000e+00, v3;
	v3 =	vld [tilespmem:s0+$0xB980]  }
0x95: {  	[tilespmem:s0+$0xB920] =	vst v0;
	v0 =	vmul.f32 $8.000000000e+00, v4;
	v4 =	vld [tilespmem:s0+$0xB990]  }
.Ltmp1:
0x96: {  	[tilespmem:s0+$0xB930] =	vst v1;
	v6 =	vmul.f32 $8.000000000e+00, v7;
	v1 =	vld [tilespmem:s0+$0xB9A0];
	(pc) =	sbr.rel @p0 .LBB2_4-.Ltmp1, $4  }
0x97: {  	[tilespmem:s0+$0xB940] =	vst v0;
	v5 =	vmul.f32 $8.000000000e+00, v5;
	v0 =	vld [tilespmem:s0+$0xB9B0]  }
0x98: {  	[tilespmem:s0+$0xB950] =	vst v6;
	v7 =	vmul.f32 $8.000000000e+00, v2;
	v2 =	vld [tilespmem:s0+$0xB9C0]  }
0x99: {  	[tilespmem:s0+$0xB960] =	vst v5;
	v6 =	vmul.f32 $8.000000000e+00, v3;
	v3 =	vld [tilespmem:s0+$0xB9D0]  }
0x9a: {  	s22 =	sadd.s32 $0x400, s22;
	[tilespmem:s0+$0xB970] =	vst v7;
	v5 =	vmul.f32 $8.000000000e+00, v4;
	v4 =	vld [tilespmem:s0+$0xB9E0]  }
0x9b: {  	[tilespmem:s0+$0xB980] =	vst v6;
	v1 =	vmul.f32 $8.000000000e+00, v1;
	v6 =	vld [tilespmem:s0+$0xB9F0]  }
0x9c: {  	[tilespmem:s0+$0xB990] =	vst v5;
	v0 =	vmul.f32 $8.000000000e+00, v0  }
0x9d: {  	[tilespmem:s0+$0xB9A0] =	vst v1;
	v1 =	vmul.f32 $8.000000000e+00, v2  }
0x9e: {  	[tilespmem:s0+$0xB9B0] =	vst v0;
	v0 =	vmul.f32 $8.000000000e+00, v3  }
0x9f: {  	[tilespmem:s0+$0xB9C0] =	vst v1;
	v1 =	vmul.f32 $8.000000000e+00, v4  }
0xa0: {  	[tilespmem:s0+$0xB9D0] =	vst v0;
	v0 =	vmul.f32 $8.000000000e+00, v6  }
0xa1: {  	[tilespmem:s0+$0xB9E0] =	vst v1  }
0xa2: {  	s4 =	simm.s32 $0x0;
	[tilespmem:s0+$0xB9F0] =	vst v0  }
0xa3: {  	[hbm4b:s6+s4] =	stream.linear.scatter [tilespmem:s28], [sflag:$0x3], $0xA000, $0x38;
	[tilespmem:$0x15900] =	vst v63  }
0xa4: {  	_ =	swait.ge [sflag:s16], $0xA000  }
0xa5: {  	[sflag:s16] =	ssyncset.done $0x0  }
0xa6: {  	s22 =	simm.s32 $0x780;
	[sflag:s16] =	ssyncadd.s32 $0xFFFF6000  }
0xa7: {  	[tilespmem:s28], [sflag:$0x2] =	stream.indirect.gather [hbm4b:s3+s17], $0x40, s22, s17, $0xb8;
	[tilespmem:$0x15900] =	vst v63  }
0xa8: {  	s4 =	simm.s32 $0x800  }
0xa9: {  	[tilespmem:s30], [sflag:$0x2] =	stream.indirect.gather [hbm4b:s3+s17], $0x40, s4, s17, $0xb8;
	[tilespmem:$0x15900] =	vst v63  }
0xaa: {  	s22 =	simm.s32 $0x880  }
0xab: {  	[tilespmem:s1], [sflag:$0x2] =	stream.indirect.gather [hbm4b:s3+s17], $0x40, s22, s17, $0xb8;
	[tilespmem:$0x15900] =	vst v63  }
0xac: {  	s4 =	simm.s32 $0x900  }
0xad: {  	[tilespmem:s20], [sflag:$0x2] =	stream.indirect.gather [hbm4b:s3+s17], $0x40, s4, s17, $0xb8;
	[tilespmem:$0x15900] =	vst v63  }
0xae: {  	s22 =	simm.s32 $0x980  }
0xaf: {  	[tilespmem:s24], [sflag:$0x2] =	stream.indirect.gather [hbm4b:s3+s17], $0x40, s22, s17, $0xb8;
	[tilespmem:$0x15900] =	vst v63  }
0xb0: {  	_ =	swait.ge [sflag:s26], $0x2000  }
0xb1: {  	[sflag:s26] =	ssyncset.done $0x0  }
0xb2: {  	[sflag:s26] =	ssyncadd.s32 $0xFFFFE000  }
0xb3: {  	_ =	swait.ge [sflag:s26], $0x2000  }
0xb4: {  	[sflag:s26] =	ssyncset.done $0x0  }
0xb5: {  	[sflag:s26] =	ssyncadd.s32 $0xFFFFE000  }
0xb6: {  	_ =	swait.ge [sflag:s26], $0x2000  }
0xb7: {  	[sflag:s26] =	ssyncset.done $0x0  }
0xb8: {  	[sflag:s26] =	ssyncadd.s32 $0xFFFFE000  }
0xb9: {  	_ =	swait.ge [sflag:s26], $0x2000  }
0xba: {  	[sflag:s26] =	ssyncset.done $0x0  }
0xbb: {  	[sflag:s26] =	ssyncadd.s32 $0xFFFFE000  }
0xbc: {  	_ =	swait.ge [sflag:s26], $0x2000  }
0xbd: {  	[sflag:s26] =	ssyncset.done $0x0  }
0xbe: {  	s0 =	simm.s32 $0x0;
	[sflag:s26] =	ssyncadd.s32 $0xFFFFE000  }
0xbf: {  	v0 =	vld [tilespmem:s0+$0x1900]  }
0xc0: {  	v1 =	vld [tilespmem:s0+$0x1910]  }
0xc1: {  	v2 =	vld [tilespmem:s0+$0x1920]  }
0xc2: {  	v3 =	vld [tilespmem:s0+$0x1930]  }
0xc3: {  	v4 =	vld [tilespmem:s0+$0x1940]  }
0xc4: {  	v5 =	vld [tilespmem:s0+$0x1950];
	v0 =	vmul.f32 $8.000000000e+00, v0  }
0xc5: {  	v6 =	vld [tilespmem:s0+$0x1960];
	v1 =	vmul.f32 $8.000000000e+00, v1  }
0xc6: {  	v7 =	vld [tilespmem:s0+$0x1970];
	[tilespmem:s0+$0x1900] =	vst v0;
	v0 =	vmul.f32 $8.000000000e+00, v2  }
0xc7: {  	v8 =	vld [tilespmem:s0+$0x1980];
	[tilespmem:s0+$0x1910] =	vst v1;
	v1 =	vmul.f32 $8.000000000e+00, v3  }
0xc8: {  	v9 =	vld [tilespmem:s0+$0x1990];
	[tilespmem:s0+$0x1920] =	vst v0;
	v0 =	vmul.f32 $8.000000000e+00, v4  }
0xc9: {  	v2 =	vmul.f32 $8.000000000e+00, v5;
	[tilespmem:s0+$0x1930] =	vst v1;
	v1 =	vld [tilespmem:s0+$0x19A0]  }
0xca: {  	v3 =	vmul.f32 $8.000000000e+00, v6;
	[tilespmem:s0+$0x1940] =	vst v0;
	v0 =	vld [tilespmem:s0+$0x19B0]  }
0xcb: {  	[tilespmem:s0+$0x1950] =	vst v2;
	v2 =	vld [tilespmem:s0+$0x19C0];
	v4 =	vmul.f32 $8.000000000e+00, v7  }
0xcc: {  	v6 =	vmul.f32 $8.000000000e+00, v8;
	[tilespmem:s0+$0x1960] =	vst v3;
	v3 =	vld [tilespmem:s0+$0x19D0]  }
0xcd: {  	s22 =	simm.s32 $0x400;
	v5 =	vmul.f32 $8.000000000e+00, v9;
	[tilespmem:s0+$0x1970] =	vst v4;
	v4 =	vld [tilespmem:s0+$0x19E0]  }
.LBB2_6:
0xce: {  	s4 =	sshra.s32 s22, $0x2;
	p0 =	sne.s32 s22, $0x27C00;
	[tilespmem:s0+$0x1980] =	vst v6;
	v1 =	vmul.f32 $8.000000000e+00, v1;
	v6 =	vld [tilespmem:s0+$0x19F0]  }
0xcf: {  	v7 =	vld [tilespmem:s4+$0x1900];
	[tilespmem:s0+$0x1990] =	vst v5;
	v0 =	vmul.f32 $8.000000000e+00, v0  }
0xd0: {  	v5 =	vld [tilespmem:s4+$0x1910];
	[tilespmem:s0+$0x19A0] =	vst v1;
	v1 =	vmul.f32 $8.000000000e+00, v2  }
0xd1: {  	v2 =	vld [tilespmem:s4+$0x1920];
	[tilespmem:s0+$0x19B0] =	vst v0;
	v0 =	vmul.f32 $8.000000000e+00, v3  }
0xd2: {  	v3 =	vld [tilespmem:s4+$0x1930];
	[tilespmem:s0+$0x19C0] =	vst v1;
	v1 =	vmul.f32 $8.000000000e+00, v4  }
0xd3: {  	v4 =	vld [tilespmem:s4+$0x1940];
	[tilespmem:s0+$0x19D0] =	vst v0;
	v0 =	vmul.f32 $8.000000000e+00, v6  }
0xd4: {  	v6 =	vmul.f32 $8.000000000e+00, v7;
	v7 =	vld [tilespmem:s4+$0x1950];
	[tilespmem:s0+$0x19E0] =	vst v1  }
0xd5: {  	v1 =	vmul.f32 $8.000000000e+00, v5;
	v5 =	vld [tilespmem:s4+$0x1960];
	[tilespmem:s0+$0x19F0] =	vst v0;
	s0 =	smov.u32 s4  }
0xd6: {  	[tilespmem:s0+$0x1900] =	vst v6;
	v0 =	vmul.f32 $8.000000000e+00, v2;
	v2 =	vld [tilespmem:s0+$0x1970]  }
0xd7: {  	[tilespmem:s0+$0x1910] =	vst v1;
	v1 =	vmul.f32 $8.000000000e+00, v3;
	v3 =	vld [tilespmem:s0+$0x1980]  }
0xd8: {  	[tilespmem:s0+$0x1920] =	vst v0;
	v0 =	vmul.f32 $8.000000000e+00, v4;
	v4 =	vld [tilespmem:s0+$0x1990]  }
.Ltmp2:
0xd9: {  	[tilespmem:s0+$0x1930] =	vst v1;
	v6 =	vmul.f32 $8.000000000e+00, v7;
	v1 =	vld [tilespmem:s0+$0x19A0];
	(pc) =	sbr.rel @p0 .LBB2_6-.Ltmp2, $4  }
0xda: {  	[tilespmem:s0+$0x1940] =	vst v0;
	v5 =	vmul.f32 $8.000000000e+00, v5;
	v0 =	vld [tilespmem:s0+$0x19B0]  }
0xdb: {  	[tilespmem:s0+$0x1950] =	vst v6;
	v7 =	vmul.f32 $8.000000000e+00, v2;
	v2 =	vld [tilespmem:s0+$0x19C0]  }
0xdc: {  	[tilespmem:s0+$0x1960] =	vst v5;
	v6 =	vmul.f32 $8.000000000e+00, v3;
	v3 =	vld [tilespmem:s0+$0x19D0]  }
0xdd: {  	s22 =	sadd.s32 $0x400, s22;
	[tilespmem:s0+$0x1970] =	vst v7;
	v5 =	vmul.f32 $8.000000000e+00, v4;
	v4 =	vld [tilespmem:s0+$0x19E0]  }
0xde: {  	[tilespmem:s0+$0x1980] =	vst v6;
	v1 =	vmul.f32 $8.000000000e+00, v1;
	v6 =	vld [tilespmem:s0+$0x19F0]  }
0xdf: {  	[tilespmem:s0+$0x1990] =	vst v5;
	v0 =	vmul.f32 $8.000000000e+00, v0  }
0xe0: {  	[tilespmem:s0+$0x19A0] =	vst v1;
	v1 =	vmul.f32 $8.000000000e+00, v2  }
0xe1: {  	[tilespmem:s0+$0x19B0] =	vst v0;
	v0 =	vmul.f32 $8.000000000e+00, v3  }
0xe2: {  	[tilespmem:s0+$0x19C0] =	vst v1;
	v1 =	vmul.f32 $8.000000000e+00, v4  }
0xe3: {  	[tilespmem:s0+$0x19D0] =	vst v0;
	v0 =	vmul.f32 $8.000000000e+00, v6  }
0xe4: {  	[tilespmem:s0+$0x19E0] =	vst v1  }
0xe5: {  	s4 =	simm.s32 $0x0;
	[tilespmem:s0+$0x19F0] =	vst v0  }
0xe6: {  	[hbm4b:s7+s4] =	stream.linear.scatter [tilespmem:s18], [sflag:$0x3], $0xA000, $0x38;
	[tilespmem:$0x15900] =	vst v63  }
0xe7: {  	_ =	swait.ge [sflag:s16], $0xA000  }
0xe8: {  	[sflag:s16] =	ssyncset.done $0x0  }
0xe9: {  	s22 =	simm.s32 $0xA00;
	[sflag:s16] =	ssyncadd.s32 $0xFFFF6000  }
0xea: {  	[tilespmem:s18], [sflag:$0x1] =	stream.indirect.gather [hbm4b:s3+s17], $0x40, s22, s17, $0xb8;
	[tilespmem:$0x15900] =	vst v63  }
0xeb: {  	s4 =	simm.s32 $0xA80  }
0xec: {  	[tilespmem:s19], [sflag:$0x1] =	stream.indirect.gather [hbm4b:s3+s17], $0x40, s4, s17, $0xb8;
	[tilespmem:$0x15900] =	vst v63  }
0xed: {  	s22 =	simm.s32 $0xB00  }
0xee: {  	[tilespmem:s21], [sflag:$0x1] =	stream.indirect.gather [hbm4b:s3+s17], $0x40, s22, s17, $0xb8;
	[tilespmem:$0x15900] =	vst v63  }
0xef: {  	s4 =	simm.s32 $0xB80  }
0xf0: {  	[tilespmem:s23], [sflag:$0x1] =	stream.indirect.gather [hbm4b:s3+s17], $0x40, s4, s17, $0xb8;
	[tilespmem:$0x15900] =	vst v63  }
0xf1: {  	s22 =	simm.s32 $0xC00  }
0xf2: {  	[tilespmem:s25], [sflag:$0x1] =	stream.indirect.gather [hbm4b:s3+s17], $0x40, s22, s17, $0xb8;
	[tilespmem:$0x15900] =	vst v63  }
0xf3: {  	_ =	swait.ge [sflag:s31], $0x2000  }
0xf4: {  	[sflag:s31] =	ssyncset.done $0x0  }
0xf5: {  	[sflag:s31] =	ssyncadd.s32 $0xFFFFE000  }
0xf6: {  	_ =	swait.ge [sflag:s31], $0x2000  }
0xf7: {  	[sflag:s31] =	ssyncset.done $0x0  }
0xf8: {  	[sflag:s31] =	ssyncadd.s32 $0xFFFFE000  }
0xf9: {  	_ =	swait.ge [sflag:s31], $0x2000  }
0xfa: {  	[sflag:s31] =	ssyncset.done $0x0  }
0xfb: {  	[sflag:s31] =	ssyncadd.s32 $0xFFFFE000  }
0xfc: {  	_ =	swait.ge [sflag:s31], $0x2000  }
0xfd: {  	[sflag:s31] =	ssyncset.done $0x0  }
0xfe: {  	[sflag:s31] =	ssyncadd.s32 $0xFFFFE000  }
0xff: {  	_ =	swait.ge [sflag:s31], $0x2000  }
0x100: {  	[sflag:s31] =	ssyncset.done $0x0  }
0x101: {  	s0 =	simm.s32 $0x0;
	[sflag:s31] =	ssyncadd.s32 $0xFFFFE000  }
0x102: {  	v0 =	vld [tilespmem:s0+$0xB900]  }
0x103: {  	v1 =	vld [tilespmem:s0+$0xB910]  }
0x104: {  	v2 =	vld [tilespmem:s0+$0xB920]  }
0x105: {  	v3 =	vld [tilespmem:s0+$0xB930]  }
0x106: {  	v4 =	vld [tilespmem:s0+$0xB940]  }
0x107: {  	v5 =	vld [tilespmem:s0+$0xB950];
	v0 =	vmul.f32 $8.000000000e+00, v0  }
0x108: {  	v6 =	vld [tilespmem:s0+$0xB960];
	v1 =	vmul.f32 $8.000000000e+00, v1  }
0x109: {  	v7 =	vld [tilespmem:s0+$0xB970];
	[tilespmem:s0+$0xB900] =	vst v0;
	v0 =	vmul.f32 $8.000000000e+00, v2  }
0x10a: {  	v8 =	vld [tilespmem:s0+$0xB980];
	[tilespmem:s0+$0xB910] =	vst v1;
	v1 =	vmul.f32 $8.000000000e+00, v3  }
0x10b: {  	v9 =	vld [tilespmem:s0+$0xB990];
	[tilespmem:s0+$0xB920] =	vst v0;
	v0 =	vmul.f32 $8.000000000e+00, v4  }
0x10c: {  	v2 =	vmul.f32 $8.000000000e+00, v5;
	[tilespmem:s0+$0xB930] =	vst v1;
	v1 =	vld [tilespmem:s0+$0xB9A0]  }
0x10d: {  	v3 =	vmul.f32 $8.000000000e+00, v6;
	[tilespmem:s0+$0xB940] =	vst v0;
	v0 =	vld [tilespmem:s0+$0xB9B0]  }
0x10e: {  	[tilespmem:s0+$0xB950] =	vst v2;
	v2 =	vld [tilespmem:s0+$0xB9C0];
	v4 =	vmul.f32 $8.000000000e+00, v7  }
0x10f: {  	v6 =	vmul.f32 $8.000000000e+00, v8;
	[tilespmem:s0+$0xB960] =	vst v3;
	v3 =	vld [tilespmem:s0+$0xB9D0]  }
0x110: {  	s22 =	simm.s32 $0x400;
	v5 =	vmul.f32 $8.000000000e+00, v9;
	[tilespmem:s0+$0xB970] =	vst v4;
	v4 =	vld [tilespmem:s0+$0xB9E0]  }
.LBB2_8:
0x111: {  	s4 =	sshra.s32 s22, $0x2;
	p0 =	sne.s32 s22, $0x27C00;
	[tilespmem:s0+$0xB980] =	vst v6;
	v1 =	vmul.f32 $8.000000000e+00, v1;
	v6 =	vld [tilespmem:s0+$0xB9F0]  }
0x112: {  	v7 =	vld [tilespmem:s4+$0xB900];
	[tilespmem:s0+$0xB990] =	vst v5;
	v0 =	vmul.f32 $8.000000000e+00, v0  }
0x113: {  	v5 =	vld [tilespmem:s4+$0xB910];
	[tilespmem:s0+$0xB9A0] =	vst v1;
	v1 =	vmul.f32 $8.000000000e+00, v2  }
0x114: {  	v2 =	vld [tilespmem:s4+$0xB920];
	[tilespmem:s0+$0xB9B0] =	vst v0;
	v0 =	vmul.f32 $8.000000000e+00, v3  }
0x115: {  	v3 =	vld [tilespmem:s4+$0xB930];
	[tilespmem:s0+$0xB9C0] =	vst v1;
	v1 =	vmul.f32 $8.000000000e+00, v4  }
0x116: {  	v4 =	vld [tilespmem:s4+$0xB940];
	[tilespmem:s0+$0xB9D0] =	vst v0;
	v0 =	vmul.f32 $8.000000000e+00, v6  }
0x117: {  	v6 =	vmul.f32 $8.000000000e+00, v7;
	v7 =	vld [tilespmem:s4+$0xB950];
	[tilespmem:s0+$0xB9E0] =	vst v1  }
0x118: {  	v1 =	vmul.f32 $8.000000000e+00, v5;
	v5 =	vld [tilespmem:s4+$0xB960];
	[tilespmem:s0+$0xB9F0] =	vst v0;
	s0 =	smov.u32 s4  }
0x119: {  	[tilespmem:s0+$0xB900] =	vst v6;
	v0 =	vmul.f32 $8.000000000e+00, v2;
	v2 =	vld [tilespmem:s0+$0xB970]  }
0x11a: {  	[tilespmem:s0+$0xB910] =	vst v1;
	v1 =	vmul.f32 $8.000000000e+00, v3;
	v3 =	vld [tilespmem:s0+$0xB980]  }
0x11b: {  	[tilespmem:s0+$0xB920] =	vst v0;
	v0 =	vmul.f32 $8.000000000e+00, v4;
	v4 =	vld [tilespmem:s0+$0xB990]  }
.Ltmp3:
0x11c: {  	[tilespmem:s0+$0xB930] =	vst v1;
	v6 =	vmul.f32 $8.000000000e+00, v7;
	v1 =	vld [tilespmem:s0+$0xB9A0];
	(pc) =	sbr.rel @p0 .LBB2_8-.Ltmp3, $4  }
0x11d: {  	[tilespmem:s0+$0xB940] =	vst v0;
	v5 =	vmul.f32 $8.000000000e+00, v5;
	v0 =	vld [tilespmem:s0+$0xB9B0]  }
0x11e: {  	[tilespmem:s0+$0xB950] =	vst v6;
	v7 =	vmul.f32 $8.000000000e+00, v2;
	v2 =	vld [tilespmem:s0+$0xB9C0]  }
0x11f: {  	[tilespmem:s0+$0xB960] =	vst v5;
	v6 =	vmul.f32 $8.000000000e+00, v3;
	v3 =	vld [tilespmem:s0+$0xB9D0]  }
0x120: {  	s22 =	sadd.s32 $0x400, s22;
	[tilespmem:s0+$0xB970] =	vst v7;
	v5 =	vmul.f32 $8.000000000e+00, v4;
	v4 =	vld [tilespmem:s0+$0xB9E0]  }
0x121: {  	[tilespmem:s0+$0xB980] =	vst v6;
	v1 =	vmul.f32 $8.000000000e+00, v1;
	v6 =	vld [tilespmem:s0+$0xB9F0]  }
0x122: {  	[tilespmem:s0+$0xB990] =	vst v5;
	v0 =	vmul.f32 $8.000000000e+00, v0  }
0x123: {  	[tilespmem:s0+$0xB9A0] =	vst v1;
	v1 =	vmul.f32 $8.000000000e+00, v2  }
0x124: {  	[tilespmem:s0+$0xB9B0] =	vst v0;
	v0 =	vmul.f32 $8.000000000e+00, v3  }
0x125: {  	[tilespmem:s0+$0xB9C0] =	vst v1;
	v1 =	vmul.f32 $8.000000000e+00, v4  }
0x126: {  	[tilespmem:s0+$0xB9D0] =	vst v0;
	v0 =	vmul.f32 $8.000000000e+00, v6  }
0x127: {  	[tilespmem:s0+$0xB9E0] =	vst v1  }
0x128: {  	s4 =	simm.s32 $0x0;
	[tilespmem:s0+$0xB9F0] =	vst v0  }
0x129: {  	[hbm4b:s8+s4] =	stream.linear.scatter [tilespmem:s28], [sflag:$0x3], $0xA000, $0x38;
	[tilespmem:$0x15900] =	vst v63  }
0x12a: {  	_ =	swait.ge [sflag:s16], $0xA000  }
0x12b: {  	[sflag:s16] =	ssyncset.done $0x0  }
0x12c: {  	s22 =	simm.s32 $0xC80;
	[sflag:s16] =	ssyncadd.s32 $0xFFFF6000  }
0x12d: {  	[tilespmem:s28], [sflag:$0x2] =	stream.indirect.gather [hbm4b:s3+s17], $0x40, s22, s17, $0xb8;
	[tilespmem:$0x15900] =	vst v63  }
0x12e: {  	s4 =	simm.s32 $0xD00  }
0x12f: {  	[tilespmem:s30], [sflag:$0x2] =	stream.indirect.gather [hbm4b:s3+s17], $0x40, s4, s17, $0xb8;
	[tilespmem:$0x15900] =	vst v63  }
0x130: {  	s22 =	simm.s32 $0xD80  }
0x131: {  	[tilespmem:s1], [sflag:$0x2] =	stream.indirect.gather [hbm4b:s3+s17], $0x40, s22, s17, $0xb8;
	[tilespmem:$0x15900] =	vst v63  }
0x132: {  	s4 =	simm.s32 $0xE00  }
0x133: {  	[tilespmem:s20], [sflag:$0x2] =	stream.indirect.gather [hbm4b:s3+s17], $0x40, s4, s17, $0xb8;
	[tilespmem:$0x15900] =	vst v63  }
0x134: {  	s22 =	simm.s32 $0xE80  }
0x135: {  	[tilespmem:s24], [sflag:$0x2] =	stream.indirect.gather [hbm4b:s3+s17], $0x40, s22, s17, $0xb8;
	[tilespmem:$0x15900] =	vst v63  }
0x136: {  	_ =	swait.ge [sflag:s26], $0x2000  }
0x137: {  	[sflag:s26] =	ssyncset.done $0x0  }
0x138: {  	[sflag:s26] =	ssyncadd.s32 $0xFFFFE000  }
0x139: {  	_ =	swait.ge [sflag:s26], $0x2000  }
0x13a: {  	[sflag:s26] =	ssyncset.done $0x0  }
0x13b: {  	[sflag:s26] =	ssyncadd.s32 $0xFFFFE000  }
0x13c: {  	_ =	swait.ge [sflag:s26], $0x2000  }
0x13d: {  	[sflag:s26] =	ssyncset.done $0x0  }
0x13e: {  	[sflag:s26] =	ssyncadd.s32 $0xFFFFE000  }
0x13f: {  	_ =	swait.ge [sflag:s26], $0x2000  }
0x140: {  	[sflag:s26] =	ssyncset.done $0x0  }
0x141: {  	[sflag:s26] =	ssyncadd.s32 $0xFFFFE000  }
0x142: {  	_ =	swait.ge [sflag:s26], $0x2000  }
0x143: {  	[sflag:s26] =	ssyncset.done $0x0  }
0x144: {  	s0 =	simm.s32 $0x0;
	[sflag:s26] =	ssyncadd.s32 $0xFFFFE000  }
0x145: {  	v0 =	vld [tilespmem:s0+$0x1900]  }
0x146: {  	v1 =	vld [tilespmem:s0+$0x1910]  }
0x147: {  	v2 =	vld [tilespmem:s0+$0x1920]  }
0x148: {  	v3 =	vld [tilespmem:s0+$0x1930]  }
0x149: {  	v4 =	vld [tilespmem:s0+$0x1940]  }
0x14a: {  	v5 =	vld [tilespmem:s0+$0x1950];
	v0 =	vmul.f32 $8.000000000e+00, v0  }
0x14b: {  	v6 =	vld [tilespmem:s0+$0x1960];
	v1 =	vmul.f32 $8.000000000e+00, v1  }
0x14c: {  	v7 =	vld [tilespmem:s0+$0x1970];
	[tilespmem:s0+$0x1900] =	vst v0;
	v0 =	vmul.f32 $8.000000000e+00, v2  }
0x14d: {  	v8 =	vld [tilespmem:s0+$0x1980];
	[tilespmem:s0+$0x1910] =	vst v1;
	v1 =	vmul.f32 $8.000000000e+00, v3  }
0x14e: {  	v9 =	vld [tilespmem:s0+$0x1990];
	[tilespmem:s0+$0x1920] =	vst v0;
	v0 =	vmul.f32 $8.000000000e+00, v4  }
0x14f: {  	v2 =	vmul.f32 $8.000000000e+00, v5;
	[tilespmem:s0+$0x1930] =	vst v1;
	v1 =	vld [tilespmem:s0+$0x19A0]  }
0x150: {  	v3 =	vmul.f32 $8.000000000e+00, v6;
	[tilespmem:s0+$0x1940] =	vst v0;
	v0 =	vld [tilespmem:s0+$0x19B0]  }
0x151: {  	[tilespmem:s0+$0x1950] =	vst v2;
	v2 =	vld [tilespmem:s0+$0x19C0];
	v4 =	vmul.f32 $8.000000000e+00, v7  }
0x152: {  	v6 =	vmul.f32 $8.000000000e+00, v8;
	[tilespmem:s0+$0x1960] =	vst v3;
	v3 =	vld [tilespmem:s0+$0x19D0]  }
0x153: {  	s22 =	simm.s32 $0x400;
	v5 =	vmul.f32 $8.000000000e+00, v9;
	[tilespmem:s0+$0x1970] =	vst v4;
	v4 =	vld [tilespmem:s0+$0x19E0]  }
.LBB2_10:
0x154: {  	s4 =	sshra.s32 s22, $0x2;
	p0 =	sne.s32 s22, $0x27C00;
	[tilespmem:s0+$0x1980] =	vst v6;
	v1 =	vmul.f32 $8.000000000e+00, v1;
	v6 =	vld [tilespmem:s0+$0x19F0]  }
0x155: {  	v7 =	vld [tilespmem:s4+$0x1900];
	[tilespmem:s0+$0x1990] =	vst v5;
	v0 =	vmul.f32 $8.000000000e+00, v0  }
0x156: {  	v5 =	vld [tilespmem:s4+$0x1910];
	[tilespmem:s0+$0x19A0] =	vst v1;
	v1 =	vmul.f32 $8.000000000e+00, v2  }
0x157: {  	v2 =	vld [tilespmem:s4+$0x1920];
	[tilespmem:s0+$0x19B0] =	vst v0;
	v0 =	vmul.f32 $8.000000000e+00, v3  }
0x158: {  	v3 =	vld [tilespmem:s4+$0x1930];
	[tilespmem:s0+$0x19C0] =	vst v1;
	v1 =	vmul.f32 $8.000000000e+00, v4  }
0x159: {  	v4 =	vld [tilespmem:s4+$0x1940];
	[tilespmem:s0+$0x19D0] =	vst v0;
	v0 =	vmul.f32 $8.000000000e+00, v6  }
0x15a: {  	v6 =	vmul.f32 $8.000000000e+00, v7;
	v7 =	vld [tilespmem:s4+$0x1950];
	[tilespmem:s0+$0x19E0] =	vst v1  }
0x15b: {  	v1 =	vmul.f32 $8.000000000e+00, v5;
	v5 =	vld [tilespmem:s4+$0x1960];
	[tilespmem:s0+$0x19F0] =	vst v0;
	s0 =	smov.u32 s4  }
0x15c: {  	[tilespmem:s0+$0x1900] =	vst v6;
	v0 =	vmul.f32 $8.000000000e+00, v2;
	v2 =	vld [tilespmem:s0+$0x1970]  }
0x15d: {  	[tilespmem:s0+$0x1910] =	vst v1;
	v1 =	vmul.f32 $8.000000000e+00, v3;
	v3 =	vld [tilespmem:s0+$0x1980]  }
0x15e: {  	[tilespmem:s0+$0x1920] =	vst v0;
	v0 =	vmul.f32 $8.000000000e+00, v4;
	v4 =	vld [tilespmem:s0+$0x1990]  }
.Ltmp4:
0x15f: {  	[tilespmem:s0+$0x1930] =	vst v1;
	v6 =	vmul.f32 $8.000000000e+00, v7;
	v1 =	vld [tilespmem:s0+$0x19A0];
	(pc) =	sbr.rel @p0 .LBB2_10-.Ltmp4, $4  }
0x160: {  	[tilespmem:s0+$0x1940] =	vst v0;
	v5 =	vmul.f32 $8.000000000e+00, v5;
	v0 =	vld [tilespmem:s0+$0x19B0]  }
0x161: {  	[tilespmem:s0+$0x1950] =	vst v6;
	v7 =	vmul.f32 $8.000000000e+00, v2;
	v2 =	vld [tilespmem:s0+$0x19C0]  }
0x162: {  	[tilespmem:s0+$0x1960] =	vst v5;
	v6 =	vmul.f32 $8.000000000e+00, v3;
	v3 =	vld [tilespmem:s0+$0x19D0]  }
0x163: {  	s22 =	sadd.s32 $0x400, s22;
	[tilespmem:s0+$0x1970] =	vst v7;
	v5 =	vmul.f32 $8.000000000e+00, v4;
	v4 =	vld [tilespmem:s0+$0x19E0]  }
0x164: {  	[tilespmem:s0+$0x1980] =	vst v6;
	v1 =	vmul.f32 $8.000000000e+00, v1;
	v6 =	vld [tilespmem:s0+$0x19F0]  }
0x165: {  	[tilespmem:s0+$0x1990] =	vst v5;
	v0 =	vmul.f32 $8.000000000e+00, v0  }
0x166: {  	[tilespmem:s0+$0x19A0] =	vst v1;
	v1 =	vmul.f32 $8.000000000e+00, v2  }
0x167: {  	[tilespmem:s0+$0x19B0] =	vst v0;
	v0 =	vmul.f32 $8.000000000e+00, v3  }
0x168: {  	[tilespmem:s0+$0x19C0] =	vst v1;
	v1 =	vmul.f32 $8.000000000e+00, v4  }
0x169: {  	[tilespmem:s0+$0x19D0] =	vst v0;
	v0 =	vmul.f32 $8.000000000e+00, v6  }
0x16a: {  	[tilespmem:s0+$0x19E0] =	vst v1  }
0x16b: {  	s4 =	simm.s32 $0x0;
	[tilespmem:s0+$0x19F0] =	vst v0  }
0x16c: {  	[hbm4b:s9+s4] =	stream.linear.scatter [tilespmem:s18], [sflag:$0x3], $0xA000, $0x38;
	[tilespmem:$0x15900] =	vst v63  }
0x16d: {  	_ =	swait.ge [sflag:s16], $0xA000  }
0x16e: {  	[sflag:s16] =	ssyncset.done $0x0  }
0x16f: {  	s22 =	simm.s32 $0xF00;
	[sflag:s16] =	ssyncadd.s32 $0xFFFF6000  }
0x170: {  	[tilespmem:s18], [sflag:$0x1] =	stream.indirect.gather [hbm4b:s3+s17], $0x40, s22, s17, $0xb8;
	[tilespmem:$0x15900] =	vst v63  }
0x171: {  	s4 =	simm.s32 $0xF80  }
0x172: {  	[tilespmem:s19], [sflag:$0x1] =	stream.indirect.gather [hbm4b:s3+s17], $0x40, s4, s17, $0xb8;
	[tilespmem:$0x15900] =	vst v63  }
0x173: {  	s22 =	simm.s32 $0x1000  }
0x174: {  	[tilespmem:s21], [sflag:$0x1] =	stream.indirect.gather [hbm4b:s3+s17], $0x40, s22, s17, $0xb8;
	[tilespmem:$0x15900] =	vst v63  }
0x175: {  	s4 =	simm.s32 $0x1080  }
0x176: {  	[tilespmem:s23], [sflag:$0x1] =	stream.indirect.gather [hbm4b:s3+s17], $0x40, s4, s17, $0xb8;
	[tilespmem:$0x15900] =	vst v63  }
0x177: {  	s22 =	simm.s32 $0x1100  }
0x178: {  	[tilespmem:s25], [sflag:$0x1] =	stream.indirect.gather [hbm4b:s3+s17], $0x40, s22, s17, $0xb8;
	[tilespmem:$0x15900] =	vst v63  }
0x179: {  	_ =	swait.ge [sflag:s31], $0x2000  }
0x17a: {  	[sflag:s31] =	ssyncset.done $0x0  }
0x17b: {  	[sflag:s31] =	ssyncadd.s32 $0xFFFFE000  }
0x17c: {  	_ =	swait.ge [sflag:s31], $0x2000  }
0x17d: {  	[sflag:s31] =	ssyncset.done $0x0  }
0x17e: {  	[sflag:s31] =	ssyncadd.s32 $0xFFFFE000  }
0x17f: {  	_ =	swait.ge [sflag:s31], $0x2000  }
0x180: {  	[sflag:s31] =	ssyncset.done $0x0  }
0x181: {  	[sflag:s31] =	ssyncadd.s32 $0xFFFFE000  }
0x182: {  	_ =	swait.ge [sflag:s31], $0x2000  }
0x183: {  	[sflag:s31] =	ssyncset.done $0x0  }
0x184: {  	[sflag:s31] =	ssyncadd.s32 $0xFFFFE000  }
0x185: {  	_ =	swait.ge [sflag:s31], $0x2000  }
0x186: {  	[sflag:s31] =	ssyncset.done $0x0  }
0x187: {  	s0 =	simm.s32 $0x0;
	[sflag:s31] =	ssyncadd.s32 $0xFFFFE000  }
0x188: {  	v0 =	vld [tilespmem:s0+$0xB900]  }
0x189: {  	v1 =	vld [tilespmem:s0+$0xB910]  }
0x18a: {  	v2 =	vld [tilespmem:s0+$0xB920]  }
0x18b: {  	v3 =	vld [tilespmem:s0+$0xB930]  }
0x18c: {  	v4 =	vld [tilespmem:s0+$0xB940]  }
0x18d: {  	v5 =	vld [tilespmem:s0+$0xB950];
	v0 =	vmul.f32 $8.000000000e+00, v0  }
0x18e: {  	v6 =	vld [tilespmem:s0+$0xB960];
	v1 =	vmul.f32 $8.000000000e+00, v1  }
0x18f: {  	v7 =	vld [tilespmem:s0+$0xB970];
	[tilespmem:s0+$0xB900] =	vst v0;
	v0 =	vmul.f32 $8.000000000e+00, v2  }
0x190: {  	v8 =	vld [tilespmem:s0+$0xB980];
	[tilespmem:s0+$0xB910] =	vst v1;
	v1 =	vmul.f32 $8.000000000e+00, v3  }
0x191: {  	v9 =	vld [tilespmem:s0+$0xB990];
	[tilespmem:s0+$0xB920] =	vst v0;
	v0 =	vmul.f32 $8.000000000e+00, v4  }
0x192: {  	v2 =	vmul.f32 $8.000000000e+00, v5;
	[tilespmem:s0+$0xB930] =	vst v1;
	v1 =	vld [tilespmem:s0+$0xB9A0]  }
0x193: {  	v3 =	vmul.f32 $8.000000000e+00, v6;
	[tilespmem:s0+$0xB940] =	vst v0;
	v0 =	vld [tilespmem:s0+$0xB9B0]  }
0x194: {  	[tilespmem:s0+$0xB950] =	vst v2;
	v2 =	vld [tilespmem:s0+$0xB9C0];
	v4 =	vmul.f32 $8.000000000e+00, v7  }
0x195: {  	v6 =	vmul.f32 $8.000000000e+00, v8;
	[tilespmem:s0+$0xB960] =	vst v3;
	v3 =	vld [tilespmem:s0+$0xB9D0]  }
0x196: {  	s22 =	simm.s32 $0x400;
	v5 =	vmul.f32 $8.000000000e+00, v9;
	[tilespmem:s0+$0xB970] =	vst v4;
	v4 =	vld [tilespmem:s0+$0xB9E0]  }
.LBB2_12:
0x197: {  	s4 =	sshra.s32 s22, $0x2;
	p0 =	sne.s32 s22, $0x27C00;
	[tilespmem:s0+$0xB980] =	vst v6;
	v1 =	vmul.f32 $8.000000000e+00, v1;
	v6 =	vld [tilespmem:s0+$0xB9F0]  }
0x198: {  	v7 =	vld [tilespmem:s4+$0xB900];
	[tilespmem:s0+$0xB990] =	vst v5;
	v0 =	vmul.f32 $8.000000000e+00, v0  }
0x199: {  	v5 =	vld [tilespmem:s4+$0xB910];
	[tilespmem:s0+$0xB9A0] =	vst v1;
	v1 =	vmul.f32 $8.000000000e+00, v2  }
0x19a: {  	v2 =	vld [tilespmem:s4+$0xB920];
	[tilespmem:s0+$0xB9B0] =	vst v0;
	v0 =	vmul.f32 $8.000000000e+00, v3  }
0x19b: {  	v3 =	vld [tilespmem:s4+$0xB930];
	[tilespmem:s0+$0xB9C0] =	vst v1;
	v1 =	vmul.f32 $8.000000000e+00, v4  }
0x19c: {  	v4 =	vld [tilespmem:s4+$0xB940];
	[tilespmem:s0+$0xB9D0] =	vst v0;
	v0 =	vmul.f32 $8.000000000e+00, v6  }
0x19d: {  	v6 =	vmul.f32 $8.000000000e+00, v7;
	v7 =	vld [tilespmem:s4+$0xB950];
	[tilespmem:s0+$0xB9E0] =	vst v1  }
0x19e: {  	v1 =	vmul.f32 $8.000000000e+00, v5;
	v5 =	vld [tilespmem:s4+$0xB960];
	[tilespmem:s0+$0xB9F0] =	vst v0;
	s0 =	smov.u32 s4  }
0x19f: {  	[tilespmem:s0+$0xB900] =	vst v6;
	v0 =	vmul.f32 $8.000000000e+00, v2;
	v2 =	vld [tilespmem:s0+$0xB970]  }
0x1a0: {  	[tilespmem:s0+$0xB910] =	vst v1;
	v1 =	vmul.f32 $8.000000000e+00, v3;
	v3 =	vld [tilespmem:s0+$0xB980]  }
0x1a1: {  	[tilespmem:s0+$0xB920] =	vst v0;
	v0 =	vmul.f32 $8.000000000e+00, v4;
	v4 =	vld [tilespmem:s0+$0xB990]  }
.Ltmp5:
0x1a2: {  	[tilespmem:s0+$0xB930] =	vst v1;
	v6 =	vmul.f32 $8.000000000e+00, v7;
	v1 =	vld [tilespmem:s0+$0xB9A0];
	(pc) =	sbr.rel @p0 .LBB2_12-.Ltmp5, $4  }
0x1a3: {  	[tilespmem:s0+$0xB940] =	vst v0;
	v5 =	vmul.f32 $8.000000000e+00, v5;
	v0 =	vld [tilespmem:s0+$0xB9B0]  }
0x1a4: {  	[tilespmem:s0+$0xB950] =	vst v6;
	v7 =	vmul.f32 $8.000000000e+00, v2;
	v2 =	vld [tilespmem:s0+$0xB9C0]  }
0x1a5: {  	[tilespmem:s0+$0xB960] =	vst v5;
	v6 =	vmul.f32 $8.000000000e+00, v3;
	v3 =	vld [tilespmem:s0+$0xB9D0]  }
0x1a6: {  	s22 =	sadd.s32 $0x400, s22;
	[tilespmem:s0+$0xB970] =	vst v7;
	v5 =	vmul.f32 $8.000000000e+00, v4;
	v4 =	vld [tilespmem:s0+$0xB9E0]  }
0x1a7: {  	[tilespmem:s0+$0xB980] =	vst v6;
	v1 =	vmul.f32 $8.000000000e+00, v1;
	v6 =	vld [tilespmem:s0+$0xB9F0]  }
0x1a8: {  	[tilespmem:s0+$0xB990] =	vst v5;
	v0 =	vmul.f32 $8.000000000e+00, v0  }
0x1a9: {  	[tilespmem:s0+$0xB9A0] =	vst v1;
	v1 =	vmul.f32 $8.000000000e+00, v2  }
0x1aa: {  	[tilespmem:s0+$0xB9B0] =	vst v0;
	v0 =	vmul.f32 $8.000000000e+00, v3  }
0x1ab: {  	[tilespmem:s0+$0xB9C0] =	vst v1;
	v1 =	vmul.f32 $8.000000000e+00, v4  }
0x1ac: {  	[tilespmem:s0+$0xB9D0] =	vst v0;
	v0 =	vmul.f32 $8.000000000e+00, v6  }
0x1ad: {  	[tilespmem:s0+$0xB9E0] =	vst v1  }
0x1ae: {  	s4 =	simm.s32 $0x0;
	[tilespmem:s0+$0xB9F0] =	vst v0  }
0x1af: {  	[hbm4b:s10+s4] =	stream.linear.scatter [tilespmem:s28], [sflag:$0x3], $0xA000, $0x38;
	[tilespmem:$0x15900] =	vst v63  }
0x1b0: {  	_ =	swait.ge [sflag:s16], $0xA000  }
0x1b1: {  	[sflag:s16] =	ssyncset.done $0x0  }
0x1b2: {  	s22 =	simm.s32 $0x1180;
	[sflag:s16] =	ssyncadd.s32 $0xFFFF6000  }
0x1b3: {  	[tilespmem:s28], [sflag:$0x2] =	stream.indirect.gather [hbm4b:s3+s17], $0x40, s22, s17, $0xb8;
	[tilespmem:$0x15900] =	vst v63  }
0x1b4: {  	s4 =	simm.s32 $0x1200  }
0x1b5: {  	[tilespmem:s30], [sflag:$0x2] =	stream.indirect.gather [hbm4b:s3+s17], $0x40, s4, s17, $0xb8;
	[tilespmem:$0x15900] =	vst v63  }
0x1b6: {  	s22 =	simm.s32 $0x1280  }
0x1b7: {  	[tilespmem:s1], [sflag:$0x2] =	stream.indirect.gather [hbm4b:s3+s17], $0x40, s22, s17, $0xb8;
	[tilespmem:$0x15900] =	vst v63  }
0x1b8: {  	s4 =	simm.s32 $0x1300  }
0x1b9: {  	[tilespmem:s20], [sflag:$0x2] =	stream.indirect.gather [hbm4b:s3+s17], $0x40, s4, s17, $0xb8;
	[tilespmem:$0x15900] =	vst v63  }
0x1ba: {  	s22 =	simm.s32 $0x1380  }
0x1bb: {  	[tilespmem:s24], [sflag:$0x2] =	stream.indirect.gather [hbm4b:s3+s17], $0x40, s22, s17, $0xb8;
	[tilespmem:$0x15900] =	vst v63  }
0x1bc: {  	_ =	swait.ge [sflag:s26], $0x2000  }
0x1bd: {  	[sflag:s26] =	ssyncset.done $0x0  }
0x1be: {  	[sflag:s26] =	ssyncadd.s32 $0xFFFFE000  }
0x1bf: {  	_ =	swait.ge [sflag:s26], $0x2000  }
0x1c0: {  	[sflag:s26] =	ssyncset.done $0x0  }
0x1c1: {  	[sflag:s26] =	ssyncadd.s32 $0xFFFFE000  }
0x1c2: {  	_ =	swait.ge [sflag:s26], $0x2000  }
0x1c3: {  	[sflag:s26] =	ssyncset.done $0x0  }
0x1c4: {  	[sflag:s26] =	ssyncadd.s32 $0xFFFFE000  }
0x1c5: {  	_ =	swait.ge [sflag:s26], $0x2000  }
0x1c6: {  	[sflag:s26] =	ssyncset.done $0x0  }
0x1c7: {  	[sflag:s26] =	ssyncadd.s32 $0xFFFFE000  }
0x1c8: {  	_ =	swait.ge [sflag:s26], $0x2000  }
0x1c9: {  	[sflag:s26] =	ssyncset.done $0x0  }
0x1ca: {  	s0 =	simm.s32 $0x0;
	[sflag:s26] =	ssyncadd.s32 $0xFFFFE000  }
0x1cb: {  	v0 =	vld [tilespmem:s0+$0x1900]  }
0x1cc: {  	v1 =	vld [tilespmem:s0+$0x1910]  }
0x1cd: {  	v2 =	vld [tilespmem:s0+$0x1920]  }
0x1ce: {  	v3 =	vld [tilespmem:s0+$0x1930]  }
0x1cf: {  	v4 =	vld [tilespmem:s0+$0x1940]  }
0x1d0: {  	v5 =	vld [tilespmem:s0+$0x1950];
	v0 =	vmul.f32 $8.000000000e+00, v0  }
0x1d1: {  	v6 =	vld [tilespmem:s0+$0x1960];
	v1 =	vmul.f32 $8.000000000e+00, v1  }
0x1d2: {  	v7 =	vld [tilespmem:s0+$0x1970];
	[tilespmem:s0+$0x1900] =	vst v0;
	v0 =	vmul.f32 $8.000000000e+00, v2  }
0x1d3: {  	v8 =	vld [tilespmem:s0+$0x1980];
	[tilespmem:s0+$0x1910] =	vst v1;
	v1 =	vmul.f32 $8.000000000e+00, v3  }
0x1d4: {  	v9 =	vld [tilespmem:s0+$0x1990];
	[tilespmem:s0+$0x1920] =	vst v0;
	v0 =	vmul.f32 $8.000000000e+00, v4  }
0x1d5: {  	v2 =	vmul.f32 $8.000000000e+00, v5;
	[tilespmem:s0+$0x1930] =	vst v1;
	v1 =	vld [tilespmem:s0+$0x19A0]  }
0x1d6: {  	v3 =	vmul.f32 $8.000000000e+00, v6;
	[tilespmem:s0+$0x1940] =	vst v0;
	v0 =	vld [tilespmem:s0+$0x19B0]  }
0x1d7: {  	[tilespmem:s0+$0x1950] =	vst v2;
	v2 =	vld [tilespmem:s0+$0x19C0];
	v4 =	vmul.f32 $8.000000000e+00, v7  }
0x1d8: {  	v6 =	vmul.f32 $8.000000000e+00, v8;
	[tilespmem:s0+$0x1960] =	vst v3;
	v3 =	vld [tilespmem:s0+$0x19D0]  }
0x1d9: {  	s22 =	simm.s32 $0x400;
	v5 =	vmul.f32 $8.000000000e+00, v9;
	[tilespmem:s0+$0x1970] =	vst v4;
	v4 =	vld [tilespmem:s0+$0x19E0]  }
.LBB2_14:
0x1da: {  	s4 =	sshra.s32 s22, $0x2;
	p0 =	sne.s32 s22, $0x27C00;
	[tilespmem:s0+$0x1980] =	vst v6;
	v1 =	vmul.f32 $8.000000000e+00, v1;
	v6 =	vld [tilespmem:s0+$0x19F0]  }
0x1db: {  	v7 =	vld [tilespmem:s4+$0x1900];
	[tilespmem:s0+$0x1990] =	vst v5;
	v0 =	vmul.f32 $8.000000000e+00, v0  }
0x1dc: {  	v5 =	vld [tilespmem:s4+$0x1910];
	[tilespmem:s0+$0x19A0] =	vst v1;
	v1 =	vmul.f32 $8.000000000e+00, v2  }
0x1dd: {  	v2 =	vld [tilespmem:s4+$0x1920];
	[tilespmem:s0+$0x19B0] =	vst v0;
	v0 =	vmul.f32 $8.000000000e+00, v3  }
0x1de: {  	v3 =	vld [tilespmem:s4+$0x1930];
	[tilespmem:s0+$0x19C0] =	vst v1;
	v1 =	vmul.f32 $8.000000000e+00, v4  }
0x1df: {  	v4 =	vld [tilespmem:s4+$0x1940];
	[tilespmem:s0+$0x19D0] =	vst v0;
	v0 =	vmul.f32 $8.000000000e+00, v6  }
0x1e0: {  	v6 =	vmul.f32 $8.000000000e+00, v7;
	v7 =	vld [tilespmem:s4+$0x1950];
	[tilespmem:s0+$0x19E0] =	vst v1  }
0x1e1: {  	v1 =	vmul.f32 $8.000000000e+00, v5;
	v5 =	vld [tilespmem:s4+$0x1960];
	[tilespmem:s0+$0x19F0] =	vst v0;
	s0 =	smov.u32 s4  }
0x1e2: {  	[tilespmem:s0+$0x1900] =	vst v6;
	v0 =	vmul.f32 $8.000000000e+00, v2;
	v2 =	vld [tilespmem:s0+$0x1970]  }
0x1e3: {  	[tilespmem:s0+$0x1910] =	vst v1;
	v1 =	vmul.f32 $8.000000000e+00, v3;
	v3 =	vld [tilespmem:s0+$0x1980]  }
0x1e4: {  	[tilespmem:s0+$0x1920] =	vst v0;
	v0 =	vmul.f32 $8.000000000e+00, v4;
	v4 =	vld [tilespmem:s0+$0x1990]  }
.Ltmp6:
0x1e5: {  	[tilespmem:s0+$0x1930] =	vst v1;
	v6 =	vmul.f32 $8.000000000e+00, v7;
	v1 =	vld [tilespmem:s0+$0x19A0];
	(pc) =	sbr.rel @p0 .LBB2_14-.Ltmp6, $4  }
0x1e6: {  	[tilespmem:s0+$0x1940] =	vst v0;
	v5 =	vmul.f32 $8.000000000e+00, v5;
	v0 =	vld [tilespmem:s0+$0x19B0]  }
0x1e7: {  	[tilespmem:s0+$0x1950] =	vst v6;
	v7 =	vmul.f32 $8.000000000e+00, v2;
	v2 =	vld [tilespmem:s0+$0x19C0]  }
0x1e8: {  	[tilespmem:s0+$0x1960] =	vst v5;
	v6 =	vmul.f32 $8.000000000e+00, v3;
	v3 =	vld [tilespmem:s0+$0x19D0]  }
0x1e9: {  	s22 =	sadd.s32 $0x400, s22;
	[tilespmem:s0+$0x1970] =	vst v7;
	v5 =	vmul.f32 $8.000000000e+00, v4;
	v4 =	vld [tilespmem:s0+$0x19E0]  }
0x1ea: {  	[tilespmem:s0+$0x1980] =	vst v6;
	v1 =	vmul.f32 $8.000000000e+00, v1;
	v6 =	vld [tilespmem:s0+$0x19F0]  }
0x1eb: {  	[tilespmem:s0+$0x1990] =	vst v5;
	v0 =	vmul.f32 $8.000000000e+00, v0  }
0x1ec: {  	[tilespmem:s0+$0x19A0] =	vst v1;
	v1 =	vmul.f32 $8.000000000e+00, v2  }
0x1ed: {  	[tilespmem:s0+$0x19B0] =	vst v0;
	v0 =	vmul.f32 $8.000000000e+00, v3  }
0x1ee: {  	[tilespmem:s0+$0x19C0] =	vst v1;
	v1 =	vmul.f32 $8.000000000e+00, v4  }
0x1ef: {  	[tilespmem:s0+$0x19D0] =	vst v0;
	v0 =	vmul.f32 $8.000000000e+00, v6  }
0x1f0: {  	[tilespmem:s0+$0x19E0] =	vst v1  }
0x1f1: {  	s4 =	simm.s32 $0x0;
	[tilespmem:s0+$0x19F0] =	vst v0  }
0x1f2: {  	[hbm4b:s11+s4] =	stream.linear.scatter [tilespmem:s18], [sflag:$0x3], $0xA000, $0x38;
	[tilespmem:$0x15900] =	vst v63  }
0x1f3: {  	_ =	swait.ge [sflag:s16], $0xA000  }
0x1f4: {  	[sflag:s16] =	ssyncset.done $0x0  }
0x1f5: {  	s22 =	simm.s32 $0x1400;
	[sflag:s16] =	ssyncadd.s32 $0xFFFF6000  }
0x1f6: {  	[tilespmem:s18], [sflag:$0x1] =	stream.indirect.gather [hbm4b:s3+s17], $0x40, s22, s17, $0xb8;
	[tilespmem:$0x15900] =	vst v63  }
0x1f7: {  	s4 =	simm.s32 $0x1480  }
0x1f8: {  	[tilespmem:s19], [sflag:$0x1] =	stream.indirect.gather [hbm4b:s3+s17], $0x40, s4, s17, $0xb8;
	[tilespmem:$0x15900] =	vst v63  }
0x1f9: {  	s22 =	simm.s32 $0x1500  }
0x1fa: {  	[tilespmem:s21], [sflag:$0x1] =	stream.indirect.gather [hbm4b:s3+s17], $0x40, s22, s17, $0xb8;
	[tilespmem:$0x15900] =	vst v63  }
0x1fb: {  	s4 =	simm.s32 $0x1580  }
0x1fc: {  	[tilespmem:s23], [sflag:$0x1] =	stream.indirect.gather [hbm4b:s3+s17], $0x40, s4, s17, $0xb8;
	[tilespmem:$0x15900] =	vst v63  }
0x1fd: {  	s22 =	simm.s32 $0x1600  }
0x1fe: {  	[tilespmem:s25], [sflag:$0x1] =	stream.indirect.gather [hbm4b:s3+s17], $0x40, s22, s17, $0xb8;
	[tilespmem:$0x15900] =	vst v63  }
0x1ff: {  	_ =	swait.ge [sflag:s31], $0x2000  }
0x200: {  	[sflag:s31] =	ssyncset.done $0x0  }
0x201: {  	[sflag:s31] =	ssyncadd.s32 $0xFFFFE000  }
0x202: {  	_ =	swait.ge [sflag:s31], $0x2000  }
0x203: {  	[sflag:s31] =	ssyncset.done $0x0  }
0x204: {  	[sflag:s31] =	ssyncadd.s32 $0xFFFFE000  }
0x205: {  	_ =	swait.ge [sflag:s31], $0x2000  }
0x206: {  	[sflag:s31] =	ssyncset.done $0x0  }
0x207: {  	[sflag:s31] =	ssyncadd.s32 $0xFFFFE000  }
0x208: {  	_ =	swait.ge [sflag:s31], $0x2000  }
0x209: {  	[sflag:s31] =	ssyncset.done $0x0  }
0x20a: {  	[sflag:s31] =	ssyncadd.s32 $0xFFFFE000  }
0x20b: {  	_ =	swait.ge [sflag:s31], $0x2000  }
0x20c: {  	[sflag:s31] =	ssyncset.done $0x0  }
0x20d: {  	s0 =	simm.s32 $0x0;
	[sflag:s31] =	ssyncadd.s32 $0xFFFFE000  }
0x20e: {  	v0 =	vld [tilespmem:s0+$0xB900]  }
0x20f: {  	v1 =	vld [tilespmem:s0+$0xB910]  }
0x210: {  	v2 =	vld [tilespmem:s0+$0xB920]  }
0x211: {  	v3 =	vld [tilespmem:s0+$0xB930]  }
0x212: {  	v4 =	vld [tilespmem:s0+$0xB940]  }
0x213: {  	v5 =	vld [tilespmem:s0+$0xB950];
	v0 =	vmul.f32 $8.000000000e+00, v0  }
0x214: {  	v6 =	vld [tilespmem:s0+$0xB960];
	v1 =	vmul.f32 $8.000000000e+00, v1  }
0x215: {  	v7 =	vld [tilespmem:s0+$0xB970];
	[tilespmem:s0+$0xB900] =	vst v0;
	v0 =	vmul.f32 $8.000000000e+00, v2  }
0x216: {  	v8 =	vld [tilespmem:s0+$0xB980];
	[tilespmem:s0+$0xB910] =	vst v1;
	v1 =	vmul.f32 $8.000000000e+00, v3  }
0x217: {  	v9 =	vld [tilespmem:s0+$0xB990];
	[tilespmem:s0+$0xB920] =	vst v0;
	v0 =	vmul.f32 $8.000000000e+00, v4  }
0x218: {  	v2 =	vmul.f32 $8.000000000e+00, v5;
	[tilespmem:s0+$0xB930] =	vst v1;
	v1 =	vld [tilespmem:s0+$0xB9A0]  }
0x219: {  	v3 =	vmul.f32 $8.000000000e+00, v6;
	[tilespmem:s0+$0xB940] =	vst v0;
	v0 =	vld [tilespmem:s0+$0xB9B0]  }
0x21a: {  	[tilespmem:s0+$0xB950] =	vst v2;
	v2 =	vld [tilespmem:s0+$0xB9C0];
	v4 =	vmul.f32 $8.000000000e+00, v7  }
0x21b: {  	v6 =	vmul.f32 $8.000000000e+00, v8;
	[tilespmem:s0+$0xB960] =	vst v3;
	v3 =	vld [tilespmem:s0+$0xB9D0]  }
0x21c: {  	s22 =	simm.s32 $0x400;
	v5 =	vmul.f32 $8.000000000e+00, v9;
	[tilespmem:s0+$0xB970] =	vst v4;
	v4 =	vld [tilespmem:s0+$0xB9E0]  }
.LBB2_16:
0x21d: {  	s4 =	sshra.s32 s22, $0x2;
	p0 =	sne.s32 s22, $0x27C00;
	[tilespmem:s0+$0xB980] =	vst v6;
	v1 =	vmul.f32 $8.000000000e+00, v1;
	v6 =	vld [tilespmem:s0+$0xB9F0]  }
0x21e: {  	v7 =	vld [tilespmem:s4+$0xB900];
	[tilespmem:s0+$0xB990] =	vst v5;
	v0 =	vmul.f32 $8.000000000e+00, v0  }
0x21f: {  	v5 =	vld [tilespmem:s4+$0xB910];
	[tilespmem:s0+$0xB9A0] =	vst v1;
	v1 =	vmul.f32 $8.000000000e+00, v2  }
0x220: {  	v2 =	vld [tilespmem:s4+$0xB920];
	[tilespmem:s0+$0xB9B0] =	vst v0;
	v0 =	vmul.f32 $8.000000000e+00, v3  }
0x221: {  	v3 =	vld [tilespmem:s4+$0xB930];
	[tilespmem:s0+$0xB9C0] =	vst v1;
	v1 =	vmul.f32 $8.000000000e+00, v4  }
0x222: {  	v4 =	vld [tilespmem:s4+$0xB940];
	[tilespmem:s0+$0xB9D0] =	vst v0;
	v0 =	vmul.f32 $8.000000000e+00, v6  }
0x223: {  	v6 =	vmul.f32 $8.000000000e+00, v7;
	v7 =	vld [tilespmem:s4+$0xB950];
	[tilespmem:s0+$0xB9E0] =	vst v1  }
0x224: {  	v1 =	vmul.f32 $8.000000000e+00, v5;
	v5 =	vld [tilespmem:s4+$0xB960];
	[tilespmem:s0+$0xB9F0] =	vst v0;
	s0 =	smov.u32 s4  }
0x225: {  	[tilespmem:s0+$0xB900] =	vst v6;
	v0 =	vmul.f32 $8.000000000e+00, v2;
	v2 =	vld [tilespmem:s0+$0xB970]  }
0x226: {  	[tilespmem:s0+$0xB910] =	vst v1;
	v1 =	vmul.f32 $8.000000000e+00, v3;
	v3 =	vld [tilespmem:s0+$0xB980]  }
0x227: {  	[tilespmem:s0+$0xB920] =	vst v0;
	v0 =	vmul.f32 $8.000000000e+00, v4;
	v4 =	vld [tilespmem:s0+$0xB990]  }
.Ltmp7:
0x228: {  	[tilespmem:s0+$0xB930] =	vst v1;
	v6 =	vmul.f32 $8.000000000e+00, v7;
	v1 =	vld [tilespmem:s0+$0xB9A0];
	(pc) =	sbr.rel @p0 .LBB2_16-.Ltmp7, $4  }
0x229: {  	[tilespmem:s0+$0xB940] =	vst v0;
	v5 =	vmul.f32 $8.000000000e+00, v5;
	v0 =	vld [tilespmem:s0+$0xB9B0]  }
0x22a: {  	[tilespmem:s0+$0xB950] =	vst v6;
	v7 =	vmul.f32 $8.000000000e+00, v2;
	v2 =	vld [tilespmem:s0+$0xB9C0]  }
0x22b: {  	[tilespmem:s0+$0xB960] =	vst v5;
	v6 =	vmul.f32 $8.000000000e+00, v3;
	v3 =	vld [tilespmem:s0+$0xB9D0]  }
0x22c: {  	s22 =	sadd.s32 $0x400, s22;
	[tilespmem:s0+$0xB970] =	vst v7;
	v5 =	vmul.f32 $8.000000000e+00, v4;
	v4 =	vld [tilespmem:s0+$0xB9E0]  }
0x22d: {  	[tilespmem:s0+$0xB980] =	vst v6;
	v1 =	vmul.f32 $8.000000000e+00, v1;
	v6 =	vld [tilespmem:s0+$0xB9F0]  }
0x22e: {  	[tilespmem:s0+$0xB990] =	vst v5;
	v0 =	vmul.f32 $8.000000000e+00, v0  }
0x22f: {  	[tilespmem:s0+$0xB9A0] =	vst v1;
	v1 =	vmul.f32 $8.000000000e+00, v2  }
0x230: {  	[tilespmem:s0+$0xB9B0] =	vst v0;
	v0 =	vmul.f32 $8.000000000e+00, v3  }
0x231: {  	[tilespmem:s0+$0xB9C0] =	vst v1;
	v1 =	vmul.f32 $8.000000000e+00, v4  }
0x232: {  	[tilespmem:s0+$0xB9D0] =	vst v0;
	v0 =	vmul.f32 $8.000000000e+00, v6  }
0x233: {  	[tilespmem:s0+$0xB9E0] =	vst v1  }
0x234: {  	s4 =	simm.s32 $0x0;
	[tilespmem:s0+$0xB9F0] =	vst v0  }
0x235: {  	[hbm4b:s12+s4] =	stream.linear.scatter [tilespmem:s28], [sflag:$0x3], $0xA000, $0x38;
	[tilespmem:$0x15900] =	vst v63  }
0x236: {  	_ =	swait.ge [sflag:s16], $0xA000  }
0x237: {  	[sflag:s16] =	ssyncset.done $0x0  }
0x238: {  	s22 =	simm.s32 $0x1680;
	[sflag:s16] =	ssyncadd.s32 $0xFFFF6000  }
0x239: {  	[tilespmem:s28], [sflag:$0x2] =	stream.indirect.gather [hbm4b:s3+s17], $0x40, s22, s17, $0xb8;
	[tilespmem:$0x15900] =	vst v63  }
0x23a: {  	s4 =	simm.s32 $0x1700  }
0x23b: {  	[tilespmem:s30], [sflag:$0x2] =	stream.indirect.gather [hbm4b:s3+s17], $0x40, s4, s17, $0xb8;
	[tilespmem:$0x15900] =	vst v63  }
0x23c: {  	s22 =	simm.s32 $0x1780  }
0x23d: {  	[tilespmem:s1], [sflag:$0x2] =	stream.indirect.gather [hbm4b:s3+s17], $0x40, s22, s17, $0xb8;
	[tilespmem:$0x15900] =	vst v63  }
0x23e: {  	s4 =	simm.s32 $0x1800  }
0x23f: {  	[tilespmem:s20], [sflag:$0x2] =	stream.indirect.gather [hbm4b:s3+s17], $0x40, s4, s17, $0xb8;
	[tilespmem:$0x15900] =	vst v63  }
0x240: {  	s22 =	simm.s32 $0x1880  }
0x241: {  	[tilespmem:s24], [sflag:$0x2] =	stream.indirect.gather [hbm4b:s3+s17], $0x40, s22, s17, $0xb8;
	[tilespmem:$0x15900] =	vst v63  }
0x242: {  	_ =	swait.ge [sflag:s26], $0x2000  }
0x243: {  	[sflag:s26] =	ssyncset.done $0x0  }
0x244: {  	[sflag:s26] =	ssyncadd.s32 $0xFFFFE000  }
0x245: {  	_ =	swait.ge [sflag:s26], $0x2000  }
0x246: {  	[sflag:s26] =	ssyncset.done $0x0  }
0x247: {  	[sflag:s26] =	ssyncadd.s32 $0xFFFFE000  }
0x248: {  	_ =	swait.ge [sflag:s26], $0x2000  }
0x249: {  	[sflag:s26] =	ssyncset.done $0x0  }
0x24a: {  	[sflag:s26] =	ssyncadd.s32 $0xFFFFE000  }
0x24b: {  	_ =	swait.ge [sflag:s26], $0x2000  }
0x24c: {  	[sflag:s26] =	ssyncset.done $0x0  }
0x24d: {  	[sflag:s26] =	ssyncadd.s32 $0xFFFFE000  }
0x24e: {  	_ =	swait.ge [sflag:s26], $0x2000  }
0x24f: {  	[sflag:s26] =	ssyncset.done $0x0  }
0x250: {  	s0 =	simm.s32 $0x0;
	[sflag:s26] =	ssyncadd.s32 $0xFFFFE000  }
0x251: {  	v0 =	vld [tilespmem:s0+$0x1900]  }
0x252: {  	v1 =	vld [tilespmem:s0+$0x1910]  }
0x253: {  	v2 =	vld [tilespmem:s0+$0x1920]  }
0x254: {  	v3 =	vld [tilespmem:s0+$0x1930]  }
0x255: {  	v4 =	vld [tilespmem:s0+$0x1940]  }
0x256: {  	v5 =	vld [tilespmem:s0+$0x1950];
	v0 =	vmul.f32 $8.000000000e+00, v0  }
0x257: {  	v6 =	vld [tilespmem:s0+$0x1960];
	v1 =	vmul.f32 $8.000000000e+00, v1  }
0x258: {  	v7 =	vld [tilespmem:s0+$0x1970];
	[tilespmem:s0+$0x1900] =	vst v0;
	v0 =	vmul.f32 $8.000000000e+00, v2  }
0x259: {  	v8 =	vld [tilespmem:s0+$0x1980];
	[tilespmem:s0+$0x1910] =	vst v1;
	v1 =	vmul.f32 $8.000000000e+00, v3  }
0x25a: {  	v9 =	vld [tilespmem:s0+$0x1990];
	[tilespmem:s0+$0x1920] =	vst v0;
	v0 =	vmul.f32 $8.000000000e+00, v4  }
0x25b: {  	v2 =	vmul.f32 $8.000000000e+00, v5;
	[tilespmem:s0+$0x1930] =	vst v1;
	v1 =	vld [tilespmem:s0+$0x19A0]  }
0x25c: {  	v3 =	vmul.f32 $8.000000000e+00, v6;
	[tilespmem:s0+$0x1940] =	vst v0;
	v0 =	vld [tilespmem:s0+$0x19B0]  }
0x25d: {  	[tilespmem:s0+$0x1950] =	vst v2;
	v2 =	vld [tilespmem:s0+$0x19C0];
	v4 =	vmul.f32 $8.000000000e+00, v7  }
0x25e: {  	v6 =	vmul.f32 $8.000000000e+00, v8;
	[tilespmem:s0+$0x1960] =	vst v3;
	v3 =	vld [tilespmem:s0+$0x19D0]  }
0x25f: {  	s22 =	simm.s32 $0x400;
	v5 =	vmul.f32 $8.000000000e+00, v9;
	[tilespmem:s0+$0x1970] =	vst v4;
	v4 =	vld [tilespmem:s0+$0x19E0]  }
.LBB2_18:
0x260: {  	s4 =	sshra.s32 s22, $0x2;
	p0 =	sne.s32 s22, $0x27C00;
	[tilespmem:s0+$0x1980] =	vst v6;
	v1 =	vmul.f32 $8.000000000e+00, v1;
	v6 =	vld [tilespmem:s0+$0x19F0]  }
0x261: {  	v7 =	vld [tilespmem:s4+$0x1900];
	[tilespmem:s0+$0x1990] =	vst v5;
	v0 =	vmul.f32 $8.000000000e+00, v0  }
0x262: {  	v5 =	vld [tilespmem:s4+$0x1910];
	[tilespmem:s0+$0x19A0] =	vst v1;
	v1 =	vmul.f32 $8.000000000e+00, v2  }
0x263: {  	v2 =	vld [tilespmem:s4+$0x1920];
	[tilespmem:s0+$0x19B0] =	vst v0;
	v0 =	vmul.f32 $8.000000000e+00, v3  }
0x264: {  	v3 =	vld [tilespmem:s4+$0x1930];
	[tilespmem:s0+$0x19C0] =	vst v1;
	v1 =	vmul.f32 $8.000000000e+00, v4  }
0x265: {  	v4 =	vld [tilespmem:s4+$0x1940];
	[tilespmem:s0+$0x19D0] =	vst v0;
	v0 =	vmul.f32 $8.000000000e+00, v6  }
0x266: {  	v6 =	vmul.f32 $8.000000000e+00, v7;
	v7 =	vld [tilespmem:s4+$0x1950];
	[tilespmem:s0+$0x19E0] =	vst v1  }
0x267: {  	v1 =	vmul.f32 $8.000000000e+00, v5;
	v5 =	vld [tilespmem:s4+$0x1960];
	[tilespmem:s0+$0x19F0] =	vst v0;
	s0 =	smov.u32 s4  }
0x268: {  	[tilespmem:s0+$0x1900] =	vst v6;
	v0 =	vmul.f32 $8.000000000e+00, v2;
	v2 =	vld [tilespmem:s0+$0x1970]  }
0x269: {  	[tilespmem:s0+$0x1910] =	vst v1;
	v1 =	vmul.f32 $8.000000000e+00, v3;
	v3 =	vld [tilespmem:s0+$0x1980]  }
0x26a: {  	[tilespmem:s0+$0x1920] =	vst v0;
	v0 =	vmul.f32 $8.000000000e+00, v4;
	v4 =	vld [tilespmem:s0+$0x1990]  }
.Ltmp8:
0x26b: {  	[tilespmem:s0+$0x1930] =	vst v1;
	v6 =	vmul.f32 $8.000000000e+00, v7;
	v1 =	vld [tilespmem:s0+$0x19A0];
	(pc) =	sbr.rel @p0 .LBB2_18-.Ltmp8, $4  }
0x26c: {  	[tilespmem:s0+$0x1940] =	vst v0;
	v5 =	vmul.f32 $8.000000000e+00, v5;
	v0 =	vld [tilespmem:s0+$0x19B0]  }
0x26d: {  	[tilespmem:s0+$0x1950] =	vst v6;
	v7 =	vmul.f32 $8.000000000e+00, v2;
	v2 =	vld [tilespmem:s0+$0x19C0]  }
0x26e: {  	[tilespmem:s0+$0x1960] =	vst v5;
	v6 =	vmul.f32 $8.000000000e+00, v3;
	v3 =	vld [tilespmem:s0+$0x19D0]  }
0x26f: {  	s22 =	sadd.s32 $0x400, s22;
	[tilespmem:s0+$0x1970] =	vst v7;
	v5 =	vmul.f32 $8.000000000e+00, v4;
	v4 =	vld [tilespmem:s0+$0x19E0]  }
0x270: {  	[tilespmem:s0+$0x1980] =	vst v6;
	v1 =	vmul.f32 $8.000000000e+00, v1;
	v6 =	vld [tilespmem:s0+$0x19F0]  }
0x271: {  	[tilespmem:s0+$0x1990] =	vst v5;
	v0 =	vmul.f32 $8.000000000e+00, v0  }
0x272: {  	[tilespmem:s0+$0x19A0] =	vst v1;
	v1 =	vmul.f32 $8.000000000e+00, v2  }
0x273: {  	[tilespmem:s0+$0x19B0] =	vst v0;
	v0 =	vmul.f32 $8.000000000e+00, v3  }
0x274: {  	[tilespmem:s0+$0x19C0] =	vst v1;
	v1 =	vmul.f32 $8.000000000e+00, v4  }
0x275: {  	[tilespmem:s0+$0x19D0] =	vst v0;
	v0 =	vmul.f32 $8.000000000e+00, v6  }
0x276: {  	[tilespmem:s0+$0x19E0] =	vst v1  }
0x277: {  	s22 =	simm.s32 $0x0;
	[tilespmem:s0+$0x19F0] =	vst v0  }
0x278: {  	[hbm4b:s13+s22] =	stream.linear.scatter [tilespmem:s18], [sflag:$0x3], $0xA000, $0x38;
	[tilespmem:$0x15900] =	vst v63  }
0x279: {  	_ =	swait.ge [sflag:s16], $0xA000  }
0x27a: {  	[sflag:s16] =	ssyncset.done $0x0  }
0x27b: {  	[sflag:s16] =	ssyncadd.s32 $0xFFFF6000  }
0x27c: {  	_ =	swait.ge [sflag:s31], $0x2000  }
0x27d: {  	[sflag:s31] =	ssyncset.done $0x0  }
0x27e: {  	[sflag:s31] =	ssyncadd.s32 $0xFFFFE000  }
0x27f: {  	_ =	swait.ge [sflag:s31], $0x2000  }
0x280: {  	[sflag:s31] =	ssyncset.done $0x0  }
0x281: {  	[sflag:s31] =	ssyncadd.s32 $0xFFFFE000  }
0x282: {  	_ =	swait.ge [sflag:s31], $0x2000  }
0x283: {  	[sflag:s31] =	ssyncset.done $0x0  }
0x284: {  	[sflag:s31] =	ssyncadd.s32 $0xFFFFE000  }
0x285: {  	_ =	swait.ge [sflag:s31], $0x2000  }
0x286: {  	[sflag:s31] =	ssyncset.done $0x0  }
0x287: {  	[sflag:s31] =	ssyncadd.s32 $0xFFFFE000  }
0x288: {  	_ =	swait.ge [sflag:s31], $0x2000  }
0x289: {  	[sflag:s31] =	ssyncset.done $0x0  }
0x28a: {  	s0 =	simm.s32 $0x0;
	[sflag:s31] =	ssyncadd.s32 $0xFFFFE000  }
0x28b: {  	v0 =	vld [tilespmem:s0+$0xB900]  }
0x28c: {  	v1 =	vld [tilespmem:s0+$0xB910]  }
0x28d: {  	v2 =	vld [tilespmem:s0+$0xB920]  }
0x28e: {  	v3 =	vld [tilespmem:s0+$0xB930]  }
0x28f: {  	v4 =	vld [tilespmem:s0+$0xB940]  }
0x290: {  	v5 =	vld [tilespmem:s0+$0xB950];
	v0 =	vmul.f32 $8.000000000e+00, v0  }
0x291: {  	v6 =	vld [tilespmem:s0+$0xB960];
	v1 =	vmul.f32 $8.000000000e+00, v1  }
0x292: {  	v7 =	vld [tilespmem:s0+$0xB970];
	[tilespmem:s0+$0xB900] =	vst v0;
	v0 =	vmul.f32 $8.000000000e+00, v2  }
0x293: {  	v8 =	vld [tilespmem:s0+$0xB980];
	[tilespmem:s0+$0xB910] =	vst v1;
	v1 =	vmul.f32 $8.000000000e+00, v3  }
0x294: {  	v9 =	vld [tilespmem:s0+$0xB990];
	[tilespmem:s0+$0xB920] =	vst v0;
	v0 =	vmul.f32 $8.000000000e+00, v4  }
0x295: {  	v2 =	vmul.f32 $8.000000000e+00, v5;
	[tilespmem:s0+$0xB930] =	vst v1;
	v1 =	vld [tilespmem:s0+$0xB9A0]  }
0x296: {  	v3 =	vmul.f32 $8.000000000e+00, v6;
	[tilespmem:s0+$0xB940] =	vst v0;
	v0 =	vld [tilespmem:s0+$0xB9B0]  }
0x297: {  	[tilespmem:s0+$0xB950] =	vst v2;
	v2 =	vld [tilespmem:s0+$0xB9C0];
	v4 =	vmul.f32 $8.000000000e+00, v7  }
0x298: {  	v6 =	vmul.f32 $8.000000000e+00, v8;
	[tilespmem:s0+$0xB960] =	vst v3;
	v3 =	vld [tilespmem:s0+$0xB9D0]  }
0x299: {  	s22 =	simm.s32 $0x400;
	v5 =	vmul.f32 $8.000000000e+00, v9;
	[tilespmem:s0+$0xB970] =	vst v4;
	v4 =	vld [tilespmem:s0+$0xB9E0]  }
.LBB2_20:
0x29a: {  	s4 =	sshra.s32 s22, $0x2;
	p0 =	sne.s32 s22, $0x27C00;
	[tilespmem:s0+$0xB980] =	vst v6;
	v1 =	vmul.f32 $8.000000000e+00, v1;
	v6 =	vld [tilespmem:s0+$0xB9F0]  }
0x29b: {  	v7 =	vld [tilespmem:s4+$0xB900];
	[tilespmem:s0+$0xB990] =	vst v5;
	v0 =	vmul.f32 $8.000000000e+00, v0  }
0x29c: {  	v5 =	vld [tilespmem:s4+$0xB910];
	[tilespmem:s0+$0xB9A0] =	vst v1;
	v1 =	vmul.f32 $8.000000000e+00, v2  }
0x29d: {  	v2 =	vld [tilespmem:s4+$0xB920];
	[tilespmem:s0+$0xB9B0] =	vst v0;
	v0 =	vmul.f32 $8.000000000e+00, v3  }
0x29e: {  	v3 =	vld [tilespmem:s4+$0xB930];
	[tilespmem:s0+$0xB9C0] =	vst v1;
	v1 =	vmul.f32 $8.000000000e+00, v4  }
0x29f: {  	v4 =	vld [tilespmem:s4+$0xB940];
	[tilespmem:s0+$0xB9D0] =	vst v0;
	v0 =	vmul.f32 $8.000000000e+00, v6  }
0x2a0: {  	v6 =	vmul.f32 $8.000000000e+00, v7;
	v7 =	vld [tilespmem:s4+$0xB950];
	[tilespmem:s0+$0xB9E0] =	vst v1  }
0x2a1: {  	v1 =	vmul.f32 $8.000000000e+00, v5;
	v5 =	vld [tilespmem:s4+$0xB960];
	[tilespmem:s0+$0xB9F0] =	vst v0;
	s0 =	smov.u32 s4  }
0x2a2: {  	[tilespmem:s0+$0xB900] =	vst v6;
	v0 =	vmul.f32 $8.000000000e+00, v2;
	v2 =	vld [tilespmem:s0+$0xB970]  }
0x2a3: {  	[tilespmem:s0+$0xB910] =	vst v1;
	v1 =	vmul.f32 $8.000000000e+00, v3;
	v3 =	vld [tilespmem:s0+$0xB980]  }
0x2a4: {  	[tilespmem:s0+$0xB920] =	vst v0;
	v0 =	vmul.f32 $8.000000000e+00, v4;
	v4 =	vld [tilespmem:s0+$0xB990]  }
.Ltmp9:
0x2a5: {  	[tilespmem:s0+$0xB930] =	vst v1;
	v6 =	vmul.f32 $8.000000000e+00, v7;
	v1 =	vld [tilespmem:s0+$0xB9A0];
	(pc) =	sbr.rel @p0 .LBB2_20-.Ltmp9, $4  }
0x2a6: {  	[tilespmem:s0+$0xB940] =	vst v0;
	v5 =	vmul.f32 $8.000000000e+00, v5;
	v0 =	vld [tilespmem:s0+$0xB9B0]  }
0x2a7: {  	[tilespmem:s0+$0xB950] =	vst v6;
	v7 =	vmul.f32 $8.000000000e+00, v2;
	v2 =	vld [tilespmem:s0+$0xB9C0]  }
0x2a8: {  	[tilespmem:s0+$0xB960] =	vst v5;
	v6 =	vmul.f32 $8.000000000e+00, v3;
	v3 =	vld [tilespmem:s0+$0xB9D0]  }
0x2a9: {  	s22 =	sadd.s32 $0x400, s22;
	[tilespmem:s0+$0xB970] =	vst v7;
	v5 =	vmul.f32 $8.000000000e+00, v4;
	v4 =	vld [tilespmem:s0+$0xB9E0]  }
0x2aa: {  	[tilespmem:s0+$0xB980] =	vst v6;
	v1 =	vmul.f32 $8.000000000e+00, v1;
	v59 =	vld [tilespmem:s0+$0xB9F0]  }
0x2ab: {  	[tilespmem:s0+$0xB990] =	vst v5;
	v0 =	vmul.f32 $8.000000000e+00, v0  }
0x2ac: {  	[tilespmem:s0+$0xB9A0] =	vst v1;
	v60 =	vmul.f32 $8.000000000e+00, v2  }
0x2ad: {  	[tilespmem:s0+$0xB9B0] =	vst v0;
	v61 =	vmul.f32 $8.000000000e+00, v3  }
0x2ae: {  	[tilespmem:s0+$0xB9C0] =	vst v60;
	v62 =	vmul.f32 $8.000000000e+00, v4  }
0x2af: {  	s29 =	sadd.s32 $0x1, s29;
	[tilespmem:s0+$0xB9D0] =	vst v61;
	v63 =	vmul.f32 $8.000000000e+00, v59  }
0x2b0: {  	p0 =	sne.s32 s29, s15;
	[tilespmem:s0+$0xB9E0] =	vst v62  }
.Ltmp10:
0x2b1: {  	[tilespmem:s0+$0xB9F0] =	vst v63;
	(pc) =	sbr.rel @p0 .LBB2_1-.Ltmp10, $4  }
0x2b2: {  	[hbm4b:s14+s2] =	stream.linear.scatter [tilespmem:s28], [sflag:$0x3], $0xA000, $0x38;
	[tilespmem:$0x15900] =	vst v63  }
0x2b3: {  	_ =	swait.ge [sflag:s16], $0xA000  }
0x2b4: {  	[sflag:s16] =	ssyncset.done $0x0  }
0x2b5: {  	[sflag:s16] =	ssyncadd.s32 $0xFFFF6000  }
0x2b6: {  	_ =	sfence.sel $0x180000  }
0x2b7: {  	[bflag:$0x0] =	sbarrier.arrive $0xFFFF  }
0x2b8: {  	_ =	strace $0x90000047  }
0x2b9: {  	s0 =	stileid.u32;
	[bflag:$0x2] =	sbarrier.arrive $0xFFFF  }
0x2ba: {  	p0 =	sne.s32 s0, $0x0;
	s0 =	rddreg [dreg:$0x3]  }
0x2bb: {  	s0 =	sadd.s32 @!p0 $0x100000, s0  }
0x2bc: {  	[sflag:s0] =	ssyncadd.tile.s32 @!p0 $0x1;
	_ =	shalt  }
.Lfunc_end2:
_tile_overlayer_lowered:
.L_overlay_start_2:
0x2bd: {  	(tag) =	ssettag $0x2  }
0x2be: {  	s0 =	rddreg [dreg:$0x0];
	s2 =	stileid.u32  }
0x2bf: {  	s1 =	rddreg [dreg:$0x1];
	p0 =	sne.s32 s2, $0x0  }
0x2c0: {  	s3 =	rddreg [dreg:$0x2];
	[bflag:$0x3] =	sbarrier.arrive $0xFFFF;
	s2 =	simm.s32 @!p0 $0x1C03  }
0x2c1: {  	[timem:s3], [sflag:s2] =	dma.local @!p0 [hbm:s0], s1  }
0x2c2: {  	s0 =	simm.s32 @!p0 $0x3  }
0x2c3: {  	_ =	swait.ge @!p0 [sflag:s0], s1  }
0x2c4: {  	s1 =	ssub.s32 @!p0 $0x0, s1;
	[sflag:s0] =	ssyncset.done @!p0 $0x0  }
0x2c5: {  	[sflag:s0] =	ssyncadd.s32 @!p0 s1  }
0x2c6: {  	[bflag:$0x3] =	sbarrier.arrive $0xFFFF  }
0x2c7: {  	_ =	shalt  }

// kernel: sparse-core-data-format-call.cloned.1.call-start
scs
called_computation_lowered:
.L_overlay_start_0:
0x0: {  	s2 =	sld [smem:$0x3FD9]  }
0x1: {  	s3 =	sld [smem:$0x3FFE];
	_ =	sdelay $0x1  }
0x2: {  	s1 =	srdreg.scid  }
0x3: {  	s0 =	sand.u32 $0x1, s1  }
0x4: {  	s18 =	sshll.u32 s0, $0xA;
	s2 =	sadd.s32 s3, s2  }
0x5: {  	s2 =	sadd.s32 s2, s18  }
0x6: {  	[smem:$0x3FC6] =	sst s2  }
0x7: {  	_ = 	snop  }
0x8: {  	s2 =	sld [smem:$0x3FD0];
	(tm) =	ssettm $0x1  }
0x9: {  	s19 =	sld [smem:$0x3FFB];
	_ =	sdelay $0x3  }
0xa: {  	_ =	strace s19  }
0xb: {  	s3 =	sld [smem:$0x3FFC];
	_ =	sdelay $0x3  }
0xc: {  	_ =	strace s3  }
0xd: {  	s3 =	sld [smem:$0x3FFD];
	_ =	sdelay $0x3  }
0xe: {  	_ =	strace s3  }
0xf: {  	_ =	strace $0x8FFFFFFF  }
0x10: {  	s20 =	sld [smem:$0x3FDB];
	_ =	sdelay $0x1  }
0x11: {  	s4 =	simm.s32 $_scs_section_size  }
0x12: {  	s5 =	simm.s32 $_size__tile_overlayer_lowered;
	s6 =	simm.s32 $_tile_overlayer_lowered  }
0x13: {  	s23 =	simm.s32 $0x1BFF;
	s22 =	sshll.u32 s6, $0x1;
	s3 =	sadd.s32 s4, s20  }
0x14: {  	s7 =	simm.s32 $0x0;
	s21 =	sshll.u32 s5, $0x1;
	s5 =	sadd.s32 s22, s3  }
0x15: {  	[timem:s7], [sflag:s23] =	dma.local [hbm:s5], s21  }
0x16: {  	_ =	swait.ge [sflag:s23], s21  }
0x17: {  	s4 =	ssub.s32 $0x0, s21;
	[sflag:s23] =	ssyncset.done $0x0  }
0x18: {  	[sflag:s23] =	ssyncadd.s32 s4;
	_ =	sdelay $0x1  }
0x19: {  	s24 =	simm.s32 $0x1B8B  }
0x1a: {  	_ =	swait.ge [sflag:s24], $0x1  }
0x1b: {  	[sflag:s24] =	ssyncset.done $0x0  }
0x1c: {  	s26 =	simm.s32 $0x1B8E;
	s25 =	sld [smem:$0x3FFE];
	[sflag:s24] =	ssyncadd.s32 $0xFFFFFFFF  }
0x1d: {  	s27 =	simm.s32 $execute0_lowered;
	[smem:$0x3FD2] =	sst s26  }
0x1e: {  	s5 =	sshll.u32 s27, $0x1;
	_ =	strace $0x80000049;
	[dreg:$0x1] =	wrdreg $0xFFFFFFFF  }
0x1f: {  	s28 =	simm.s32 $_size_execute0_lowered;
	s3 =	sadd.s32 s3, s5;
	[dreg:$0x0] =	wrdreg $0x0  }
0x20: {  	s5 =	sshll.u32 s28, $0x1;
	[dreg:$0x2] =	wrdreg s3  }
0x21: {  	[dreg:$0x3] =	wrdreg s5  }
0x22: {  	[dreg:$0x4] =	wrdreg $0xC0  }
0x23: {  	_ =	task [dreg:s7], $0x5FFFF  }
0x24: {  	[dreg:$0x1] =	wrdreg $0xFFFFFFFF  }
0x25: {  	[dreg:$0x0] =	wrdreg $0x60  }
0x26: {  	[dreg:$0x2] =	wrdreg s25  }
0x27: {  	[dreg:$0x3] =	wrdreg s2  }
0x28: {  	[dreg:$0x4] =	wrdreg $0x9  }
0x29: {  	_ =	task.clear_ibuf [dreg:s7], $0x5FFFF;
	_ =	strace $0x90000049  }
0x2a: {  	s29 =	simm.s32 $0x9;
	_ =	strace $0x8000004B  }
0x2b: {  	_ =	swait.ge [sflag:s29], $0x1  }
0x2c: {  	[sflag:s29] =	ssyncadd.s32 $0xFFFFFFFF  }
0x2d: {  	_ =	strace $0x9000004B  }
0x2e: {  	_ =	sfence  }
0x2f: {  	s30 =	sld [smem:$0x0];
	_ =	sdelay $0x2  }
0x30: {  	s31 =	sshll.u32 s1, $0xD;
	s1 =	sshrl.u32 s1, $0x2  }
0x31: {  	s3 =	sand.u32 $0x4000, s31;
	s1 =	sadd.s32 s1, s30  }
0x32: {  	s0 =	sor.u32 s3, s0;
	s1 =	sshll.u32 s1, $0x11  }
0x33: {  	s0 =	sor.u32 s1, s0  }
0x34: {  	s0 =	sadd.s32 $0x8F2B, s0  }
0x35: {  	[sflag:s0] =	ssyncadd.remote.s32 $0x1  }
0x36: {  	_ =	sfence.sel $0xFFFF  }
0x37: {  	[dreg:$0x0] =	wrdreg $0xFFFFFFFF;
	(pc) =	sbr.abs _section_cstart, $3  }
0x38: {  	[dreg:$0x1] =	wrdreg $0xFFFFFFFF  }
0x39: {  	_ =	task.clear_ibuf [dreg:s7], $0x2FFFF;
	_ =	strace $0x9FFFFFFF  }
0x3a: {  	(tm) =	ssettm $0x7FFFFFFF  }
0x3b: {  	_ =	shalt  }
tec
execute0_lowered:
.L_overlay_start_1:
0x0: {  	(tag) =	ssettag $0x1  }
0x1: {  	s0 =	srdreg.scid  }
0x2: {  	s1 =	sshll.u32 s0, $0x4  }
0x3: {  	s4 =	rddreg [dreg:$0x0];
	s0 =	stileid.u32;
	s1 =	sand.u32 $0x10, s1  }
0x4: {  	s2 =	rddreg [dreg:$0x1];
	s7 =	simm.s32 $0x1;
	s1 =	sor.u32 s0, s1  }
0x5: {  	s8 =	simm.s32 $0x2;
	s11 =	simm.s32 $0x0;
	s3 =	sshll.u32 s1, $0x7  }
0x6: {  	s10 =	simm.s32 $0x0;
	s4 =	sadd.s32 $0x800, s4;
	s6 =	ssub.s32 $0x32000, s3  }
.Ltmp0:
0x7: {  	s1 =	rddreg [dreg:$0x2];
	s5 =	sand.u32 $0xF80, s6;
	(pc) =	sbr.rel .LBB1_1-.Ltmp0, $4  }
0x8: {  	_ =	strace $0x8000004A;
	s9 =	smov.u32 s3;
	p0 =	sne.s32 s5, $0x0  }
0x9: {  	s6 =	sshrl.u32 s6, $0xC;
	s5 =	simm.s32 $0x1;
	s7 =	simm.s32 @!p0 $0x0  }
0xa: {  	[sflag:s5] =	ssyncpa.u1 $0x0;
	p0 =	por $0x0, $0x0;
	s6 =	sadd.s32 s7, s6  }
0xb: {  	[sflag:s8] =	ssyncpa.u1 $0x0;
	s8 =	simm.s32 $0x190000;
	s7 =	sadd.s32 $0x1, s6  }
.LBB1_4:
0xc: {  	s14 =	sshll.u32 s11, $0x3  }
0xd: {  	s30 =	sand.u32 $0x7F, s11;
	s15 =	sand.u32 $0xFFFFFC00, s14  }
0xe: {  	s11 =	sor.u32 s30, s15  }
0xf: {  	s15 =	smulhi.u32 $0x51EB851F, s11  }
0x10: {  	s14 =	smulhi.u32 $0x51EB851F, s14  }
0x11: {  	s15 =	sshrl.u32 s15, $0x10  }
0x12: {  	s14 =	sshrl.u32 s14, $0x10;
	s15 =	smul.u32 $0x32000, s15  }
0x13: {  	s14 =	sand.u32 $0x3F, s14  }
0x14: {  	s14 =	smul.u32 $0x6400, s14;
	s11 =	ssub.s32 s11, s15  }
0x15: {  	[tilespmem:s13+$0x810 ss:$0x81] =	vst.msk $0xffff, v2;
	s15 =	sand.u32 $0x7, s11  }
0x16: {  	[tilespmem:s13+$0x1020 ss:$0x81] =	vst.msk $0xffff, v0;
	s14 =	sadd.s32 s2, s14;
	s11 =	sshrl.u32 s11, $0x3;
	s15 =	sshll.u32 s15, $0x12  }
0x17: {  	[tilespmem:s13+$0x0 ss:$0x81] =	vst.msk $0xffff, v1;
	s11 =	sadd.s32 s11, s14;
	s31 =	sor.u32 $0x400, s15  }
0x18: {  	[hbm4b:s11+s31] =	stream.strided.scatter [tilespmem:s12], [sflag:$0x2], $0x2000, s8, s31, $0x20;
	[tilespmem:$0x8080] =	vst v63  }
.LBB1_5:
0x19: {  	s13 =	sadd.s32 $0x1000, s9  }
0x1a: {  	p2 =	sgt.s32 s13, $0x31FFF  }
0x1b: {  	s13 =	smov.u32 @p2 s3;
	p2 =	sne.s32 s10, s7  }
.Ltmp1:
0x1c: {  	p1 =	slt.u32 s10, $0x2;
	(pc) =	sbr.rel @!p2 .LBB1_6-.Ltmp1, $4  }
0x1d: {  	s12 =	simm.s32 @!p1 $0x2  }
0x1e: {  	s14 =	sadd.s32 $0x1, s10;
	_ =	swait.ge @!p1 [sflag:s12], $0x2000  }
0x1f: {  	s11 =	smov.u32 s9;
	p0 =	por !p0, !p0;
	[sflag:s12] =	ssyncset.done @!p1 $0x0  }
0x20: {  	s10 =	smov.u32 s14;
	s9 =	smov.u32 s13;
	[sflag:s12] =	ssyncadd.s32 @!p1 $0xFFFFE000  }
.LBB1_1:
0x21: {  	p1 =	sge.u32 s10, s6  }
0x22: {  	s12 =	sand.u32 @!p1 $0x1FFFFFF, s9  }
0x23: {  	s13 =	smulhi.u32 @!p1 $0x147AE15, s12;
	_ =	sdelay $0x1  }
0x24: {  	s13 =	sshrl.u32 @!p1 s13, $0xA  }
0x25: {  	s13 =	smul.u32 @!p1 $0x32000, s13;
	_ =	sdelay $0x1  }
0x26: {  	s31 =	sadd.s32 $0xFFFFFFFF, s10;
	s14 =	sxor.u32 @!p1 $0xFFFFFFFF, s10;
	s12 =	ssub.s32 @!p1 s12, s13  }
0x27: {  	s15 =	simm.s32 @!p1 $0x80;
	s14 =	sshll.u32 @!p1 s14, $0xD;
	s12 =	sshll.u32 @!p1 s12, $0x4  }
0x28: {  	s13 =	sand.u32 @!p1 $0x2000, s14;
	s14 =	simm.s32 @!p1 $0x40;
	s12 =	sadd.s32 @!p1 s4, s12  }
0x29: {  	[tilespmem:s13], [sflag:$0x1] =	stream.strided.gather @!p1 [hbm4b:s12+s14], $0x2000, s15, s14, $0x38;
	[tilespmem:$0x8080] =	vst v63  }
0x2a: {  	p1 =	sge.u32 s31, s6  }
.Ltmp2:
0x2b: {  	_ = 	snop;
	(pc) =	sbr.rel @p1 .LBB1_5-.Ltmp2, $1  }
0x2c: {  	_ =	sdelay $0x3  }
0x2d: {  	s12 =	simm.s32 $0x1  }
0x2e: {  	_ =	swait.ge [sflag:s5], $0x2000;
	s12 =	simm.s32 @!p0 $0x0  }
0x2f: {  	[sflag:s5] =	ssyncset.done $0x0;
	s13 =	sshll.u32 s12, $0xD  }
0x30: {  	[sflag:s5] =	ssyncadd.s32 $0xFFFFE000;
	s16 =	sor.u32 $0x20, s13  }
0x31: {  	s12 =	smul.u32 $0x8100, s12;
	v3 =	vld [tilespmem:s16+$0x10]  }
0x32: {  	s30 =	sand.u32 $0x1, s10;
	v2 =	vld [tilespmem:s16+$0xFFFFFFF0]  }
0x33: {  	s13 =	smul.u32 $0x8100, s30;
	s12 =	sshrl.u32 s12, $0x2;
	v0 =	vld [tilespmem:s16+$0x0]  }
0x34: {  	v1 =	vld [tilespmem:s16+$0xFFFFFFE0];
	s14 =	sor.u32 $0x4000, s12  }
0x35: {  	s31 =	sshrl.u32 s13, $0x2;
	s13 =	sadd.s32 $0x0, s14  }
0x36: {  	s15 =	simm.s32 $0x4;
	s16 =	sadd.s32 $0x40, s16;
	s12 =	sor.u32 $0x4000, s31;
	[tilespmem:s13+$0x1830 ss:$0x81] =	vst.msk $0xffff, v3  }
.LBB1_3:
0x37: {  	v3 =	vld [tilespmem:s16+$0x10];
	p1 =	sne.s32 s15, $0x1FC;
	[tilespmem:s13+$0x810 ss:$0x81] =	vst.msk $0xffff, v2;
	s17 =	smov.u32 s15;
	s15 =	sadd.s32 $0x4, s15  }
.Ltmp3:
0x38: {  	v2 =	vld [tilespmem:s16+$0xFFFFFFF0];
	[tilespmem:s13+$0x1020 ss:$0x81] =	vst.msk $0xffff, v0;
	(pc) =	sbr.rel @p1 .LBB1_3-.Ltmp3, $4  }
0x39: {  	v0 =	vld [tilespmem:s16+$0x0];
	[tilespmem:s13+$0x0 ss:$0x81] =	vst.msk $0xffff, v1  }
0x3a: {  	s13 =	sshra.s32 s17, $0x2;
	v1 =	vld [tilespmem:s16+$0xFFFFFFE0]  }
0x3b: {  	s13 =	sadd.s32 s13, s14  }
0x3c: {  	s16 =	sadd.s32 $0x40, s16;
	[tilespmem:s13+$0x1830 ss:$0x81] =	vst.msk $0xffff, v3  }
.Ltmp4:
0x3d: {  	_ = 	snop;
	(pc) =	sbr.rel .LBB1_4-.Ltmp4, $1  }
0x3e: {  	_ =	sdelay $0x3  }
.LBB1_6:
0x3f: {  	_ =	sfence.sel $0x180000  }
0x40: {  	s2 =	simm.s32 $0x1;
	[bflag:$0x0] =	sbarrier.arrive $0xFFFF  }
0x41: {  	s31 =	simm.s32 $0x2;
	[sflag:s2] =	ssyncpa.u1 $0x1  }
0x42: {  	[sflag:s31] =	ssyncpa.u1 $0x1  }
0x43: {  	p0 =	sne.s32 s0, $0x0;
	_ =	strace $0x9000004A  }
0x44: {  	s0 =	sadd.s32 @!p0 $0x100000, s1;
	[bflag:$0x2] =	sbarrier.arrive $0xFFFF  }
0x45: {  	[sflag:s0] =	ssyncadd.tile.s32 @!p0 $0x1;
	_ =	shalt  }
.Lfunc_end1:
_tile_overlayer_lowered:
.L_overlay_start_2:
0x46: {  	(tag) =	ssettag $0x2  }
0x47: {  	s0 =	rddreg [dreg:$0x0];
	s2 =	stileid.u32  }
0x48: {  	s1 =	rddreg [dreg:$0x1];
	p0 =	sne.s32 s2, $0x0  }
0x49: {  	s3 =	rddreg [dreg:$0x2];
	[bflag:$0x3] =	sbarrier.arrive $0xFFFF;
	s2 =	simm.s32 @!p0 $0x1C01  }
0x4a: {  	[timem:s3], [sflag:s2] =	dma.local @!p0 [hbm:s0], s1  }
0x4b: {  	s0 =	simm.s32 @!p0 $0x1  }
0x4c: {  	_ =	swait.ge @!p0 [sflag:s0], s1  }
0x4d: {  	s1 =	ssub.s32 @!p0 $0x0, s1;
	[sflag:s0] =	ssyncset.done @!p0 $0x0  }
0x4e: {  	[sflag:s0] =	ssyncadd.s32 @!p0 s1  }
0x4f: {  	[bflag:$0x3] =	sbarrier.arrive $0xFFFF  }
0x50: {  	_ =	shalt  }

</sc_bundles>
